<compile_context>
chip_gen: v7x
topology: tpu7x:2x2x1
jax: 0.10.2.dev20260603
libtpu: 0.0.44.dev20260713+nightly
codegen_flags: <defaults>
</compile_context>

<pallas_src>
import functools

import jax
import jax.numpy as jnp
from jax import lax
from jax.experimental import pallas as pl
from jax.experimental.pallas import tpu as pltpu
from jax.experimental.pallas import tpu_sc as plsc

N = 10000
NP = 10000
E = 320000
NC = 2
NS = 16
EPT = E // (NC * NS)
ROWS_PER_TILE = NP // NS
C = 125
CH = EPT // C
NB = 8


def _make_sc_seg_sum(F, gather):
    mesh = plsc.VectorSubcoreMesh(core_axis_name="c", subcore_axis_name="s")
    nrows = NB if gather else 1
    dt = jnp.bfloat16 if gather else jnp.float32
    VW = 32 if gather else 16

    scratch = (
        [pltpu.VMEM_SHARED((NP, F), dt)]
        + [pltpu.VMEM((CH, C), jnp.int32)]
        + ([pltpu.VMEM((CH, C), jnp.int32)] if gather else [])
        + [pltpu.VMEM((C, F), dt) for _ in range(nrows)]
        + [pltpu.SemaphoreType.DMA for _ in range(NB * (2 if gather else 1))]
    )

    def body(*refs):
        it = iter(refs)
        if gather:
            y_hbm = next(it)
        edge2 = next(it)
        out_hbm = next(it)
        acc = next(it)
        didx = next(it)
        sidx = next(it) if gather else None
        rows = [next(it) for _ in range(nrows)]
        ssem = [next(it) for _ in range(NB)]
        gsem = [next(it) for _ in range(NB)] if gather else None

        cid = lax.axis_index("c")
        sid = lax.axis_index("s")

        zero = jnp.zeros((VW,), dt)
        one = jnp.ones((VW,), dt)

        def fill(buf, val):
            def fill_row(r, carry):
                for j in range(F // VW):
                    buf[r, pl.ds(j * VW, VW)] = val
                return carry

            lax.fori_loop(0, C, fill_row, 0)

        fill(rows[0], zero)
        rbase = sid * ROWS_PER_TILE
        for t in range(ROWS_PER_TILE // C):
            pltpu.sync_copy(rows[0], acc.at[pl.ds(rbase + t * C, C)])
        remz = ROWS_PER_TILE % C
        if remz:
            pltpu.sync_copy(
                rows[0].at[pl.ds(0, remz)],
                acc.at[pl.ds(rbase + (ROWS_PER_TILE // C) * C, remz)])
        if not gather:
            fill(rows[0], one)
        plsc.subcore_barrier()

        cbase = (cid * NS + sid) * CH
        pltpu.sync_copy(edge2.at[1, pl.ds(cbase, CH)], didx)
        if gather:
            pltpu.sync_copy(edge2.at[0, pl.ds(cbase, CH)], sidx)

        def sstart(i, r, rr):
            pltpu.async_copy(rows[rr], acc.at[didx.at[i]], ssem[r], add=True)

        def swait(r, rr):
            pltpu.make_async_copy(rows[rr], acc.at[didx.at[0]],
                                  ssem[r]).wait()

        if gather:
            def gstart(i, r):
                pltpu.async_copy(y_hbm.at[sidx.at[i]], rows[r], gsem[r])

            def gwait(r):
                pltpu.make_async_copy(y_hbm.at[sidx.at[0]], rows[r],
                                      gsem[r]).wait()

            GLAG = NB - 2

            def step(i, r):
                gwait(r)
                sstart(i, r, r)
                rp = (r + GLAG) % NB
                swait(rp, rp)
                gstart(i + GLAG, rp)

            for i in range(GLAG):
                gstart(i, i)
            for i in range(NB - GLAG):
                gwait(i)
                sstart(i, i, i)
                gstart(i + GLAG, i + GLAG)
            first_u = NB - GLAG
            nblocks = (CH - NB) // NB

            def kblock(k, carry):
                b = first_u + NB * k
                for j in range(NB):
                    step(b + j, (first_u + j) % NB)
                return carry

            lax.fori_loop(0, nblocks, kblock, 0)
            for i in range(first_u + NB * nblocks, CH - GLAG):
                step(i, i % NB)
            for i in range(CH - GLAG, CH):
                gwait(i % NB)
                sstart(i, i % NB, i % NB)
            for i in range(CH - NB, CH):
                swait(i % NB, i % NB)
        else:
            sstart(0, 0, 0)
            sstart(1, 1, 0)
            npairs = (CH - 2) // 2

            def kblock(k, carry):
                i = 2 + 2 * k
                swait(0, 0)
                sstart(i, 0, 0)
                swait(1, 0)
                sstart(i + 1, 1, 0)
                return carry

            lax.fori_loop(0, npairs, kblock, 0)
            for i in range(2 + 2 * npairs, CH):
                p = i & 1
                swait(p, 0)
                sstart(i, p, 0)
            swait(1, 0)
            swait(0, 0)

        plsc.subcore_barrier()

        pltpu.sync_copy(acc.at[pl.ds(rbase, ROWS_PER_TILE)],
                        out_hbm.at[cid, pl.ds(rbase, ROWS_PER_TILE)])

    out_type = jax.ShapeDtypeStruct((NC, NP, F), dt)
    return pl.kernel(body, mesh=mesh, out_type=out_type,
                     scratch_types=scratch,
                     compiler_params=pltpu.CompilerParams(
                         use_tc_tiling_on_sc=False))


_sc_seg_sum = functools.cache(_make_sc_seg_sum)

_R = 2000


def _dinv(dgp):
    deg = dgp[0, :, :1] + dgp[1, :, :1]
    return jnp.where(deg > 0, lax.rsqrt(deg), 0.0)


def _tc_first_body(x_ref, w_ref, dgp_ref, y_ref):
    d = _dinv(dgp_ref[...])
    y = d * jnp.dot(x_ref[...], w_ref[...],
                    preferred_element_type=jnp.float32)
    y_ref[...] = y.astype(jnp.bfloat16)


def _psum(s_ref):
    return (s_ref[0].astype(jnp.float32) + s_ref[1].astype(jnp.float32))


def _tc_mid_body(s_ref, dgp_ref, b_ref, w_ref, y_ref):
    d = _dinv(dgp_ref[...])
    h = jax.nn.relu(d * _psum(s_ref) + b_ref[...])
    y = d * jnp.dot(h, w_ref[...], preferred_element_type=jnp.float32)
    y_ref[...] = y.astype(jnp.bfloat16)


def _tc_last_body(s_ref, dgp_ref, b_ref, y_ref):
    d = _dinv(dgp_ref[...])
    y_ref[...] = jax.nn.relu(d * _psum(s_ref) + b_ref[...])


def _row_spec(F):
    return pl.BlockSpec((_R, F), lambda i: (i, 0))


def _pair_spec(F):
    return pl.BlockSpec((2, _R, F), lambda i: (0, i, 0))


def _whole_spec(shape):
    return pl.BlockSpec(shape, lambda i: tuple(0 for _ in shape))


def _tc_first(x, w, dgp):
    fin, fout = w.shape
    return pl.pallas_call(
        _tc_first_body,
        grid=(N // _R,),
        in_specs=[_row_spec(fin), _whole_spec((fin, fout)), _pair_spec(16)],
        out_specs=_row_spec(fout),
        out_shape=jax.ShapeDtypeStruct((N, fout), jnp.bfloat16),
    )(x, w, dgp)


def _tc_mid(s, dgp, b, w):
    fin, fout = w.shape
    return pl.pallas_call(
        _tc_mid_body,
        grid=(N // _R,),
        in_specs=[_pair_spec(fin), _pair_spec(16),
                  _whole_spec((1, fin)), _whole_spec((fin, fout))],
        out_specs=_row_spec(fout),
        out_shape=jax.ShapeDtypeStruct((N, fout), jnp.bfloat16),
    )(s, dgp, b, w)


def _tc_last(s, dgp, b):
    fout = s.shape[2]
    return pl.pallas_call(
        _tc_last_body,
        grid=(N // _R,),
        in_specs=[_pair_spec(fout), _pair_spec(16), _whole_spec((1, fout))],
        out_specs=_row_spec(fout),
        out_shape=jax.ShapeDtypeStruct((N, fout), jnp.float32),
    )(s, dgp, b)


@jax.jit
def kernel(features, edge_index, W0, b0, W1, b1, W2, b2):
    edge2 = edge_index.astype(jnp.int32).reshape(2, E // C, C)

    degp = _sc_seg_sum(16, False)(edge2)
    y0 = _tc_first(features, W0, degp)
    s0 = _sc_seg_sum(128, True)(y0, edge2)
    y1 = _tc_mid(s0, degp, b0.reshape(1, -1), W1)
    s1 = _sc_seg_sum(128, True)(y1, edge2)
    y2 = _tc_mid(s1, degp, b1.reshape(1, -1), W2)
    s2 = _sc_seg_sum(64, True)(y2, edge2)
    return _tc_last(s2, degp, b2.reshape(1, -1))

# --- scband reference (transcript-rebuilt; emitter-appended) ---
"""Pipeline reference for scband-py-g-gcn-75273596830237 (READ-ONLY COPY).

The authoritative reference and input builder live on the scoring server;
editing this copy changes nothing except your own understanding.
"""

import jax, jax.numpy as jnp
import numpy as np

N = 10000
E = 320000
IN_FEATS = 128
N_HIDDEN = 128
N_CLASSES = 64


def _glorot(key, shape):
    limit = float(np.sqrt(6.0 / (shape[0] + shape[1])))
    return jax.random.uniform(key, shape, jnp.float32, -limit, limit)


def setup_inputs(seed: int = 0) -> dict:
    key = jax.random.key(seed)
    ks = jax.random.split(key, 8)
    features = jax.random.normal(ks[0], (N, IN_FEATS), dtype=jnp.float32)
    edge_index = jax.random.randint(ks[1], (2, E), 0, N)
    W0 = _glorot(ks[2], (IN_FEATS, N_HIDDEN))
    b0 = jnp.zeros((N_HIDDEN,), jnp.float32)
    W1 = _glorot(ks[3], (N_HIDDEN, N_HIDDEN))
    b1 = jnp.zeros((N_HIDDEN,), jnp.float32)
    W2 = _glorot(ks[4], (N_HIDDEN, N_CLASSES))
    b2 = jnp.zeros((N_CLASSES,), jnp.float32)
    return {"features": features, "edge_index": edge_index,
            "W0": W0, "b0": b0, "W1": W1, "b1": b1, "W2": W2, "b2": b2}


def _gcn_conv(x, src, dst, W, b):
    # GCNConv with add_self_loops=False, normalize=True:
    # out = D^{-1/2} A D^{-1/2} (X W) + b, deg computed on dst with unit edge weights
    x = x @ W
    deg = jax.ops.segment_sum(jnp.ones((src.shape[0],), jnp.float32), dst, num_segments=N)
    deg_inv_sqrt = jnp.where(deg > 0, deg ** -0.5, 0.0)
    norm = deg_inv_sqrt[src] * deg_inv_sqrt[dst]
    msg = x[src] * norm[:, None]
    out = jax.ops.segment_sum(msg, dst, num_segments=N)
    return out + b


def reference(features, edge_index, W0, b0, W1, b1, W2, b2):
    src = edge_index[0]
    dst = edge_index[1]
    h = features
    for W, b in ((W0, b0), (W1, b1), (W2, b2)):
        h = _gcn_conv(h, src, dst, W, b)
        h = jax.nn.relu(h)
    return h

if __name__ == "__main__":
    import jax
    _d = setup_inputs()
    print(jax.jit(kernel)(*tuple(_d.values())))

</pallas_src>

<mosaic_0001>
#map = affine_map<(d0, d1) -> (0, 0)>
#map1 = affine_map<(d0, d1) -> (0, 0, 0)>
module attributes {stable_mosaic.version = 14 : i64} {
  func.func @body(%arg0: i32, %arg1: i32, %arg2: memref<10000x128xbf16, #tpu.memory_space<hbm>>, %arg3: memref<2x2560x125xi32, #tpu.memory_space<hbm>>, %arg4: memref<2x10000x128xbf16, #tpu.memory_space<hbm>>, %arg5: memref<10000x128xbf16, #tpu.memory_space<vmem_shared>>, %arg6: memref<80x125xi32, #tpu.memory_space<vmem>>, %arg7: memref<80x125xi32, #tpu.memory_space<vmem>>, %arg8: memref<125x128xbf16, #tpu.memory_space<vmem>>, %arg9: memref<125x128xbf16, #tpu.memory_space<vmem>>, %arg10: memref<125x128xbf16, #tpu.memory_space<vmem>>, %arg11: memref<125x128xbf16, #tpu.memory_space<vmem>>, %arg12: memref<125x128xbf16, #tpu.memory_space<vmem>>, %arg13: memref<125x128xbf16, #tpu.memory_space<vmem>>, %arg14: memref<125x128xbf16, #tpu.memory_space<vmem>>, %arg15: memref<125x128xbf16, #tpu.memory_space<vmem>>, %arg16: memref<!tpu.dma_semaphore, #tpu.memory_space<semaphore_mem>>, %arg17: memref<!tpu.dma_semaphore, #tpu.memory_space<semaphore_mem>>, %arg18: memref<!tpu.dma_semaphore, #tpu.memory_space<semaphore_mem>>, %arg19: memref<!tpu.dma_semaphore, #tpu.memory_space<semaphore_mem>>, %arg20: memref<!tpu.dma_semaphore, #tpu.memory_space<semaphore_mem>>, %arg21: memref<!tpu.dma_semaphore, #tpu.memory_space<semaphore_mem>>, %arg22: memref<!tpu.dma_semaphore, #tpu.memory_space<semaphore_mem>>, %arg23: memref<!tpu.dma_semaphore, #tpu.memory_space<semaphore_mem>>, %arg24: memref<!tpu.dma_semaphore, #tpu.memory_space<semaphore_mem>>, %arg25: memref<!tpu.dma_semaphore, #tpu.memory_space<semaphore_mem>>, %arg26: memref<!tpu.dma_semaphore, #tpu.memory_space<semaphore_mem>>, %arg27: memref<!tpu.dma_semaphore, #tpu.memory_space<semaphore_mem>>, %arg28: memref<!tpu.dma_semaphore, #tpu.memory_space<semaphore_mem>>, %arg29: memref<!tpu.dma_semaphore, #tpu.memory_space<semaphore_mem>>, %arg30: memref<!tpu.dma_semaphore, #tpu.memory_space<semaphore_mem>>, %arg31: memref<!tpu.dma_semaphore, #tpu.memory_space<semaphore_mem>>) attributes {dimension_semantics = [#tpu.dimension_semantics<core_parallel>, #tpu.dimension_semantics<subcore_parallel>], iteration_bounds = array<i64: 2, 16>, scalar_prefetch = 0 : i64, scratch_operands = 27 : i64, tpu.core_type = #tpu.core_type<sc_vector_subcore>, window_params = [{transform_indices = #map}, {transform_indices = #map1}, {transform_indices = #map1}]} {
    %broadcast_in_dim3A = arith.constant 0.000000e+00 : bf16
    %broadcast_in_dim3A_0 = vector.broadcast %broadcast_in_dim3A : bf16 to vector<32xbf16>
    %broadcast_in_dim3A_1 = arith.constant 1.000000e+00 : bf16
    %broadcast_in_dim3A_2 = vector.broadcast %broadcast_in_dim3A_1 : bf16 to vector<32xbf16>
    %scan3A = arith.constant 0 : i32
    %scan3A_3 = arith.constant 0 : i32
    %scan3A_4 = arith.constant 125 : i32
    %scan3A_5 = arith.addi %scan3A_3, %scan3A_4 : i32
    %scan3A_6 = arith.constant 1 : i32
    scf.for %scan3A_253 = %scan3A_3 to %scan3A_5 step %scan3A_6  : i32 {
      %swap3A = arith.index_cast %scan3A_253 : i32 to index
      %swap3A_254 = arith.constant 0 : index
      %swap3A_255 = tpu.vector_load %arg8[%swap3A, %swap3A_254] {strides = array<i32>} : memref<125x128xbf16, #tpu.memory_space<vmem>>, vector<1x32xbf16>,
      %swap3A_256 = vector.shape_cast %swap3A_255 : vector<1x32xbf16> to vector<32xbf16>
      %swap3A_257 = vector.shape_cast %broadcast_in_dim3A_0 : vector<32xbf16> to vector<1x32xbf16>
      tpu.vector_store %arg8[%swap3A, %swap3A_254], %swap3A_257 {strides = array<i32>} : memref<125x128xbf16, #tpu.memory_space<vmem>>, vector<1x32xbf16>,
      %swap3A_258 = arith.index_cast %scan3A_253 : i32 to index
      %swap3A_259 = arith.constant 32 : index
      %swap3A_260 = tpu.vector_load %arg8[%swap3A_258, %swap3A_259] {strides = array<i32>} : memref<125x128xbf16, #tpu.memory_space<vmem>>, vector<1x32xbf16>,
      %swap3A_261 = vector.shape_cast %swap3A_260 : vector<1x32xbf16> to vector<32xbf16>
      %swap3A_262 = vector.shape_cast %broadcast_in_dim3A_0 : vector<32xbf16> to vector<1x32xbf16>
      tpu.vector_store %arg8[%swap3A_258, %swap3A_259], %swap3A_262 {strides = array<i32>} : memref<125x128xbf16, #tpu.memory_space<vmem>>, vector<1x32xbf16>,
      %swap3A_263 = arith.index_cast %scan3A_253 : i32 to index
      %swap3A_264 = arith.constant 64 : index
      %swap3A_265 = tpu.vector_load %arg8[%swap3A_263, %swap3A_264] {strides = array<i32>} : memref<125x128xbf16, #tpu.memory_space<vmem>>, vector<1x32xbf16>,
      %swap3A_266 = vector.shape_cast %swap3A_265 : vector<1x32xbf16> to vector<32xbf16>
      %swap3A_267 = vector.shape_cast %broadcast_in_dim3A_0 : vector<32xbf16> to vector<1x32xbf16>
      tpu.vector_store %arg8[%swap3A_263, %swap3A_264], %swap3A_267 {strides = array<i32>} : memref<125x128xbf16, #tpu.memory_space<vmem>>, vector<1x32xbf16>,
      %swap3A_268 = arith.index_cast %scan3A_253 : i32 to index
      %swap3A_269 = arith.constant 96 : index
      %swap3A_270 = tpu.vector_load %arg8[%swap3A_268, %swap3A_269] {strides = array<i32>} : memref<125x128xbf16, #tpu.memory_space<vmem>>, vector<1x32xbf16>,
      %swap3A_271 = vector.shape_cast %swap3A_270 : vector<1x32xbf16> to vector<32xbf16>
      %swap3A_272 = vector.shape_cast %broadcast_in_dim3A_0 : vector<32xbf16> to vector<1x32xbf16>
      tpu.vector_store %arg8[%swap3A_268, %swap3A_269], %swap3A_272 {strides = array<i32>} : memref<125x128xbf16, #tpu.memory_space<vmem>>, vector<1x32xbf16>,
    }
    %scan3A_7 = arith.constant 125 : i32
    %mul3A = arith.constant 625 : i32
    %mul3A_8 = arith.muli %arg1, %mul3A : i32
    %add3A = arith.constant 0 : i32
    %add3A_9 = arith.addi %mul3A_8, %add3A : i32
    "tpu.region"() ({
      %run_scoped3A_253 = tpu.sem_alloc : memref<!tpu.dma_semaphore, #tpu.memory_space<semaphore_mem>>
      %dma_start3A_254 = arith.constant 0 : i32
      %dma_start3A_255 = tpu.memref_slice %arg5[%add3A_9, %dma_start3A_254] : memref<10000x128xbf16, #tpu.memory_space<vmem_shared>> -> memref<125x128xbf16, #tpu.memory_space<vmem_shared>>
      %dma_start3A_256 = arith.constant 0 : i32
      %dma_start3A_257 = tpu.memref_slice %arg5[%add3A_9, %dma_start3A_256] : memref<10000x128xbf16, #tpu.memory_space<vmem_shared>> -> memref<125x128xbf16, #tpu.memory_space<vmem_shared>>
      tpu.enqueue_dma source(%arg8 : memref<125x128xbf16, #tpu.memory_space<vmem>>) target(%dma_start3A_257 : memref<125x128xbf16, #tpu.memory_space<vmem_shared>>) target_semaphore(%run_scoped3A_253 : memref<!tpu.dma_semaphore, #tpu.memory_space<semaphore_mem>>)
      %dma_wait3A_258 = arith.constant 0 : i32
      %dma_wait3A_259 = tpu.memref_slice %arg5[%add3A_9, %dma_wait3A_258] : memref<10000x128xbf16, #tpu.memory_space<vmem_shared>> -> memref<125x128xbf16, #tpu.memory_space<vmem_shared>>
      %dma_wait3A_260 = arith.constant 0 : i32
      %dma_wait3A_261 = tpu.memref_slice %arg5[%add3A_9, %dma_wait3A_260] : memref<10000x128xbf16, #tpu.memory_space<vmem_shared>> -> memref<125x128xbf16, #tpu.memory_space<vmem_shared>>
      tpu.wait_dma2 semaphore(%run_scoped3A_253 : memref<!tpu.dma_semaphore, #tpu.memory_space<semaphore_mem>>) src(%arg8 : memref<125x128xbf16, #tpu.memory_space<vmem>>) dst(%dma_wait3A_261 : memref<125x128xbf16, #tpu.memory_space<vmem_shared>>)
      tpu.yield
    }) : () -> ()
    %add3A_10 = arith.constant 125 : i32
    %add3A_11 = arith.addi %mul3A_8, %add3A_10 : i32
    "tpu.region"() ({
      %run_scoped3A_253 = tpu.sem_alloc : memref<!tpu.dma_semaphore, #tpu.memory_space<semaphore_mem>>
      %dma_start3A_254 = arith.constant 0 : i32
      %dma_start3A_255 = tpu.memref_slice %arg5[%add3A_11, %dma_start3A_254] : memref<10000x128xbf16, #tpu.memory_space<vmem_shared>> -> memref<125x128xbf16, #tpu.memory_space<vmem_shared>>
      %dma_start3A_256 = arith.constant 0 : i32
      %dma_start3A_257 = tpu.memref_slice %arg5[%add3A_11, %dma_start3A_256] : memref<10000x128xbf16, #tpu.memory_space<vmem_shared>> -> memref<125x128xbf16, #tpu.memory_space<vmem_shared>>
      tpu.enqueue_dma source(%arg8 : memref<125x128xbf16, #tpu.memory_space<vmem>>) target(%dma_start3A_257 : memref<125x128xbf16, #tpu.memory_space<vmem_shared>>) target_semaphore(%run_scoped3A_253 : memref<!tpu.dma_semaphore, #tpu.memory_space<semaphore_mem>>)
      %dma_wait3A_258 = arith.constant 0 : i32
      %dma_wait3A_259 = tpu.memref_slice %arg5[%add3A_11, %dma_wait3A_258] : memref<10000x128xbf16, #tpu.memory_space<vmem_shared>> -> memref<125x128xbf16, #tpu.memory_space<vmem_shared>>
      %dma_wait3A_260 = arith.constant 0 : i32
      %dma_wait3A_261 = tpu.memref_slice %arg5[%add3A_11, %dma_wait3A_260] : memref<10000x128xbf16, #tpu.memory_space<vmem_shared>> -> memref<125x128xbf16, #tpu.memory_space<vmem_shared>>
      tpu.wait_dma2 semaphore(%run_scoped3A_253 : memref<!tpu.dma_semaphore, #tpu.memory_space<semaphore_mem>>) src(%arg8 : memref<125x128xbf16, #tpu.memory_space<vmem>>) dst(%dma_wait3A_261 : memref<125x128xbf16, #tpu.memory_space<vmem_shared>>)
      tpu.yield
    }) : () -> ()
    %add3A_12 = arith.constant 250 : i32
    %add3A_13 = arith.addi %mul3A_8, %add3A_12 : i32
    "tpu.region"() ({
      %run_scoped3A_253 = tpu.sem_alloc : memref<!tpu.dma_semaphore, #tpu.memory_space<semaphore_mem>>
      %dma_start3A_254 = arith.constant 0 : i32
      %dma_start3A_255 = tpu.memref_slice %arg5[%add3A_13, %dma_start3A_254] : memref<10000x128xbf16, #tpu.memory_space<vmem_shared>> -> memref<125x128xbf16, #tpu.memory_space<vmem_shared>>
      %dma_start3A_256 = arith.constant 0 : i32
      %dma_start3A_257 = tpu.memref_slice %arg5[%add3A_13, %dma_start3A_256] : memref<10000x128xbf16, #tpu.memory_space<vmem_shared>> -> memref<125x128xbf16, #tpu.memory_space<vmem_shared>>
      tpu.enqueue_dma source(%arg8 : memref<125x128xbf16, #tpu.memory_space<vmem>>) target(%dma_start3A_257 : memref<125x128xbf16, #tpu.memory_space<vmem_shared>>) target_semaphore(%run_scoped3A_253 : memref<!tpu.dma_semaphore, #tpu.memory_space<semaphore_mem>>)
      %dma_wait3A_258 = arith.constant 0 : i32
      %dma_wait3A_259 = tpu.memref_slice %arg5[%add3A_13, %dma_wait3A_258] : memref<10000x128xbf16, #tpu.memory_space<vmem_shared>> -> memref<125x128xbf16, #tpu.memory_space<vmem_shared>>
      %dma_wait3A_260 = arith.constant 0 : i32
      %dma_wait3A_261 = tpu.memref_slice %arg5[%add3A_13, %dma_wait3A_260] : memref<10000x128xbf16, #tpu.memory_space<vmem_shared>> -> memref<125x128xbf16, #tpu.memory_space<vmem_shared>>
      tpu.wait_dma2 semaphore(%run_scoped3A_253 : memref<!tpu.dma_semaphore, #tpu.memory_space<semaphore_mem>>) src(%arg8 : memref<125x128xbf16, #tpu.memory_space<vmem>>) dst(%dma_wait3A_261 : memref<125x128xbf16, #tpu.memory_space<vmem_shared>>)
      tpu.yield
    }) : () -> ()
    %add3A_14 = arith.constant 375 : i32
    %add3A_15 = arith.addi %mul3A_8, %add3A_14 : i32
    "tpu.region"() ({
      %run_scoped3A_253 = tpu.sem_alloc : memref<!tpu.dma_semaphore, #tpu.memory_space<semaphore_mem>>
      %dma_start3A_254 = arith.constant 0 : i32
      %dma_start3A_255 = tpu.memref_slice %arg5[%add3A_15, %dma_start3A_254] : memref<10000x128xbf16, #tpu.memory_space<vmem_shared>> -> memref<125x128xbf16, #tpu.memory_space<vmem_shared>>
      %dma_start3A_256 = arith.constant 0 : i32
      %dma_start3A_257 = tpu.memref_slice %arg5[%add3A_15, %dma_start3A_256] : memref<10000x128xbf16, #tpu.memory_space<vmem_shared>> -> memref<125x128xbf16, #tpu.memory_space<vmem_shared>>
      tpu.enqueue_dma source(%arg8 : memref<125x128xbf16, #tpu.memory_space<vmem>>) target(%dma_start3A_257 : memref<125x128xbf16, #tpu.memory_space<vmem_shared>>) target_semaphore(%run_scoped3A_253 : memref<!tpu.dma_semaphore, #tpu.memory_space<semaphore_mem>>)
      %dma_wait3A_258 = arith.constant 0 : i32
      %dma_wait3A_259 = tpu.memref_slice %arg5[%add3A_15, %dma_wait3A_258] : memref<10000x128xbf16, #tpu.memory_space<vmem_shared>> -> memref<125x128xbf16, #tpu.memory_space<vmem_shared>>
      %dma_wait3A_260 = arith.constant 0 : i32
      %dma_wait3A_261 = tpu.memref_slice %arg5[%add3A_15, %dma_wait3A_260] : memref<10000x128xbf16, #tpu.memory_space<vmem_shared>> -> memref<125x128xbf16, #tpu.memory_space<vmem_shared>>
      tpu.wait_dma2 semaphore(%run_scoped3A_253 : memref<!tpu.dma_semaphore, #tpu.memory_space<semaphore_mem>>) src(%arg8 : memref<125x128xbf16, #tpu.memory_space<vmem>>) dst(%dma_wait3A_261 : memref<125x128xbf16, #tpu.memory_space<vmem_shared>>)
      tpu.yield
    }) : () -> ()
    %add3A_16 = arith.constant 500 : i32
    %add3A_17 = arith.addi %mul3A_8, %add3A_16 : i32
    "tpu.region"() ({
      %run_scoped3A_253 = tpu.sem_alloc : memref<!tpu.dma_semaphore, #tpu.memory_space<semaphore_mem>>
      %dma_start3A_254 = arith.constant 0 : i32
      %dma_start3A_255 = tpu.memref_slice %arg5[%add3A_17, %dma_start3A_254] : memref<10000x128xbf16, #tpu.memory_space<vmem_shared>> -> memref<125x128xbf16, #tpu.memory_space<vmem_shared>>
      %dma_start3A_256 = arith.constant 0 : i32
      %dma_start3A_257 = tpu.memref_slice %arg5[%add3A_17, %dma_start3A_256] : memref<10000x128xbf16, #tpu.memory_space<vmem_shared>> -> memref<125x128xbf16, #tpu.memory_space<vmem_shared>>
      tpu.enqueue_dma source(%arg8 : memref<125x128xbf16, #tpu.memory_space<vmem>>) target(%dma_start3A_257 : memref<125x128xbf16, #tpu.memory_space<vmem_shared>>) target_semaphore(%run_scoped3A_253 : memref<!tpu.dma_semaphore, #tpu.memory_space<semaphore_mem>>)
      %dma_wait3A_258 = arith.constant 0 : i32
      %dma_wait3A_259 = tpu.memref_slice %arg5[%add3A_17, %dma_wait3A_258] : memref<10000x128xbf16, #tpu.memory_space<vmem_shared>> -> memref<125x128xbf16, #tpu.memory_space<vmem_shared>>
      %dma_wait3A_260 = arith.constant 0 : i32
      %dma_wait3A_261 = tpu.memref_slice %arg5[%add3A_17, %dma_wait3A_260] : memref<10000x128xbf16, #tpu.memory_space<vmem_shared>> -> memref<125x128xbf16, #tpu.memory_space<vmem_shared>>
      tpu.wait_dma2 semaphore(%run_scoped3A_253 : memref<!tpu.dma_semaphore, #tpu.memory_space<semaphore_mem>>) src(%arg8 : memref<125x128xbf16, #tpu.memory_space<vmem>>) dst(%dma_wait3A_261 : memref<125x128xbf16, #tpu.memory_space<vmem_shared>>)
      tpu.yield
    }) : () -> ()
    %barrier3A = arith.constant 0 : index
    tpu.barrier barrier_id(%barrier3A)
    %mul3A_18 = arith.constant 16 : i32
    %mul3A_19 = arith.muli %arg0, %mul3A_18 : i32
    %add3A_20 = arith.addi %mul3A_19, %arg1 : i32
    %mul3A_21 = arith.constant 80 : i32
    %mul3A_22 = arith.muli %add3A_20, %mul3A_21 : i32
    %run_scoped3A = arith.constant 1 : i32
    "tpu.region"() ({
      %run_scoped3A_253 = tpu.sem_alloc : memref<!tpu.dma_semaphore, #tpu.memory_space<semaphore_mem>>
      %dma_start3A_254 = arith.constant 0 : i32
      %dma_start3A_255 = tpu.memref_slice %arg3[%run_scoped3A, %mul3A_22, %dma_start3A_254] : memref<2x2560x125xi32, #tpu.memory_space<hbm>> -> memref<1x80x125xi32, #tpu.memory_space<hbm>>
      %dma_start3A_256 = tpu.memref_squeeze %dma_start3A_255 : memref<1x80x125xi32, #tpu.memory_space<hbm>> -> memref<80x125xi32, #tpu.memory_space<hbm>>
      %dma_start3A_257 = arith.constant 0 : i32
      %dma_start3A_258 = tpu.memref_slice %arg3[%run_scoped3A, %mul3A_22, %dma_start3A_257] : memref<2x2560x125xi32, #tpu.memory_space<hbm>> -> memref<1x80x125xi32, #tpu.memory_space<hbm>>
      %dma_start3A_259 = tpu.memref_squeeze %dma_start3A_258 : memref<1x80x125xi32, #tpu.memory_space<hbm>> -> memref<80x125xi32, #tpu.memory_space<hbm>>
      tpu.enqueue_dma source(%dma_start3A_259 : memref<80x125xi32, #tpu.memory_space<hbm>>) target(%arg6 : memref<80x125xi32, #tpu.memory_space<vmem>>) target_semaphore(%run_scoped3A_253 : memref<!tpu.dma_semaphore, #tpu.memory_space<semaphore_mem>>)
      %dma_wait3A_260 = arith.constant 0 : i32
      %dma_wait3A_261 = tpu.memref_slice %arg3[%run_scoped3A, %mul3A_22, %dma_wait3A_260] : memref<2x2560x125xi32, #tpu.memory_space<hbm>> -> memref<1x80x125xi32, #tpu.memory_space<hbm>>
      %dma_wait3A_262 = tpu.memref_squeeze %dma_wait3A_261 : memref<1x80x125xi32, #tpu.memory_space<hbm>> -> memref<80x125xi32, #tpu.memory_space<hbm>>
      %dma_wait3A_263 = arith.constant 0 : i32
      %dma_wait3A_264 = tpu.memref_slice %arg3[%run_scoped3A, %mul3A_22, %dma_wait3A_263] : memref<2x2560x125xi32, #tpu.memory_space<hbm>> -> memref<1x80x125xi32, #tpu.memory_space<hbm>>
      %dma_wait3A_265 = tpu.memref_squeeze %dma_wait3A_264 : memref<1x80x125xi32, #tpu.memory_space<hbm>> -> memref<80x125xi32, #tpu.memory_space<hbm>>
      tpu.wait_dma2 semaphore(%run_scoped3A_253 : memref<!tpu.dma_semaphore, #tpu.memory_space<semaphore_mem>>) src(%dma_wait3A_265 : memref<80x125xi32, #tpu.memory_space<hbm>>) dst(%arg6 : memref<80x125xi32, #tpu.memory_space<vmem>>)
      tpu.yield
    }) : () -> ()
    %run_scoped3A_23 = arith.constant 0 : i32
    "tpu.region"() ({
      %run_scoped3A_253 = tpu.sem_alloc : memref<!tpu.dma_semaphore, #tpu.memory_space<semaphore_mem>>
      %dma_start3A_254 = arith.constant 0 : i32
      %dma_start3A_255 = tpu.memref_slice %arg3[%run_scoped3A_23, %mul3A_22, %dma_start3A_254] : memref<2x2560x125xi32, #tpu.memory_space<hbm>> -> memref<1x80x125xi32, #tpu.memory_space<hbm>>
      %dma_start3A_256 = tpu.memref_squeeze %dma_start3A_255 : memref<1x80x125xi32, #tpu.memory_space<hbm>> -> memref<80x125xi32, #tpu.memory_space<hbm>>
      %dma_start3A_257 = arith.constant 0 : i32
      %dma_start3A_258 = tpu.memref_slice %arg3[%run_scoped3A_23, %mul3A_22, %dma_start3A_257] : memref<2x2560x125xi32, #tpu.memory_space<hbm>> -> memref<1x80x125xi32, #tpu.memory_space<hbm>>
      %dma_start3A_259 = tpu.memref_squeeze %dma_start3A_258 : memref<1x80x125xi32, #tpu.memory_space<hbm>> -> memref<80x125xi32, #tpu.memory_space<hbm>>
      tpu.enqueue_dma source(%dma_start3A_259 : memref<80x125xi32, #tpu.memory_space<hbm>>) target(%arg7 : memref<80x125xi32, #tpu.memory_space<vmem>>) target_semaphore(%run_scoped3A_253 : memref<!tpu.dma_semaphore, #tpu.memory_space<semaphore_mem>>)
      %dma_wait3A_260 = arith.constant 0 : i32
      %dma_wait3A_261 = tpu.memref_slice %arg3[%run_scoped3A_23, %mul3A_22, %dma_wait3A_260] : memref<2x2560x125xi32, #tpu.memory_space<hbm>> -> memref<1x80x125xi32, #tpu.memory_space<hbm>>
      %dma_wait3A_262 = tpu.memref_squeeze %dma_wait3A_261 : memref<1x80x125xi32, #tpu.memory_space<hbm>> -> memref<80x125xi32, #tpu.memory_space<hbm>>
      %dma_wait3A_263 = arith.constant 0 : i32
      %dma_wait3A_264 = tpu.memref_slice %arg3[%run_scoped3A_23, %mul3A_22, %dma_wait3A_263] : memref<2x2560x125xi32, #tpu.memory_space<hbm>> -> memref<1x80x125xi32, #tpu.memory_space<hbm>>
      %dma_wait3A_265 = tpu.memref_squeeze %dma_wait3A_264 : memref<1x80x125xi32, #tpu.memory_space<hbm>> -> memref<80x125xi32, #tpu.memory_space<hbm>>
      tpu.wait_dma2 semaphore(%run_scoped3A_253 : memref<!tpu.dma_semaphore, #tpu.memory_space<semaphore_mem>>) src(%dma_wait3A_265 : memref<80x125xi32, #tpu.memory_space<hbm>>) dst(%arg7 : memref<80x125xi32, #tpu.memory_space<vmem>>)
      tpu.yield
    }) : () -> ()
    %dma_start3A = arith.constant 0 : i32
    %dma_start3A_24 = arith.constant 0 : i32
    %dma_start3A_25 = tpu.memref_slice %arg7[%dma_start3A, %dma_start3A_24] : memref<80x125xi32, #tpu.memory_space<vmem>> -> memref<1x125xi32, #tpu.memory_space<vmem>>
    %dma_start3A_26 = tpu.memref_squeeze %dma_start3A_25 : memref<1x125xi32, #tpu.memory_space<vmem>> -> memref<125xi32, #tpu.memory_space<vmem>>
    %dma_start3A_27 = arith.constant 0 : i32
    %dma_start3A_28 = arith.constant 0 : i32
    %dma_start3A_29 = tpu.memref_slice %arg2[%dma_start3A_27, %dma_start3A_28] : memref<10000x128xbf16, #tpu.memory_space<hbm>> -> memref<10000x128xbf16, #tpu.memory_space<hbm>>
    tpu.enqueue_indirect_dma source(%dma_start3A_29 : memref<10000x128xbf16, #tpu.memory_space<hbm>>) target(%arg8 : memref<125x128xbf16, #tpu.memory_space<vmem>>) offsets(%dma_start3A_26 : memref<125xi32, #tpu.memory_space<vmem>>) semaphore(%arg24 : memref<!tpu.dma_semaphore, #tpu.memory_space<semaphore_mem>>)
    %dma_start3A_30 = arith.constant 1 : i32
    %dma_start3A_31 = arith.constant 0 : i32
    %dma_start3A_32 = tpu.memref_slice %arg7[%dma_start3A_30, %dma_start3A_31] : memref<80x125xi32, #tpu.memory_space<vmem>> -> memref<1x125xi32, #tpu.memory_space<vmem>>
    %dma_start3A_33 = tpu.memref_squeeze %dma_start3A_32 : memref<1x125xi32, #tpu.memory_space<vmem>> -> memref<125xi32, #tpu.memory_space<vmem>>
    %dma_start3A_34 = arith.constant 0 : i32
    %dma_start3A_35 = arith.constant 0 : i32
    %dma_start3A_36 = tpu.memref_slice %arg2[%dma_start3A_34, %dma_start3A_35] : memref<10000x128xbf16, #tpu.memory_space<hbm>> -> memref<10000x128xbf16, #tpu.memory_space<hbm>>
    tpu.enqueue_indirect_dma source(%dma_start3A_36 : memref<10000x128xbf16, #tpu.memory_space<hbm>>) target(%arg9 : memref<125x128xbf16, #tpu.memory_space<vmem>>) offsets(%dma_start3A_33 : memref<125xi32, #tpu.memory_space<vmem>>) semaphore(%arg25 : memref<!tpu.dma_semaphore, #tpu.memory_space<semaphore_mem>>)
    %dma_start3A_37 = arith.constant 2 : i32
    %dma_start3A_38 = arith.constant 0 : i32
    %dma_start3A_39 = tpu.memref_slice %arg7[%dma_start3A_37, %dma_start3A_38] : memref<80x125xi32, #tpu.memory_space<vmem>> -> memref<1x125xi32, #tpu.memory_space<vmem>>
    %dma_start3A_40 = tpu.memref_squeeze %dma_start3A_39 : memref<1x125xi32, #tpu.memory_space<vmem>> -> memref<125xi32, #tpu.memory_space<vmem>>
    %dma_start3A_41 = arith.constant 0 : i32
    %dma_start3A_42 = arith.constant 0 : i32
    %dma_start3A_43 = tpu.memref_slice %arg2[%dma_start3A_41, %dma_start3A_42] : memref<10000x128xbf16, #tpu.memory_space<hbm>> -> memref<10000x128xbf16, #tpu.memory_space<hbm>>
    tpu.enqueue_indirect_dma source(%dma_start3A_43 : memref<10000x128xbf16, #tpu.memory_space<hbm>>) target(%arg10 : memref<125x128xbf16, #tpu.memory_space<vmem>>) offsets(%dma_start3A_40 : memref<125xi32, #tpu.memory_space<vmem>>) semaphore(%arg26 : memref<!tpu.dma_semaphore, #tpu.memory_space<semaphore_mem>>)
    %dma_start3A_44 = arith.constant 3 : i32
    %dma_start3A_45 = arith.constant 0 : i32
    %dma_start3A_46 = tpu.memref_slice %arg7[%dma_start3A_44, %dma_start3A_45] : memref<80x125xi32, #tpu.memory_space<vmem>> -> memref<1x125xi32, #tpu.memory_space<vmem>>
    %dma_start3A_47 = tpu.memref_squeeze %dma_start3A_46 : memref<1x125xi32, #tpu.memory_space<vmem>> -> memref<125xi32, #tpu.memory_space<vmem>>
    %dma_start3A_48 = arith.constant 0 : i32
    %dma_start3A_49 = arith.constant 0 : i32
    %dma_start3A_50 = tpu.memref_slice %arg2[%dma_start3A_48, %dma_start3A_49] : memref<10000x128xbf16, #tpu.memory_space<hbm>> -> memref<10000x128xbf16, #tpu.memory_space<hbm>>
    tpu.enqueue_indirect_dma source(%dma_start3A_50 : memref<10000x128xbf16, #tpu.memory_space<hbm>>) target(%arg11 : memref<125x128xbf16, #tpu.memory_space<vmem>>) offsets(%dma_start3A_47 : memref<125xi32, #tpu.memory_space<vmem>>) semaphore(%arg27 : memref<!tpu.dma_semaphore, #tpu.memory_space<semaphore_mem>>)
    %dma_start3A_51 = arith.constant 4 : i32
    %dma_start3A_52 = arith.constant 0 : i32
    %dma_start3A_53 = tpu.memref_slice %arg7[%dma_start3A_51, %dma_start3A_52] : memref<80x125xi32, #tpu.memory_space<vmem>> -> memref<1x125xi32, #tpu.memory_space<vmem>>
    %dma_start3A_54 = tpu.memref_squeeze %dma_start3A_53 : memref<1x125xi32, #tpu.memory_space<vmem>> -> memref<125xi32, #tpu.memory_space<vmem>>
    %dma_start3A_55 = arith.constant 0 : i32
    %dma_start3A_56 = arith.constant 0 : i32
    %dma_start3A_57 = tpu.memref_slice %arg2[%dma_start3A_55, %dma_start3A_56] : memref<10000x128xbf16, #tpu.memory_space<hbm>> -> memref<10000x128xbf16, #tpu.memory_space<hbm>>
    tpu.enqueue_indirect_dma source(%dma_start3A_57 : memref<10000x128xbf16, #tpu.memory_space<hbm>>) target(%arg12 : memref<125x128xbf16, #tpu.memory_space<vmem>>) offsets(%dma_start3A_54 : memref<125xi32, #tpu.memory_space<vmem>>) semaphore(%arg28 : memref<!tpu.dma_semaphore, #tpu.memory_space<semaphore_mem>>)
    %dma_start3A_58 = arith.constant 5 : i32
    %dma_start3A_59 = arith.constant 0 : i32
    %dma_start3A_60 = tpu.memref_slice %arg7[%dma_start3A_58, %dma_start3A_59] : memref<80x125xi32, #tpu.memory_space<vmem>> -> memref<1x125xi32, #tpu.memory_space<vmem>>
    %dma_start3A_61 = tpu.memref_squeeze %dma_start3A_60 : memref<1x125xi32, #tpu.memory_space<vmem>> -> memref<125xi32, #tpu.memory_space<vmem>>
    %dma_start3A_62 = arith.constant 0 : i32
    %dma_start3A_63 = arith.constant 0 : i32
    %dma_start3A_64 = tpu.memref_slice %arg2[%dma_start3A_62, %dma_start3A_63] : memref<10000x128xbf16, #tpu.memory_space<hbm>> -> memref<10000x128xbf16, #tpu.memory_space<hbm>>
    tpu.enqueue_indirect_dma source(%dma_start3A_64 : memref<10000x128xbf16, #tpu.memory_space<hbm>>) target(%arg13 : memref<125x128xbf16, #tpu.memory_space<vmem>>) offsets(%dma_start3A_61 : memref<125xi32, #tpu.memory_space<vmem>>) semaphore(%arg29 : memref<!tpu.dma_semaphore, #tpu.memory_space<semaphore_mem>>)
    %dma_wait3A = arith.constant 0 : i32
    %dma_wait3A_65 = arith.constant 0 : i32
    %dma_wait3A_66 = tpu.memref_slice %arg7[%dma_wait3A, %dma_wait3A_65] : memref<80x125xi32, #tpu.memory_space<vmem>> -> memref<1x125xi32, #tpu.memory_space<vmem>>
    %dma_wait3A_67 = tpu.memref_squeeze %dma_wait3A_66 : memref<1x125xi32, #tpu.memory_space<vmem>> -> memref<125xi32, #tpu.memory_space<vmem>>
    %dma_wait3A_68 = arith.constant 0 : i32
    %dma_wait3A_69 = arith.constant 0 : i32
    %dma_wait3A_70 = tpu.memref_slice %arg2[%dma_wait3A_68, %dma_wait3A_69] : memref<10000x128xbf16, #tpu.memory_space<hbm>> -> memref<10000x128xbf16, #tpu.memory_space<hbm>>
    tpu.wait_indirect_dma semaphore(%arg24 : memref<!tpu.dma_semaphore, #tpu.memory_space<semaphore_mem>>) src(%dma_wait3A_70 : memref<10000x128xbf16, #tpu.memory_space<hbm>>) dst(%arg8 : memref<125x128xbf16, #tpu.memory_space<vmem>>)
    %dma_start3A_71 = arith.constant 0 : i32
    %dma_start3A_72 = arith.constant 0 : i32
    %dma_start3A_73 = tpu.memref_slice %arg6[%dma_start3A_71, %dma_start3A_72] : memref<80x125xi32, #tpu.memory_space<vmem>> -> memref<1x125xi32, #tpu.memory_space<vmem>>
    %dma_start3A_74 = tpu.memref_squeeze %dma_start3A_73 : memref<1x125xi32, #tpu.memory_space<vmem>> -> memref<125xi32, #tpu.memory_space<vmem>>
    %dma_start3A_75 = arith.constant 0 : i32
    %dma_start3A_76 = arith.constant 0 : i32
    %dma_start3A_77 = tpu.memref_slice %arg5[%dma_start3A_75, %dma_start3A_76] : memref<10000x128xbf16, #tpu.memory_space<vmem_shared>> -> memref<10000x128xbf16, #tpu.memory_space<vmem_shared>>
    tpu.enqueue_indirect_dma source(%arg8 : memref<125x128xbf16, #tpu.memory_space<vmem>>) target(%dma_start3A_77 : memref<10000x128xbf16, #tpu.memory_space<vmem_shared>>) offsets(%dma_start3A_74 : memref<125xi32, #tpu.memory_space<vmem>>) semaphore(%arg16 : memref<!tpu.dma_semaphore, #tpu.memory_space<semaphore_mem>>) {add = true}
    %dma_start3A_78 = arith.constant 6 : i32
    %dma_start3A_79 = arith.constant 0 : i32
    %dma_start3A_80 = tpu.memref_slice %arg7[%dma_start3A_78, %dma_start3A_79] : memref<80x125xi32, #tpu.memory_space<vmem>> -> memref<1x125xi32, #tpu.memory_space<vmem>>
    %dma_start3A_81 = tpu.memref_squeeze %dma_start3A_80 : memref<1x125xi32, #tpu.memory_space<vmem>> -> memref<125xi32, #tpu.memory_space<vmem>>
    %dma_start3A_82 = arith.constant 0 : i32
    %dma_start3A_83 = arith.constant 0 : i32
    %dma_start3A_84 = tpu.memref_slice %arg2[%dma_start3A_82, %dma_start3A_83] : memref<10000x128xbf16, #tpu.memory_space<hbm>> -> memref<10000x128xbf16, #tpu.memory_space<hbm>>
    tpu.enqueue_indirect_dma source(%dma_start3A_84 : memref<10000x128xbf16, #tpu.memory_space<hbm>>) target(%arg14 : memref<125x128xbf16, #tpu.memory_space<vmem>>) offsets(%dma_start3A_81 : memref<125xi32, #tpu.memory_space<vmem>>) semaphore(%arg30 : memref<!tpu.dma_semaphore, #tpu.memory_space<semaphore_mem>>)
    %dma_wait3A_85 = arith.constant 0 : i32
    %dma_wait3A_86 = arith.constant 0 : i32
    %dma_wait3A_87 = tpu.memref_slice %arg7[%dma_wait3A_85, %dma_wait3A_86] : memref<80x125xi32, #tpu.memory_space<vmem>> -> memref<1x125xi32, #tpu.memory_space<vmem>>
    %dma_wait3A_88 = tpu.memref_squeeze %dma_wait3A_87 : memref<1x125xi32, #tpu.memory_space<vmem>> -> memref<125xi32, #tpu.memory_space<vmem>>
    %dma_wait3A_89 = arith.constant 0 : i32
    %dma_wait3A_90 = arith.constant 0 : i32
    %dma_wait3A_91 = tpu.memref_slice %arg2[%dma_wait3A_89, %dma_wait3A_90] : memref<10000x128xbf16, #tpu.memory_space<hbm>> -> memref<10000x128xbf16, #tpu.memory_space<hbm>>
    tpu.wait_indirect_dma semaphore(%arg25 : memref<!tpu.dma_semaphore, #tpu.memory_space<semaphore_mem>>) src(%dma_wait3A_91 : memref<10000x128xbf16, #tpu.memory_space<hbm>>) dst(%arg9 : memref<125x128xbf16, #tpu.memory_space<vmem>>)
    %dma_start3A_92 = arith.constant 1 : i32
    %dma_start3A_93 = arith.constant 0 : i32
    %dma_start3A_94 = tpu.memref_slice %arg6[%dma_start3A_92, %dma_start3A_93] : memref<80x125xi32, #tpu.memory_space<vmem>> -> memref<1x125xi32, #tpu.memory_space<vmem>>
    %dma_start3A_95 = tpu.memref_squeeze %dma_start3A_94 : memref<1x125xi32, #tpu.memory_space<vmem>> -> memref<125xi32, #tpu.memory_space<vmem>>
    %dma_start3A_96 = arith.constant 0 : i32
    %dma_start3A_97 = arith.constant 0 : i32
    %dma_start3A_98 = tpu.memref_slice %arg5[%dma_start3A_96, %dma_start3A_97] : memref<10000x128xbf16, #tpu.memory_space<vmem_shared>> -> memref<10000x128xbf16, #tpu.memory_space<vmem_shared>>
    tpu.enqueue_indirect_dma source(%arg9 : memref<125x128xbf16, #tpu.memory_space<vmem>>) target(%dma_start3A_98 : memref<10000x128xbf16, #tpu.memory_space<vmem_shared>>) offsets(%dma_start3A_95 : memref<125xi32, #tpu.memory_space<vmem>>) semaphore(%arg17 : memref<!tpu.dma_semaphore, #tpu.memory_space<semaphore_mem>>) {add = true}
    %dma_start3A_99 = arith.constant 7 : i32
    %dma_start3A_100 = arith.constant 0 : i32
    %dma_start3A_101 = tpu.memref_slice %arg7[%dma_start3A_99, %dma_start3A_100] : memref<80x125xi32, #tpu.memory_space<vmem>> -> memref<1x125xi32, #tpu.memory_space<vmem>>
    %dma_start3A_102 = tpu.memref_squeeze %dma_start3A_101 : memref<1x125xi32, #tpu.memory_space<vmem>> -> memref<125xi32, #tpu.memory_space<vmem>>
    %dma_start3A_103 = arith.constant 0 : i32
    %dma_start3A_104 = arith.constant 0 : i32
    %dma_start3A_105 = tpu.memref_slice %arg2[%dma_start3A_103, %dma_start3A_104] : memref<10000x128xbf16, #tpu.memory_space<hbm>> -> memref<10000x128xbf16, #tpu.memory_space<hbm>>
    tpu.enqueue_indirect_dma source(%dma_start3A_105 : memref<10000x128xbf16, #tpu.memory_space<hbm>>) target(%arg15 : memref<125x128xbf16, #tpu.memory_space<vmem>>) offsets(%dma_start3A_102 : memref<125xi32, #tpu.memory_space<vmem>>) semaphore(%arg31 : memref<!tpu.dma_semaphore, #tpu.memory_space<semaphore_mem>>)
    %scan3A_106 = arith.constant 0 : i32
    %scan3A_107 = arith.constant 0 : i32
    %scan3A_108 = arith.constant 9 : i32
    %scan3A_109 = arith.addi %scan3A_107, %scan3A_108 : i32
    %scan3A_110 = arith.constant 1 : i32
    scf.for %scan3A_253 = %scan3A_107 to %scan3A_109 step %scan3A_110  : i32 {
      %mul3A_254 = arith.constant 8 : i32
      %mul3A_255 = arith.muli %mul3A_254, %scan3A_253 : i32
      %add3A_256 = arith.constant 2 : i32
      %add3A_257 = arith.addi %add3A_256, %mul3A_255 : i32
      %add3A_258 = arith.constant 0 : i32
      %add3A_259 = arith.addi %add3A_257, %add3A_258 : i32
      %dma_wait3A_260 = arith.constant 0 : i32
      %dma_wait3A_261 = arith.constant 0 : i32
      %dma_wait3A_262 = tpu.memref_slice %arg7[%dma_wait3A_260, %dma_wait3A_261] : memref<80x125xi32, #tpu.memory_space<vmem>> -> memref<1x125xi32, #tpu.memory_space<vmem>>
      %dma_wait3A_263 = tpu.memref_squeeze %dma_wait3A_262 : memref<1x125xi32, #tpu.memory_space<vmem>> -> memref<125xi32, #tpu.memory_space<vmem>>
      %dma_wait3A_264 = arith.constant 0 : i32
      %dma_wait3A_265 = arith.constant 0 : i32
      %dma_wait3A_266 = tpu.memref_slice %arg2[%dma_wait3A_264, %dma_wait3A_265] : memref<10000x128xbf16, #tpu.memory_space<hbm>> -> memref<10000x128xbf16, #tpu.memory_space<hbm>>
      tpu.wait_indirect_dma semaphore(%arg26 : memref<!tpu.dma_semaphore, #tpu.memory_space<semaphore_mem>>) src(%dma_wait3A_266 : memref<10000x128xbf16, #tpu.memory_space<hbm>>) dst(%arg10 : memref<125x128xbf16, #tpu.memory_space<vmem>>)
      %dma_start3A_267 = arith.constant 0 : i32
      %dma_start3A_268 = tpu.memref_slice %arg6[%add3A_259, %dma_start3A_267] : memref<80x125xi32, #tpu.memory_space<vmem>> -> memref<1x125xi32, #tpu.memory_space<vmem>>
      %dma_start3A_269 = tpu.memref_squeeze %dma_start3A_268 : memref<1x125xi32, #tpu.memory_space<vmem>> -> memref<125xi32, #tpu.memory_space<vmem>>
      %dma_start3A_270 = arith.constant 0 : i32
      %dma_start3A_271 = arith.constant 0 : i32
      %dma_start3A_272 = tpu.memref_slice %arg5[%dma_start3A_270, %dma_start3A_271] : memref<10000x128xbf16, #tpu.memory_space<vmem_shared>> -> memref<10000x128xbf16, #tpu.memory_space<vmem_shared>>
      tpu.enqueue_indirect_dma source(%arg10 : memref<125x128xbf16, #tpu.memory_space<vmem>>) target(%dma_start3A_272 : memref<10000x128xbf16, #tpu.memory_space<vmem_shared>>) offsets(%dma_start3A_269 : memref<125xi32, #tpu.memory_space<vmem>>) semaphore(%arg18 : memref<!tpu.dma_semaphore, #tpu.memory_space<semaphore_mem>>) {add = true}
      %dma_wait3A_273 = arith.constant 0 : i32
      %dma_wait3A_274 = arith.constant 0 : i32
      %dma_wait3A_275 = tpu.memref_slice %arg6[%dma_wait3A_273, %dma_wait3A_274] : memref<80x125xi32, #tpu.memory_space<vmem>> -> memref<1x125xi32, #tpu.memory_space<vmem>>
      %dma_wait3A_276 = tpu.memref_squeeze %dma_wait3A_275 : memref<1x125xi32, #tpu.memory_space<vmem>> -> memref<125xi32, #tpu.memory_space<vmem>>
      %dma_wait3A_277 = arith.constant 0 : i32
      %dma_wait3A_278 = arith.constant 0 : i32
      %dma_wait3A_279 = tpu.memref_slice %arg5[%dma_wait3A_277, %dma_wait3A_278] : memref<10000x128xbf16, #tpu.memory_space<vmem_shared>> -> memref<10000x128xbf16, #tpu.memory_space<vmem_shared>>
      tpu.wait_indirect_dma semaphore(%arg16 : memref<!tpu.dma_semaphore, #tpu.memory_space<semaphore_mem>>) src(%arg8 : memref<125x128xbf16, #tpu.memory_space<vmem>>) dst(%dma_wait3A_279 : memref<10000x128xbf16, #tpu.memory_space<vmem_shared>>)
      %add3A_280 = arith.constant 6 : i32
      %add3A_281 = arith.addi %add3A_259, %add3A_280 : i32
      %dma_start3A_282 = arith.constant 0 : i32
      %dma_start3A_283 = tpu.memref_slice %arg7[%add3A_281, %dma_start3A_282] : memref<80x125xi32, #tpu.memory_space<vmem>> -> memref<1x125xi32, #tpu.memory_space<vmem>>
      %dma_start3A_284 = tpu.memref_squeeze %dma_start3A_283 : memref<1x125xi32, #tpu.memory_space<vmem>> -> memref<125xi32, #tpu.memory_space<vmem>>
      %dma_start3A_285 = arith.constant 0 : i32
      %dma_start3A_286 = arith.constant 0 : i32
      %dma_start3A_287 = tpu.memref_slice %arg2[%dma_start3A_285, %dma_start3A_286] : memref<10000x128xbf16, #tpu.memory_space<hbm>> -> memref<10000x128xbf16, #tpu.memory_space<hbm>>
      tpu.enqueue_indirect_dma source(%dma_start3A_287 : memref<10000x128xbf16, #tpu.memory_space<hbm>>) target(%arg8 : memref<125x128xbf16, #tpu.memory_space<vmem>>) offsets(%dma_start3A_284 : memref<125xi32, #tpu.memory_space<vmem>>) semaphore(%arg24 : memref<!tpu.dma_semaphore, #tpu.memory_space<semaphore_mem>>)
      %add3A_288 = arith.constant 1 : i32
      %add3A_289 = arith.addi %add3A_257, %add3A_288 : i32
      %dma_wait3A_290 = arith.constant 0 : i32
      %dma_wait3A_291 = arith.constant 0 : i32
      %dma_wait3A_292 = tpu.memref_slice %arg7[%dma_wait3A_290, %dma_wait3A_291] : memref<80x125xi32, #tpu.memory_space<vmem>> -> memref<1x125xi32, #tpu.memory_space<vmem>>
      %dma_wait3A_293 = tpu.memref_squeeze %dma_wait3A_292 : memref<1x125xi32, #tpu.memory_space<vmem>> -> memref<125xi32, #tpu.memory_space<vmem>>
      %dma_wait3A_294 = arith.constant 0 : i32
      %dma_wait3A_295 = arith.constant 0 : i32
      %dma_wait3A_296 = tpu.memref_slice %arg2[%dma_wait3A_294, %dma_wait3A_295] : memref<10000x128xbf16, #tpu.memory_space<hbm>> -> memref<10000x128xbf16, #tpu.memory_space<hbm>>
      tpu.wait_indirect_dma semaphore(%arg27 : memref<!tpu.dma_semaphore, #tpu.memory_space<semaphore_mem>>) src(%dma_wait3A_296 : memref<10000x128xbf16, #tpu.memory_space<hbm>>) dst(%arg11 : memref<125x128xbf16, #tpu.memory_space<vmem>>)
      %dma_start3A_297 = arith.constant 0 : i32
      %dma_start3A_298 = tpu.memref_slice %arg6[%add3A_289, %dma_start3A_297] : memref<80x125xi32, #tpu.memory_space<vmem>> -> memref<1x125xi32, #tpu.memory_space<vmem>>
      %dma_start3A_299 = tpu.memref_squeeze %dma_start3A_298 : memref<1x125xi32, #tpu.memory_space<vmem>> -> memref<125xi32, #tpu.memory_space<vmem>>
      %dma_start3A_300 = arith.constant 0 : i32
      %dma_start3A_301 = arith.constant 0 : i32
      %dma_start3A_302 = tpu.memref_slice %arg5[%dma_start3A_300, %dma_start3A_301] : memref<10000x128xbf16, #tpu.memory_space<vmem_shared>> -> memref<10000x128xbf16, #tpu.memory_space<vmem_shared>>
      tpu.enqueue_indirect_dma source(%arg11 : memref<125x128xbf16, #tpu.memory_space<vmem>>) target(%dma_start3A_302 : memref<10000x128xbf16, #tpu.memory_space<vmem_shared>>) offsets(%dma_start3A_299 : memref<125xi32, #tpu.memory_space<vmem>>) semaphore(%arg19 : memref<!tpu.dma_semaphore, #tpu.memory_space<semaphore_mem>>) {add = true}
      %dma_wait3A_303 = arith.constant 0 : i32
      %dma_wait3A_304 = arith.constant 0 : i32
      %dma_wait3A_305 = tpu.memref_slice %arg6[%dma_wait3A_303, %dma_wait3A_304] : memref<80x125xi32, #tpu.memory_space<vmem>> -> memref<1x125xi32, #tpu.memory_space<vmem>>
      %dma_wait3A_306 = tpu.memref_squeeze %dma_wait3A_305 : memref<1x125xi32, #tpu.memory_space<vmem>> -> memref<125xi32, #tpu.memory_space<vmem>>
      %dma_wait3A_307 = arith.constant 0 : i32
      %dma_wait3A_308 = arith.constant 0 : i32
      %dma_wait3A_309 = tpu.memref_slice %arg5[%dma_wait3A_307, %dma_wait3A_308] : memref<10000x128xbf16, #tpu.memory_space<vmem_shared>> -> memref<10000x128xbf16, #tpu.memory_space<vmem_shared>>
      tpu.wait_indirect_dma semaphore(%arg17 : memref<!tpu.dma_semaphore, #tpu.memory_space<semaphore_mem>>) src(%arg9 : memref<125x128xbf16, #tpu.memory_space<vmem>>) dst(%dma_wait3A_309 : memref<10000x128xbf16, #tpu.memory_space<vmem_shared>>)
      %add3A_310 = arith.constant 6 : i32
      %add3A_311 = arith.addi %add3A_289, %add3A_310 : i32
      %dma_start3A_312 = arith.constant 0 : i32
      %dma_start3A_313 = tpu.memref_slice %arg7[%add3A_311, %dma_start3A_312] : memref<80x125xi32, #tpu.memory_space<vmem>> -> memref<1x125xi32, #tpu.memory_space<vmem>>
      %dma_start3A_314 = tpu.memref_squeeze %dma_start3A_313 : memref<1x125xi32, #tpu.memory_space<vmem>> -> memref<125xi32, #tpu.memory_space<vmem>>
      %dma_start3A_315 = arith.constant 0 : i32
      %dma_start3A_316 = arith.constant 0 : i32
      %dma_start3A_317 = tpu.memref_slice %arg2[%dma_start3A_315, %dma_start3A_316] : memref<10000x128xbf16, #tpu.memory_space<hbm>> -> memref<10000x128xbf16, #tpu.memory_space<hbm>>
      tpu.enqueue_indirect_dma source(%dma_start3A_317 : memref<10000x128xbf16, #tpu.memory_space<hbm>>) target(%arg9 : memref<125x128xbf16, #tpu.memory_space<vmem>>) offsets(%dma_start3A_314 : memref<125xi32, #tpu.memory_space<vmem>>) semaphore(%arg25 : memref<!tpu.dma_semaphore, #tpu.memory_space<semaphore_mem>>)
      %add3A_318 = arith.constant 2 : i32
      %add3A_319 = arith.addi %add3A_257, %add3A_318 : i32
      %dma_wait3A_320 = arith.constant 0 : i32
      %dma_wait3A_321 = arith.constant 0 : i32
      %dma_wait3A_322 = tpu.memref_slice %arg7[%dma_wait3A_320, %dma_wait3A_321] : memref<80x125xi32, #tpu.memory_space<vmem>> -> memref<1x125xi32, #tpu.memory_space<vmem>>
      %dma_wait3A_323 = tpu.memref_squeeze %dma_wait3A_322 : memref<1x125xi32, #tpu.memory_space<vmem>> -> memref<125xi32, #tpu.memory_space<vmem>>
      %dma_wait3A_324 = arith.constant 0 : i32
      %dma_wait3A_325 = arith.constant 0 : i32
      %dma_wait3A_326 = tpu.memref_slice %arg2[%dma_wait3A_324, %dma_wait3A_325] : memref<10000x128xbf16, #tpu.memory_space<hbm>> -> memref<10000x128xbf16, #tpu.memory_space<hbm>>
      tpu.wait_indirect_dma semaphore(%arg28 : memref<!tpu.dma_semaphore, #tpu.memory_space<semaphore_mem>>) src(%dma_wait3A_326 : memref<10000x128xbf16, #tpu.memory_space<hbm>>) dst(%arg12 : memref<125x128xbf16, #tpu.memory_space<vmem>>)
      %dma_start3A_327 = arith.constant 0 : i32
      %dma_start3A_328 = tpu.memref_slice %arg6[%add3A_319, %dma_start3A_327] : memref<80x125xi32, #tpu.memory_space<vmem>> -> memref<1x125xi32, #tpu.memory_space<vmem>>
      %dma_start3A_329 = tpu.memref_squeeze %dma_start3A_328 : memref<1x125xi32, #tpu.memory_space<vmem>> -> memref<125xi32, #tpu.memory_space<vmem>>
      %dma_start3A_330 = arith.constant 0 : i32
      %dma_start3A_331 = arith.constant 0 : i32
      %dma_start3A_332 = tpu.memref_slice %arg5[%dma_start3A_330, %dma_start3A_331] : memref<10000x128xbf16, #tpu.memory_space<vmem_shared>> -> memref<10000x128xbf16, #tpu.memory_space<vmem_shared>>
      tpu.enqueue_indirect_dma source(%arg12 : memref<125x128xbf16, #tpu.memory_space<vmem>>) target(%dma_start3A_332 : memref<10000x128xbf16, #tpu.memory_space<vmem_shared>>) offsets(%dma_start3A_329 : memref<125xi32, #tpu.memory_space<vmem>>) semaphore(%arg20 : memref<!tpu.dma_semaphore, #tpu.memory_space<semaphore_mem>>) {add = true}
      %dma_wait3A_333 = arith.constant 0 : i32
      %dma_wait3A_334 = arith.constant 0 : i32
      %dma_wait3A_335 = tpu.memref_slice %arg6[%dma_wait3A_333, %dma_wait3A_334] : memref<80x125xi32, #tpu.memory_space<vmem>> -> memref<1x125xi32, #tpu.memory_space<vmem>>
      %dma_wait3A_336 = tpu.memref_squeeze %dma_wait3A_335 : memref<1x125xi32, #tpu.memory_space<vmem>> -> memref<125xi32, #tpu.memory_space<vmem>>
      %dma_wait3A_337 = arith.constant 0 : i32
      %dma_wait3A_338 = arith.constant 0 : i32
      %dma_wait3A_339 = tpu.memref_slice %arg5[%dma_wait3A_337, %dma_wait3A_338] : memref<10000x128xbf16, #tpu.memory_space<vmem_shared>> -> memref<10000x128xbf16, #tpu.memory_space<vmem_shared>>
      tpu.wait_indirect_dma semaphore(%arg18 : memref<!tpu.dma_semaphore, #tpu.memory_space<semaphore_mem>>) src(%arg10 : memref<125x128xbf16, #tpu.memory_space<vmem>>) dst(%dma_wait3A_339 : memref<10000x128xbf16, #tpu.memory_space<vmem_shared>>)
      %add3A_340 = arith.constant 6 : i32
      %add3A_341 = arith.addi %add3A_319, %add3A_340 : i32
      %dma_start3A_342 = arith.constant 0 : i32
      %dma_start3A_343 = tpu.memref_slice %arg7[%add3A_341, %dma_start3A_342] : memref<80x125xi32, #tpu.memory_space<vmem>> -> memref<1x125xi32, #tpu.memory_space<vmem>>
      %dma_start3A_344 = tpu.memref_squeeze %dma_start3A_343 : memref<1x125xi32, #tpu.memory_space<vmem>> -> memref<125xi32, #tpu.memory_space<vmem>>
      %dma_start3A_345 = arith.constant 0 : i32
      %dma_start3A_346 = arith.constant 0 : i32
      %dma_start3A_347 = tpu.memref_slice %arg2[%dma_start3A_345, %dma_start3A_346] : memref<10000x128xbf16, #tpu.memory_space<hbm>> -> memref<10000x128xbf16, #tpu.memory_space<hbm>>
      tpu.enqueue_indirect_dma source(%dma_start3A_347 : memref<10000x128xbf16, #tpu.memory_space<hbm>>) target(%arg10 : memref<125x128xbf16, #tpu.memory_space<vmem>>) offsets(%dma_start3A_344 : memref<125xi32, #tpu.memory_space<vmem>>) semaphore(%arg26 : memref<!tpu.dma_semaphore, #tpu.memory_space<semaphore_mem>>)
      %add3A_348 = arith.constant 3 : i32
      %add3A_349 = arith.addi %add3A_257, %add3A_348 : i32
      %dma_wait3A_350 = arith.constant 0 : i32
      %dma_wait3A_351 = arith.constant 0 : i32
      %dma_wait3A_352 = tpu.memref_slice %arg7[%dma_wait3A_350, %dma_wait3A_351] : memref<80x125xi32, #tpu.memory_space<vmem>> -> memref<1x125xi32, #tpu.memory_space<vmem>>
      %dma_wait3A_353 = tpu.memref_squeeze %dma_wait3A_352 : memref<1x125xi32, #tpu.memory_space<vmem>> -> memref<125xi32, #tpu.memory_space<vmem>>
      %dma_wait3A_354 = arith.constant 0 : i32
      %dma_wait3A_355 = arith.constant 0 : i32
      %dma_wait3A_356 = tpu.memref_slice %arg2[%dma_wait3A_354, %dma_wait3A_355] : memref<10000x128xbf16, #tpu.memory_space<hbm>> -> memref<10000x128xbf16, #tpu.memory_space<hbm>>
      tpu.wait_indirect_dma semaphore(%arg29 : memref<!tpu.dma_semaphore, #tpu.memory_space<semaphore_mem>>) src(%dma_wait3A_356 : memref<10000x128xbf16, #tpu.memory_space<hbm>>) dst(%arg13 : memref<125x128xbf16, #tpu.memory_space<vmem>>)
      %dma_start3A_357 = arith.constant 0 : i32
      %dma_start3A_358 = tpu.memref_slice %arg6[%add3A_349, %dma_start3A_357] : memref<80x125xi32, #tpu.memory_space<vmem>> -> memref<1x125xi32, #tpu.memory_space<vmem>>
      %dma_start3A_359 = tpu.memref_squeeze %dma_start3A_358 : memref<1x125xi32, #tpu.memory_space<vmem>> -> memref<125xi32, #tpu.memory_space<vmem>>
      %dma_start3A_360 = arith.constant 0 : i32
      %dma_start3A_361 = arith.constant 0 : i32
      %dma_start3A_362 = tpu.memref_slice %arg5[%dma_start3A_360, %dma_start3A_361] : memref<10000x128xbf16, #tpu.memory_space<vmem_shared>> -> memref<10000x128xbf16, #tpu.memory_space<vmem_shared>>
      tpu.enqueue_indirect_dma source(%arg13 : memref<125x128xbf16, #tpu.memory_space<vmem>>) target(%dma_start3A_362 : memref<10000x128xbf16, #tpu.memory_space<vmem_shared>>) offsets(%dma_start3A_359 : memref<125xi32, #tpu.memory_space<vmem>>) semaphore(%arg21 : memref<!tpu.dma_semaphore, #tpu.memory_space<semaphore_mem>>) {add = true}
      %dma_wait3A_363 = arith.constant 0 : i32
      %dma_wait3A_364 = arith.constant 0 : i32
      %dma_wait3A_365 = tpu.memref_slice %arg6[%dma_wait3A_363, %dma_wait3A_364] : memref<80x125xi32, #tpu.memory_space<vmem>> -> memref<1x125xi32, #tpu.memory_space<vmem>>
      %dma_wait3A_366 = tpu.memref_squeeze %dma_wait3A_365 : memref<1x125xi32, #tpu.memory_space<vmem>> -> memref<125xi32, #tpu.memory_space<vmem>>
      %dma_wait3A_367 = arith.constant 0 : i32
      %dma_wait3A_368 = arith.constant 0 : i32
      %dma_wait3A_369 = tpu.memref_slice %arg5[%dma_wait3A_367, %dma_wait3A_368] : memref<10000x128xbf16, #tpu.memory_space<vmem_shared>> -> memref<10000x128xbf16, #tpu.memory_space<vmem_shared>>
      tpu.wait_indirect_dma semaphore(%arg19 : memref<!tpu.dma_semaphore, #tpu.memory_space<semaphore_mem>>) src(%arg11 : memref<125x128xbf16, #tpu.memory_space<vmem>>) dst(%dma_wait3A_369 : memref<10000x128xbf16, #tpu.memory_space<vmem_shared>>)
      %add3A_370 = arith.constant 6 : i32
      %add3A_371 = arith.addi %add3A_349, %add3A_370 : i32
      %dma_start3A_372 = arith.constant 0 : i32
      %dma_start3A_373 = tpu.memref_slice %arg7[%add3A_371, %dma_start3A_372] : memref<80x125xi32, #tpu.memory_space<vmem>> -> memref<1x125xi32, #tpu.memory_space<vmem>>
      %dma_start3A_374 = tpu.memref_squeeze %dma_start3A_373 : memref<1x125xi32, #tpu.memory_space<vmem>> -> memref<125xi32, #tpu.memory_space<vmem>>
      %dma_start3A_375 = arith.constant 0 : i32
      %dma_start3A_376 = arith.constant 0 : i32
      %dma_start3A_377 = tpu.memref_slice %arg2[%dma_start3A_375, %dma_start3A_376] : memref<10000x128xbf16, #tpu.memory_space<hbm>> -> memref<10000x128xbf16, #tpu.memory_space<hbm>>
      tpu.enqueue_indirect_dma source(%dma_start3A_377 : memref<10000x128xbf16, #tpu.memory_space<hbm>>) target(%arg11 : memref<125x128xbf16, #tpu.memory_space<vmem>>) offsets(%dma_start3A_374 : memref<125xi32, #tpu.memory_space<vmem>>) semaphore(%arg27 : memref<!tpu.dma_semaphore, #tpu.memory_space<semaphore_mem>>)
      %add3A_378 = arith.constant 4 : i32
      %add3A_379 = arith.addi %add3A_257, %add3A_378 : i32
      %dma_wait3A_380 = arith.constant 0 : i32
      %dma_wait3A_381 = arith.constant 0 : i32
      %dma_wait3A_382 = tpu.memref_slice %arg7[%dma_wait3A_380, %dma_wait3A_381] : memref<80x125xi32, #tpu.memory_space<vmem>> -> memref<1x125xi32, #tpu.memory_space<vmem>>
      %dma_wait3A_383 = tpu.memref_squeeze %dma_wait3A_382 : memref<1x125xi32, #tpu.memory_space<vmem>> -> memref<125xi32, #tpu.memory_space<vmem>>
      %dma_wait3A_384 = arith.constant 0 : i32
      %dma_wait3A_385 = arith.constant 0 : i32
      %dma_wait3A_386 = tpu.memref_slice %arg2[%dma_wait3A_384, %dma_wait3A_385] : memref<10000x128xbf16, #tpu.memory_space<hbm>> -> memref<10000x128xbf16, #tpu.memory_space<hbm>>
      tpu.wait_indirect_dma semaphore(%arg30 : memref<!tpu.dma_semaphore, #tpu.memory_space<semaphore_mem>>) src(%dma_wait3A_386 : memref<10000x128xbf16, #tpu.memory_space<hbm>>) dst(%arg14 : memref<125x128xbf16, #tpu.memory_space<vmem>>)
      %dma_start3A_387 = arith.constant 0 : i32
      %dma_start3A_388 = tpu.memref_slice %arg6[%add3A_379, %dma_start3A_387] : memref<80x125xi32, #tpu.memory_space<vmem>> -> memref<1x125xi32, #tpu.memory_space<vmem>>
      %dma_start3A_389 = tpu.memref_squeeze %dma_start3A_388 : memref<1x125xi32, #tpu.memory_space<vmem>> -> memref<125xi32, #tpu.memory_space<vmem>>
      %dma_start3A_390 = arith.constant 0 : i32
      %dma_start3A_391 = arith.constant 0 : i32
      %dma_start3A_392 = tpu.memref_slice %arg5[%dma_start3A_390, %dma_start3A_391] : memref<10000x128xbf16, #tpu.memory_space<vmem_shared>> -> memref<10000x128xbf16, #tpu.memory_space<vmem_shared>>
      tpu.enqueue_indirect_dma source(%arg14 : memref<125x128xbf16, #tpu.memory_space<vmem>>) target(%dma_start3A_392 : memref<10000x128xbf16, #tpu.memory_space<vmem_shared>>) offsets(%dma_start3A_389 : memref<125xi32, #tpu.memory_space<vmem>>) semaphore(%arg22 : memref<!tpu.dma_semaphore, #tpu.memory_space<semaphore_mem>>) {add = true}
      %dma_wait3A_393 = arith.constant 0 : i32
      %dma_wait3A_394 = arith.constant 0 : i32
      %dma_wait3A_395 = tpu.memref_slice %arg6[%dma_wait3A_393, %dma_wait3A_394] : memref<80x125xi32, #tpu.memory_space<vmem>> -> memref<1x125xi32, #tpu.memory_space<vmem>>
      %dma_wait3A_396 = tpu.memref_squeeze %dma_wait3A_395 : memref<1x125xi32, #tpu.memory_space<vmem>> -> memref<125xi32, #tpu.memory_space<vmem>>
      %dma_wait3A_397 = arith.constant 0 : i32
      %dma_wait3A_398 = arith.constant 0 : i32
      %dma_wait3A_399 = tpu.memref_slice %arg5[%dma_wait3A_397, %dma_wait3A_398] : memref<10000x128xbf16, #tpu.memory_space<vmem_shared>> -> memref<10000x128xbf16, #tpu.memory_space<vmem_shared>>
      tpu.wait_indirect_dma semaphore(%arg20 : memref<!tpu.dma_semaphore, #tpu.memory_space<semaphore_mem>>) src(%arg12 : memref<125x128xbf16, #tpu.memory_space<vmem>>) dst(%dma_wait3A_399 : memref<10000x128xbf16, #tpu.memory_space<vmem_shared>>)
      %add3A_400 = arith.constant 6 : i32
      %add3A_401 = arith.addi %add3A_379, %add3A_400 : i32
      %dma_start3A_402 = arith.constant 0 : i32
      %dma_start3A_403 = tpu.memref_slice %arg7[%add3A_401, %dma_start3A_402] : memref<80x125xi32, #tpu.memory_space<vmem>> -> memref<1x125xi32, #tpu.memory_space<vmem>>
      %dma_start3A_404 = tpu.memref_squeeze %dma_start3A_403 : memref<1x125xi32, #tpu.memory_space<vmem>> -> memref<125xi32, #tpu.memory_space<vmem>>
      %dma_start3A_405 = arith.constant 0 : i32
      %dma_start3A_406 = arith.constant 0 : i32
      %dma_start3A_407 = tpu.memref_slice %arg2[%dma_start3A_405, %dma_start3A_406] : memref<10000x128xbf16, #tpu.memory_space<hbm>> -> memref<10000x128xbf16, #tpu.memory_space<hbm>>
      tpu.enqueue_indirect_dma source(%dma_start3A_407 : memref<10000x128xbf16, #tpu.memory_space<hbm>>) target(%arg12 : memref<125x128xbf16, #tpu.memory_space<vmem>>) offsets(%dma_start3A_404 : memref<125xi32, #tpu.memory_space<vmem>>) semaphore(%arg28 : memref<!tpu.dma_semaphore, #tpu.memory_space<semaphore_mem>>)
      %add3A_408 = arith.constant 5 : i32
      %add3A_409 = arith.addi %add3A_257, %add3A_408 : i32
      %dma_wait3A_410 = arith.constant 0 : i32
      %dma_wait3A_411 = arith.constant 0 : i32
      %dma_wait3A_412 = tpu.memref_slice %arg7[%dma_wait3A_410, %dma_wait3A_411] : memref<80x125xi32, #tpu.memory_space<vmem>> -> memref<1x125xi32, #tpu.memory_space<vmem>>
      %dma_wait3A_413 = tpu.memref_squeeze %dma_wait3A_412 : memref<1x125xi32, #tpu.memory_space<vmem>> -> memref<125xi32, #tpu.memory_space<vmem>>
      %dma_wait3A_414 = arith.constant 0 : i32
      %dma_wait3A_415 = arith.constant 0 : i32
      %dma_wait3A_416 = tpu.memref_slice %arg2[%dma_wait3A_414, %dma_wait3A_415] : memref<10000x128xbf16, #tpu.memory_space<hbm>> -> memref<10000x128xbf16, #tpu.memory_space<hbm>>
      tpu.wait_indirect_dma semaphore(%arg31 : memref<!tpu.dma_semaphore, #tpu.memory_space<semaphore_mem>>) src(%dma_wait3A_416 : memref<10000x128xbf16, #tpu.memory_space<hbm>>) dst(%arg15 : memref<125x128xbf16, #tpu.memory_space<vmem>>)
      %dma_start3A_417 = arith.constant 0 : i32
      %dma_start3A_418 = tpu.memref_slice %arg6[%add3A_409, %dma_start3A_417] : memref<80x125xi32, #tpu.memory_space<vmem>> -> memref<1x125xi32, #tpu.memory_space<vmem>>
      %dma_start3A_419 = tpu.memref_squeeze %dma_start3A_418 : memref<1x125xi32, #tpu.memory_space<vmem>> -> memref<125xi32, #tpu.memory_space<vmem>>
      %dma_start3A_420 = arith.constant 0 : i32
      %dma_start3A_421 = arith.constant 0 : i32
      %dma_start3A_422 = tpu.memref_slice %arg5[%dma_start3A_420, %dma_start3A_421] : memref<10000x128xbf16, #tpu.memory_space<vmem_shared>> -> memref<10000x128xbf16, #tpu.memory_space<vmem_shared>>
      tpu.enqueue_indirect_dma source(%arg15 : memref<125x128xbf16, #tpu.memory_space<vmem>>) target(%dma_start3A_422 : memref<10000x128xbf16, #tpu.memory_space<vmem_shared>>) offsets(%dma_start3A_419 : memref<125xi32, #tpu.memory_space<vmem>>) semaphore(%arg23 : memref<!tpu.dma_semaphore, #tpu.memory_space<semaphore_mem>>) {add = true}
      %dma_wait3A_423 = arith.constant 0 : i32
      %dma_wait3A_424 = arith.constant 0 : i32
      %dma_wait3A_425 = tpu.memref_slice %arg6[%dma_wait3A_423, %dma_wait3A_424] : memref<80x125xi32, #tpu.memory_space<vmem>> -> memref<1x125xi32, #tpu.memory_space<vmem>>
      %dma_wait3A_426 = tpu.memref_squeeze %dma_wait3A_425 : memref<1x125xi32, #tpu.memory_space<vmem>> -> memref<125xi32, #tpu.memory_space<vmem>>
      %dma_wait3A_427 = arith.constant 0 : i32
      %dma_wait3A_428 = arith.constant 0 : i32
      %dma_wait3A_429 = tpu.memref_slice %arg5[%dma_wait3A_427, %dma_wait3A_428] : memref<10000x128xbf16, #tpu.memory_space<vmem_shared>> -> memref<10000x128xbf16, #tpu.memory_space<vmem_shared>>
      tpu.wait_indirect_dma semaphore(%arg21 : memref<!tpu.dma_semaphore, #tpu.memory_space<semaphore_mem>>) src(%arg13 : memref<125x128xbf16, #tpu.memory_space<vmem>>) dst(%dma_wait3A_429 : memref<10000x128xbf16, #tpu.memory_space<vmem_shared>>)
      %add3A_430 = arith.constant 6 : i32
      %add3A_431 = arith.addi %add3A_409, %add3A_430 : i32
      %dma_start3A_432 = arith.constant 0 : i32
      %dma_start3A_433 = tpu.memref_slice %arg7[%add3A_431, %dma_start3A_432] : memref<80x125xi32, #tpu.memory_space<vmem>> -> memref<1x125xi32, #tpu.memory_space<vmem>>
      %dma_start3A_434 = tpu.memref_squeeze %dma_start3A_433 : memref<1x125xi32, #tpu.memory_space<vmem>> -> memref<125xi32, #tpu.memory_space<vmem>>
      %dma_start3A_435 = arith.constant 0 : i32
      %dma_start3A_436 = arith.constant 0 : i32
      %dma_start3A_437 = tpu.memref_slice %arg2[%dma_start3A_435, %dma_start3A_436] : memref<10000x128xbf16, #tpu.memory_space<hbm>> -> memref<10000x128xbf16, #tpu.memory_space<hbm>>
      tpu.enqueue_indirect_dma source(%dma_start3A_437 : memref<10000x128xbf16, #tpu.memory_space<hbm>>) target(%arg13 : memref<125x128xbf16, #tpu.memory_space<vmem>>) offsets(%dma_start3A_434 : memref<125xi32, #tpu.memory_space<vmem>>) semaphore(%arg29 : memref<!tpu.dma_semaphore, #tpu.memory_space<semaphore_mem>>)
      %add3A_438 = arith.constant 6 : i32
      %add3A_439 = arith.addi %add3A_257, %add3A_438 : i32
      %dma_wait3A_440 = arith.constant 0 : i32
      %dma_wait3A_441 = arith.constant 0 : i32
      %dma_wait3A_442 = tpu.memref_slice %arg7[%dma_wait3A_440, %dma_wait3A_441] : memref<80x125xi32, #tpu.memory_space<vmem>> -> memref<1x125xi32, #tpu.memory_space<vmem>>
      %dma_wait3A_443 = tpu.memref_squeeze %dma_wait3A_442 : memref<1x125xi32, #tpu.memory_space<vmem>> -> memref<125xi32, #tpu.memory_space<vmem>>
      %dma_wait3A_444 = arith.constant 0 : i32
      %dma_wait3A_445 = arith.constant 0 : i32
      %dma_wait3A_446 = tpu.memref_slice %arg2[%dma_wait3A_444, %dma_wait3A_445] : memref<10000x128xbf16, #tpu.memory_space<hbm>> -> memref<10000x128xbf16, #tpu.memory_space<hbm>>
      tpu.wait_indirect_dma semaphore(%arg24 : memref<!tpu.dma_semaphore, #tpu.memory_space<semaphore_mem>>) src(%dma_wait3A_446 : memref<10000x128xbf16, #tpu.memory_space<hbm>>) dst(%arg8 : memref<125x128xbf16, #tpu.memory_space<vmem>>)
      %dma_start3A_447 = arith.constant 0 : i32
      %dma_start3A_448 = tpu.memref_slice %arg6[%add3A_439, %dma_start3A_447] : memref<80x125xi32, #tpu.memory_space<vmem>> -> memref<1x125xi32, #tpu.memory_space<vmem>>
      %dma_start3A_449 = tpu.memref_squeeze %dma_start3A_448 : memref<1x125xi32, #tpu.memory_space<vmem>> -> memref<125xi32, #tpu.memory_space<vmem>>
      %dma_start3A_450 = arith.constant 0 : i32
      %dma_start3A_451 = arith.constant 0 : i32
      %dma_start3A_452 = tpu.memref_slice %arg5[%dma_start3A_450, %dma_start3A_451] : memref<10000x128xbf16, #tpu.memory_space<vmem_shared>> -> memref<10000x128xbf16, #tpu.memory_space<vmem_shared>>
      tpu.enqueue_indirect_dma source(%arg8 : memref<125x128xbf16, #tpu.memory_space<vmem>>) target(%dma_start3A_452 : memref<10000x128xbf16, #tpu.memory_space<vmem_shared>>) offsets(%dma_start3A_449 : memref<125xi32, #tpu.memory_space<vmem>>) semaphore(%arg16 : memref<!tpu.dma_semaphore, #tpu.memory_space<semaphore_mem>>) {add = true}
      %dma_wait3A_453 = arith.constant 0 : i32
      %dma_wait3A_454 = arith.constant 0 : i32
      %dma_wait3A_455 = tpu.memref_slice %arg6[%dma_wait3A_453, %dma_wait3A_454] : memref<80x125xi32, #tpu.memory_space<vmem>> -> memref<1x125xi32, #tpu.memory_space<vmem>>
      %dma_wait3A_456 = tpu.memref_squeeze %dma_wait3A_455 : memref<1x125xi32, #tpu.memory_space<vmem>> -> memref<125xi32, #tpu.memory_space<vmem>>
      %dma_wait3A_457 = arith.constant 0 : i32
      %dma_wait3A_458 = arith.constant 0 : i32
      %dma_wait3A_459 = tpu.memref_slice %arg5[%dma_wait3A_457, %dma_wait3A_458] : memref<10000x128xbf16, #tpu.memory_space<vmem_shared>> -> memref<10000x128xbf16, #tpu.memory_space<vmem_shared>>
      tpu.wait_indirect_dma semaphore(%arg22 : memref<!tpu.dma_semaphore, #tpu.memory_space<semaphore_mem>>) src(%arg14 : memref<125x128xbf16, #tpu.memory_space<vmem>>) dst(%dma_wait3A_459 : memref<10000x128xbf16, #tpu.memory_space<vmem_shared>>)
      %add3A_460 = arith.constant 6 : i32
      %add3A_461 = arith.addi %add3A_439, %add3A_460 : i32
      %dma_start3A_462 = arith.constant 0 : i32
      %dma_start3A_463 = tpu.memref_slice %arg7[%add3A_461, %dma_start3A_462] : memref<80x125xi32, #tpu.memory_space<vmem>> -> memref<1x125xi32, #tpu.memory_space<vmem>>
      %dma_start3A_464 = tpu.memref_squeeze %dma_start3A_463 : memref<1x125xi32, #tpu.memory_space<vmem>> -> memref<125xi32, #tpu.memory_space<vmem>>
      %dma_start3A_465 = arith.constant 0 : i32
      %dma_start3A_466 = arith.constant 0 : i32
      %dma_start3A_467 = tpu.memref_slice %arg2[%dma_start3A_465, %dma_start3A_466] : memref<10000x128xbf16, #tpu.memory_space<hbm>> -> memref<10000x128xbf16, #tpu.memory_space<hbm>>
      tpu.enqueue_indirect_dma source(%dma_start3A_467 : memref<10000x128xbf16, #tpu.memory_space<hbm>>) target(%arg14 : memref<125x128xbf16, #tpu.memory_space<vmem>>) offsets(%dma_start3A_464 : memref<125xi32, #tpu.memory_space<vmem>>) semaphore(%arg30 : memref<!tpu.dma_semaphore, #tpu.memory_space<semaphore_mem>>)
      %add3A_468 = arith.constant 7 : i32
      %add3A_469 = arith.addi %add3A_257, %add3A_468 : i32
      %dma_wait3A_470 = arith.constant 0 : i32
      %dma_wait3A_471 = arith.constant 0 : i32
      %dma_wait3A_472 = tpu.memref_slice %arg7[%dma_wait3A_470, %dma_wait3A_471] : memref<80x125xi32, #tpu.memory_space<vmem>> -> memref<1x125xi32, #tpu.memory_space<vmem>>
      %dma_wait3A_473 = tpu.memref_squeeze %dma_wait3A_472 : memref<1x125xi32, #tpu.memory_space<vmem>> -> memref<125xi32, #tpu.memory_space<vmem>>
      %dma_wait3A_474 = arith.constant 0 : i32
      %dma_wait3A_475 = arith.constant 0 : i32
      %dma_wait3A_476 = tpu.memref_slice %arg2[%dma_wait3A_474, %dma_wait3A_475] : memref<10000x128xbf16, #tpu.memory_space<hbm>> -> memref<10000x128xbf16, #tpu.memory_space<hbm>>
      tpu.wait_indirect_dma semaphore(%arg25 : memref<!tpu.dma_semaphore, #tpu.memory_space<semaphore_mem>>) src(%dma_wait3A_476 : memref<10000x128xbf16, #tpu.memory_space<hbm>>) dst(%arg9 : memref<125x128xbf16, #tpu.memory_space<vmem>>)
      %dma_start3A_477 = arith.constant 0 : i32
      %dma_start3A_478 = tpu.memref_slice %arg6[%add3A_469, %dma_start3A_477] : memref<80x125xi32, #tpu.memory_space<vmem>> -> memref<1x125xi32, #tpu.memory_space<vmem>>
      %dma_start3A_479 = tpu.memref_squeeze %dma_start3A_478 : memref<1x125xi32, #tpu.memory_space<vmem>> -> memref<125xi32, #tpu.memory_space<vmem>>
      %dma_start3A_480 = arith.constant 0 : i32
      %dma_start3A_481 = arith.constant 0 : i32
      %dma_start3A_482 = tpu.memref_slice %arg5[%dma_start3A_480, %dma_start3A_481] : memref<10000x128xbf16, #tpu.memory_space<vmem_shared>> -> memref<10000x128xbf16, #tpu.memory_space<vmem_shared>>
      tpu.enqueue_indirect_dma source(%arg9 : memref<125x128xbf16, #tpu.memory_space<vmem>>) target(%dma_start3A_482 : memref<10000x128xbf16, #tpu.memory_space<vmem_shared>>) offsets(%dma_start3A_479 : memref<125xi32, #tpu.memory_space<vmem>>) semaphore(%arg17 : memref<!tpu.dma_semaphore, #tpu.memory_space<semaphore_mem>>) {add = true}
      %dma_wait3A_483 = arith.constant 0 : i32
      %dma_wait3A_484 = arith.constant 0 : i32
      %dma_wait3A_485 = tpu.memref_slice %arg6[%dma_wait3A_483, %dma_wait3A_484] : memref<80x125xi32, #tpu.memory_space<vmem>> -> memref<1x125xi32, #tpu.memory_space<vmem>>
      %dma_wait3A_486 = tpu.memref_squeeze %dma_wait3A_485 : memref<1x125xi32, #tpu.memory_space<vmem>> -> memref<125xi32, #tpu.memory_space<vmem>>
      %dma_wait3A_487 = arith.constant 0 : i32
      %dma_wait3A_488 = arith.constant 0 : i32
      %dma_wait3A_489 = tpu.memref_slice %arg5[%dma_wait3A_487, %dma_wait3A_488] : memref<10000x128xbf16, #tpu.memory_space<vmem_shared>> -> memref<10000x128xbf16, #tpu.memory_space<vmem_shared>>
      tpu.wait_indirect_dma semaphore(%arg23 : memref<!tpu.dma_semaphore, #tpu.memory_space<semaphore_mem>>) src(%arg15 : memref<125x128xbf16, #tpu.memory_space<vmem>>) dst(%dma_wait3A_489 : memref<10000x128xbf16, #tpu.memory_space<vmem_shared>>)
      %add3A_490 = arith.constant 6 : i32
      %add3A_491 = arith.addi %add3A_469, %add3A_490 : i32
      %dma_start3A_492 = arith.constant 0 : i32
      %dma_start3A_493 = tpu.memref_slice %arg7[%add3A_491, %dma_start3A_492] : memref<80x125xi32, #tpu.memory_space<vmem>> -> memref<1x125xi32, #tpu.memory_space<vmem>>
      %dma_start3A_494 = tpu.memref_squeeze %dma_start3A_493 : memref<1x125xi32, #tpu.memory_space<vmem>> -> memref<125xi32, #tpu.memory_space<vmem>>
      %dma_start3A_495 = arith.constant 0 : i32
      %dma_start3A_496 = arith.constant 0 : i32
      %dma_start3A_497 = tpu.memref_slice %arg2[%dma_start3A_495, %dma_start3A_496] : memref<10000x128xbf16, #tpu.memory_space<hbm>> -> memref<10000x128xbf16, #tpu.memory_space<hbm>>
      tpu.enqueue_indirect_dma source(%dma_start3A_497 : memref<10000x128xbf16, #tpu.memory_space<hbm>>) target(%arg15 : memref<125x128xbf16, #tpu.memory_space<vmem>>) offsets(%dma_start3A_494 : memref<125xi32, #tpu.memory_space<vmem>>) semaphore(%arg31 : memref<!tpu.dma_semaphore, #tpu.memory_space<semaphore_mem>>)
    }
    %scan3A_111 = arith.constant 9 : i32
    %dma_wait3A_112 = arith.constant 0 : i32
    %dma_wait3A_113 = arith.constant 0 : i32
    %dma_wait3A_114 = tpu.memref_slice %arg7[%dma_wait3A_112, %dma_wait3A_113] : memref<80x125xi32, #tpu.memory_space<vmem>> -> memref<1x125xi32, #tpu.memory_space<vmem>>
    %dma_wait3A_115 = tpu.memref_squeeze %dma_wait3A_114 : memref<1x125xi32, #tpu.memory_space<vmem>> -> memref<125xi32, #tpu.memory_space<vmem>>
    %dma_wait3A_116 = arith.constant 0 : i32
    %dma_wait3A_117 = arith.constant 0 : i32
    %dma_wait3A_118 = tpu.memref_slice %arg2[%dma_wait3A_116, %dma_wait3A_117] : memref<10000x128xbf16, #tpu.memory_space<hbm>> -> memref<10000x128xbf16, #tpu.memory_space<hbm>>
    tpu.wait_indirect_dma semaphore(%arg26 : memref<!tpu.dma_semaphore, #tpu.memory_space<semaphore_mem>>) src(%dma_wait3A_118 : memref<10000x128xbf16, #tpu.memory_space<hbm>>) dst(%arg10 : memref<125x128xbf16, #tpu.memory_space<vmem>>)
    %dma_start3A_119 = arith.constant 74 : i32
    %dma_start3A_120 = arith.constant 0 : i32
    %dma_start3A_121 = tpu.memref_slice %arg6[%dma_start3A_119, %dma_start3A_120] : memref<80x125xi32, #tpu.memory_space<vmem>> -> memref<1x125xi32, #tpu.memory_space<vmem>>
    %dma_start3A_122 = tpu.memref_squeeze %dma_start3A_121 : memref<1x125xi32, #tpu.memory_space<vmem>> -> memref<125xi32, #tpu.memory_space<vmem>>
    %dma_start3A_123 = arith.constant 0 : i32
    %dma_start3A_124 = arith.constant 0 : i32
    %dma_start3A_125 = tpu.memref_slice %arg5[%dma_start3A_123, %dma_start3A_124] : memref<10000x128xbf16, #tpu.memory_space<vmem_shared>> -> memref<10000x128xbf16, #tpu.memory_space<vmem_shared>>
    tpu.enqueue_indirect_dma source(%arg10 : memref<125x128xbf16, #tpu.memory_space<vmem>>) target(%dma_start3A_125 : memref<10000x128xbf16, #tpu.memory_space<vmem_shared>>) offsets(%dma_start3A_122 : memref<125xi32, #tpu.memory_space<vmem>>) semaphore(%arg18 : memref<!tpu.dma_semaphore, #tpu.memory_space<semaphore_mem>>) {add = true}
    %dma_wait3A_126 = arith.constant 0 : i32
    %dma_wait3A_127 = arith.constant 0 : i32
    %dma_wait3A_128 = tpu.memref_slice %arg7[%dma_wait3A_126, %dma_wait3A_127] : memref<80x125xi32, #tpu.memory_space<vmem>> -> memref<1x125xi32, #tpu.memory_space<vmem>>
    %dma_wait3A_129 = tpu.memref_squeeze %dma_wait3A_128 : memref<1x125xi32, #tpu.memory_space<vmem>> -> memref<125xi32, #tpu.memory_space<vmem>>
    %dma_wait3A_130 = arith.constant 0 : i32
    %dma_wait3A_131 = arith.constant 0 : i32
    %dma_wait3A_132 = tpu.memref_slice %arg2[%dma_wait3A_130, %dma_wait3A_131] : memref<10000x128xbf16, #tpu.memory_space<hbm>> -> memref<10000x128xbf16, #tpu.memory_space<hbm>>
    tpu.wait_indirect_dma semaphore(%arg27 : memref<!tpu.dma_semaphore, #tpu.memory_space<semaphore_mem>>) src(%dma_wait3A_132 : memref<10000x128xbf16, #tpu.memory_space<hbm>>) dst(%arg11 : memref<125x128xbf16, #tpu.memory_space<vmem>>)
    %dma_start3A_133 = arith.constant 75 : i32
    %dma_start3A_134 = arith.constant 0 : i32
    %dma_start3A_135 = tpu.memref_slice %arg6[%dma_start3A_133, %dma_start3A_134] : memref<80x125xi32, #tpu.memory_space<vmem>> -> memref<1x125xi32, #tpu.memory_space<vmem>>
    %dma_start3A_136 = tpu.memref_squeeze %dma_start3A_135 : memref<1x125xi32, #tpu.memory_space<vmem>> -> memref<125xi32, #tpu.memory_space<vmem>>
    %dma_start3A_137 = arith.constant 0 : i32
    %dma_start3A_138 = arith.constant 0 : i32
    %dma_start3A_139 = tpu.memref_slice %arg5[%dma_start3A_137, %dma_start3A_138] : memref<10000x128xbf16, #tpu.memory_space<vmem_shared>> -> memref<10000x128xbf16, #tpu.memory_space<vmem_shared>>
    tpu.enqueue_indirect_dma source(%arg11 : memref<125x128xbf16, #tpu.memory_space<vmem>>) target(%dma_start3A_139 : memref<10000x128xbf16, #tpu.memory_space<vmem_shared>>) offsets(%dma_start3A_136 : memref<125xi32, #tpu.memory_space<vmem>>) semaphore(%arg19 : memref<!tpu.dma_semaphore, #tpu.memory_space<semaphore_mem>>) {add = true}
    %dma_wait3A_140 = arith.constant 0 : i32
    %dma_wait3A_141 = arith.constant 0 : i32
    %dma_wait3A_142 = tpu.memref_slice %arg7[%dma_wait3A_140, %dma_wait3A_141] : memref<80x125xi32, #tpu.memory_space<vmem>> -> memref<1x125xi32, #tpu.memory_space<vmem>>
    %dma_wait3A_143 = tpu.memref_squeeze %dma_wait3A_142 : memref<1x125xi32, #tpu.memory_space<vmem>> -> memref<125xi32, #tpu.memory_space<vmem>>
    %dma_wait3A_144 = arith.constant 0 : i32
    %dma_wait3A_145 = arith.constant 0 : i32
    %dma_wait3A_146 = tpu.memref_slice %arg2[%dma_wait3A_144, %dma_wait3A_145] : memref<10000x128xbf16, #tpu.memory_space<hbm>> -> memref<10000x128xbf16, #tpu.memory_space<hbm>>
    tpu.wait_indirect_dma semaphore(%arg28 : memref<!tpu.dma_semaphore, #tpu.memory_space<semaphore_mem>>) src(%dma_wait3A_146 : memref<10000x128xbf16, #tpu.memory_space<hbm>>) dst(%arg12 : memref<125x128xbf16, #tpu.memory_space<vmem>>)
    %dma_start3A_147 = arith.constant 76 : i32
    %dma_start3A_148 = arith.constant 0 : i32
    %dma_start3A_149 = tpu.memref_slice %arg6[%dma_start3A_147, %dma_start3A_148] : memref<80x125xi32, #tpu.memory_space<vmem>> -> memref<1x125xi32, #tpu.memory_space<vmem>>
    %dma_start3A_150 = tpu.memref_squeeze %dma_start3A_149 : memref<1x125xi32, #tpu.memory_space<vmem>> -> memref<125xi32, #tpu.memory_space<vmem>>
    %dma_start3A_151 = arith.constant 0 : i32
    %dma_start3A_152 = arith.constant 0 : i32
    %dma_start3A_153 = tpu.memref_slice %arg5[%dma_start3A_151, %dma_start3A_152] : memref<10000x128xbf16, #tpu.memory_space<vmem_shared>> -> memref<10000x128xbf16, #tpu.memory_space<vmem_shared>>
    tpu.enqueue_indirect_dma source(%arg12 : memref<125x128xbf16, #tpu.memory_space<vmem>>) target(%dma_start3A_153 : memref<10000x128xbf16, #tpu.memory_space<vmem_shared>>) offsets(%dma_start3A_150 : memref<125xi32, #tpu.memory_space<vmem>>) semaphore(%arg20 : memref<!tpu.dma_semaphore, #tpu.memory_space<semaphore_mem>>) {add = true}
    %dma_wait3A_154 = arith.constant 0 : i32
    %dma_wait3A_155 = arith.constant 0 : i32
    %dma_wait3A_156 = tpu.memref_slice %arg7[%dma_wait3A_154, %dma_wait3A_155] : memref<80x125xi32, #tpu.memory_space<vmem>> -> memref<1x125xi32, #tpu.memory_space<vmem>>
    %dma_wait3A_157 = tpu.memref_squeeze %dma_wait3A_156 : memref<1x125xi32, #tpu.memory_space<vmem>> -> memref<125xi32, #tpu.memory_space<vmem>>
    %dma_wait3A_158 = arith.constant 0 : i32
    %dma_wait3A_159 = arith.constant 0 : i32
    %dma_wait3A_160 = tpu.memref_slice %arg2[%dma_wait3A_158, %dma_wait3A_159] : memref<10000x128xbf16, #tpu.memory_space<hbm>> -> memref<10000x128xbf16, #tpu.memory_space<hbm>>
    tpu.wait_indirect_dma semaphore(%arg29 : memref<!tpu.dma_semaphore, #tpu.memory_space<semaphore_mem>>) src(%dma_wait3A_160 : memref<10000x128xbf16, #tpu.memory_space<hbm>>) dst(%arg13 : memref<125x128xbf16, #tpu.memory_space<vmem>>)
    %dma_start3A_161 = arith.constant 77 : i32
    %dma_start3A_162 = arith.constant 0 : i32
    %dma_start3A_163 = tpu.memref_slice %arg6[%dma_start3A_161, %dma_start3A_162] : memref<80x125xi32, #tpu.memory_space<vmem>> -> memref<1x125xi32, #tpu.memory_space<vmem>>
    %dma_start3A_164 = tpu.memref_squeeze %dma_start3A_163 : memref<1x125xi32, #tpu.memory_space<vmem>> -> memref<125xi32, #tpu.memory_space<vmem>>
    %dma_start3A_165 = arith.constant 0 : i32
    %dma_start3A_166 = arith.constant 0 : i32
    %dma_start3A_167 = tpu.memref_slice %arg5[%dma_start3A_165, %dma_start3A_166] : memref<10000x128xbf16, #tpu.memory_space<vmem_shared>> -> memref<10000x128xbf16, #tpu.memory_space<vmem_shared>>
    tpu.enqueue_indirect_dma source(%arg13 : memref<125x128xbf16, #tpu.memory_space<vmem>>) target(%dma_start3A_167 : memref<10000x128xbf16, #tpu.memory_space<vmem_shared>>) offsets(%dma_start3A_164 : memref<125xi32, #tpu.memory_space<vmem>>) semaphore(%arg21 : memref<!tpu.dma_semaphore, #tpu.memory_space<semaphore_mem>>) {add = true}
    %dma_wait3A_168 = arith.constant 0 : i32
    %dma_wait3A_169 = arith.constant 0 : i32
    %dma_wait3A_170 = tpu.memref_slice %arg7[%dma_wait3A_168, %dma_wait3A_169] : memref<80x125xi32, #tpu.memory_space<vmem>> -> memref<1x125xi32, #tpu.memory_space<vmem>>
    %dma_wait3A_171 = tpu.memref_squeeze %dma_wait3A_170 : memref<1x125xi32, #tpu.memory_space<vmem>> -> memref<125xi32, #tpu.memory_space<vmem>>
    %dma_wait3A_172 = arith.constant 0 : i32
    %dma_wait3A_173 = arith.constant 0 : i32
    %dma_wait3A_174 = tpu.memref_slice %arg2[%dma_wait3A_172, %dma_wait3A_173] : memref<10000x128xbf16, #tpu.memory_space<hbm>> -> memref<10000x128xbf16, #tpu.memory_space<hbm>>
    tpu.wait_indirect_dma semaphore(%arg30 : memref<!tpu.dma_semaphore, #tpu.memory_space<semaphore_mem>>) src(%dma_wait3A_174 : memref<10000x128xbf16, #tpu.memory_space<hbm>>) dst(%arg14 : memref<125x128xbf16, #tpu.memory_space<vmem>>)
    %dma_start3A_175 = arith.constant 78 : i32
    %dma_start3A_176 = arith.constant 0 : i32
    %dma_start3A_177 = tpu.memref_slice %arg6[%dma_start3A_175, %dma_start3A_176] : memref<80x125xi32, #tpu.memory_space<vmem>> -> memref<1x125xi32, #tpu.memory_space<vmem>>
    %dma_start3A_178 = tpu.memref_squeeze %dma_start3A_177 : memref<1x125xi32, #tpu.memory_space<vmem>> -> memref<125xi32, #tpu.memory_space<vmem>>
    %dma_start3A_179 = arith.constant 0 : i32
    %dma_start3A_180 = arith.constant 0 : i32
    %dma_start3A_181 = tpu.memref_slice %arg5[%dma_start3A_179, %dma_start3A_180] : memref<10000x128xbf16, #tpu.memory_space<vmem_shared>> -> memref<10000x128xbf16, #tpu.memory_space<vmem_shared>>
    tpu.enqueue_indirect_dma source(%arg14 : memref<125x128xbf16, #tpu.memory_space<vmem>>) target(%dma_start3A_181 : memref<10000x128xbf16, #tpu.memory_space<vmem_shared>>) offsets(%dma_start3A_178 : memref<125xi32, #tpu.memory_space<vmem>>) semaphore(%arg22 : memref<!tpu.dma_semaphore, #tpu.memory_space<semaphore_mem>>) {add = true}
    %dma_wait3A_182 = arith.constant 0 : i32
    %dma_wait3A_183 = arith.constant 0 : i32
    %dma_wait3A_184 = tpu.memref_slice %arg7[%dma_wait3A_182, %dma_wait3A_183] : memref<80x125xi32, #tpu.memory_space<vmem>> -> memref<1x125xi32, #tpu.memory_space<vmem>>
    %dma_wait3A_185 = tpu.memref_squeeze %dma_wait3A_184 : memref<1x125xi32, #tpu.memory_space<vmem>> -> memref<125xi32, #tpu.memory_space<vmem>>
    %dma_wait3A_186 = arith.constant 0 : i32
    %dma_wait3A_187 = arith.constant 0 : i32
    %dma_wait3A_188 = tpu.memref_slice %arg2[%dma_wait3A_186, %dma_wait3A_187] : memref<10000x128xbf16, #tpu.memory_space<hbm>> -> memref<10000x128xbf16, #tpu.memory_space<hbm>>
    tpu.wait_indirect_dma semaphore(%arg31 : memref<!tpu.dma_semaphore, #tpu.memory_space<semaphore_mem>>) src(%dma_wait3A_188 : memref<10000x128xbf16, #tpu.memory_space<hbm>>) dst(%arg15 : memref<125x128xbf16, #tpu.memory_space<vmem>>)
    %dma_start3A_189 = arith.constant 79 : i32
    %dma_start3A_190 = arith.constant 0 : i32
    %dma_start3A_191 = tpu.memref_slice %arg6[%dma_start3A_189, %dma_start3A_190] : memref<80x125xi32, #tpu.memory_space<vmem>> -> memref<1x125xi32, #tpu.memory_space<vmem>>
    %dma_start3A_192 = tpu.memref_squeeze %dma_start3A_191 : memref<1x125xi32, #tpu.memory_space<vmem>> -> memref<125xi32, #tpu.memory_space<vmem>>
    %dma_start3A_193 = arith.constant 0 : i32
    %dma_start3A_194 = arith.constant 0 : i32
    %dma_start3A_195 = tpu.memref_slice %arg5[%dma_start3A_193, %dma_start3A_194] : memref<10000x128xbf16, #tpu.memory_space<vmem_shared>> -> memref<10000x128xbf16, #tpu.memory_space<vmem_shared>>
    tpu.enqueue_indirect_dma source(%arg15 : memref<125x128xbf16, #tpu.memory_space<vmem>>) target(%dma_start3A_195 : memref<10000x128xbf16, #tpu.memory_space<vmem_shared>>) offsets(%dma_start3A_192 : memref<125xi32, #tpu.memory_space<vmem>>) semaphore(%arg23 : memref<!tpu.dma_semaphore, #tpu.memory_space<semaphore_mem>>) {add = true}
    %dma_wait3A_196 = arith.constant 0 : i32
    %dma_wait3A_197 = arith.constant 0 : i32
    %dma_wait3A_198 = tpu.memref_slice %arg6[%dma_wait3A_196, %dma_wait3A_197] : memref<80x125xi32, #tpu.memory_space<vmem>> -> memref<1x125xi32, #tpu.memory_space<vmem>>
    %dma_wait3A_199 = tpu.memref_squeeze %dma_wait3A_198 : memref<1x125xi32, #tpu.memory_space<vmem>> -> memref<125xi32, #tpu.memory_space<vmem>>
    %dma_wait3A_200 = arith.constant 0 : i32
    %dma_wait3A_201 = arith.constant 0 : i32
    %dma_wait3A_202 = tpu.memref_slice %arg5[%dma_wait3A_200, %dma_wait3A_201] : memref<10000x128xbf16, #tpu.memory_space<vmem_shared>> -> memref<10000x128xbf16, #tpu.memory_space<vmem_shared>>
    tpu.wait_indirect_dma semaphore(%arg16 : memref<!tpu.dma_semaphore, #tpu.memory_space<semaphore_mem>>) src(%arg8 : memref<125x128xbf16, #tpu.memory_space<vmem>>) dst(%dma_wait3A_202 : memref<10000x128xbf16, #tpu.memory_space<vmem_shared>>)
    %dma_wait3A_203 = arith.constant 0 : i32
    %dma_wait3A_204 = arith.constant 0 : i32
    %dma_wait3A_205 = tpu.memref_slice %arg6[%dma_wait3A_203, %dma_wait3A_204] : memref<80x125xi32, #tpu.memory_space<vmem>> -> memref<1x125xi32, #tpu.memory_space<vmem>>
    %dma_wait3A_206 = tpu.memref_squeeze %dma_wait3A_205 : memref<1x125xi32, #tpu.memory_space<vmem>> -> memref<125xi32, #tpu.memory_space<vmem>>
    %dma_wait3A_207 = arith.constant 0 : i32
    %dma_wait3A_208 = arith.constant 0 : i32
    %dma_wait3A_209 = tpu.memref_slice %arg5[%dma_wait3A_207, %dma_wait3A_208] : memref<10000x128xbf16, #tpu.memory_space<vmem_shared>> -> memref<10000x128xbf16, #tpu.memory_space<vmem_shared>>
    tpu.wait_indirect_dma semaphore(%arg17 : memref<!tpu.dma_semaphore, #tpu.memory_space<semaphore_mem>>) src(%arg9 : memref<125x128xbf16, #tpu.memory_space<vmem>>) dst(%dma_wait3A_209 : memref<10000x128xbf16, #tpu.memory_space<vmem_shared>>)
    %dma_wait3A_210 = arith.constant 0 : i32
    %dma_wait3A_211 = arith.constant 0 : i32
    %dma_wait3A_212 = tpu.memref_slice %arg6[%dma_wait3A_210, %dma_wait3A_211] : memref<80x125xi32, #tpu.memory_space<vmem>> -> memref<1x125xi32, #tpu.memory_space<vmem>>
    %dma_wait3A_213 = tpu.memref_squeeze %dma_wait3A_212 : memref<1x125xi32, #tpu.memory_space<vmem>> -> memref<125xi32, #tpu.memory_space<vmem>>
    %dma_wait3A_214 = arith.constant 0 : i32
    %dma_wait3A_215 = arith.constant 0 : i32
    %dma_wait3A_216 = tpu.memref_slice %arg5[%dma_wait3A_214, %dma_wait3A_215] : memref<10000x128xbf16, #tpu.memory_space<vmem_shared>> -> memref<10000x128xbf16, #tpu.memory_space<vmem_shared>>
    tpu.wait_indirect_dma semaphore(%arg18 : memref<!tpu.dma_semaphore, #tpu.memory_space<semaphore_mem>>) src(%arg10 : memref<125x128xbf16, #tpu.memory_space<vmem>>) dst(%dma_wait3A_216 : memref<10000x128xbf16, #tpu.memory_space<vmem_shared>>)
    %dma_wait3A_217 = arith.constant 0 : i32
    %dma_wait3A_218 = arith.constant 0 : i32
    %dma_wait3A_219 = tpu.memref_slice %arg6[%dma_wait3A_217, %dma_wait3A_218] : memref<80x125xi32, #tpu.memory_space<vmem>> -> memref<1x125xi32, #tpu.memory_space<vmem>>
    %dma_wait3A_220 = tpu.memref_squeeze %dma_wait3A_219 : memref<1x125xi32, #tpu.memory_space<vmem>> -> memref<125xi32, #tpu.memory_space<vmem>>
    %dma_wait3A_221 = arith.constant 0 : i32
    %dma_wait3A_222 = arith.constant 0 : i32
    %dma_wait3A_223 = tpu.memref_slice %arg5[%dma_wait3A_221, %dma_wait3A_222] : memref<10000x128xbf16, #tpu.memory_space<vmem_shared>> -> memref<10000x128xbf16, #tpu.memory_space<vmem_shared>>
    tpu.wait_indirect_dma semaphore(%arg19 : memref<!tpu.dma_semaphore, #tpu.memory_space<semaphore_mem>>) src(%arg11 : memref<125x128xbf16, #tpu.memory_space<vmem>>) dst(%dma_wait3A_223 : memref<10000x128xbf16, #tpu.memory_space<vmem_shared>>)
    %dma_wait3A_224 = arith.constant 0 : i32
    %dma_wait3A_225 = arith.constant 0 : i32
    %dma_wait3A_226 = tpu.memref_slice %arg6[%dma_wait3A_224, %dma_wait3A_225] : memref<80x125xi32, #tpu.memory_space<vmem>> -> memref<1x125xi32, #tpu.memory_space<vmem>>
    %dma_wait3A_227 = tpu.memref_squeeze %dma_wait3A_226 : memref<1x125xi32, #tpu.memory_space<vmem>> -> memref<125xi32, #tpu.memory_space<vmem>>
    %dma_wait3A_228 = arith.constant 0 : i32
    %dma_wait3A_229 = arith.constant 0 : i32
    %dma_wait3A_230 = tpu.memref_slice %arg5[%dma_wait3A_228, %dma_wait3A_229] : memref<10000x128xbf16, #tpu.memory_space<vmem_shared>> -> memref<10000x128xbf16, #tpu.memory_space<vmem_shared>>
    tpu.wait_indirect_dma semaphore(%arg20 : memref<!tpu.dma_semaphore, #tpu.memory_space<semaphore_mem>>) src(%arg12 : memref<125x128xbf16, #tpu.memory_space<vmem>>) dst(%dma_wait3A_230 : memref<10000x128xbf16, #tpu.memory_space<vmem_shared>>)
    %dma_wait3A_231 = arith.constant 0 : i32
    %dma_wait3A_232 = arith.constant 0 : i32
    %dma_wait3A_233 = tpu.memref_slice %arg6[%dma_wait3A_231, %dma_wait3A_232] : memref<80x125xi32, #tpu.memory_space<vmem>> -> memref<1x125xi32, #tpu.memory_space<vmem>>
    %dma_wait3A_234 = tpu.memref_squeeze %dma_wait3A_233 : memref<1x125xi32, #tpu.memory_space<vmem>> -> memref<125xi32, #tpu.memory_space<vmem>>
    %dma_wait3A_235 = arith.constant 0 : i32
    %dma_wait3A_236 = arith.constant 0 : i32
    %dma_wait3A_237 = tpu.memref_slice %arg5[%dma_wait3A_235, %dma_wait3A_236] : memref<10000x128xbf16, #tpu.memory_space<vmem_shared>> -> memref<10000x128xbf16, #tpu.memory_space<vmem_shared>>
    tpu.wait_indirect_dma semaphore(%arg21 : memref<!tpu.dma_semaphore, #tpu.memory_space<semaphore_mem>>) src(%arg13 : memref<125x128xbf16, #tpu.memory_space<vmem>>) dst(%dma_wait3A_237 : memref<10000x128xbf16, #tpu.memory_space<vmem_shared>>)
    %dma_wait3A_238 = arith.constant 0 : i32
    %dma_wait3A_239 = arith.constant 0 : i32
    %dma_wait3A_240 = tpu.memref_slice %arg6[%dma_wait3A_238, %dma_wait3A_239] : memref<80x125xi32, #tpu.memory_space<vmem>> -> memref<1x125xi32, #tpu.memory_space<vmem>>
    %dma_wait3A_241 = tpu.memref_squeeze %dma_wait3A_240 : memref<1x125xi32, #tpu.memory_space<vmem>> -> memref<125xi32, #tpu.memory_space<vmem>>
    %dma_wait3A_242 = arith.constant 0 : i32
    %dma_wait3A_243 = arith.constant 0 : i32
    %dma_wait3A_244 = tpu.memref_slice %arg5[%dma_wait3A_242, %dma_wait3A_243] : memref<10000x128xbf16, #tpu.memory_space<vmem_shared>> -> memref<10000x128xbf16, #tpu.memory_space<vmem_shared>>
    tpu.wait_indirect_dma semaphore(%arg22 : memref<!tpu.dma_semaphore, #tpu.memory_space<semaphore_mem>>) src(%arg14 : memref<125x128xbf16, #tpu.memory_space<vmem>>) dst(%dma_wait3A_244 : memref<10000x128xbf16, #tpu.memory_space<vmem_shared>>)
    %dma_wait3A_245 = arith.constant 0 : i32
    %dma_wait3A_246 = arith.constant 0 : i32
    %dma_wait3A_247 = tpu.memref_slice %arg6[%dma_wait3A_245, %dma_wait3A_246] : memref<80x125xi32, #tpu.memory_space<vmem>> -> memref<1x125xi32, #tpu.memory_space<vmem>>
    %dma_wait3A_248 = tpu.memref_squeeze %dma_wait3A_247 : memref<1x125xi32, #tpu.memory_space<vmem>> -> memref<125xi32, #tpu.memory_space<vmem>>
    %dma_wait3A_249 = arith.constant 0 : i32
    %dma_wait3A_250 = arith.constant 0 : i32
    %dma_wait3A_251 = tpu.memref_slice %arg5[%dma_wait3A_249, %dma_wait3A_250] : memref<10000x128xbf16, #tpu.memory_space<vmem_shared>> -> memref<10000x128xbf16, #tpu.memory_space<vmem_shared>>
    tpu.wait_indirect_dma semaphore(%arg23 : memref<!tpu.dma_semaphore, #tpu.memory_space<semaphore_mem>>) src(%arg15 : memref<125x128xbf16, #tpu.memory_space<vmem>>) dst(%dma_wait3A_251 : memref<10000x128xbf16, #tpu.memory_space<vmem_shared>>)
    %barrier3A_252 = arith.constant 0 : index
    tpu.barrier barrier_id(%barrier3A_252)
    "tpu.region"() ({
      %run_scoped3A_253 = tpu.sem_alloc : memref<!tpu.dma_semaphore, #tpu.memory_space<semaphore_mem>>
      %dma_start3A_254 = arith.constant 0 : i32
      %dma_start3A_255 = tpu.memref_slice %arg4[%arg0, %mul3A_8, %dma_start3A_254] : memref<2x10000x128xbf16, #tpu.memory_space<hbm>> -> memref<1x625x128xbf16, #tpu.memory_space<hbm>>
      %dma_start3A_256 = tpu.memref_squeeze %dma_start3A_255 : memref<1x625x128xbf16, #tpu.memory_space<hbm>> -> memref<625x128xbf16, #tpu.memory_space<hbm>>
      %dma_start3A_257 = arith.constant 0 : i32
      %dma_start3A_258 = tpu.memref_slice %arg5[%mul3A_8, %dma_start3A_257] : memref<10000x128xbf16, #tpu.memory_space<vmem_shared>> -> memref<625x128xbf16, #tpu.memory_space<vmem_shared>>
      tpu.enqueue_dma source(%dma_start3A_258 : memref<625x128xbf16, #tpu.memory_space<vmem_shared>>) target(%dma_start3A_256 : memref<625x128xbf16, #tpu.memory_space<hbm>>) target_semaphore(%run_scoped3A_253 : memref<!tpu.dma_semaphore, #tpu.memory_space<semaphore_mem>>)
      %dma_wait3A_259 = arith.constant 0 : i32
      %dma_wait3A_260 = tpu.memref_slice %arg4[%arg0, %mul3A_8, %dma_wait3A_259] : memref<2x10000x128xbf16, #tpu.memory_space<hbm>> -> memref<1x625x128xbf16, #tpu.memory_space<hbm>>
      %dma_wait3A_261 = tpu.memref_squeeze %dma_wait3A_260 : memref<1x625x128xbf16, #tpu.memory_space<hbm>> -> memref<625x128xbf16, #tpu.memory_space<hbm>>
      %dma_wait3A_262 = arith.constant 0 : i32
      %dma_wait3A_263 = tpu.memref_slice %arg5[%mul3A_8, %dma_wait3A_262] : memref<10000x128xbf16, #tpu.memory_space<vmem_shared>> -> memref<625x128xbf16, #tpu.memory_space<vmem_shared>>
      tpu.wait_dma2 semaphore(%run_scoped3A_253 : memref<!tpu.dma_semaphore, #tpu.memory_space<semaphore_mem>>) src(%dma_wait3A_263 : memref<625x128xbf16, #tpu.memory_space<vmem_shared>>) dst(%dma_wait3A_261 : memref<625x128xbf16, #tpu.memory_space<hbm>>)
      tpu.yield
    }) : () -> ()
    return
  }
}

#map = affine_map<(d0, d1) -> (0, 0, 0)>
module attributes {stable_mosaic.version = 14 : i64} {
  func.func @body(%arg0: i32, %arg1: i32, %arg2: memref<2x2560x125xi32, #tpu.memory_space<hbm>>, %arg3: memref<2x10000x16xf32, #tpu.memory_space<hbm>>, %arg4: memref<10000x16xf32, #tpu.memory_space<vmem_shared>>, %arg5: memref<80x125xi32, #tpu.memory_space<vmem>>, %arg6: memref<125x16xf32, #tpu.memory_space<vmem>>, %arg7: memref<!tpu.dma_semaphore, #tpu.memory_space<semaphore_mem>>, %arg8: memref<!tpu.dma_semaphore, #tpu.memory_space<semaphore_mem>>, %arg9: memref<!tpu.dma_semaphore, #tpu.memory_space<semaphore_mem>>, %arg10: memref<!tpu.dma_semaphore, #tpu.memory_space<semaphore_mem>>, %arg11: memref<!tpu.dma_semaphore, #tpu.memory_space<semaphore_mem>>, %arg12: memref<!tpu.dma_semaphore, #tpu.memory_space<semaphore_mem>>, %arg13: memref<!tpu.dma_semaphore, #tpu.memory_space<semaphore_mem>>, %arg14: memref<!tpu.dma_semaphore, #tpu.memory_space<semaphore_mem>>) attributes {dimension_semantics = [#tpu.dimension_semantics<core_parallel>, #tpu.dimension_semantics<subcore_parallel>], iteration_bounds = array<i64: 2, 16>, scalar_prefetch = 0 : i64, scratch_operands = 11 : i64, tpu.core_type = #tpu.core_type<sc_vector_subcore>, window_params = [{transform_indices = #map}, {transform_indices = #map}]} {
    %broadcast_in_dim3A = arith.constant 0.000000e+00 : f32
    %broadcast_in_dim3A_0 = vector.broadcast %broadcast_in_dim3A : f32 to vector<16xf32>
    %broadcast_in_dim3A_1 = arith.constant 1.000000e+00 : f32
    %broadcast_in_dim3A_2 = vector.broadcast %broadcast_in_dim3A_1 : f32 to vector<16xf32>
    %scan3A = arith.constant 0 : i32
    %scan3A_3 = arith.constant 0 : i32
    %scan3A_4 = arith.constant 125 : i32
    %scan3A_5 = arith.addi %scan3A_3, %scan3A_4 : i32
    %scan3A_6 = arith.constant 1 : i32
    scf.for %scan3A_62 = %scan3A_3 to %scan3A_5 step %scan3A_6  : i32 {
      %swap3A = arith.index_cast %scan3A_62 : i32 to index
      %swap3A_63 = arith.constant 0 : index
      %swap3A_64 = tpu.vector_load %arg6[%swap3A, %swap3A_63] {strides = array<i32>} : memref<125x16xf32, #tpu.memory_space<vmem>>, vector<1x16xf32>,
      %swap3A_65 = vector.shape_cast %swap3A_64 : vector<1x16xf32> to vector<16xf32>
      %swap3A_66 = vector.shape_cast %broadcast_in_dim3A_0 : vector<16xf32> to vector<1x16xf32>
      tpu.vector_store %arg6[%swap3A, %swap3A_63], %swap3A_66 {strides = array<i32>} : memref<125x16xf32, #tpu.memory_space<vmem>>, vector<1x16xf32>,
    }
    %scan3A_7 = arith.constant 125 : i32
    %mul3A = arith.constant 625 : i32
    %mul3A_8 = arith.muli %arg1, %mul3A : i32
    %add3A = arith.constant 0 : i32
    %add3A_9 = arith.addi %mul3A_8, %add3A : i32
    "tpu.region"() ({
      %run_scoped3A_62 = tpu.sem_alloc : memref<!tpu.dma_semaphore, #tpu.memory_space<semaphore_mem>>
      %dma_start3A_63 = arith.constant 0 : i32
      %dma_start3A_64 = tpu.memref_slice %arg4[%add3A_9, %dma_start3A_63] : memref<10000x16xf32, #tpu.memory_space<vmem_shared>> -> memref<125x16xf32, #tpu.memory_space<vmem_shared>>
      %dma_start3A_65 = arith.constant 0 : i32
      %dma_start3A_66 = tpu.memref_slice %arg4[%add3A_9, %dma_start3A_65] : memref<10000x16xf32, #tpu.memory_space<vmem_shared>> -> memref<125x16xf32, #tpu.memory_space<vmem_shared>>
      tpu.enqueue_dma source(%arg6 : memref<125x16xf32, #tpu.memory_space<vmem>>) target(%dma_start3A_66 : memref<125x16xf32, #tpu.memory_space<vmem_shared>>) target_semaphore(%run_scoped3A_62 : memref<!tpu.dma_semaphore, #tpu.memory_space<semaphore_mem>>)
      %dma_wait3A_67 = arith.constant 0 : i32
      %dma_wait3A_68 = tpu.memref_slice %arg4[%add3A_9, %dma_wait3A_67] : memref<10000x16xf32, #tpu.memory_space<vmem_shared>> -> memref<125x16xf32, #tpu.memory_space<vmem_shared>>
      %dma_wait3A_69 = arith.constant 0 : i32
      %dma_wait3A_70 = tpu.memref_slice %arg4[%add3A_9, %dma_wait3A_69] : memref<10000x16xf32, #tpu.memory_space<vmem_shared>> -> memref<125x16xf32, #tpu.memory_space<vmem_shared>>
      tpu.wait_dma2 semaphore(%run_scoped3A_62 : memref<!tpu.dma_semaphore, #tpu.memory_space<semaphore_mem>>) src(%arg6 : memref<125x16xf32, #tpu.memory_space<vmem>>) dst(%dma_wait3A_70 : memref<125x16xf32, #tpu.memory_space<vmem_shared>>)
      tpu.yield
    }) : () -> ()
    %add3A_10 = arith.constant 125 : i32
    %add3A_11 = arith.addi %mul3A_8, %add3A_10 : i32
    "tpu.region"() ({
      %run_scoped3A_62 = tpu.sem_alloc : memref<!tpu.dma_semaphore, #tpu.memory_space<semaphore_mem>>
      %dma_start3A_63 = arith.constant 0 : i32
      %dma_start3A_64 = tpu.memref_slice %arg4[%add3A_11, %dma_start3A_63] : memref<10000x16xf32, #tpu.memory_space<vmem_shared>> -> memref<125x16xf32, #tpu.memory_space<vmem_shared>>
      %dma_start3A_65 = arith.constant 0 : i32
      %dma_start3A_66 = tpu.memref_slice %arg4[%add3A_11, %dma_start3A_65] : memref<10000x16xf32, #tpu.memory_space<vmem_shared>> -> memref<125x16xf32, #tpu.memory_space<vmem_shared>>
      tpu.enqueue_dma source(%arg6 : memref<125x16xf32, #tpu.memory_space<vmem>>) target(%dma_start3A_66 : memref<125x16xf32, #tpu.memory_space<vmem_shared>>) target_semaphore(%run_scoped3A_62 : memref<!tpu.dma_semaphore, #tpu.memory_space<semaphore_mem>>)
      %dma_wait3A_67 = arith.constant 0 : i32
      %dma_wait3A_68 = tpu.memref_slice %arg4[%add3A_11, %dma_wait3A_67] : memref<10000x16xf32, #tpu.memory_space<vmem_shared>> -> memref<125x16xf32, #tpu.memory_space<vmem_shared>>
      %dma_wait3A_69 = arith.constant 0 : i32
      %dma_wait3A_70 = tpu.memref_slice %arg4[%add3A_11, %dma_wait3A_69] : memref<10000x16xf32, #tpu.memory_space<vmem_shared>> -> memref<125x16xf32, #tpu.memory_space<vmem_shared>>
      tpu.wait_dma2 semaphore(%run_scoped3A_62 : memref<!tpu.dma_semaphore, #tpu.memory_space<semaphore_mem>>) src(%arg6 : memref<125x16xf32, #tpu.memory_space<vmem>>) dst(%dma_wait3A_70 : memref<125x16xf32, #tpu.memory_space<vmem_shared>>)
      tpu.yield
    }) : () -> ()
    %add3A_12 = arith.constant 250 : i32
    %add3A_13 = arith.addi %mul3A_8, %add3A_12 : i32
    "tpu.region"() ({
      %run_scoped3A_62 = tpu.sem_alloc : memref<!tpu.dma_semaphore, #tpu.memory_space<semaphore_mem>>
      %dma_start3A_63 = arith.constant 0 : i32
      %dma_start3A_64 = tpu.memref_slice %arg4[%add3A_13, %dma_start3A_63] : memref<10000x16xf32, #tpu.memory_space<vmem_shared>> -> memref<125x16xf32, #tpu.memory_space<vmem_shared>>
      %dma_start3A_65 = arith.constant 0 : i32
      %dma_start3A_66 = tpu.memref_slice %arg4[%add3A_13, %dma_start3A_65] : memref<10000x16xf32, #tpu.memory_space<vmem_shared>> -> memref<125x16xf32, #tpu.memory_space<vmem_shared>>
      tpu.enqueue_dma source(%arg6 : memref<125x16xf32, #tpu.memory_space<vmem>>) target(%dma_start3A_66 : memref<125x16xf32, #tpu.memory_space<vmem_shared>>) target_semaphore(%run_scoped3A_62 : memref<!tpu.dma_semaphore, #tpu.memory_space<semaphore_mem>>)
      %dma_wait3A_67 = arith.constant 0 : i32
      %dma_wait3A_68 = tpu.memref_slice %arg4[%add3A_13, %dma_wait3A_67] : memref<10000x16xf32, #tpu.memory_space<vmem_shared>> -> memref<125x16xf32, #tpu.memory_space<vmem_shared>>
      %dma_wait3A_69 = arith.constant 0 : i32
      %dma_wait3A_70 = tpu.memref_slice %arg4[%add3A_13, %dma_wait3A_69] : memref<10000x16xf32, #tpu.memory_space<vmem_shared>> -> memref<125x16xf32, #tpu.memory_space<vmem_shared>>
      tpu.wait_dma2 semaphore(%run_scoped3A_62 : memref<!tpu.dma_semaphore, #tpu.memory_space<semaphore_mem>>) src(%arg6 : memref<125x16xf32, #tpu.memory_space<vmem>>) dst(%dma_wait3A_70 : memref<125x16xf32, #tpu.memory_space<vmem_shared>>)
      tpu.yield
    }) : () -> ()
    %add3A_14 = arith.constant 375 : i32
    %add3A_15 = arith.addi %mul3A_8, %add3A_14 : i32
    "tpu.region"() ({
      %run_scoped3A_62 = tpu.sem_alloc : memref<!tpu.dma_semaphore, #tpu.memory_space<semaphore_mem>>
      %dma_start3A_63 = arith.constant 0 : i32
      %dma_start3A_64 = tpu.memref_slice %arg4[%add3A_15, %dma_start3A_63] : memref<10000x16xf32, #tpu.memory_space<vmem_shared>> -> memref<125x16xf32, #tpu.memory_space<vmem_shared>>
      %dma_start3A_65 = arith.constant 0 : i32
      %dma_start3A_66 = tpu.memref_slice %arg4[%add3A_15, %dma_start3A_65] : memref<10000x16xf32, #tpu.memory_space<vmem_shared>> -> memref<125x16xf32, #tpu.memory_space<vmem_shared>>
      tpu.enqueue_dma source(%arg6 : memref<125x16xf32, #tpu.memory_space<vmem>>) target(%dma_start3A_66 : memref<125x16xf32, #tpu.memory_space<vmem_shared>>) target_semaphore(%run_scoped3A_62 : memref<!tpu.dma_semaphore, #tpu.memory_space<semaphore_mem>>)
      %dma_wait3A_67 = arith.constant 0 : i32
      %dma_wait3A_68 = tpu.memref_slice %arg4[%add3A_15, %dma_wait3A_67] : memref<10000x16xf32, #tpu.memory_space<vmem_shared>> -> memref<125x16xf32, #tpu.memory_space<vmem_shared>>
      %dma_wait3A_69 = arith.constant 0 : i32
      %dma_wait3A_70 = tpu.memref_slice %arg4[%add3A_15, %dma_wait3A_69] : memref<10000x16xf32, #tpu.memory_space<vmem_shared>> -> memref<125x16xf32, #tpu.memory_space<vmem_shared>>
      tpu.wait_dma2 semaphore(%run_scoped3A_62 : memref<!tpu.dma_semaphore, #tpu.memory_space<semaphore_mem>>) src(%arg6 : memref<125x16xf32, #tpu.memory_space<vmem>>) dst(%dma_wait3A_70 : memref<125x16xf32, #tpu.memory_space<vmem_shared>>)
      tpu.yield
    }) : () -> ()
    %add3A_16 = arith.constant 500 : i32
    %add3A_17 = arith.addi %mul3A_8, %add3A_16 : i32
    "tpu.region"() ({
      %run_scoped3A_62 = tpu.sem_alloc : memref<!tpu.dma_semaphore, #tpu.memory_space<semaphore_mem>>
      %dma_start3A_63 = arith.constant 0 : i32
      %dma_start3A_64 = tpu.memref_slice %arg4[%add3A_17, %dma_start3A_63] : memref<10000x16xf32, #tpu.memory_space<vmem_shared>> -> memref<125x16xf32, #tpu.memory_space<vmem_shared>>
      %dma_start3A_65 = arith.constant 0 : i32
      %dma_start3A_66 = tpu.memref_slice %arg4[%add3A_17, %dma_start3A_65] : memref<10000x16xf32, #tpu.memory_space<vmem_shared>> -> memref<125x16xf32, #tpu.memory_space<vmem_shared>>
      tpu.enqueue_dma source(%arg6 : memref<125x16xf32, #tpu.memory_space<vmem>>) target(%dma_start3A_66 : memref<125x16xf32, #tpu.memory_space<vmem_shared>>) target_semaphore(%run_scoped3A_62 : memref<!tpu.dma_semaphore, #tpu.memory_space<semaphore_mem>>)
      %dma_wait3A_67 = arith.constant 0 : i32
      %dma_wait3A_68 = tpu.memref_slice %arg4[%add3A_17, %dma_wait3A_67] : memref<10000x16xf32, #tpu.memory_space<vmem_shared>> -> memref<125x16xf32, #tpu.memory_space<vmem_shared>>
      %dma_wait3A_69 = arith.constant 0 : i32
      %dma_wait3A_70 = tpu.memref_slice %arg4[%add3A_17, %dma_wait3A_69] : memref<10000x16xf32, #tpu.memory_space<vmem_shared>> -> memref<125x16xf32, #tpu.memory_space<vmem_shared>>
      tpu.wait_dma2 semaphore(%run_scoped3A_62 : memref<!tpu.dma_semaphore, #tpu.memory_space<semaphore_mem>>) src(%arg6 : memref<125x16xf32, #tpu.memory_space<vmem>>) dst(%dma_wait3A_70 : memref<125x16xf32, #tpu.memory_space<vmem_shared>>)
      tpu.yield
    }) : () -> ()
    %scan3A_18 = arith.constant 0 : i32
    %scan3A_19 = arith.constant 0 : i32
    %scan3A_20 = arith.constant 125 : i32
    %scan3A_21 = arith.addi %scan3A_19, %scan3A_20 : i32
    %scan3A_22 = arith.constant 1 : i32
    scf.for %scan3A_62 = %scan3A_19 to %scan3A_21 step %scan3A_22  : i32 {
      %swap3A = arith.index_cast %scan3A_62 : i32 to index
      %swap3A_63 = arith.constant 0 : index
      %swap3A_64 = tpu.vector_load %arg6[%swap3A, %swap3A_63] {strides = array<i32>} : memref<125x16xf32, #tpu.memory_space<vmem>>, vector<1x16xf32>,
      %swap3A_65 = vector.shape_cast %swap3A_64 : vector<1x16xf32> to vector<16xf32>
      %swap3A_66 = vector.shape_cast %broadcast_in_dim3A_2 : vector<16xf32> to vector<1x16xf32>
      tpu.vector_store %arg6[%swap3A, %swap3A_63], %swap3A_66 {strides = array<i32>} : memref<125x16xf32, #tpu.memory_space<vmem>>, vector<1x16xf32>,
    }
    %scan3A_23 = arith.constant 125 : i32
    %barrier3A = arith.constant 0 : index
    tpu.barrier barrier_id(%barrier3A)
    %mul3A_24 = arith.constant 16 : i32
    %mul3A_25 = arith.muli %arg0, %mul3A_24 : i32
    %add3A_26 = arith.addi %mul3A_25, %arg1 : i32
    %mul3A_27 = arith.constant 80 : i32
    %mul3A_28 = arith.muli %add3A_26, %mul3A_27 : i32
    %run_scoped3A = arith.constant 1 : i32
    "tpu.region"() ({
      %run_scoped3A_62 = tpu.sem_alloc : memref<!tpu.dma_semaphore, #tpu.memory_space<semaphore_mem>>
      %dma_start3A_63 = arith.constant 0 : i32
      %dma_start3A_64 = tpu.memref_slice %arg2[%run_scoped3A, %mul3A_28, %dma_start3A_63] : memref<2x2560x125xi32, #tpu.memory_space<hbm>> -> memref<1x80x125xi32, #tpu.memory_space<hbm>>
      %dma_start3A_65 = tpu.memref_squeeze %dma_start3A_64 : memref<1x80x125xi32, #tpu.memory_space<hbm>> -> memref<80x125xi32, #tpu.memory_space<hbm>>
      %dma_start3A_66 = arith.constant 0 : i32
      %dma_start3A_67 = tpu.memref_slice %arg2[%run_scoped3A, %mul3A_28, %dma_start3A_66] : memref<2x2560x125xi32, #tpu.memory_space<hbm>> -> memref<1x80x125xi32, #tpu.memory_space<hbm>>
      %dma_start3A_68 = tpu.memref_squeeze %dma_start3A_67 : memref<1x80x125xi32, #tpu.memory_space<hbm>> -> memref<80x125xi32, #tpu.memory_space<hbm>>
      tpu.enqueue_dma source(%dma_start3A_68 : memref<80x125xi32, #tpu.memory_space<hbm>>) target(%arg5 : memref<80x125xi32, #tpu.memory_space<vmem>>) target_semaphore(%run_scoped3A_62 : memref<!tpu.dma_semaphore, #tpu.memory_space<semaphore_mem>>)
      %dma_wait3A_69 = arith.constant 0 : i32
      %dma_wait3A_70 = tpu.memref_slice %arg2[%run_scoped3A, %mul3A_28, %dma_wait3A_69] : memref<2x2560x125xi32, #tpu.memory_space<hbm>> -> memref<1x80x125xi32, #tpu.memory_space<hbm>>
      %dma_wait3A_71 = tpu.memref_squeeze %dma_wait3A_70 : memref<1x80x125xi32, #tpu.memory_space<hbm>> -> memref<80x125xi32, #tpu.memory_space<hbm>>
      %dma_wait3A_72 = arith.constant 0 : i32
      %dma_wait3A_73 = tpu.memref_slice %arg2[%run_scoped3A, %mul3A_28, %dma_wait3A_72] : memref<2x2560x125xi32, #tpu.memory_space<hbm>> -> memref<1x80x125xi32, #tpu.memory_space<hbm>>
      %dma_wait3A_74 = tpu.memref_squeeze %dma_wait3A_73 : memref<1x80x125xi32, #tpu.memory_space<hbm>> -> memref<80x125xi32, #tpu.memory_space<hbm>>
      tpu.wait_dma2 semaphore(%run_scoped3A_62 : memref<!tpu.dma_semaphore, #tpu.memory_space<semaphore_mem>>) src(%dma_wait3A_74 : memref<80x125xi32, #tpu.memory_space<hbm>>) dst(%arg5 : memref<80x125xi32, #tpu.memory_space<vmem>>)
      tpu.yield
    }) : () -> ()
    %dma_start3A = arith.constant 0 : i32
    %dma_start3A_29 = arith.constant 0 : i32
    %dma_start3A_30 = tpu.memref_slice %arg5[%dma_start3A, %dma_start3A_29] : memref<80x125xi32, #tpu.memory_space<vmem>> -> memref<1x125xi32, #tpu.memory_space<vmem>>
    %dma_start3A_31 = tpu.memref_squeeze %dma_start3A_30 : memref<1x125xi32, #tpu.memory_space<vmem>> -> memref<125xi32, #tpu.memory_space<vmem>>
    %dma_start3A_32 = arith.constant 0 : i32
    %dma_start3A_33 = arith.constant 0 : i32
    %dma_start3A_34 = tpu.memref_slice %arg4[%dma_start3A_32, %dma_start3A_33] : memref<10000x16xf32, #tpu.memory_space<vmem_shared>> -> memref<10000x16xf32, #tpu.memory_space<vmem_shared>>
    tpu.enqueue_indirect_dma source(%arg6 : memref<125x16xf32, #tpu.memory_space<vmem>>) target(%dma_start3A_34 : memref<10000x16xf32, #tpu.memory_space<vmem_shared>>) offsets(%dma_start3A_31 : memref<125xi32, #tpu.memory_space<vmem>>) semaphore(%arg7 : memref<!tpu.dma_semaphore, #tpu.memory_space<semaphore_mem>>) {add = true}
    %dma_start3A_35 = arith.constant 1 : i32
    %dma_start3A_36 = arith.constant 0 : i32
    %dma_start3A_37 = tpu.memref_slice %arg5[%dma_start3A_35, %dma_start3A_36] : memref<80x125xi32, #tpu.memory_space<vmem>> -> memref<1x125xi32, #tpu.memory_space<vmem>>
    %dma_start3A_38 = tpu.memref_squeeze %dma_start3A_37 : memref<1x125xi32, #tpu.memory_space<vmem>> -> memref<125xi32, #tpu.memory_space<vmem>>
    %dma_start3A_39 = arith.constant 0 : i32
    %dma_start3A_40 = arith.constant 0 : i32
    %dma_start3A_41 = tpu.memref_slice %arg4[%dma_start3A_39, %dma_start3A_40] : memref<10000x16xf32, #tpu.memory_space<vmem_shared>> -> memref<10000x16xf32, #tpu.memory_space<vmem_shared>>
    tpu.enqueue_indirect_dma source(%arg6 : memref<125x16xf32, #tpu.memory_space<vmem>>) target(%dma_start3A_41 : memref<10000x16xf32, #tpu.memory_space<vmem_shared>>) offsets(%dma_start3A_38 : memref<125xi32, #tpu.memory_space<vmem>>) semaphore(%arg8 : memref<!tpu.dma_semaphore, #tpu.memory_space<semaphore_mem>>) {add = true}
    %scan3A_42 = arith.constant 0 : i32
    %scan3A_43 = arith.constant 0 : i32
    %scan3A_44 = arith.constant 39 : i32
    %scan3A_45 = arith.addi %scan3A_43, %scan3A_44 : i32
    %scan3A_46 = arith.constant 1 : i32
    scf.for %scan3A_62 = %scan3A_43 to %scan3A_45 step %scan3A_46  : i32 {
      %mul3A_63 = arith.constant 2 : i32
      %mul3A_64 = arith.muli %mul3A_63, %scan3A_62 : i32
      %add3A_65 = arith.constant 2 : i32
      %add3A_66 = arith.addi %add3A_65, %mul3A_64 : i32
      %dma_wait3A_67 = arith.constant 0 : i32
      %dma_wait3A_68 = arith.constant 0 : i32
      %dma_wait3A_69 = tpu.memref_slice %arg5[%dma_wait3A_67, %dma_wait3A_68] : memref<80x125xi32, #tpu.memory_space<vmem>> -> memref<1x125xi32, #tpu.memory_space<vmem>>
      %dma_wait3A_70 = tpu.memref_squeeze %dma_wait3A_69 : memref<1x125xi32, #tpu.memory_space<vmem>> -> memref<125xi32, #tpu.memory_space<vmem>>
      %dma_wait3A_71 = arith.constant 0 : i32
      %dma_wait3A_72 = arith.constant 0 : i32
      %dma_wait3A_73 = tpu.memref_slice %arg4[%dma_wait3A_71, %dma_wait3A_72] : memref<10000x16xf32, #tpu.memory_space<vmem_shared>> -> memref<10000x16xf32, #tpu.memory_space<vmem_shared>>
      tpu.wait_indirect_dma semaphore(%arg7 : memref<!tpu.dma_semaphore, #tpu.memory_space<semaphore_mem>>) src(%arg6 : memref<125x16xf32, #tpu.memory_space<vmem>>) dst(%dma_wait3A_73 : memref<10000x16xf32, #tpu.memory_space<vmem_shared>>)
      %dma_start3A_74 = arith.constant 0 : i32
      %dma_start3A_75 = tpu.memref_slice %arg5[%add3A_66, %dma_start3A_74] : memref<80x125xi32, #tpu.memory_space<vmem>> -> memref<1x125xi32, #tpu.memory_space<vmem>>
      %dma_start3A_76 = tpu.memref_squeeze %dma_start3A_75 : memref<1x125xi32, #tpu.memory_space<vmem>> -> memref<125xi32, #tpu.memory_space<vmem>>
      %dma_start3A_77 = arith.constant 0 : i32
      %dma_start3A_78 = arith.constant 0 : i32
      %dma_start3A_79 = tpu.memref_slice %arg4[%dma_start3A_77, %dma_start3A_78] : memref<10000x16xf32, #tpu.memory_space<vmem_shared>> -> memref<10000x16xf32, #tpu.memory_space<vmem_shared>>
      tpu.enqueue_indirect_dma source(%arg6 : memref<125x16xf32, #tpu.memory_space<vmem>>) target(%dma_start3A_79 : memref<10000x16xf32, #tpu.memory_space<vmem_shared>>) offsets(%dma_start3A_76 : memref<125xi32, #tpu.memory_space<vmem>>) semaphore(%arg7 : memref<!tpu.dma_semaphore, #tpu.memory_space<semaphore_mem>>) {add = true}
      %dma_wait3A_80 = arith.constant 0 : i32
      %dma_wait3A_81 = arith.constant 0 : i32
      %dma_wait3A_82 = tpu.memref_slice %arg5[%dma_wait3A_80, %dma_wait3A_81] : memref<80x125xi32, #tpu.memory_space<vmem>> -> memref<1x125xi32, #tpu.memory_space<vmem>>
      %dma_wait3A_83 = tpu.memref_squeeze %dma_wait3A_82 : memref<1x125xi32, #tpu.memory_space<vmem>> -> memref<125xi32, #tpu.memory_space<vmem>>
      %dma_wait3A_84 = arith.constant 0 : i32
      %dma_wait3A_85 = arith.constant 0 : i32
      %dma_wait3A_86 = tpu.memref_slice %arg4[%dma_wait3A_84, %dma_wait3A_85] : memref<10000x16xf32, #tpu.memory_space<vmem_shared>> -> memref<10000x16xf32, #tpu.memory_space<vmem_shared>>
      tpu.wait_indirect_dma semaphore(%arg8 : memref<!tpu.dma_semaphore, #tpu.memory_space<semaphore_mem>>) src(%arg6 : memref<125x16xf32, #tpu.memory_space<vmem>>) dst(%dma_wait3A_86 : memref<10000x16xf32, #tpu.memory_space<vmem_shared>>)
      %add3A_87 = arith.constant 1 : i32
      %add3A_88 = arith.addi %add3A_66, %add3A_87 : i32
      %dma_start3A_89 = arith.constant 0 : i32
      %dma_start3A_90 = tpu.memref_slice %arg5[%add3A_88, %dma_start3A_89] : memref<80x125xi32, #tpu.memory_space<vmem>> -> memref<1x125xi32, #tpu.memory_space<vmem>>
      %dma_start3A_91 = tpu.memref_squeeze %dma_start3A_90 : memref<1x125xi32, #tpu.memory_space<vmem>> -> memref<125xi32, #tpu.memory_space<vmem>>
      %dma_start3A_92 = arith.constant 0 : i32
      %dma_start3A_93 = arith.constant 0 : i32
      %dma_start3A_94 = tpu.memref_slice %arg4[%dma_start3A_92, %dma_start3A_93] : memref<10000x16xf32, #tpu.memory_space<vmem_shared>> -> memref<10000x16xf32, #tpu.memory_space<vmem_shared>>
      tpu.enqueue_indirect_dma source(%arg6 : memref<125x16xf32, #tpu.memory_space<vmem>>) target(%dma_start3A_94 : memref<10000x16xf32, #tpu.memory_space<vmem_shared>>) offsets(%dma_start3A_91 : memref<125xi32, #tpu.memory_space<vmem>>) semaphore(%arg8 : memref<!tpu.dma_semaphore, #tpu.memory_space<semaphore_mem>>) {add = true}
    }
    %scan3A_47 = arith.constant 39 : i32
    %dma_wait3A = arith.constant 0 : i32
    %dma_wait3A_48 = arith.constant 0 : i32
    %dma_wait3A_49 = tpu.memref_slice %arg5[%dma_wait3A, %dma_wait3A_48] : memref<80x125xi32, #tpu.memory_space<vmem>> -> memref<1x125xi32, #tpu.memory_space<vmem>>
    %dma_wait3A_50 = tpu.memref_squeeze %dma_wait3A_49 : memref<1x125xi32, #tpu.memory_space<vmem>> -> memref<125xi32, #tpu.memory_space<vmem>>
    %dma_wait3A_51 = arith.constant 0 : i32
    %dma_wait3A_52 = arith.constant 0 : i32
    %dma_wait3A_53 = tpu.memref_slice %arg4[%dma_wait3A_51, %dma_wait3A_52] : memref<10000x16xf32, #tpu.memory_space<vmem_shared>> -> memref<10000x16xf32, #tpu.memory_space<vmem_shared>>
    tpu.wait_indirect_dma semaphore(%arg8 : memref<!tpu.dma_semaphore, #tpu.memory_space<semaphore_mem>>) src(%arg6 : memref<125x16xf32, #tpu.memory_space<vmem>>) dst(%dma_wait3A_53 : memref<10000x16xf32, #tpu.memory_space<vmem_shared>>)
    %dma_wait3A_54 = arith.constant 0 : i32
    %dma_wait3A_55 = arith.constant 0 : i32
    %dma_wait3A_56 = tpu.memref_slice %arg5[%dma_wait3A_54, %dma_wait3A_55] : memref<80x125xi32, #tpu.memory_space<vmem>> -> memref<1x125xi32, #tpu.memory_space<vmem>>
    %dma_wait3A_57 = tpu.memref_squeeze %dma_wait3A_56 : memref<1x125xi32, #tpu.memory_space<vmem>> -> memref<125xi32, #tpu.memory_space<vmem>>
    %dma_wait3A_58 = arith.constant 0 : i32
    %dma_wait3A_59 = arith.constant 0 : i32
    %dma_wait3A_60 = tpu.memref_slice %arg4[%dma_wait3A_58, %dma_wait3A_59] : memref<10000x16xf32, #tpu.memory_space<vmem_shared>> -> memref<10000x16xf32, #tpu.memory_space<vmem_shared>>
    tpu.wait_indirect_dma semaphore(%arg7 : memref<!tpu.dma_semaphore, #tpu.memory_space<semaphore_mem>>) src(%arg6 : memref<125x16xf32, #tpu.memory_space<vmem>>) dst(%dma_wait3A_60 : memref<10000x16xf32, #tpu.memory_space<vmem_shared>>)
    %barrier3A_61 = arith.constant 0 : index
    tpu.barrier barrier_id(%barrier3A_61)
    "tpu.region"() ({
      %run_scoped3A_62 = tpu.sem_alloc : memref<!tpu.dma_semaphore, #tpu.memory_space<semaphore_mem>>
      %dma_start3A_63 = arith.constant 0 : i32
      %dma_start3A_64 = tpu.memref_slice %arg3[%arg0, %mul3A_8, %dma_start3A_63] : memref<2x10000x16xf32, #tpu.memory_space<hbm>> -> memref<1x625x16xf32, #tpu.memory_space<hbm>>
      %dma_start3A_65 = tpu.memref_squeeze %dma_start3A_64 : memref<1x625x16xf32, #tpu.memory_space<hbm>> -> memref<625x16xf32, #tpu.memory_space<hbm>>
      %dma_start3A_66 = arith.constant 0 : i32
      %dma_start3A_67 = tpu.memref_slice %arg4[%mul3A_8, %dma_start3A_66] : memref<10000x16xf32, #tpu.memory_space<vmem_shared>> -> memref<625x16xf32, #tpu.memory_space<vmem_shared>>
      tpu.enqueue_dma source(%dma_start3A_67 : memref<625x16xf32, #tpu.memory_space<vmem_shared>>) target(%dma_start3A_65 : memref<625x16xf32, #tpu.memory_space<hbm>>) target_semaphore(%run_scoped3A_62 : memref<!tpu.dma_semaphore, #tpu.memory_space<semaphore_mem>>)
      %dma_wait3A_68 = arith.constant 0 : i32
      %dma_wait3A_69 = tpu.memref_slice %arg3[%arg0, %mul3A_8, %dma_wait3A_68] : memref<2x10000x16xf32, #tpu.memory_space<hbm>> -> memref<1x625x16xf32, #tpu.memory_space<hbm>>
      %dma_wait3A_70 = tpu.memref_squeeze %dma_wait3A_69 : memref<1x625x16xf32, #tpu.memory_space<hbm>> -> memref<625x16xf32, #tpu.memory_space<hbm>>
      %dma_wait3A_71 = arith.constant 0 : i32
      %dma_wait3A_72 = tpu.memref_slice %arg4[%mul3A_8, %dma_wait3A_71] : memref<10000x16xf32, #tpu.memory_space<vmem_shared>> -> memref<625x16xf32, #tpu.memory_space<vmem_shared>>
      tpu.wait_dma2 semaphore(%run_scoped3A_62 : memref<!tpu.dma_semaphore, #tpu.memory_space<semaphore_mem>>) src(%dma_wait3A_72 : memref<625x16xf32, #tpu.memory_space<vmem_shared>>) dst(%dma_wait3A_70 : memref<625x16xf32, #tpu.memory_space<hbm>>)
      tpu.yield
    }) : () -> ()
    return
  }
}

#map = affine_map<(d0, d1) -> (0, 0)>
#map1 = affine_map<(d0, d1) -> (0, 0, 0)>
module attributes {stable_mosaic.version = 14 : i64} {
  func.func @body(%arg0: i32, %arg1: i32, %arg2: memref<10000x128xbf16, #tpu.memory_space<hbm>>, %arg3: memref<2x2560x125xi32, #tpu.memory_space<hbm>>, %arg4: memref<2x10000x128xbf16, #tpu.memory_space<hbm>>, %arg5: memref<10000x128xbf16, #tpu.memory_space<vmem_shared>>, %arg6: memref<80x125xi32, #tpu.memory_space<vmem>>, %arg7: memref<80x125xi32, #tpu.memory_space<vmem>>, %arg8: memref<125x128xbf16, #tpu.memory_space<vmem>>, %arg9: memref<125x128xbf16, #tpu.memory_space<vmem>>, %arg10: memref<125x128xbf16, #tpu.memory_space<vmem>>, %arg11: memref<125x128xbf16, #tpu.memory_space<vmem>>, %arg12: memref<125x128xbf16, #tpu.memory_space<vmem>>, %arg13: memref<125x128xbf16, #tpu.memory_space<vmem>>, %arg14: memref<125x128xbf16, #tpu.memory_space<vmem>>, %arg15: memref<125x128xbf16, #tpu.memory_space<vmem>>, %arg16: memref<!tpu.dma_semaphore, #tpu.memory_space<semaphore_mem>>, %arg17: memref<!tpu.dma_semaphore, #tpu.memory_space<semaphore_mem>>, %arg18: memref<!tpu.dma_semaphore, #tpu.memory_space<semaphore_mem>>, %arg19: memref<!tpu.dma_semaphore, #tpu.memory_space<semaphore_mem>>, %arg20: memref<!tpu.dma_semaphore, #tpu.memory_space<semaphore_mem>>, %arg21: memref<!tpu.dma_semaphore, #tpu.memory_space<semaphore_mem>>, %arg22: memref<!tpu.dma_semaphore, #tpu.memory_space<semaphore_mem>>, %arg23: memref<!tpu.dma_semaphore, #tpu.memory_space<semaphore_mem>>, %arg24: memref<!tpu.dma_semaphore, #tpu.memory_space<semaphore_mem>>, %arg25: memref<!tpu.dma_semaphore, #tpu.memory_space<semaphore_mem>>, %arg26: memref<!tpu.dma_semaphore, #tpu.memory_space<semaphore_mem>>, %arg27: memref<!tpu.dma_semaphore, #tpu.memory_space<semaphore_mem>>, %arg28: memref<!tpu.dma_semaphore, #tpu.memory_space<semaphore_mem>>, %arg29: memref<!tpu.dma_semaphore, #tpu.memory_space<semaphore_mem>>, %arg30: memref<!tpu.dma_semaphore, #tpu.memory_space<semaphore_mem>>, %arg31: memref<!tpu.dma_semaphore, #tpu.memory_space<semaphore_mem>>) attributes {dimension_semantics = [#tpu.dimension_semantics<core_parallel>, #tpu.dimension_semantics<subcore_parallel>], iteration_bounds = array<i64: 2, 16>, scalar_prefetch = 0 : i64, scratch_operands = 27 : i64, tpu.core_type = #tpu.core_type<sc_vector_subcore>, window_params = [{transform_indices = #map}, {transform_indices = #map1}, {transform_indices = #map1}]} {
    %broadcast_in_dim3A = arith.constant 0.000000e+00 : bf16
    %broadcast_in_dim3A_0 = vector.broadcast %broadcast_in_dim3A : bf16 to vector<32xbf16>
    %broadcast_in_dim3A_1 = arith.constant 1.000000e+00 : bf16
    %broadcast_in_dim3A_2 = vector.broadcast %broadcast_in_dim3A_1 : bf16 to vector<32xbf16>
    %scan3A = arith.constant 0 : i32
    %scan3A_3 = arith.constant 0 : i32
    %scan3A_4 = arith.constant 125 : i32
    %scan3A_5 = arith.addi %scan3A_3, %scan3A_4 : i32
    %scan3A_6 = arith.constant 1 : i32
    scf.for %scan3A_253 = %scan3A_3 to %scan3A_5 step %scan3A_6  : i32 {
      %swap3A = arith.index_cast %scan3A_253 : i32 to index
      %swap3A_254 = arith.constant 0 : index
      %swap3A_255 = tpu.vector_load %arg8[%swap3A, %swap3A_254] {strides = array<i32>} : memref<125x128xbf16, #tpu.memory_space<vmem>>, vector<1x32xbf16>,
      %swap3A_256 = vector.shape_cast %swap3A_255 : vector<1x32xbf16> to vector<32xbf16>
      %swap3A_257 = vector.shape_cast %broadcast_in_dim3A_0 : vector<32xbf16> to vector<1x32xbf16>
      tpu.vector_store %arg8[%swap3A, %swap3A_254], %swap3A_257 {strides = array<i32>} : memref<125x128xbf16, #tpu.memory_space<vmem>>, vector<1x32xbf16>,
      %swap3A_258 = arith.index_cast %scan3A_253 : i32 to index
      %swap3A_259 = arith.constant 32 : index
      %swap3A_260 = tpu.vector_load %arg8[%swap3A_258, %swap3A_259] {strides = array<i32>} : memref<125x128xbf16, #tpu.memory_space<vmem>>, vector<1x32xbf16>,
      %swap3A_261 = vector.shape_cast %swap3A_260 : vector<1x32xbf16> to vector<32xbf16>
      %swap3A_262 = vector.shape_cast %broadcast_in_dim3A_0 : vector<32xbf16> to vector<1x32xbf16>
      tpu.vector_store %arg8[%swap3A_258, %swap3A_259], %swap3A_262 {strides = array<i32>} : memref<125x128xbf16, #tpu.memory_space<vmem>>, vector<1x32xbf16>,
      %swap3A_263 = arith.index_cast %scan3A_253 : i32 to index
      %swap3A_264 = arith.constant 64 : index
      %swap3A_265 = tpu.vector_load %arg8[%swap3A_263, %swap3A_264] {strides = array<i32>} : memref<125x128xbf16, #tpu.memory_space<vmem>>, vector<1x32xbf16>,
      %swap3A_266 = vector.shape_cast %swap3A_265 : vector<1x32xbf16> to vector<32xbf16>
      %swap3A_267 = vector.shape_cast %broadcast_in_dim3A_0 : vector<32xbf16> to vector<1x32xbf16>
      tpu.vector_store %arg8[%swap3A_263, %swap3A_264], %swap3A_267 {strides = array<i32>} : memref<125x128xbf16, #tpu.memory_space<vmem>>, vector<1x32xbf16>,
      %swap3A_268 = arith.index_cast %scan3A_253 : i32 to index
      %swap3A_269 = arith.constant 96 : index
      %swap3A_270 = tpu.vector_load %arg8[%swap3A_268, %swap3A_269] {strides = array<i32>} : memref<125x128xbf16, #tpu.memory_space<vmem>>, vector<1x32xbf16>,
      %swap3A_271 = vector.shape_cast %swap3A_270 : vector<1x32xbf16> to vector<32xbf16>
      %swap3A_272 = vector.shape_cast %broadcast_in_dim3A_0 : vector<32xbf16> to vector<1x32xbf16>
      tpu.vector_store %arg8[%swap3A_268, %swap3A_269], %swap3A_272 {strides = array<i32>} : memref<125x128xbf16, #tpu.memory_space<vmem>>, vector<1x32xbf16>,
    }
    %scan3A_7 = arith.constant 125 : i32
    %mul3A = arith.constant 625 : i32
    %mul3A_8 = arith.muli %arg1, %mul3A : i32
    %add3A = arith.constant 0 : i32
    %add3A_9 = arith.addi %mul3A_8, %add3A : i32
    "tpu.region"() ({
      %run_scoped3A_253 = tpu.sem_alloc : memref<!tpu.dma_semaphore, #tpu.memory_space<semaphore_mem>>
      %dma_start3A_254 = arith.constant 0 : i32
      %dma_start3A_255 = tpu.memref_slice %arg5[%add3A_9, %dma_start3A_254] : memref<10000x128xbf16, #tpu.memory_space<vmem_shared>> -> memref<125x128xbf16, #tpu.memory_space<vmem_shared>>
      %dma_start3A_256 = arith.constant 0 : i32
      %dma_start3A_257 = tpu.memref_slice %arg5[%add3A_9, %dma_start3A_256] : memref<10000x128xbf16, #tpu.memory_space<vmem_shared>> -> memref<125x128xbf16, #tpu.memory_space<vmem_shared>>
      tpu.enqueue_dma source(%arg8 : memref<125x128xbf16, #tpu.memory_space<vmem>>) target(%dma_start3A_257 : memref<125x128xbf16, #tpu.memory_space<vmem_shared>>) target_semaphore(%run_scoped3A_253 : memref<!tpu.dma_semaphore, #tpu.memory_space<semaphore_mem>>)
      %dma_wait3A_258 = arith.constant 0 : i32
      %dma_wait3A_259 = tpu.memref_slice %arg5[%add3A_9, %dma_wait3A_258] : memref<10000x128xbf16, #tpu.memory_space<vmem_shared>> -> memref<125x128xbf16, #tpu.memory_space<vmem_shared>>
      %dma_wait3A_260 = arith.constant 0 : i32
      %dma_wait3A_261 = tpu.memref_slice %arg5[%add3A_9, %dma_wait3A_260] : memref<10000x128xbf16, #tpu.memory_space<vmem_shared>> -> memref<125x128xbf16, #tpu.memory_space<vmem_shared>>
      tpu.wait_dma2 semaphore(%run_scoped3A_253 : memref<!tpu.dma_semaphore, #tpu.memory_space<semaphore_mem>>) src(%arg8 : memref<125x128xbf16, #tpu.memory_space<vmem>>) dst(%dma_wait3A_261 : memref<125x128xbf16, #tpu.memory_space<vmem_shared>>)
      tpu.yield
    }) : () -> ()
    %add3A_10 = arith.constant 125 : i32
    %add3A_11 = arith.addi %mul3A_8, %add3A_10 : i32
    "tpu.region"() ({
      %run_scoped3A_253 = tpu.sem_alloc : memref<!tpu.dma_semaphore, #tpu.memory_space<semaphore_mem>>
      %dma_start3A_254 = arith.constant 0 : i32
      %dma_start3A_255 = tpu.memref_slice %arg5[%add3A_11, %dma_start3A_254] : memref<10000x128xbf16, #tpu.memory_space<vmem_shared>> -> memref<125x128xbf16, #tpu.memory_space<vmem_shared>>
      %dma_start3A_256 = arith.constant 0 : i32
      %dma_start3A_257 = tpu.memref_slice %arg5[%add3A_11, %dma_start3A_256] : memref<10000x128xbf16, #tpu.memory_space<vmem_shared>> -> memref<125x128xbf16, #tpu.memory_space<vmem_shared>>
      tpu.enqueue_dma source(%arg8 : memref<125x128xbf16, #tpu.memory_space<vmem>>) target(%dma_start3A_257 : memref<125x128xbf16, #tpu.memory_space<vmem_shared>>) target_semaphore(%run_scoped3A_253 : memref<!tpu.dma_semaphore, #tpu.memory_space<semaphore_mem>>)
      %dma_wait3A_258 = arith.constant 0 : i32
      %dma_wait3A_259 = tpu.memref_slice %arg5[%add3A_11, %dma_wait3A_258] : memref<10000x128xbf16, #tpu.memory_space<vmem_shared>> -> memref<125x128xbf16, #tpu.memory_space<vmem_shared>>
      %dma_wait3A_260 = arith.constant 0 : i32
      %dma_wait3A_261 = tpu.memref_slice %arg5[%add3A_11, %dma_wait3A_260] : memref<10000x128xbf16, #tpu.memory_space<vmem_shared>> -> memref<125x128xbf16, #tpu.memory_space<vmem_shared>>
      tpu.wait_dma2 semaphore(%run_scoped3A_253 : memref<!tpu.dma_semaphore, #tpu.memory_space<semaphore_mem>>) src(%arg8 : memref<125x128xbf16, #tpu.memory_space<vmem>>) dst(%dma_wait3A_261 : memref<125x128xbf16, #tpu.memory_space<vmem_shared>>)
      tpu.yield
    }) : () -> ()
    %add3A_12 = arith.constant 250 : i32
    %add3A_13 = arith.addi %mul3A_8, %add3A_12 : i32
    "tpu.region"() ({
      %run_scoped3A_253 = tpu.sem_alloc : memref<!tpu.dma_semaphore, #tpu.memory_space<semaphore_mem>>
      %dma_start3A_254 = arith.constant 0 : i32
      %dma_start3A_255 = tpu.memref_slice %arg5[%add3A_13, %dma_start3A_254] : memref<10000x128xbf16, #tpu.memory_space<vmem_shared>> -> memref<125x128xbf16, #tpu.memory_space<vmem_shared>>
      %dma_start3A_256 = arith.constant 0 : i32
      %dma_start3A_257 = tpu.memref_slice %arg5[%add3A_13, %dma_start3A_256] : memref<10000x128xbf16, #tpu.memory_space<vmem_shared>> -> memref<125x128xbf16, #tpu.memory_space<vmem_shared>>
      tpu.enqueue_dma source(%arg8 : memref<125x128xbf16, #tpu.memory_space<vmem>>) target(%dma_start3A_257 : memref<125x128xbf16, #tpu.memory_space<vmem_shared>>) target_semaphore(%run_scoped3A_253 : memref<!tpu.dma_semaphore, #tpu.memory_space<semaphore_mem>>)
      %dma_wait3A_258 = arith.constant 0 : i32
      %dma_wait3A_259 = tpu.memref_slice %arg5[%add3A_13, %dma_wait3A_258] : memref<10000x128xbf16, #tpu.memory_space<vmem_shared>> -> memref<125x128xbf16, #tpu.memory_space<vmem_shared>>
      %dma_wait3A_260 = arith.constant 0 : i32
      %dma_wait3A_261 = tpu.memref_slice %arg5[%add3A_13, %dma_wait3A_260] : memref<10000x128xbf16, #tpu.memory_space<vmem_shared>> -> memref<125x128xbf16, #tpu.memory_space<vmem_shared>>
      tpu.wait_dma2 semaphore(%run_scoped3A_253 : memref<!tpu.dma_semaphore, #tpu.memory_space<semaphore_mem>>) src(%arg8 : memref<125x128xbf16, #tpu.memory_space<vmem>>) dst(%dma_wait3A_261 : memref<125x128xbf16, #tpu.memory_space<vmem_shared>>)
      tpu.yield
    }) : () -> ()
    %add3A_14 = arith.constant 375 : i32
    %add3A_15 = arith.addi %mul3A_8, %add3A_14 : i32
    "tpu.region"() ({
      %run_scoped3A_253 = tpu.sem_alloc : memref<!tpu.dma_semaphore, #tpu.memory_space<semaphore_mem>>
      %dma_start3A_254 = arith.constant 0 : i32
      %dma_start3A_255 = tpu.memref_slice %arg5[%add3A_15, %dma_start3A_254] : memref<10000x128xbf16, #tpu.memory_space<vmem_shared>> -> memref<125x128xbf16, #tpu.memory_space<vmem_shared>>
      %dma_start3A_256 = arith.constant 0 : i32
      %dma_start3A_257 = tpu.memref_slice %arg5[%add3A_15, %dma_start3A_256] : memref<10000x128xbf16, #tpu.memory_space<vmem_shared>> -> memref<125x128xbf16, #tpu.memory_space<vmem_shared>>
      tpu.enqueue_dma source(%arg8 : memref<125x128xbf16, #tpu.memory_space<vmem>>) target(%dma_start3A_257 : memref<125x128xbf16, #tpu.memory_space<vmem_shared>>) target_semaphore(%run_scoped3A_253 : memref<!tpu.dma_semaphore, #tpu.memory_space<semaphore_mem>>)
      %dma_wait3A_258 = arith.constant 0 : i32
      %dma_wait3A_259 = tpu.memref_slice %arg5[%add3A_15, %dma_wait3A_258] : memref<10000x128xbf16, #tpu.memory_space<vmem_shared>> -> memref<125x128xbf16, #tpu.memory_space<vmem_shared>>
      %dma_wait3A_260 = arith.constant 0 : i32
      %dma_wait3A_261 = tpu.memref_slice %arg5[%add3A_15, %dma_wait3A_260] : memref<10000x128xbf16, #tpu.memory_space<vmem_shared>> -> memref<125x128xbf16, #tpu.memory_space<vmem_shared>>
      tpu.wait_dma2 semaphore(%run_scoped3A_253 : memref<!tpu.dma_semaphore, #tpu.memory_space<semaphore_mem>>) src(%arg8 : memref<125x128xbf16, #tpu.memory_space<vmem>>) dst(%dma_wait3A_261 : memref<125x128xbf16, #tpu.memory_space<vmem_shared>>)
      tpu.yield
    }) : () -> ()
    %add3A_16 = arith.constant 500 : i32
    %add3A_17 = arith.addi %mul3A_8, %add3A_16 : i32
    "tpu.region"() ({
      %run_scoped3A_253 = tpu.sem_alloc : memref<!tpu.dma_semaphore, #tpu.memory_space<semaphore_mem>>
      %dma_start3A_254 = arith.constant 0 : i32
      %dma_start3A_255 = tpu.memref_slice %arg5[%add3A_17, %dma_start3A_254] : memref<10000x128xbf16, #tpu.memory_space<vmem_shared>> -> memref<125x128xbf16, #tpu.memory_space<vmem_shared>>
      %dma_start3A_256 = arith.constant 0 : i32
      %dma_start3A_257 = tpu.memref_slice %arg5[%add3A_17, %dma_start3A_256] : memref<10000x128xbf16, #tpu.memory_space<vmem_shared>> -> memref<125x128xbf16, #tpu.memory_space<vmem_shared>>
      tpu.enqueue_dma source(%arg8 : memref<125x128xbf16, #tpu.memory_space<vmem>>) target(%dma_start3A_257 : memref<125x128xbf16, #tpu.memory_space<vmem_shared>>) target_semaphore(%run_scoped3A_253 : memref<!tpu.dma_semaphore, #tpu.memory_space<semaphore_mem>>)
      %dma_wait3A_258 = arith.constant 0 : i32
      %dma_wait3A_259 = tpu.memref_slice %arg5[%add3A_17, %dma_wait3A_258] : memref<10000x128xbf16, #tpu.memory_space<vmem_shared>> -> memref<125x128xbf16, #tpu.memory_space<vmem_shared>>
      %dma_wait3A_260 = arith.constant 0 : i32
      %dma_wait3A_261 = tpu.memref_slice %arg5[%add3A_17, %dma_wait3A_260] : memref<10000x128xbf16, #tpu.memory_space<vmem_shared>> -> memref<125x128xbf16, #tpu.memory_space<vmem_shared>>
      tpu.wait_dma2 semaphore(%run_scoped3A_253 : memref<!tpu.dma_semaphore, #tpu.memory_space<semaphore_mem>>) src(%arg8 : memref<125x128xbf16, #tpu.memory_space<vmem>>) dst(%dma_wait3A_261 : memref<125x128xbf16, #tpu.memory_space<vmem_shared>>)
      tpu.yield
    }) : () -> ()
    %barrier3A = arith.constant 0 : index
    tpu.barrier barrier_id(%barrier3A)
    %mul3A_18 = arith.constant 16 : i32
    %mul3A_19 = arith.muli %arg0, %mul3A_18 : i32
    %add3A_20 = arith.addi %mul3A_19, %arg1 : i32
    %mul3A_21 = arith.constant 80 : i32
    %mul3A_22 = arith.muli %add3A_20, %mul3A_21 : i32
    %run_scoped3A = arith.constant 1 : i32
    "tpu.region"() ({
      %run_scoped3A_253 = tpu.sem_alloc : memref<!tpu.dma_semaphore, #tpu.memory_space<semaphore_mem>>
      %dma_start3A_254 = arith.constant 0 : i32
      %dma_start3A_255 = tpu.memref_slice %arg3[%run_scoped3A, %mul3A_22, %dma_start3A_254] : memref<2x2560x125xi32, #tpu.memory_space<hbm>> -> memref<1x80x125xi32, #tpu.memory_space<hbm>>
      %dma_start3A_256 = tpu.memref_squeeze %dma_start3A_255 : memref<1x80x125xi32, #tpu.memory_space<hbm>> -> memref<80x125xi32, #tpu.memory_space<hbm>>
      %dma_start3A_257 = arith.constant 0 : i32
      %dma_start3A_258 = tpu.memref_slice %arg3[%run_scoped3A, %mul3A_22, %dma_start3A_257] : memref<2x2560x125xi32, #tpu.memory_space<hbm>> -> memref<1x80x125xi32, #tpu.memory_space<hbm>>
      %dma_start3A_259 = tpu.memref_squeeze %dma_start3A_258 : memref<1x80x125xi32, #tpu.memory_space<hbm>> -> memref<80x125xi32, #tpu.memory_space<hbm>>
      tpu.enqueue_dma source(%dma_start3A_259 : memref<80x125xi32, #tpu.memory_space<hbm>>) target(%arg6 : memref<80x125xi32, #tpu.memory_space<vmem>>) target_semaphore(%run_scoped3A_253 : memref<!tpu.dma_semaphore, #tpu.memory_space<semaphore_mem>>)
      %dma_wait3A_260 = arith.constant 0 : i32
      %dma_wait3A_261 = tpu.memref_slice %arg3[%run_scoped3A, %mul3A_22, %dma_wait3A_260] : memref<2x2560x125xi32, #tpu.memory_space<hbm>> -> memref<1x80x125xi32, #tpu.memory_space<hbm>>
      %dma_wait3A_262 = tpu.memref_squeeze %dma_wait3A_261 : memref<1x80x125xi32, #tpu.memory_space<hbm>> -> memref<80x125xi32, #tpu.memory_space<hbm>>
      %dma_wait3A_263 = arith.constant 0 : i32
      %dma_wait3A_264 = tpu.memref_slice %arg3[%run_scoped3A, %mul3A_22, %dma_wait3A_263] : memref<2x2560x125xi32, #tpu.memory_space<hbm>> -> memref<1x80x125xi32, #tpu.memory_space<hbm>>
      %dma_wait3A_265 = tpu.memref_squeeze %dma_wait3A_264 : memref<1x80x125xi32, #tpu.memory_space<hbm>> -> memref<80x125xi32, #tpu.memory_space<hbm>>
      tpu.wait_dma2 semaphore(%run_scoped3A_253 : memref<!tpu.dma_semaphore, #tpu.memory_space<semaphore_mem>>) src(%dma_wait3A_265 : memref<80x125xi32, #tpu.memory_space<hbm>>) dst(%arg6 : memref<80x125xi32, #tpu.memory_space<vmem>>)
      tpu.yield
    }) : () -> ()
    %run_scoped3A_23 = arith.constant 0 : i32
    "tpu.region"() ({
      %run_scoped3A_253 = tpu.sem_alloc : memref<!tpu.dma_semaphore, #tpu.memory_space<semaphore_mem>>
      %dma_start3A_254 = arith.constant 0 : i32
      %dma_start3A_255 = tpu.memref_slice %arg3[%run_scoped3A_23, %mul3A_22, %dma_start3A_254] : memref<2x2560x125xi32, #tpu.memory_space<hbm>> -> memref<1x80x125xi32, #tpu.memory_space<hbm>>
      %dma_start3A_256 = tpu.memref_squeeze %dma_start3A_255 : memref<1x80x125xi32, #tpu.memory_space<hbm>> -> memref<80x125xi32, #tpu.memory_space<hbm>>
      %dma_start3A_257 = arith.constant 0 : i32
      %dma_start3A_258 = tpu.memref_slice %arg3[%run_scoped3A_23, %mul3A_22, %dma_start3A_257] : memref<2x2560x125xi32, #tpu.memory_space<hbm>> -> memref<1x80x125xi32, #tpu.memory_space<hbm>>
      %dma_start3A_259 = tpu.memref_squeeze %dma_start3A_258 : memref<1x80x125xi32, #tpu.memory_space<hbm>> -> memref<80x125xi32, #tpu.memory_space<hbm>>
      tpu.enqueue_dma source(%dma_start3A_259 : memref<80x125xi32, #tpu.memory_space<hbm>>) target(%arg7 : memref<80x125xi32, #tpu.memory_space<vmem>>) target_semaphore(%run_scoped3A_253 : memref<!tpu.dma_semaphore, #tpu.memory_space<semaphore_mem>>)
      %dma_wait3A_260 = arith.constant 0 : i32
      %dma_wait3A_261 = tpu.memref_slice %arg3[%run_scoped3A_23, %mul3A_22, %dma_wait3A_260] : memref<2x2560x125xi32, #tpu.memory_space<hbm>> -> memref<1x80x125xi32, #tpu.memory_space<hbm>>
      %dma_wait3A_262 = tpu.memref_squeeze %dma_wait3A_261 : memref<1x80x125xi32, #tpu.memory_space<hbm>> -> memref<80x125xi32, #tpu.memory_space<hbm>>
      %dma_wait3A_263 = arith.constant 0 : i32
      %dma_wait3A_264 = tpu.memref_slice %arg3[%run_scoped3A_23, %mul3A_22, %dma_wait3A_263] : memref<2x2560x125xi32, #tpu.memory_space<hbm>> -> memref<1x80x125xi32, #tpu.memory_space<hbm>>
      %dma_wait3A_265 = tpu.memref_squeeze %dma_wait3A_264 : memref<1x80x125xi32, #tpu.memory_space<hbm>> -> memref<80x125xi32, #tpu.memory_space<hbm>>
      tpu.wait_dma2 semaphore(%run_scoped3A_253 : memref<!tpu.dma_semaphore, #tpu.memory_space<semaphore_mem>>) src(%dma_wait3A_265 : memref<80x125xi32, #tpu.memory_space<hbm>>) dst(%arg7 : memref<80x125xi32, #tpu.memory_space<vmem>>)
      tpu.yield
    }) : () -> ()
    %dma_start3A = arith.constant 0 : i32
    %dma_start3A_24 = arith.constant 0 : i32
    %dma_start3A_25 = tpu.memref_slice %arg7[%dma_start3A, %dma_start3A_24] : memref<80x125xi32, #tpu.memory_space<vmem>> -> memref<1x125xi32, #tpu.memory_space<vmem>>
    %dma_start3A_26 = tpu.memref_squeeze %dma_start3A_25 : memref<1x125xi32, #tpu.memory_space<vmem>> -> memref<125xi32, #tpu.memory_space<vmem>>
    %dma_start3A_27 = arith.constant 0 : i32
    %dma_start3A_28 = arith.constant 0 : i32
    %dma_start3A_29 = tpu.memref_slice %arg2[%dma_start3A_27, %dma_start3A_28] : memref<10000x128xbf16, #tpu.memory_space<hbm>> -> memref<10000x128xbf16, #tpu.memory_space<hbm>>
    tpu.enqueue_indirect_dma source(%dma_start3A_29 : memref<10000x128xbf16, #tpu.memory_space<hbm>>) target(%arg8 : memref<125x128xbf16, #tpu.memory_space<vmem>>) offsets(%dma_start3A_26 : memref<125xi32, #tpu.memory_space<vmem>>) semaphore(%arg24 : memref<!tpu.dma_semaphore, #tpu.memory_space<semaphore_mem>>)
    %dma_start3A_30 = arith.constant 1 : i32
    %dma_start3A_31 = arith.constant 0 : i32
    %dma_start3A_32 = tpu.memref_slice %arg7[%dma_start3A_30, %dma_start3A_31] : memref<80x125xi32, #tpu.memory_space<vmem>> -> memref<1x125xi32, #tpu.memory_space<vmem>>
    %dma_start3A_33 = tpu.memref_squeeze %dma_start3A_32 : memref<1x125xi32, #tpu.memory_space<vmem>> -> memref<125xi32, #tpu.memory_space<vmem>>
    %dma_start3A_34 = arith.constant 0 : i32
    %dma_start3A_35 = arith.constant 0 : i32
    %dma_start3A_36 = tpu.memref_slice %arg2[%dma_start3A_34, %dma_start3A_35] : memref<10000x128xbf16, #tpu.memory_space<hbm>> -> memref<10000x128xbf16, #tpu.memory_space<hbm>>
    tpu.enqueue_indirect_dma source(%dma_start3A_36 : memref<10000x128xbf16, #tpu.memory_space<hbm>>) target(%arg9 : memref<125x128xbf16, #tpu.memory_space<vmem>>) offsets(%dma_start3A_33 : memref<125xi32, #tpu.memory_space<vmem>>) semaphore(%arg25 : memref<!tpu.dma_semaphore, #tpu.memory_space<semaphore_mem>>)
    %dma_start3A_37 = arith.constant 2 : i32
    %dma_start3A_38 = arith.constant 0 : i32
    %dma_start3A_39 = tpu.memref_slice %arg7[%dma_start3A_37, %dma_start3A_38] : memref<80x125xi32, #tpu.memory_space<vmem>> -> memref<1x125xi32, #tpu.memory_space<vmem>>
    %dma_start3A_40 = tpu.memref_squeeze %dma_start3A_39 : memref<1x125xi32, #tpu.memory_space<vmem>> -> memref<125xi32, #tpu.memory_space<vmem>>
    %dma_start3A_41 = arith.constant 0 : i32
    %dma_start3A_42 = arith.constant 0 : i32
    %dma_start3A_43 = tpu.memref_slice %arg2[%dma_start3A_41, %dma_start3A_42] : memref<10000x128xbf16, #tpu.memory_space<hbm>> -> memref<10000x128xbf16, #tpu.memory_space<hbm>>
    tpu.enqueue_indirect_dma source(%dma_start3A_43 : memref<10000x128xbf16, #tpu.memory_space<hbm>>) target(%arg10 : memref<125x128xbf16, #tpu.memory_space<vmem>>) offsets(%dma_start3A_40 : memref<125xi32, #tpu.memory_space<vmem>>) semaphore(%arg26 : memref<!tpu.dma_semaphore, #tpu.memory_space<semaphore_mem>>)
    %dma_start3A_44 = arith.constant 3 : i32
    %dma_start3A_45 = arith.constant 0 : i32
    %dma_start3A_46 = tpu.memref_slice %arg7[%dma_start3A_44, %dma_start3A_45] : memref<80x125xi32, #tpu.memory_space<vmem>> -> memref<1x125xi32, #tpu.memory_space<vmem>>
    %dma_start3A_47 = tpu.memref_squeeze %dma_start3A_46 : memref<1x125xi32, #tpu.memory_space<vmem>> -> memref<125xi32, #tpu.memory_space<vmem>>
    %dma_start3A_48 = arith.constant 0 : i32
    %dma_start3A_49 = arith.constant 0 : i32
    %dma_start3A_50 = tpu.memref_slice %arg2[%dma_start3A_48, %dma_start3A_49] : memref<10000x128xbf16, #tpu.memory_space<hbm>> -> memref<10000x128xbf16, #tpu.memory_space<hbm>>
    tpu.enqueue_indirect_dma source(%dma_start3A_50 : memref<10000x128xbf16, #tpu.memory_space<hbm>>) target(%arg11 : memref<125x128xbf16, #tpu.memory_space<vmem>>) offsets(%dma_start3A_47 : memref<125xi32, #tpu.memory_space<vmem>>) semaphore(%arg27 : memref<!tpu.dma_semaphore, #tpu.memory_space<semaphore_mem>>)
    %dma_start3A_51 = arith.constant 4 : i32
    %dma_start3A_52 = arith.constant 0 : i32
    %dma_start3A_53 = tpu.memref_slice %arg7[%dma_start3A_51, %dma_start3A_52] : memref<80x125xi32, #tpu.memory_space<vmem>> -> memref<1x125xi32, #tpu.memory_space<vmem>>
    %dma_start3A_54 = tpu.memref_squeeze %dma_start3A_53 : memref<1x125xi32, #tpu.memory_space<vmem>> -> memref<125xi32, #tpu.memory_space<vmem>>
    %dma_start3A_55 = arith.constant 0 : i32
    %dma_start3A_56 = arith.constant 0 : i32
    %dma_start3A_57 = tpu.memref_slice %arg2[%dma_start3A_55, %dma_start3A_56] : memref<10000x128xbf16, #tpu.memory_space<hbm>> -> memref<10000x128xbf16, #tpu.memory_space<hbm>>
    tpu.enqueue_indirect_dma source(%dma_start3A_57 : memref<10000x128xbf16, #tpu.memory_space<hbm>>) target(%arg12 : memref<125x128xbf16, #tpu.memory_space<vmem>>) offsets(%dma_start3A_54 : memref<125xi32, #tpu.memory_space<vmem>>) semaphore(%arg28 : memref<!tpu.dma_semaphore, #tpu.memory_space<semaphore_mem>>)
    %dma_start3A_58 = arith.constant 5 : i32
    %dma_start3A_59 = arith.constant 0 : i32
    %dma_start3A_60 = tpu.memref_slice %arg7[%dma_start3A_58, %dma_start3A_59] : memref<80x125xi32, #tpu.memory_space<vmem>> -> memref<1x125xi32, #tpu.memory_space<vmem>>
    %dma_start3A_61 = tpu.memref_squeeze %dma_start3A_60 : memref<1x125xi32, #tpu.memory_space<vmem>> -> memref<125xi32, #tpu.memory_space<vmem>>
    %dma_start3A_62 = arith.constant 0 : i32
    %dma_start3A_63 = arith.constant 0 : i32
    %dma_start3A_64 = tpu.memref_slice %arg2[%dma_start3A_62, %dma_start3A_63] : memref<10000x128xbf16, #tpu.memory_space<hbm>> -> memref<10000x128xbf16, #tpu.memory_space<hbm>>
    tpu.enqueue_indirect_dma source(%dma_start3A_64 : memref<10000x128xbf16, #tpu.memory_space<hbm>>) target(%arg13 : memref<125x128xbf16, #tpu.memory_space<vmem>>) offsets(%dma_start3A_61 : memref<125xi32, #tpu.memory_space<vmem>>) semaphore(%arg29 : memref<!tpu.dma_semaphore, #tpu.memory_space<semaphore_mem>>)
    %dma_wait3A = arith.constant 0 : i32
    %dma_wait3A_65 = arith.constant 0 : i32
    %dma_wait3A_66 = tpu.memref_slice %arg7[%dma_wait3A, %dma_wait3A_65] : memref<80x125xi32, #tpu.memory_space<vmem>> -> memref<1x125xi32, #tpu.memory_space<vmem>>
    %dma_wait3A_67 = tpu.memref_squeeze %dma_wait3A_66 : memref<1x125xi32, #tpu.memory_space<vmem>> -> memref<125xi32, #tpu.memory_space<vmem>>
    %dma_wait3A_68 = arith.constant 0 : i32
    %dma_wait3A_69 = arith.constant 0 : i32
    %dma_wait3A_70 = tpu.memref_slice %arg2[%dma_wait3A_68, %dma_wait3A_69] : memref<10000x128xbf16, #tpu.memory_space<hbm>> -> memref<10000x128xbf16, #tpu.memory_space<hbm>>
    tpu.wait_indirect_dma semaphore(%arg24 : memref<!tpu.dma_semaphore, #tpu.memory_space<semaphore_mem>>) src(%dma_wait3A_70 : memref<10000x128xbf16, #tpu.memory_space<hbm>>) dst(%arg8 : memref<125x128xbf16, #tpu.memory_space<vmem>>)
    %dma_start3A_71 = arith.constant 0 : i32
    %dma_start3A_72 = arith.constant 0 : i32
    %dma_start3A_73 = tpu.memref_slice %arg6[%dma_start3A_71, %dma_start3A_72] : memref<80x125xi32, #tpu.memory_space<vmem>> -> memref<1x125xi32, #tpu.memory_space<vmem>>
    %dma_start3A_74 = tpu.memref_squeeze %dma_start3A_73 : memref<1x125xi32, #tpu.memory_space<vmem>> -> memref<125xi32, #tpu.memory_space<vmem>>
    %dma_start3A_75 = arith.constant 0 : i32
    %dma_start3A_76 = arith.constant 0 : i32
    %dma_start3A_77 = tpu.memref_slice %arg5[%dma_start3A_75, %dma_start3A_76] : memref<10000x128xbf16, #tpu.memory_space<vmem_shared>> -> memref<10000x128xbf16, #tpu.memory_space<vmem_shared>>
    tpu.enqueue_indirect_dma source(%arg8 : memref<125x128xbf16, #tpu.memory_space<vmem>>) target(%dma_start3A_77 : memref<10000x128xbf16, #tpu.memory_space<vmem_shared>>) offsets(%dma_start3A_74 : memref<125xi32, #tpu.memory_space<vmem>>) semaphore(%arg16 : memref<!tpu.dma_semaphore, #tpu.memory_space<semaphore_mem>>) {add = true}
    %dma_start3A_78 = arith.constant 6 : i32
    %dma_start3A_79 = arith.constant 0 : i32
    %dma_start3A_80 = tpu.memref_slice %arg7[%dma_start3A_78, %dma_start3A_79] : memref<80x125xi32, #tpu.memory_space<vmem>> -> memref<1x125xi32, #tpu.memory_space<vmem>>
    %dma_start3A_81 = tpu.memref_squeeze %dma_start3A_80 : memref<1x125xi32, #tpu.memory_space<vmem>> -> memref<125xi32, #tpu.memory_space<vmem>>
    %dma_start3A_82 = arith.constant 0 : i32
    %dma_start3A_83 = arith.constant 0 : i32
    %dma_start3A_84 = tpu.memref_slice %arg2[%dma_start3A_82, %dma_start3A_83] : memref<10000x128xbf16, #tpu.memory_space<hbm>> -> memref<10000x128xbf16, #tpu.memory_space<hbm>>
    tpu.enqueue_indirect_dma source(%dma_start3A_84 : memref<10000x128xbf16, #tpu.memory_space<hbm>>) target(%arg14 : memref<125x128xbf16, #tpu.memory_space<vmem>>) offsets(%dma_start3A_81 : memref<125xi32, #tpu.memory_space<vmem>>) semaphore(%arg30 : memref<!tpu.dma_semaphore, #tpu.memory_space<semaphore_mem>>)
    %dma_wait3A_85 = arith.constant 0 : i32
    %dma_wait3A_86 = arith.constant 0 : i32
    %dma_wait3A_87 = tpu.memref_slice %arg7[%dma_wait3A_85, %dma_wait3A_86] : memref<80x125xi32, #tpu.memory_space<vmem>> -> memref<1x125xi32, #tpu.memory_space<vmem>>
    %dma_wait3A_88 = tpu.memref_squeeze %dma_wait3A_87 : memref<1x125xi32, #tpu.memory_space<vmem>> -> memref<125xi32, #tpu.memory_space<vmem>>
    %dma_wait3A_89 = arith.constant 0 : i32
    %dma_wait3A_90 = arith.constant 0 : i32
    %dma_wait3A_91 = tpu.memref_slice %arg2[%dma_wait3A_89, %dma_wait3A_90] : memref<10000x128xbf16, #tpu.memory_space<hbm>> -> memref<10000x128xbf16, #tpu.memory_space<hbm>>
    tpu.wait_indirect_dma semaphore(%arg25 : memref<!tpu.dma_semaphore, #tpu.memory_space<semaphore_mem>>) src(%dma_wait3A_91 : memref<10000x128xbf16, #tpu.memory_space<hbm>>) dst(%arg9 : memref<125x128xbf16, #tpu.memory_space<vmem>>)
    %dma_start3A_92 = arith.constant 1 : i32
    %dma_start3A_93 = arith.constant 0 : i32
    %dma_start3A_94 = tpu.memref_slice %arg6[%dma_start3A_92, %dma_start3A_93] : memref<80x125xi32, #tpu.memory_space<vmem>> -> memref<1x125xi32, #tpu.memory_space<vmem>>
    %dma_start3A_95 = tpu.memref_squeeze %dma_start3A_94 : memref<1x125xi32, #tpu.memory_space<vmem>> -> memref<125xi32, #tpu.memory_space<vmem>>
    %dma_start3A_96 = arith.constant 0 : i32
    %dma_start3A_97 = arith.constant 0 : i32
    %dma_start3A_98 = tpu.memref_slice %arg5[%dma_start3A_96, %dma_start3A_97] : memref<10000x128xbf16, #tpu.memory_space<vmem_shared>> -> memref<10000x128xbf16, #tpu.memory_space<vmem_shared>>
    tpu.enqueue_indirect_dma source(%arg9 : memref<125x128xbf16, #tpu.memory_space<vmem>>) target(%dma_start3A_98 : memref<10000x128xbf16, #tpu.memory_space<vmem_shared>>) offsets(%dma_start3A_95 : memref<125xi32, #tpu.memory_space<vmem>>) semaphore(%arg17 : memref<!tpu.dma_semaphore, #tpu.memory_space<semaphore_mem>>) {add = true}
    %dma_start3A_99 = arith.constant 7 : i32
    %dma_start3A_100 = arith.constant 0 : i32
    %dma_start3A_101 = tpu.memref_slice %arg7[%dma_start3A_99, %dma_start3A_100] : memref<80x125xi32, #tpu.memory_space<vmem>> -> memref<1x125xi32, #tpu.memory_space<vmem>>
    %dma_start3A_102 = tpu.memref_squeeze %dma_start3A_101 : memref<1x125xi32, #tpu.memory_space<vmem>> -> memref<125xi32, #tpu.memory_space<vmem>>
    %dma_start3A_103 = arith.constant 0 : i32
    %dma_start3A_104 = arith.constant 0 : i32
    %dma_start3A_105 = tpu.memref_slice %arg2[%dma_start3A_103, %dma_start3A_104] : memref<10000x128xbf16, #tpu.memory_space<hbm>> -> memref<10000x128xbf16, #tpu.memory_space<hbm>>
    tpu.enqueue_indirect_dma source(%dma_start3A_105 : memref<10000x128xbf16, #tpu.memory_space<hbm>>) target(%arg15 : memref<125x128xbf16, #tpu.memory_space<vmem>>) offsets(%dma_start3A_102 : memref<125xi32, #tpu.memory_space<vmem>>) semaphore(%arg31 : memref<!tpu.dma_semaphore, #tpu.memory_space<semaphore_mem>>)
    %scan3A_106 = arith.constant 0 : i32
    %scan3A_107 = arith.constant 0 : i32
    %scan3A_108 = arith.constant 9 : i32
    %scan3A_109 = arith.addi %scan3A_107, %scan3A_108 : i32
    %scan3A_110 = arith.constant 1 : i32
    scf.for %scan3A_253 = %scan3A_107 to %scan3A_109 step %scan3A_110  : i32 {
      %mul3A_254 = arith.constant 8 : i32
      %mul3A_255 = arith.muli %mul3A_254, %scan3A_253 : i32
      %add3A_256 = arith.constant 2 : i32
      %add3A_257 = arith.addi %add3A_256, %mul3A_255 : i32
      %add3A_258 = arith.constant 0 : i32
      %add3A_259 = arith.addi %add3A_257, %add3A_258 : i32
      %dma_wait3A_260 = arith.constant 0 : i32
      %dma_wait3A_261 = arith.constant 0 : i32
      %dma_wait3A_262 = tpu.memref_slice %arg7[%dma_wait3A_260, %dma_wait3A_261] : memref<80x125xi32, #tpu.memory_space<vmem>> -> memref<1x125xi32, #tpu.memory_space<vmem>>
      %dma_wait3A_263 = tpu.memref_squeeze %dma_wait3A_262 : memref<1x125xi32, #tpu.memory_space<vmem>> -> memref<125xi32, #tpu.memory_space<vmem>>
      %dma_wait3A_264 = arith.constant 0 : i32
      %dma_wait3A_265 = arith.constant 0 : i32
      %dma_wait3A_266 = tpu.memref_slice %arg2[%dma_wait3A_264, %dma_wait3A_265] : memref<10000x128xbf16, #tpu.memory_space<hbm>> -> memref<10000x128xbf16, #tpu.memory_space<hbm>>
      tpu.wait_indirect_dma semaphore(%arg26 : memref<!tpu.dma_semaphore, #tpu.memory_space<semaphore_mem>>) src(%dma_wait3A_266 : memref<10000x128xbf16, #tpu.memory_space<hbm>>) dst(%arg10 : memref<125x128xbf16, #tpu.memory_space<vmem>>)
      %dma_start3A_267 = arith.constant 0 : i32
      %dma_start3A_268 = tpu.memref_slice %arg6[%add3A_259, %dma_start3A_267] : memref<80x125xi32, #tpu.memory_space<vmem>> -> memref<1x125xi32, #tpu.memory_space<vmem>>
      %dma_start3A_269 = tpu.memref_squeeze %dma_start3A_268 : memref<1x125xi32, #tpu.memory_space<vmem>> -> memref<125xi32, #tpu.memory_space<vmem>>
      %dma_start3A_270 = arith.constant 0 : i32
      %dma_start3A_271 = arith.constant 0 : i32
      %dma_start3A_272 = tpu.memref_slice %arg5[%dma_start3A_270, %dma_start3A_271] : memref<10000x128xbf16, #tpu.memory_space<vmem_shared>> -> memref<10000x128xbf16, #tpu.memory_space<vmem_shared>>
      tpu.enqueue_indirect_dma source(%arg10 : memref<125x128xbf16, #tpu.memory_space<vmem>>) target(%dma_start3A_272 : memref<10000x128xbf16, #tpu.memory_space<vmem_shared>>) offsets(%dma_start3A_269 : memref<125xi32, #tpu.memory_space<vmem>>) semaphore(%arg18 : memref<!tpu.dma_semaphore, #tpu.memory_space<semaphore_mem>>) {add = true}
      %dma_wait3A_273 = arith.constant 0 : i32
      %dma_wait3A_274 = arith.constant 0 : i32
      %dma_wait3A_275 = tpu.memref_slice %arg6[%dma_wait3A_273, %dma_wait3A_274] : memref<80x125xi32, #tpu.memory_space<vmem>> -> memref<1x125xi32, #tpu.memory_space<vmem>>
      %dma_wait3A_276 = tpu.memref_squeeze %dma_wait3A_275 : memref<1x125xi32, #tpu.memory_space<vmem>> -> memref<125xi32, #tpu.memory_space<vmem>>
      %dma_wait3A_277 = arith.constant 0 : i32
      %dma_wait3A_278 = arith.constant 0 : i32
      %dma_wait3A_279 = tpu.memref_slice %arg5[%dma_wait3A_277, %dma_wait3A_278] : memref<10000x128xbf16, #tpu.memory_space<vmem_shared>> -> memref<10000x128xbf16, #tpu.memory_space<vmem_shared>>
      tpu.wait_indirect_dma semaphore(%arg16 : memref<!tpu.dma_semaphore, #tpu.memory_space<semaphore_mem>>) src(%arg8 : memref<125x128xbf16, #tpu.memory_space<vmem>>) dst(%dma_wait3A_279 : memref<10000x128xbf16, #tpu.memory_space<vmem_shared>>)
      %add3A_280 = arith.constant 6 : i32
      %add3A_281 = arith.addi %add3A_259, %add3A_280 : i32
      %dma_start3A_282 = arith.constant 0 : i32
      %dma_start3A_283 = tpu.memref_slice %arg7[%add3A_281, %dma_start3A_282] : memref<80x125xi32, #tpu.memory_space<vmem>> -> memref<1x125xi32, #tpu.memory_space<vmem>>
      %dma_start3A_284 = tpu.memref_squeeze %dma_start3A_283 : memref<1x125xi32, #tpu.memory_space<vmem>> -> memref<125xi32, #tpu.memory_space<vmem>>
      %dma_start3A_285 = arith.constant 0 : i32
      %dma_start3A_286 = arith.constant 0 : i32
      %dma_start3A_287 = tpu.memref_slice %arg2[%dma_start3A_285, %dma_start3A_286] : memref<10000x128xbf16, #tpu.memory_space<hbm>> -> memref<10000x128xbf16, #tpu.memory_space<hbm>>
      tpu.enqueue_indirect_dma source(%dma_start3A_287 : memref<10000x128xbf16, #tpu.memory_space<hbm>>) target(%arg8 : memref<125x128xbf16, #tpu.memory_space<vmem>>) offsets(%dma_start3A_284 : memref<125xi32, #tpu.memory_space<vmem>>) semaphore(%arg24 : memref<!tpu.dma_semaphore, #tpu.memory_space<semaphore_mem>>)
      %add3A_288 = arith.constant 1 : i32
      %add3A_289 = arith.addi %add3A_257, %add3A_288 : i32
      %dma_wait3A_290 = arith.constant 0 : i32
      %dma_wait3A_291 = arith.constant 0 : i32
      %dma_wait3A_292 = tpu.memref_slice %arg7[%dma_wait3A_290, %dma_wait3A_291] : memref<80x125xi32, #tpu.memory_space<vmem>> -> memref<1x125xi32, #tpu.memory_space<vmem>>
      %dma_wait3A_293 = tpu.memref_squeeze %dma_wait3A_292 : memref<1x125xi32, #tpu.memory_space<vmem>> -> memref<125xi32, #tpu.memory_space<vmem>>
      %dma_wait3A_294 = arith.constant 0 : i32
      %dma_wait3A_295 = arith.constant 0 : i32
      %dma_wait3A_296 = tpu.memref_slice %arg2[%dma_wait3A_294, %dma_wait3A_295] : memref<10000x128xbf16, #tpu.memory_space<hbm>> -> memref<10000x128xbf16, #tpu.memory_space<hbm>>
      tpu.wait_indirect_dma semaphore(%arg27 : memref<!tpu.dma_semaphore, #tpu.memory_space<semaphore_mem>>) src(%dma_wait3A_296 : memref<10000x128xbf16, #tpu.memory_space<hbm>>) dst(%arg11 : memref<125x128xbf16, #tpu.memory_space<vmem>>)
      %dma_start3A_297 = arith.constant 0 : i32
      %dma_start3A_298 = tpu.memref_slice %arg6[%add3A_289, %dma_start3A_297] : memref<80x125xi32, #tpu.memory_space<vmem>> -> memref<1x125xi32, #tpu.memory_space<vmem>>
      %dma_start3A_299 = tpu.memref_squeeze %dma_start3A_298 : memref<1x125xi32, #tpu.memory_space<vmem>> -> memref<125xi32, #tpu.memory_space<vmem>>
      %dma_start3A_300 = arith.constant 0 : i32
      %dma_start3A_301 = arith.constant 0 : i32
      %dma_start3A_302 = tpu.memref_slice %arg5[%dma_start3A_300, %dma_start3A_301] : memref<10000x128xbf16, #tpu.memory_space<vmem_shared>> -> memref<10000x128xbf16, #tpu.memory_space<vmem_shared>>
      tpu.enqueue_indirect_dma source(%arg11 : memref<125x128xbf16, #tpu.memory_space<vmem>>) target(%dma_start3A_302 : memref<10000x128xbf16, #tpu.memory_space<vmem_shared>>) offsets(%dma_start3A_299 : memref<125xi32, #tpu.memory_space<vmem>>) semaphore(%arg19 : memref<!tpu.dma_semaphore, #tpu.memory_space<semaphore_mem>>) {add = true}
      %dma_wait3A_303 = arith.constant 0 : i32
      %dma_wait3A_304 = arith.constant 0 : i32
      %dma_wait3A_305 = tpu.memref_slice %arg6[%dma_wait3A_303, %dma_wait3A_304] : memref<80x125xi32, #tpu.memory_space<vmem>> -> memref<1x125xi32, #tpu.memory_space<vmem>>
      %dma_wait3A_306 = tpu.memref_squeeze %dma_wait3A_305 : memref<1x125xi32, #tpu.memory_space<vmem>> -> memref<125xi32, #tpu.memory_space<vmem>>
      %dma_wait3A_307 = arith.constant 0 : i32
      %dma_wait3A_308 = arith.constant 0 : i32
      %dma_wait3A_309 = tpu.memref_slice %arg5[%dma_wait3A_307, %dma_wait3A_308] : memref<10000x128xbf16, #tpu.memory_space<vmem_shared>> -> memref<10000x128xbf16, #tpu.memory_space<vmem_shared>>
      tpu.wait_indirect_dma semaphore(%arg17 : memref<!tpu.dma_semaphore, #tpu.memory_space<semaphore_mem>>) src(%arg9 : memref<125x128xbf16, #tpu.memory_space<vmem>>) dst(%dma_wait3A_309 : memref<10000x128xbf16, #tpu.memory_space<vmem_shared>>)
      %add3A_310 = arith.constant 6 : i32
      %add3A_311 = arith.addi %add3A_289, %add3A_310 : i32
      %dma_start3A_312 = arith.constant 0 : i32
      %dma_start3A_313 = tpu.memref_slice %arg7[%add3A_311, %dma_start3A_312] : memref<80x125xi32, #tpu.memory_space<vmem>> -> memref<1x125xi32, #tpu.memory_space<vmem>>
      %dma_start3A_314 = tpu.memref_squeeze %dma_start3A_313 : memref<1x125xi32, #tpu.memory_space<vmem>> -> memref<125xi32, #tpu.memory_space<vmem>>
      %dma_start3A_315 = arith.constant 0 : i32
      %dma_start3A_316 = arith.constant 0 : i32
      %dma_start3A_317 = tpu.memref_slice %arg2[%dma_start3A_315, %dma_start3A_316] : memref<10000x128xbf16, #tpu.memory_space<hbm>> -> memref<10000x128xbf16, #tpu.memory_space<hbm>>
      tpu.enqueue_indirect_dma source(%dma_start3A_317 : memref<10000x128xbf16, #tpu.memory_space<hbm>>) target(%arg9 : memref<125x128xbf16, #tpu.memory_space<vmem>>) offsets(%dma_start3A_314 : memref<125xi32, #tpu.memory_space<vmem>>) semaphore(%arg25 : memref<!tpu.dma_semaphore, #tpu.memory_space<semaphore_mem>>)
      %add3A_318 = arith.constant 2 : i32
      %add3A_319 = arith.addi %add3A_257, %add3A_318 : i32
      %dma_wait3A_320 = arith.constant 0 : i32
      %dma_wait3A_321 = arith.constant 0 : i32
      %dma_wait3A_322 = tpu.memref_slice %arg7[%dma_wait3A_320, %dma_wait3A_321] : memref<80x125xi32, #tpu.memory_space<vmem>> -> memref<1x125xi32, #tpu.memory_space<vmem>>
      %dma_wait3A_323 = tpu.memref_squeeze %dma_wait3A_322 : memref<1x125xi32, #tpu.memory_space<vmem>> -> memref<125xi32, #tpu.memory_space<vmem>>
      %dma_wait3A_324 = arith.constant 0 : i32
      %dma_wait3A_325 = arith.constant 0 : i32
      %dma_wait3A_326 = tpu.memref_slice %arg2[%dma_wait3A_324, %dma_wait3A_325] : memref<10000x128xbf16, #tpu.memory_space<hbm>> -> memref<10000x128xbf16, #tpu.memory_space<hbm>>
      tpu.wait_indirect_dma semaphore(%arg28 : memref<!tpu.dma_semaphore, #tpu.memory_space<semaphore_mem>>) src(%dma_wait3A_326 : memref<10000x128xbf16, #tpu.memory_space<hbm>>) dst(%arg12 : memref<125x128xbf16, #tpu.memory_space<vmem>>)
      %dma_start3A_327 = arith.constant 0 : i32
      %dma_start3A_328 = tpu.memref_slice %arg6[%add3A_319, %dma_start3A_327] : memref<80x125xi32, #tpu.memory_space<vmem>> -> memref<1x125xi32, #tpu.memory_space<vmem>>
      %dma_start3A_329 = tpu.memref_squeeze %dma_start3A_328 : memref<1x125xi32, #tpu.memory_space<vmem>> -> memref<125xi32, #tpu.memory_space<vmem>>
      %dma_start3A_330 = arith.constant 0 : i32
      %dma_start3A_331 = arith.constant 0 : i32
      %dma_start3A_332 = tpu.memref_slice %arg5[%dma_start3A_330, %dma_start3A_331] : memref<10000x128xbf16, #tpu.memory_space<vmem_shared>> -> memref<10000x128xbf16, #tpu.memory_space<vmem_shared>>
      tpu.enqueue_indirect_dma source(%arg12 : memref<125x128xbf16, #tpu.memory_space<vmem>>) target(%dma_start3A_332 : memref<10000x128xbf16, #tpu.memory_space<vmem_shared>>) offsets(%dma_start3A_329 : memref<125xi32, #tpu.memory_space<vmem>>) semaphore(%arg20 : memref<!tpu.dma_semaphore, #tpu.memory_space<semaphore_mem>>) {add = true}
      %dma_wait3A_333 = arith.constant 0 : i32
      %dma_wait3A_334 = arith.constant 0 : i32
      %dma_wait3A_335 = tpu.memref_slice %arg6[%dma_wait3A_333, %dma_wait3A_334] : memref<80x125xi32, #tpu.memory_space<vmem>> -> memref<1x125xi32, #tpu.memory_space<vmem>>
      %dma_wait3A_336 = tpu.memref_squeeze %dma_wait3A_335 : memref<1x125xi32, #tpu.memory_space<vmem>> -> memref<125xi32, #tpu.memory_space<vmem>>
      %dma_wait3A_337 = arith.constant 0 : i32
      %dma_wait3A_338 = arith.constant 0 : i32
      %dma_wait3A_339 = tpu.memref_slice %arg5[%dma_wait3A_337, %dma_wait3A_338] : memref<10000x128xbf16, #tpu.memory_space<vmem_shared>> -> memref<10000x128xbf16, #tpu.memory_space<vmem_shared>>
      tpu.wait_indirect_dma semaphore(%arg18 : memref<!tpu.dma_semaphore, #tpu.memory_space<semaphore_mem>>) src(%arg10 : memref<125x128xbf16, #tpu.memory_space<vmem>>) dst(%dma_wait3A_339 : memref<10000x128xbf16, #tpu.memory_space<vmem_shared>>)
      %add3A_340 = arith.constant 6 : i32
      %add3A_341 = arith.addi %add3A_319, %add3A_340 : i32
      %dma_start3A_342 = arith.constant 0 : i32
      %dma_start3A_343 = tpu.memref_slice %arg7[%add3A_341, %dma_start3A_342] : memref<80x125xi32, #tpu.memory_space<vmem>> -> memref<1x125xi32, #tpu.memory_space<vmem>>
      %dma_start3A_344 = tpu.memref_squeeze %dma_start3A_343 : memref<1x125xi32, #tpu.memory_space<vmem>> -> memref<125xi32, #tpu.memory_space<vmem>>
      %dma_start3A_345 = arith.constant 0 : i32
      %dma_start3A_346 = arith.constant 0 : i32
      %dma_start3A_347 = tpu.memref_slice %arg2[%dma_start3A_345, %dma_start3A_346] : memref<10000x128xbf16, #tpu.memory_space<hbm>> -> memref<10000x128xbf16, #tpu.memory_space<hbm>>
      tpu.enqueue_indirect_dma source(%dma_start3A_347 : memref<10000x128xbf16, #tpu.memory_space<hbm>>) target(%arg10 : memref<125x128xbf16, #tpu.memory_space<vmem>>) offsets(%dma_start3A_344 : memref<125xi32, #tpu.memory_space<vmem>>) semaphore(%arg26 : memref<!tpu.dma_semaphore, #tpu.memory_space<semaphore_mem>>)
      %add3A_348 = arith.constant 3 : i32
      %add3A_349 = arith.addi %add3A_257, %add3A_348 : i32
      %dma_wait3A_350 = arith.constant 0 : i32
      %dma_wait3A_351 = arith.constant 0 : i32
      %dma_wait3A_352 = tpu.memref_slice %arg7[%dma_wait3A_350, %dma_wait3A_351] : memref<80x125xi32, #tpu.memory_space<vmem>> -> memref<1x125xi32, #tpu.memory_space<vmem>>
      %dma_wait3A_353 = tpu.memref_squeeze %dma_wait3A_352 : memref<1x125xi32, #tpu.memory_space<vmem>> -> memref<125xi32, #tpu.memory_space<vmem>>
      %dma_wait3A_354 = arith.constant 0 : i32
      %dma_wait3A_355 = arith.constant 0 : i32
      %dma_wait3A_356 = tpu.memref_slice %arg2[%dma_wait3A_354, %dma_wait3A_355] : memref<10000x128xbf16, #tpu.memory_space<hbm>> -> memref<10000x128xbf16, #tpu.memory_space<hbm>>
      tpu.wait_indirect_dma semaphore(%arg29 : memref<!tpu.dma_semaphore, #tpu.memory_space<semaphore_mem>>) src(%dma_wait3A_356 : memref<10000x128xbf16, #tpu.memory_space<hbm>>) dst(%arg13 : memref<125x128xbf16, #tpu.memory_space<vmem>>)
      %dma_start3A_357 = arith.constant 0 : i32
      %dma_start3A_358 = tpu.memref_slice %arg6[%add3A_349, %dma_start3A_357] : memref<80x125xi32, #tpu.memory_space<vmem>> -> memref<1x125xi32, #tpu.memory_space<vmem>>
      %dma_start3A_359 = tpu.memref_squeeze %dma_start3A_358 : memref<1x125xi32, #tpu.memory_space<vmem>> -> memref<125xi32, #tpu.memory_space<vmem>>
      %dma_start3A_360 = arith.constant 0 : i32
      %dma_start3A_361 = arith.constant 0 : i32
      %dma_start3A_362 = tpu.memref_slice %arg5[%dma_start3A_360, %dma_start3A_361] : memref<10000x128xbf16, #tpu.memory_space<vmem_shared>> -> memref<10000x128xbf16, #tpu.memory_space<vmem_shared>>
      tpu.enqueue_indirect_dma source(%arg13 : memref<125x128xbf16, #tpu.memory_space<vmem>>) target(%dma_start3A_362 : memref<10000x128xbf16, #tpu.memory_space<vmem_shared>>) offsets(%dma_start3A_359 : memref<125xi32, #tpu.memory_space<vmem>>) semaphore(%arg21 : memref<!tpu.dma_semaphore, #tpu.memory_space<semaphore_mem>>) {add = true}
      %dma_wait3A_363 = arith.constant 0 : i32
      %dma_wait3A_364 = arith.constant 0 : i32
      %dma_wait3A_365 = tpu.memref_slice %arg6[%dma_wait3A_363, %dma_wait3A_364] : memref<80x125xi32, #tpu.memory_space<vmem>> -> memref<1x125xi32, #tpu.memory_space<vmem>>
      %dma_wait3A_366 = tpu.memref_squeeze %dma_wait3A_365 : memref<1x125xi32, #tpu.memory_space<vmem>> -> memref<125xi32, #tpu.memory_space<vmem>>
      %dma_wait3A_367 = arith.constant 0 : i32
      %dma_wait3A_368 = arith.constant 0 : i32
      %dma_wait3A_369 = tpu.memref_slice %arg5[%dma_wait3A_367, %dma_wait3A_368] : memref<10000x128xbf16, #tpu.memory_space<vmem_shared>> -> memref<10000x128xbf16, #tpu.memory_space<vmem_shared>>
      tpu.wait_indirect_dma semaphore(%arg19 : memref<!tpu.dma_semaphore, #tpu.memory_space<semaphore_mem>>) src(%arg11 : memref<125x128xbf16, #tpu.memory_space<vmem>>) dst(%dma_wait3A_369 : memref<10000x128xbf16, #tpu.memory_space<vmem_shared>>)
      %add3A_370 = arith.constant 6 : i32
      %add3A_371 = arith.addi %add3A_349, %add3A_370 : i32
      %dma_start3A_372 = arith.constant 0 : i32
      %dma_start3A_373 = tpu.memref_slice %arg7[%add3A_371, %dma_start3A_372] : memref<80x125xi32, #tpu.memory_space<vmem>> -> memref<1x125xi32, #tpu.memory_space<vmem>>
      %dma_start3A_374 = tpu.memref_squeeze %dma_start3A_373 : memref<1x125xi32, #tpu.memory_space<vmem>> -> memref<125xi32, #tpu.memory_space<vmem>>
      %dma_start3A_375 = arith.constant 0 : i32
      %dma_start3A_376 = arith.constant 0 : i32
      %dma_start3A_377 = tpu.memref_slice %arg2[%dma_start3A_375, %dma_start3A_376] : memref<10000x128xbf16, #tpu.memory_space<hbm>> -> memref<10000x128xbf16, #tpu.memory_space<hbm>>
      tpu.enqueue_indirect_dma source(%dma_start3A_377 : memref<10000x128xbf16, #tpu.memory_space<hbm>>) target(%arg11 : memref<125x128xbf16, #tpu.memory_space<vmem>>) offsets(%dma_start3A_374 : memref<125xi32, #tpu.memory_space<vmem>>) semaphore(%arg27 : memref<!tpu.dma_semaphore, #tpu.memory_space<semaphore_mem>>)
      %add3A_378 = arith.constant 4 : i32
      %add3A_379 = arith.addi %add3A_257, %add3A_378 : i32
      %dma_wait3A_380 = arith.constant 0 : i32
      %dma_wait3A_381 = arith.constant 0 : i32
      %dma_wait3A_382 = tpu.memref_slice %arg7[%dma_wait3A_380, %dma_wait3A_381] : memref<80x125xi32, #tpu.memory_space<vmem>> -> memref<1x125xi32, #tpu.memory_space<vmem>>
      %dma_wait3A_383 = tpu.memref_squeeze %dma_wait3A_382 : memref<1x125xi32, #tpu.memory_space<vmem>> -> memref<125xi32, #tpu.memory_space<vmem>>
      %dma_wait3A_384 = arith.constant 0 : i32
      %dma_wait3A_385 = arith.constant 0 : i32
      %dma_wait3A_386 = tpu.memref_slice %arg2[%dma_wait3A_384, %dma_wait3A_385] : memref<10000x128xbf16, #tpu.memory_space<hbm>> -> memref<10000x128xbf16, #tpu.memory_space<hbm>>
      tpu.wait_indirect_dma semaphore(%arg30 : memref<!tpu.dma_semaphore, #tpu.memory_space<semaphore_mem>>) src(%dma_wait3A_386 : memref<10000x128xbf16, #tpu.memory_space<hbm>>) dst(%arg14 : memref<125x128xbf16, #tpu.memory_space<vmem>>)
      %dma_start3A_387 = arith.constant 0 : i32
      %dma_start3A_388 = tpu.memref_slice %arg6[%add3A_379, %dma_start3A_387] : memref<80x125xi32, #tpu.memory_space<vmem>> -> memref<1x125xi32, #tpu.memory_space<vmem>>
      %dma_start3A_389 = tpu.memref_squeeze %dma_start3A_388 : memref<1x125xi32, #tpu.memory_space<vmem>> -> memref<125xi32, #tpu.memory_space<vmem>>
      %dma_start3A_390 = arith.constant 0 : i32
      %dma_start3A_391 = arith.constant 0 : i32
      %dma_start3A_392 = tpu.memref_slice %arg5[%dma_start3A_390, %dma_start3A_391] : memref<10000x128xbf16, #tpu.memory_space<vmem_shared>> -> memref<10000x128xbf16, #tpu.memory_space<vmem_shared>>
      tpu.enqueue_indirect_dma source(%arg14 : memref<125x128xbf16, #tpu.memory_space<vmem>>) target(%dma_start3A_392 : memref<10000x128xbf16, #tpu.memory_space<vmem_shared>>) offsets(%dma_start3A_389 : memref<125xi32, #tpu.memory_space<vmem>>) semaphore(%arg22 : memref<!tpu.dma_semaphore, #tpu.memory_space<semaphore_mem>>) {add = true}
      %dma_wait3A_393 = arith.constant 0 : i32
      %dma_wait3A_394 = arith.constant 0 : i32
      %dma_wait3A_395 = tpu.memref_slice %arg6[%dma_wait3A_393, %dma_wait3A_394] : memref<80x125xi32, #tpu.memory_space<vmem>> -> memref<1x125xi32, #tpu.memory_space<vmem>>
      %dma_wait3A_396 = tpu.memref_squeeze %dma_wait3A_395 : memref<1x125xi32, #tpu.memory_space<vmem>> -> memref<125xi32, #tpu.memory_space<vmem>>
      %dma_wait3A_397 = arith.constant 0 : i32
      %dma_wait3A_398 = arith.constant 0 : i32
      %dma_wait3A_399 = tpu.memref_slice %arg5[%dma_wait3A_397, %dma_wait3A_398] : memref<10000x128xbf16, #tpu.memory_space<vmem_shared>> -> memref<10000x128xbf16, #tpu.memory_space<vmem_shared>>
      tpu.wait_indirect_dma semaphore(%arg20 : memref<!tpu.dma_semaphore, #tpu.memory_space<semaphore_mem>>) src(%arg12 : memref<125x128xbf16, #tpu.memory_space<vmem>>) dst(%dma_wait3A_399 : memref<10000x128xbf16, #tpu.memory_space<vmem_shared>>)
      %add3A_400 = arith.constant 6 : i32
      %add3A_401 = arith.addi %add3A_379, %add3A_400 : i32
      %dma_start3A_402 = arith.constant 0 : i32
      %dma_start3A_403 = tpu.memref_slice %arg7[%add3A_401, %dma_start3A_402] : memref<80x125xi32, #tpu.memory_space<vmem>> -> memref<1x125xi32, #tpu.memory_space<vmem>>
      %dma_start3A_404 = tpu.memref_squeeze %dma_start3A_403 : memref<1x125xi32, #tpu.memory_space<vmem>> -> memref<125xi32, #tpu.memory_space<vmem>>
      %dma_start3A_405 = arith.constant 0 : i32
      %dma_start3A_406 = arith.constant 0 : i32
      %dma_start3A_407 = tpu.memref_slice %arg2[%dma_start3A_405, %dma_start3A_406] : memref<10000x128xbf16, #tpu.memory_space<hbm>> -> memref<10000x128xbf16, #tpu.memory_space<hbm>>
      tpu.enqueue_indirect_dma source(%dma_start3A_407 : memref<10000x128xbf16, #tpu.memory_space<hbm>>) target(%arg12 : memref<125x128xbf16, #tpu.memory_space<vmem>>) offsets(%dma_start3A_404 : memref<125xi32, #tpu.memory_space<vmem>>) semaphore(%arg28 : memref<!tpu.dma_semaphore, #tpu.memory_space<semaphore_mem>>)
      %add3A_408 = arith.constant 5 : i32
      %add3A_409 = arith.addi %add3A_257, %add3A_408 : i32
      %dma_wait3A_410 = arith.constant 0 : i32
      %dma_wait3A_411 = arith.constant 0 : i32
      %dma_wait3A_412 = tpu.memref_slice %arg7[%dma_wait3A_410, %dma_wait3A_411] : memref<80x125xi32, #tpu.memory_space<vmem>> -> memref<1x125xi32, #tpu.memory_space<vmem>>
      %dma_wait3A_413 = tpu.memref_squeeze %dma_wait3A_412 : memref<1x125xi32, #tpu.memory_space<vmem>> -> memref<125xi32, #tpu.memory_space<vmem>>
      %dma_wait3A_414 = arith.constant 0 : i32
      %dma_wait3A_415 = arith.constant 0 : i32
      %dma_wait3A_416 = tpu.memref_slice %arg2[%dma_wait3A_414, %dma_wait3A_415] : memref<10000x128xbf16, #tpu.memory_space<hbm>> -> memref<10000x128xbf16, #tpu.memory_space<hbm>>
      tpu.wait_indirect_dma semaphore(%arg31 : memref<!tpu.dma_semaphore, #tpu.memory_space<semaphore_mem>>) src(%dma_wait3A_416 : memref<10000x128xbf16, #tpu.memory_space<hbm>>) dst(%arg15 : memref<125x128xbf16, #tpu.memory_space<vmem>>)
      %dma_start3A_417 = arith.constant 0 : i32
      %dma_start3A_418 = tpu.memref_slice %arg6[%add3A_409, %dma_start3A_417] : memref<80x125xi32, #tpu.memory_space<vmem>> -> memref<1x125xi32, #tpu.memory_space<vmem>>
      %dma_start3A_419 = tpu.memref_squeeze %dma_start3A_418 : memref<1x125xi32, #tpu.memory_space<vmem>> -> memref<125xi32, #tpu.memory_space<vmem>>
      %dma_start3A_420 = arith.constant 0 : i32
      %dma_start3A_421 = arith.constant 0 : i32
      %dma_start3A_422 = tpu.memref_slice %arg5[%dma_start3A_420, %dma_start3A_421] : memref<10000x128xbf16, #tpu.memory_space<vmem_shared>> -> memref<10000x128xbf16, #tpu.memory_space<vmem_shared>>
      tpu.enqueue_indirect_dma source(%arg15 : memref<125x128xbf16, #tpu.memory_space<vmem>>) target(%dma_start3A_422 : memref<10000x128xbf16, #tpu.memory_space<vmem_shared>>) offsets(%dma_start3A_419 : memref<125xi32, #tpu.memory_space<vmem>>) semaphore(%arg23 : memref<!tpu.dma_semaphore, #tpu.memory_space<semaphore_mem>>) {add = true}
      %dma_wait3A_423 = arith.constant 0 : i32
      %dma_wait3A_424 = arith.constant 0 : i32
      %dma_wait3A_425 = tpu.memref_slice %arg6[%dma_wait3A_423, %dma_wait3A_424] : memref<80x125xi32, #tpu.memory_space<vmem>> -> memref<1x125xi32, #tpu.memory_space<vmem>>
      %dma_wait3A_426 = tpu.memref_squeeze %dma_wait3A_425 : memref<1x125xi32, #tpu.memory_space<vmem>> -> memref<125xi32, #tpu.memory_space<vmem>>
      %dma_wait3A_427 = arith.constant 0 : i32
      %dma_wait3A_428 = arith.constant 0 : i32
      %dma_wait3A_429 = tpu.memref_slice %arg5[%dma_wait3A_427, %dma_wait3A_428] : memref<10000x128xbf16, #tpu.memory_space<vmem_shared>> -> memref<10000x128xbf16, #tpu.memory_space<vmem_shared>>
      tpu.wait_indirect_dma semaphore(%arg21 : memref<!tpu.dma_semaphore, #tpu.memory_space<semaphore_mem>>) src(%arg13 : memref<125x128xbf16, #tpu.memory_space<vmem>>) dst(%dma_wait3A_429 : memref<10000x128xbf16, #tpu.memory_space<vmem_shared>>)
      %add3A_430 = arith.constant 6 : i32
      %add3A_431 = arith.addi %add3A_409, %add3A_430 : i32
      %dma_start3A_432 = arith.constant 0 : i32
      %dma_start3A_433 = tpu.memref_slice %arg7[%add3A_431, %dma_start3A_432] : memref<80x125xi32, #tpu.memory_space<vmem>> -> memref<1x125xi32, #tpu.memory_space<vmem>>
      %dma_start3A_434 = tpu.memref_squeeze %dma_start3A_433 : memref<1x125xi32, #tpu.memory_space<vmem>> -> memref<125xi32, #tpu.memory_space<vmem>>
      %dma_start3A_435 = arith.constant 0 : i32
      %dma_start3A_436 = arith.constant 0 : i32
      %dma_start3A_437 = tpu.memref_slice %arg2[%dma_start3A_435, %dma_start3A_436] : memref<10000x128xbf16, #tpu.memory_space<hbm>> -> memref<10000x128xbf16, #tpu.memory_space<hbm>>
      tpu.enqueue_indirect_dma source(%dma_start3A_437 : memref<10000x128xbf16, #tpu.memory_space<hbm>>) target(%arg13 : memref<125x128xbf16, #tpu.memory_space<vmem>>) offsets(%dma_start3A_434 : memref<125xi32, #tpu.memory_space<vmem>>) semaphore(%arg29 : memref<!tpu.dma_semaphore, #tpu.memory_space<semaphore_mem>>)
      %add3A_438 = arith.constant 6 : i32
      %add3A_439 = arith.addi %add3A_257, %add3A_438 : i32
      %dma_wait3A_440 = arith.constant 0 : i32
      %dma_wait3A_441 = arith.constant 0 : i32
      %dma_wait3A_442 = tpu.memref_slice %arg7[%dma_wait3A_440, %dma_wait3A_441] : memref<80x125xi32, #tpu.memory_space<vmem>> -> memref<1x125xi32, #tpu.memory_space<vmem>>
      %dma_wait3A_443 = tpu.memref_squeeze %dma_wait3A_442 : memref<1x125xi32, #tpu.memory_space<vmem>> -> memref<125xi32, #tpu.memory_space<vmem>>
      %dma_wait3A_444 = arith.constant 0 : i32
      %dma_wait3A_445 = arith.constant 0 : i32
      %dma_wait3A_446 = tpu.memref_slice %arg2[%dma_wait3A_444, %dma_wait3A_445] : memref<10000x128xbf16, #tpu.memory_space<hbm>> -> memref<10000x128xbf16, #tpu.memory_space<hbm>>
      tpu.wait_indirect_dma semaphore(%arg24 : memref<!tpu.dma_semaphore, #tpu.memory_space<semaphore_mem>>) src(%dma_wait3A_446 : memref<10000x128xbf16, #tpu.memory_space<hbm>>) dst(%arg8 : memref<125x128xbf16, #tpu.memory_space<vmem>>)
      %dma_start3A_447 = arith.constant 0 : i32
      %dma_start3A_448 = tpu.memref_slice %arg6[%add3A_439, %dma_start3A_447] : memref<80x125xi32, #tpu.memory_space<vmem>> -> memref<1x125xi32, #tpu.memory_space<vmem>>
      %dma_start3A_449 = tpu.memref_squeeze %dma_start3A_448 : memref<1x125xi32, #tpu.memory_space<vmem>> -> memref<125xi32, #tpu.memory_space<vmem>>
      %dma_start3A_450 = arith.constant 0 : i32
      %dma_start3A_451 = arith.constant 0 : i32
      %dma_start3A_452 = tpu.memref_slice %arg5[%dma_start3A_450, %dma_start3A_451] : memref<10000x128xbf16, #tpu.memory_space<vmem_shared>> -> memref<10000x128xbf16, #tpu.memory_space<vmem_shared>>
      tpu.enqueue_indirect_dma source(%arg8 : memref<125x128xbf16, #tpu.memory_space<vmem>>) target(%dma_start3A_452 : memref<10000x128xbf16, #tpu.memory_space<vmem_shared>>) offsets(%dma_start3A_449 : memref<125xi32, #tpu.memory_space<vmem>>) semaphore(%arg16 : memref<!tpu.dma_semaphore, #tpu.memory_space<semaphore_mem>>) {add = true}
      %dma_wait3A_453 = arith.constant 0 : i32
      %dma_wait3A_454 = arith.constant 0 : i32
      %dma_wait3A_455 = tpu.memref_slice %arg6[%dma_wait3A_453, %dma_wait3A_454] : memref<80x125xi32, #tpu.memory_space<vmem>> -> memref<1x125xi32, #tpu.memory_space<vmem>>
      %dma_wait3A_456 = tpu.memref_squeeze %dma_wait3A_455 : memref<1x125xi32, #tpu.memory_space<vmem>> -> memref<125xi32, #tpu.memory_space<vmem>>
      %dma_wait3A_457 = arith.constant 0 : i32
      %dma_wait3A_458 = arith.constant 0 : i32
      %dma_wait3A_459 = tpu.memref_slice %arg5[%dma_wait3A_457, %dma_wait3A_458] : memref<10000x128xbf16, #tpu.memory_space<vmem_shared>> -> memref<10000x128xbf16, #tpu.memory_space<vmem_shared>>
      tpu.wait_indirect_dma semaphore(%arg22 : memref<!tpu.dma_semaphore, #tpu.memory_space<semaphore_mem>>) src(%arg14 : memref<125x128xbf16, #tpu.memory_space<vmem>>) dst(%dma_wait3A_459 : memref<10000x128xbf16, #tpu.memory_space<vmem_shared>>)
      %add3A_460 = arith.constant 6 : i32
      %add3A_461 = arith.addi %add3A_439, %add3A_460 : i32
      %dma_start3A_462 = arith.constant 0 : i32
      %dma_start3A_463 = tpu.memref_slice %arg7[%add3A_461, %dma_start3A_462] : memref<80x125xi32, #tpu.memory_space<vmem>> -> memref<1x125xi32, #tpu.memory_space<vmem>>
      %dma_start3A_464 = tpu.memref_squeeze %dma_start3A_463 : memref<1x125xi32, #tpu.memory_space<vmem>> -> memref<125xi32, #tpu.memory_space<vmem>>
      %dma_start3A_465 = arith.constant 0 : i32
      %dma_start3A_466 = arith.constant 0 : i32
      %dma_start3A_467 = tpu.memref_slice %arg2[%dma_start3A_465, %dma_start3A_466] : memref<10000x128xbf16, #tpu.memory_space<hbm>> -> memref<10000x128xbf16, #tpu.memory_space<hbm>>
      tpu.enqueue_indirect_dma source(%dma_start3A_467 : memref<10000x128xbf16, #tpu.memory_space<hbm>>) target(%arg14 : memref<125x128xbf16, #tpu.memory_space<vmem>>) offsets(%dma_start3A_464 : memref<125xi32, #tpu.memory_space<vmem>>) semaphore(%arg30 : memref<!tpu.dma_semaphore, #tpu.memory_space<semaphore_mem>>)
      %add3A_468 = arith.constant 7 : i32
      %add3A_469 = arith.addi %add3A_257, %add3A_468 : i32
      %dma_wait3A_470 = arith.constant 0 : i32
      %dma_wait3A_471 = arith.constant 0 : i32
      %dma_wait3A_472 = tpu.memref_slice %arg7[%dma_wait3A_470, %dma_wait3A_471] : memref<80x125xi32, #tpu.memory_space<vmem>> -> memref<1x125xi32, #tpu.memory_space<vmem>>
      %dma_wait3A_473 = tpu.memref_squeeze %dma_wait3A_472 : memref<1x125xi32, #tpu.memory_space<vmem>> -> memref<125xi32, #tpu.memory_space<vmem>>
      %dma_wait3A_474 = arith.constant 0 : i32
      %dma_wait3A_475 = arith.constant 0 : i32
      %dma_wait3A_476 = tpu.memref_slice %arg2[%dma_wait3A_474, %dma_wait3A_475] : memref<10000x128xbf16, #tpu.memory_space<hbm>> -> memref<10000x128xbf16, #tpu.memory_space<hbm>>
      tpu.wait_indirect_dma semaphore(%arg25 : memref<!tpu.dma_semaphore, #tpu.memory_space<semaphore_mem>>) src(%dma_wait3A_476 : memref<10000x128xbf16, #tpu.memory_space<hbm>>) dst(%arg9 : memref<125x128xbf16, #tpu.memory_space<vmem>>)
      %dma_start3A_477 = arith.constant 0 : i32
      %dma_start3A_478 = tpu.memref_slice %arg6[%add3A_469, %dma_start3A_477] : memref<80x125xi32, #tpu.memory_space<vmem>> -> memref<1x125xi32, #tpu.memory_space<vmem>>
      %dma_start3A_479 = tpu.memref_squeeze %dma_start3A_478 : memref<1x125xi32, #tpu.memory_space<vmem>> -> memref<125xi32, #tpu.memory_space<vmem>>
      %dma_start3A_480 = arith.constant 0 : i32
      %dma_start3A_481 = arith.constant 0 : i32
      %dma_start3A_482 = tpu.memref_slice %arg5[%dma_start3A_480, %dma_start3A_481] : memref<10000x128xbf16, #tpu.memory_space<vmem_shared>> -> memref<10000x128xbf16, #tpu.memory_space<vmem_shared>>
      tpu.enqueue_indirect_dma source(%arg9 : memref<125x128xbf16, #tpu.memory_space<vmem>>) target(%dma_start3A_482 : memref<10000x128xbf16, #tpu.memory_space<vmem_shared>>) offsets(%dma_start3A_479 : memref<125xi32, #tpu.memory_space<vmem>>) semaphore(%arg17 : memref<!tpu.dma_semaphore, #tpu.memory_space<semaphore_mem>>) {add = true}
      %dma_wait3A_483 = arith.constant 0 : i32
      %dma_wait3A_484 = arith.constant 0 : i32
      %dma_wait3A_485 = tpu.memref_slice %arg6[%dma_wait3A_483, %dma_wait3A_484] : memref<80x125xi32, #tpu.memory_space<vmem>> -> memref<1x125xi32, #tpu.memory_space<vmem>>
      %dma_wait3A_486 = tpu.memref_squeeze %dma_wait3A_485 : memref<1x125xi32, #tpu.memory_space<vmem>> -> memref<125xi32, #tpu.memory_space<vmem>>
      %dma_wait3A_487 = arith.constant 0 : i32
      %dma_wait3A_488 = arith.constant 0 : i32
      %dma_wait3A_489 = tpu.memref_slice %arg5[%dma_wait3A_487, %dma_wait3A_488] : memref<10000x128xbf16, #tpu.memory_space<vmem_shared>> -> memref<10000x128xbf16, #tpu.memory_space<vmem_shared>>
      tpu.wait_indirect_dma semaphore(%arg23 : memref<!tpu.dma_semaphore, #tpu.memory_space<semaphore_mem>>) src(%arg15 : memref<125x128xbf16, #tpu.memory_space<vmem>>) dst(%dma_wait3A_489 : memref<10000x128xbf16, #tpu.memory_space<vmem_shared>>)
      %add3A_490 = arith.constant 6 : i32
      %add3A_491 = arith.addi %add3A_469, %add3A_490 : i32
      %dma_start3A_492 = arith.constant 0 : i32
      %dma_start3A_493 = tpu.memref_slice %arg7[%add3A_491, %dma_start3A_492] : memref<80x125xi32, #tpu.memory_space<vmem>> -> memref<1x125xi32, #tpu.memory_space<vmem>>
      %dma_start3A_494 = tpu.memref_squeeze %dma_start3A_493 : memref<1x125xi32, #tpu.memory_space<vmem>> -> memref<125xi32, #tpu.memory_space<vmem>>
      %dma_start3A_495 = arith.constant 0 : i32
      %dma_start3A_496 = arith.constant 0 : i32
      %dma_start3A_497 = tpu.memref_slice %arg2[%dma_start3A_495, %dma_start3A_496] : memref<10000x128xbf16, #tpu.memory_space<hbm>> -> memref<10000x128xbf16, #tpu.memory_space<hbm>>
      tpu.enqueue_indirect_dma source(%dma_start3A_497 : memref<10000x128xbf16, #tpu.memory_space<hbm>>) target(%arg15 : memref<125x128xbf16, #tpu.memory_space<vmem>>) offsets(%dma_start3A_494 : memref<125xi32, #tpu.memory_space<vmem>>) semaphore(%arg31 : memref<!tpu.dma_semaphore, #tpu.memory_space<semaphore_mem>>)
    }
    %scan3A_111 = arith.constant 9 : i32
    %dma_wait3A_112 = arith.constant 0 : i32
    %dma_wait3A_113 = arith.constant 0 : i32
    %dma_wait3A_114 = tpu.memref_slice %arg7[%dma_wait3A_112, %dma_wait3A_113] : memref<80x125xi32, #tpu.memory_space<vmem>> -> memref<1x125xi32, #tpu.memory_space<vmem>>
    %dma_wait3A_115 = tpu.memref_squeeze %dma_wait3A_114 : memref<1x125xi32, #tpu.memory_space<vmem>> -> memref<125xi32, #tpu.memory_space<vmem>>
    %dma_wait3A_116 = arith.constant 0 : i32
    %dma_wait3A_117 = arith.constant 0 : i32
    %dma_wait3A_118 = tpu.memref_slice %arg2[%dma_wait3A_116, %dma_wait3A_117] : memref<10000x128xbf16, #tpu.memory_space<hbm>> -> memref<10000x128xbf16, #tpu.memory_space<hbm>>
    tpu.wait_indirect_dma semaphore(%arg26 : memref<!tpu.dma_semaphore, #tpu.memory_space<semaphore_mem>>) src(%dma_wait3A_118 : memref<10000x128xbf16, #tpu.memory_space<hbm>>) dst(%arg10 : memref<125x128xbf16, #tpu.memory_space<vmem>>)
    %dma_start3A_119 = arith.constant 74 : i32
    %dma_start3A_120 = arith.constant 0 : i32
    %dma_start3A_121 = tpu.memref_slice %arg6[%dma_start3A_119, %dma_start3A_120] : memref<80x125xi32, #tpu.memory_space<vmem>> -> memref<1x125xi32, #tpu.memory_space<vmem>>
    %dma_start3A_122 = tpu.memref_squeeze %dma_start3A_121 : memref<1x125xi32, #tpu.memory_space<vmem>> -> memref<125xi32, #tpu.memory_space<vmem>>
    %dma_start3A_123 = arith.constant 0 : i32
    %dma_start3A_124 = arith.constant 0 : i32
    %dma_start3A_125 = tpu.memref_slice %arg5[%dma_start3A_123, %dma_start3A_124] : memref<10000x128xbf16, #tpu.memory_space<vmem_shared>> -> memref<10000x128xbf16, #tpu.memory_space<vmem_shared>>
    tpu.enqueue_indirect_dma source(%arg10 : memref<125x128xbf16, #tpu.memory_space<vmem>>) target(%dma_start3A_125 : memref<10000x128xbf16, #tpu.memory_space<vmem_shared>>) offsets(%dma_start3A_122 : memref<125xi32, #tpu.memory_space<vmem>>) semaphore(%arg18 : memref<!tpu.dma_semaphore, #tpu.memory_space<semaphore_mem>>) {add = true}
    %dma_wait3A_126 = arith.constant 0 : i32
    %dma_wait3A_127 = arith.constant 0 : i32
    %dma_wait3A_128 = tpu.memref_slice %arg7[%dma_wait3A_126, %dma_wait3A_127] : memref<80x125xi32, #tpu.memory_space<vmem>> -> memref<1x125xi32, #tpu.memory_space<vmem>>
    %dma_wait3A_129 = tpu.memref_squeeze %dma_wait3A_128 : memref<1x125xi32, #tpu.memory_space<vmem>> -> memref<125xi32, #tpu.memory_space<vmem>>
    %dma_wait3A_130 = arith.constant 0 : i32
    %dma_wait3A_131 = arith.constant 0 : i32
    %dma_wait3A_132 = tpu.memref_slice %arg2[%dma_wait3A_130, %dma_wait3A_131] : memref<10000x128xbf16, #tpu.memory_space<hbm>> -> memref<10000x128xbf16, #tpu.memory_space<hbm>>
    tpu.wait_indirect_dma semaphore(%arg27 : memref<!tpu.dma_semaphore, #tpu.memory_space<semaphore_mem>>) src(%dma_wait3A_132 : memref<10000x128xbf16, #tpu.memory_space<hbm>>) dst(%arg11 : memref<125x128xbf16, #tpu.memory_space<vmem>>)
    %dma_start3A_133 = arith.constant 75 : i32
    %dma_start3A_134 = arith.constant 0 : i32
    %dma_start3A_135 = tpu.memref_slice %arg6[%dma_start3A_133, %dma_start3A_134] : memref<80x125xi32, #tpu.memory_space<vmem>> -> memref<1x125xi32, #tpu.memory_space<vmem>>
    %dma_start3A_136 = tpu.memref_squeeze %dma_start3A_135 : memref<1x125xi32, #tpu.memory_space<vmem>> -> memref<125xi32, #tpu.memory_space<vmem>>
    %dma_start3A_137 = arith.constant 0 : i32
    %dma_start3A_138 = arith.constant 0 : i32
    %dma_start3A_139 = tpu.memref_slice %arg5[%dma_start3A_137, %dma_start3A_138] : memref<10000x128xbf16, #tpu.memory_space<vmem_shared>> -> memref<10000x128xbf16, #tpu.memory_space<vmem_shared>>
    tpu.enqueue_indirect_dma source(%arg11 : memref<125x128xbf16, #tpu.memory_space<vmem>>) target(%dma_start3A_139 : memref<10000x128xbf16, #tpu.memory_space<vmem_shared>>) offsets(%dma_start3A_136 : memref<125xi32, #tpu.memory_space<vmem>>) semaphore(%arg19 : memref<!tpu.dma_semaphore, #tpu.memory_space<semaphore_mem>>) {add = true}
    %dma_wait3A_140 = arith.constant 0 : i32
    %dma_wait3A_141 = arith.constant 0 : i32
    %dma_wait3A_142 = tpu.memref_slice %arg7[%dma_wait3A_140, %dma_wait3A_141] : memref<80x125xi32, #tpu.memory_space<vmem>> -> memref<1x125xi32, #tpu.memory_space<vmem>>
    %dma_wait3A_143 = tpu.memref_squeeze %dma_wait3A_142 : memref<1x125xi32, #tpu.memory_space<vmem>> -> memref<125xi32, #tpu.memory_space<vmem>>
    %dma_wait3A_144 = arith.constant 0 : i32
    %dma_wait3A_145 = arith.constant 0 : i32
    %dma_wait3A_146 = tpu.memref_slice %arg2[%dma_wait3A_144, %dma_wait3A_145] : memref<10000x128xbf16, #tpu.memory_space<hbm>> -> memref<10000x128xbf16, #tpu.memory_space<hbm>>
    tpu.wait_indirect_dma semaphore(%arg28 : memref<!tpu.dma_semaphore, #tpu.memory_space<semaphore_mem>>) src(%dma_wait3A_146 : memref<10000x128xbf16, #tpu.memory_space<hbm>>) dst(%arg12 : memref<125x128xbf16, #tpu.memory_space<vmem>>)
    %dma_start3A_147 = arith.constant 76 : i32
    %dma_start3A_148 = arith.constant 0 : i32
    %dma_start3A_149 = tpu.memref_slice %arg6[%dma_start3A_147, %dma_start3A_148] : memref<80x125xi32, #tpu.memory_space<vmem>> -> memref<1x125xi32, #tpu.memory_space<vmem>>
    %dma_start3A_150 = tpu.memref_squeeze %dma_start3A_149 : memref<1x125xi32, #tpu.memory_space<vmem>> -> memref<125xi32, #tpu.memory_space<vmem>>
    %dma_start3A_151 = arith.constant 0 : i32
    %dma_start3A_152 = arith.constant 0 : i32
    %dma_start3A_153 = tpu.memref_slice %arg5[%dma_start3A_151, %dma_start3A_152] : memref<10000x128xbf16, #tpu.memory_space<vmem_shared>> -> memref<10000x128xbf16, #tpu.memory_space<vmem_shared>>
    tpu.enqueue_indirect_dma source(%arg12 : memref<125x128xbf16, #tpu.memory_space<vmem>>) target(%dma_start3A_153 : memref<10000x128xbf16, #tpu.memory_space<vmem_shared>>) offsets(%dma_start3A_150 : memref<125xi32, #tpu.memory_space<vmem>>) semaphore(%arg20 : memref<!tpu.dma_semaphore, #tpu.memory_space<semaphore_mem>>) {add = true}
    %dma_wait3A_154 = arith.constant 0 : i32
    %dma_wait3A_155 = arith.constant 0 : i32
    %dma_wait3A_156 = tpu.memref_slice %arg7[%dma_wait3A_154, %dma_wait3A_155] : memref<80x125xi32, #tpu.memory_space<vmem>> -> memref<1x125xi32, #tpu.memory_space<vmem>>
    %dma_wait3A_157 = tpu.memref_squeeze %dma_wait3A_156 : memref<1x125xi32, #tpu.memory_space<vmem>> -> memref<125xi32, #tpu.memory_space<vmem>>
    %dma_wait3A_158 = arith.constant 0 : i32
    %dma_wait3A_159 = arith.constant 0 : i32
    %dma_wait3A_160 = tpu.memref_slice %arg2[%dma_wait3A_158, %dma_wait3A_159] : memref<10000x128xbf16, #tpu.memory_space<hbm>> -> memref<10000x128xbf16, #tpu.memory_space<hbm>>
    tpu.wait_indirect_dma semaphore(%arg29 : memref<!tpu.dma_semaphore, #tpu.memory_space<semaphore_mem>>) src(%dma_wait3A_160 : memref<10000x128xbf16, #tpu.memory_space<hbm>>) dst(%arg13 : memref<125x128xbf16, #tpu.memory_space<vmem>>)
    %dma_start3A_161 = arith.constant 77 : i32
    %dma_start3A_162 = arith.constant 0 : i32
    %dma_start3A_163 = tpu.memref_slice %arg6[%dma_start3A_161, %dma_start3A_162] : memref<80x125xi32, #tpu.memory_space<vmem>> -> memref<1x125xi32, #tpu.memory_space<vmem>>
    %dma_start3A_164 = tpu.memref_squeeze %dma_start3A_163 : memref<1x125xi32, #tpu.memory_space<vmem>> -> memref<125xi32, #tpu.memory_space<vmem>>
    %dma_start3A_165 = arith.constant 0 : i32
    %dma_start3A_166 = arith.constant 0 : i32
    %dma_start3A_167 = tpu.memref_slice %arg5[%dma_start3A_165, %dma_start3A_166] : memref<10000x128xbf16, #tpu.memory_space<vmem_shared>> -> memref<10000x128xbf16, #tpu.memory_space<vmem_shared>>
    tpu.enqueue_indirect_dma source(%arg13 : memref<125x128xbf16, #tpu.memory_space<vmem>>) target(%dma_start3A_167 : memref<10000x128xbf16, #tpu.memory_space<vmem_shared>>) offsets(%dma_start3A_164 : memref<125xi32, #tpu.memory_space<vmem>>) semaphore(%arg21 : memref<!tpu.dma_semaphore, #tpu.memory_space<semaphore_mem>>) {add = true}
    %dma_wait3A_168 = arith.constant 0 : i32
    %dma_wait3A_169 = arith.constant 0 : i32
    %dma_wait3A_170 = tpu.memref_slice %arg7[%dma_wait3A_168, %dma_wait3A_169] : memref<80x125xi32, #tpu.memory_space<vmem>> -> memref<1x125xi32, #tpu.memory_space<vmem>>
    %dma_wait3A_171 = tpu.memref_squeeze %dma_wait3A_170 : memref<1x125xi32, #tpu.memory_space<vmem>> -> memref<125xi32, #tpu.memory_space<vmem>>
    %dma_wait3A_172 = arith.constant 0 : i32
    %dma_wait3A_173 = arith.constant 0 : i32
    %dma_wait3A_174 = tpu.memref_slice %arg2[%dma_wait3A_172, %dma_wait3A_173] : memref<10000x128xbf16, #tpu.memory_space<hbm>> -> memref<10000x128xbf16, #tpu.memory_space<hbm>>
    tpu.wait_indirect_dma semaphore(%arg30 : memref<!tpu.dma_semaphore, #tpu.memory_space<semaphore_mem>>) src(%dma_wait3A_174 : memref<10000x128xbf16, #tpu.memory_space<hbm>>) dst(%arg14 : memref<125x128xbf16, #tpu.memory_space<vmem>>)
    %dma_start3A_175 = arith.constant 78 : i32
    %dma_start3A_176 = arith.constant 0 : i32
    %dma_start3A_177 = tpu.memref_slice %arg6[%dma_start3A_175, %dma_start3A_176] : memref<80x125xi32, #tpu.memory_space<vmem>> -> memref<1x125xi32, #tpu.memory_space<vmem>>
    %dma_start3A_178 = tpu.memref_squeeze %dma_start3A_177 : memref<1x125xi32, #tpu.memory_space<vmem>> -> memref<125xi32, #tpu.memory_space<vmem>>
    %dma_start3A_179 = arith.constant 0 : i32
    %dma_start3A_180 = arith.constant 0 : i32
    %dma_start3A_181 = tpu.memref_slice %arg5[%dma_start3A_179, %dma_start3A_180] : memref<10000x128xbf16, #tpu.memory_space<vmem_shared>> -> memref<10000x128xbf16, #tpu.memory_space<vmem_shared>>
    tpu.enqueue_indirect_dma source(%arg14 : memref<125x128xbf16, #tpu.memory_space<vmem>>) target(%dma_start3A_181 : memref<10000x128xbf16, #tpu.memory_space<vmem_shared>>) offsets(%dma_start3A_178 : memref<125xi32, #tpu.memory_space<vmem>>) semaphore(%arg22 : memref<!tpu.dma_semaphore, #tpu.memory_space<semaphore_mem>>) {add = true}
    %dma_wait3A_182 = arith.constant 0 : i32
    %dma_wait3A_183 = arith.constant 0 : i32
    %dma_wait3A_184 = tpu.memref_slice %arg7[%dma_wait3A_182, %dma_wait3A_183] : memref<80x125xi32, #tpu.memory_space<vmem>> -> memref<1x125xi32, #tpu.memory_space<vmem>>
    %dma_wait3A_185 = tpu.memref_squeeze %dma_wait3A_184 : memref<1x125xi32, #tpu.memory_space<vmem>> -> memref<125xi32, #tpu.memory_space<vmem>>
    %dma_wait3A_186 = arith.constant 0 : i32
    %dma_wait3A_187 = arith.constant 0 : i32
    %dma_wait3A_188 = tpu.memref_slice %arg2[%dma_wait3A_186, %dma_wait3A_187] : memref<10000x128xbf16, #tpu.memory_space<hbm>> -> memref<10000x128xbf16, #tpu.memory_space<hbm>>
    tpu.wait_indirect_dma semaphore(%arg31 : memref<!tpu.dma_semaphore, #tpu.memory_space<semaphore_mem>>) src(%dma_wait3A_188 : memref<10000x128xbf16, #tpu.memory_space<hbm>>) dst(%arg15 : memref<125x128xbf16, #tpu.memory_space<vmem>>)
    %dma_start3A_189 = arith.constant 79 : i32
    %dma_start3A_190 = arith.constant 0 : i32
    %dma_start3A_191 = tpu.memref_slice %arg6[%dma_start3A_189, %dma_start3A_190] : memref<80x125xi32, #tpu.memory_space<vmem>> -> memref<1x125xi32, #tpu.memory_space<vmem>>
    %dma_start3A_192 = tpu.memref_squeeze %dma_start3A_191 : memref<1x125xi32, #tpu.memory_space<vmem>> -> memref<125xi32, #tpu.memory_space<vmem>>
    %dma_start3A_193 = arith.constant 0 : i32
    %dma_start3A_194 = arith.constant 0 : i32
    %dma_start3A_195 = tpu.memref_slice %arg5[%dma_start3A_193, %dma_start3A_194] : memref<10000x128xbf16, #tpu.memory_space<vmem_shared>> -> memref<10000x128xbf16, #tpu.memory_space<vmem_shared>>
    tpu.enqueue_indirect_dma source(%arg15 : memref<125x128xbf16, #tpu.memory_space<vmem>>) target(%dma_start3A_195 : memref<10000x128xbf16, #tpu.memory_space<vmem_shared>>) offsets(%dma_start3A_192 : memref<125xi32, #tpu.memory_space<vmem>>) semaphore(%arg23 : memref<!tpu.dma_semaphore, #tpu.memory_space<semaphore_mem>>) {add = true}
    %dma_wait3A_196 = arith.constant 0 : i32
    %dma_wait3A_197 = arith.constant 0 : i32
    %dma_wait3A_198 = tpu.memref_slice %arg6[%dma_wait3A_196, %dma_wait3A_197] : memref<80x125xi32, #tpu.memory_space<vmem>> -> memref<1x125xi32, #tpu.memory_space<vmem>>
    %dma_wait3A_199 = tpu.memref_squeeze %dma_wait3A_198 : memref<1x125xi32, #tpu.memory_space<vmem>> -> memref<125xi32, #tpu.memory_space<vmem>>
    %dma_wait3A_200 = arith.constant 0 : i32
    %dma_wait3A_201 = arith.constant 0 : i32
    %dma_wait3A_202 = tpu.memref_slice %arg5[%dma_wait3A_200, %dma_wait3A_201] : memref<10000x128xbf16, #tpu.memory_space<vmem_shared>> -> memref<10000x128xbf16, #tpu.memory_space<vmem_shared>>
    tpu.wait_indirect_dma semaphore(%arg16 : memref<!tpu.dma_semaphore, #tpu.memory_space<semaphore_mem>>) src(%arg8 : memref<125x128xbf16, #tpu.memory_space<vmem>>) dst(%dma_wait3A_202 : memref<10000x128xbf16, #tpu.memory_space<vmem_shared>>)
    %dma_wait3A_203 = arith.constant 0 : i32
    %dma_wait3A_204 = arith.constant 0 : i32
    %dma_wait3A_205 = tpu.memref_slice %arg6[%dma_wait3A_203, %dma_wait3A_204] : memref<80x125xi32, #tpu.memory_space<vmem>> -> memref<1x125xi32, #tpu.memory_space<vmem>>
    %dma_wait3A_206 = tpu.memref_squeeze %dma_wait3A_205 : memref<1x125xi32, #tpu.memory_space<vmem>> -> memref<125xi32, #tpu.memory_space<vmem>>
    %dma_wait3A_207 = arith.constant 0 : i32
    %dma_wait3A_208 = arith.constant 0 : i32
    %dma_wait3A_209 = tpu.memref_slice %arg5[%dma_wait3A_207, %dma_wait3A_208] : memref<10000x128xbf16, #tpu.memory_space<vmem_shared>> -> memref<10000x128xbf16, #tpu.memory_space<vmem_shared>>
    tpu.wait_indirect_dma semaphore(%arg17 : memref<!tpu.dma_semaphore, #tpu.memory_space<semaphore_mem>>) src(%arg9 : memref<125x128xbf16, #tpu.memory_space<vmem>>) dst(%dma_wait3A_209 : memref<10000x128xbf16, #tpu.memory_space<vmem_shared>>)
    %dma_wait3A_210 = arith.constant 0 : i32
    %dma_wait3A_211 = arith.constant 0 : i32
    %dma_wait3A_212 = tpu.memref_slice %arg6[%dma_wait3A_210, %dma_wait3A_211] : memref<80x125xi32, #tpu.memory_space<vmem>> -> memref<1x125xi32, #tpu.memory_space<vmem>>
    %dma_wait3A_213 = tpu.memref_squeeze %dma_wait3A_212 : memref<1x125xi32, #tpu.memory_space<vmem>> -> memref<125xi32, #tpu.memory_space<vmem>>
    %dma_wait3A_214 = arith.constant 0 : i32
    %dma_wait3A_215 = arith.constant 0 : i32
    %dma_wait3A_216 = tpu.memref_slice %arg5[%dma_wait3A_214, %dma_wait3A_215] : memref<10000x128xbf16, #tpu.memory_space<vmem_shared>> -> memref<10000x128xbf16, #tpu.memory_space<vmem_shared>>
    tpu.wait_indirect_dma semaphore(%arg18 : memref<!tpu.dma_semaphore, #tpu.memory_space<semaphore_mem>>) src(%arg10 : memref<125x128xbf16, #tpu.memory_space<vmem>>) dst(%dma_wait3A_216 : memref<10000x128xbf16, #tpu.memory_space<vmem_shared>>)
    %dma_wait3A_217 = arith.constant 0 : i32
    %dma_wait3A_218 = arith.constant 0 : i32
    %dma_wait3A_219 = tpu.memref_slice %arg6[%dma_wait3A_217, %dma_wait3A_218] : memref<80x125xi32, #tpu.memory_space<vmem>> -> memref<1x125xi32, #tpu.memory_space<vmem>>
    %dma_wait3A_220 = tpu.memref_squeeze %dma_wait3A_219 : memref<1x125xi32, #tpu.memory_space<vmem>> -> memref<125xi32, #tpu.memory_space<vmem>>
    %dma_wait3A_221 = arith.constant 0 : i32
    %dma_wait3A_222 = arith.constant 0 : i32
    %dma_wait3A_223 = tpu.memref_slice %arg5[%dma_wait3A_221, %dma_wait3A_222] : memref<10000x128xbf16, #tpu.memory_space<vmem_shared>> -> memref<10000x128xbf16, #tpu.memory_space<vmem_shared>>
    tpu.wait_indirect_dma semaphore(%arg19 : memref<!tpu.dma_semaphore, #tpu.memory_space<semaphore_mem>>) src(%arg11 : memref<125x128xbf16, #tpu.memory_space<vmem>>) dst(%dma_wait3A_223 : memref<10000x128xbf16, #tpu.memory_space<vmem_shared>>)
    %dma_wait3A_224 = arith.constant 0 : i32
    %dma_wait3A_225 = arith.constant 0 : i32
    %dma_wait3A_226 = tpu.memref_slice %arg6[%dma_wait3A_224, %dma_wait3A_225] : memref<80x125xi32, #tpu.memory_space<vmem>> -> memref<1x125xi32, #tpu.memory_space<vmem>>
    %dma_wait3A_227 = tpu.memref_squeeze %dma_wait3A_226 : memref<1x125xi32, #tpu.memory_space<vmem>> -> memref<125xi32, #tpu.memory_space<vmem>>
    %dma_wait3A_228 = arith.constant 0 : i32
    %dma_wait3A_229 = arith.constant 0 : i32
    %dma_wait3A_230 = tpu.memref_slice %arg5[%dma_wait3A_228, %dma_wait3A_229] : memref<10000x128xbf16, #tpu.memory_space<vmem_shared>> -> memref<10000x128xbf16, #tpu.memory_space<vmem_shared>>
    tpu.wait_indirect_dma semaphore(%arg20 : memref<!tpu.dma_semaphore, #tpu.memory_space<semaphore_mem>>) src(%arg12 : memref<125x128xbf16, #tpu.memory_space<vmem>>) dst(%dma_wait3A_230 : memref<10000x128xbf16, #tpu.memory_space<vmem_shared>>)
    %dma_wait3A_231 = arith.constant 0 : i32
    %dma_wait3A_232 = arith.constant 0 : i32
    %dma_wait3A_233 = tpu.memref_slice %arg6[%dma_wait3A_231, %dma_wait3A_232] : memref<80x125xi32, #tpu.memory_space<vmem>> -> memref<1x125xi32, #tpu.memory_space<vmem>>
    %dma_wait3A_234 = tpu.memref_squeeze %dma_wait3A_233 : memref<1x125xi32, #tpu.memory_space<vmem>> -> memref<125xi32, #tpu.memory_space<vmem>>
    %dma_wait3A_235 = arith.constant 0 : i32
    %dma_wait3A_236 = arith.constant 0 : i32
    %dma_wait3A_237 = tpu.memref_slice %arg5[%dma_wait3A_235, %dma_wait3A_236] : memref<10000x128xbf16, #tpu.memory_space<vmem_shared>> -> memref<10000x128xbf16, #tpu.memory_space<vmem_shared>>
    tpu.wait_indirect_dma semaphore(%arg21 : memref<!tpu.dma_semaphore, #tpu.memory_space<semaphore_mem>>) src(%arg13 : memref<125x128xbf16, #tpu.memory_space<vmem>>) dst(%dma_wait3A_237 : memref<10000x128xbf16, #tpu.memory_space<vmem_shared>>)
    %dma_wait3A_238 = arith.constant 0 : i32
    %dma_wait3A_239 = arith.constant 0 : i32
    %dma_wait3A_240 = tpu.memref_slice %arg6[%dma_wait3A_238, %dma_wait3A_239] : memref<80x125xi32, #tpu.memory_space<vmem>> -> memref<1x125xi32, #tpu.memory_space<vmem>>
    %dma_wait3A_241 = tpu.memref_squeeze %dma_wait3A_240 : memref<1x125xi32, #tpu.memory_space<vmem>> -> memref<125xi32, #tpu.memory_space<vmem>>
    %dma_wait3A_242 = arith.constant 0 : i32
    %dma_wait3A_243 = arith.constant 0 : i32
    %dma_wait3A_244 = tpu.memref_slice %arg5[%dma_wait3A_242, %dma_wait3A_243] : memref<10000x128xbf16, #tpu.memory_space<vmem_shared>> -> memref<10000x128xbf16, #tpu.memory_space<vmem_shared>>
    tpu.wait_indirect_dma semaphore(%arg22 : memref<!tpu.dma_semaphore, #tpu.memory_space<semaphore_mem>>) src(%arg14 : memref<125x128xbf16, #tpu.memory_space<vmem>>) dst(%dma_wait3A_244 : memref<10000x128xbf16, #tpu.memory_space<vmem_shared>>)
    %dma_wait3A_245 = arith.constant 0 : i32
    %dma_wait3A_246 = arith.constant 0 : i32
    %dma_wait3A_247 = tpu.memref_slice %arg6[%dma_wait3A_245, %dma_wait3A_246] : memref<80x125xi32, #tpu.memory_space<vmem>> -> memref<1x125xi32, #tpu.memory_space<vmem>>
    %dma_wait3A_248 = tpu.memref_squeeze %dma_wait3A_247 : memref<1x125xi32, #tpu.memory_space<vmem>> -> memref<125xi32, #tpu.memory_space<vmem>>
    %dma_wait3A_249 = arith.constant 0 : i32
    %dma_wait3A_250 = arith.constant 0 : i32
    %dma_wait3A_251 = tpu.memref_slice %arg5[%dma_wait3A_249, %dma_wait3A_250] : memref<10000x128xbf16, #tpu.memory_space<vmem_shared>> -> memref<10000x128xbf16, #tpu.memory_space<vmem_shared>>
    tpu.wait_indirect_dma semaphore(%arg23 : memref<!tpu.dma_semaphore, #tpu.memory_space<semaphore_mem>>) src(%arg15 : memref<125x128xbf16, #tpu.memory_space<vmem>>) dst(%dma_wait3A_251 : memref<10000x128xbf16, #tpu.memory_space<vmem_shared>>)
    %barrier3A_252 = arith.constant 0 : index
    tpu.barrier barrier_id(%barrier3A_252)
    "tpu.region"() ({
      %run_scoped3A_253 = tpu.sem_alloc : memref<!tpu.dma_semaphore, #tpu.memory_space<semaphore_mem>>
      %dma_start3A_254 = arith.constant 0 : i32
      %dma_start3A_255 = tpu.memref_slice %arg4[%arg0, %mul3A_8, %dma_start3A_254] : memref<2x10000x128xbf16, #tpu.memory_space<hbm>> -> memref<1x625x128xbf16, #tpu.memory_space<hbm>>
      %dma_start3A_256 = tpu.memref_squeeze %dma_start3A_255 : memref<1x625x128xbf16, #tpu.memory_space<hbm>> -> memref<625x128xbf16, #tpu.memory_space<hbm>>
      %dma_start3A_257 = arith.constant 0 : i32
      %dma_start3A_258 = tpu.memref_slice %arg5[%mul3A_8, %dma_start3A_257] : memref<10000x128xbf16, #tpu.memory_space<vmem_shared>> -> memref<625x128xbf16, #tpu.memory_space<vmem_shared>>
      tpu.enqueue_dma source(%dma_start3A_258 : memref<625x128xbf16, #tpu.memory_space<vmem_shared>>) target(%dma_start3A_256 : memref<625x128xbf16, #tpu.memory_space<hbm>>) target_semaphore(%run_scoped3A_253 : memref<!tpu.dma_semaphore, #tpu.memory_space<semaphore_mem>>)
      %dma_wait3A_259 = arith.constant 0 : i32
      %dma_wait3A_260 = tpu.memref_slice %arg4[%arg0, %mul3A_8, %dma_wait3A_259] : memref<2x10000x128xbf16, #tpu.memory_space<hbm>> -> memref<1x625x128xbf16, #tpu.memory_space<hbm>>
      %dma_wait3A_261 = tpu.memref_squeeze %dma_wait3A_260 : memref<1x625x128xbf16, #tpu.memory_space<hbm>> -> memref<625x128xbf16, #tpu.memory_space<hbm>>
      %dma_wait3A_262 = arith.constant 0 : i32
      %dma_wait3A_263 = tpu.memref_slice %arg5[%mul3A_8, %dma_wait3A_262] : memref<10000x128xbf16, #tpu.memory_space<vmem_shared>> -> memref<625x128xbf16, #tpu.memory_space<vmem_shared>>
      tpu.wait_dma2 semaphore(%run_scoped3A_253 : memref<!tpu.dma_semaphore, #tpu.memory_space<semaphore_mem>>) src(%dma_wait3A_263 : memref<625x128xbf16, #tpu.memory_space<vmem_shared>>) dst(%dma_wait3A_261 : memref<625x128xbf16, #tpu.memory_space<hbm>>)
      tpu.yield
    }) : () -> ()
    return
  }
}

#map = affine_map<(d0, d1) -> (0, 0)>
#map1 = affine_map<(d0, d1) -> (0, 0, 0)>
module attributes {stable_mosaic.version = 14 : i64} {
  func.func @body(%arg0: i32, %arg1: i32, %arg2: memref<10000x64xbf16, #tpu.memory_space<hbm>>, %arg3: memref<2x2560x125xi32, #tpu.memory_space<hbm>>, %arg4: memref<2x10000x64xbf16, #tpu.memory_space<hbm>>, %arg5: memref<10000x64xbf16, #tpu.memory_space<vmem_shared>>, %arg6: memref<80x125xi32, #tpu.memory_space<vmem>>, %arg7: memref<80x125xi32, #tpu.memory_space<vmem>>, %arg8: memref<125x64xbf16, #tpu.memory_space<vmem>>, %arg9: memref<125x64xbf16, #tpu.memory_space<vmem>>, %arg10: memref<125x64xbf16, #tpu.memory_space<vmem>>, %arg11: memref<125x64xbf16, #tpu.memory_space<vmem>>, %arg12: memref<125x64xbf16, #tpu.memory_space<vmem>>, %arg13: memref<125x64xbf16, #tpu.memory_space<vmem>>, %arg14: memref<125x64xbf16, #tpu.memory_space<vmem>>, %arg15: memref<125x64xbf16, #tpu.memory_space<vmem>>, %arg16: memref<!tpu.dma_semaphore, #tpu.memory_space<semaphore_mem>>, %arg17: memref<!tpu.dma_semaphore, #tpu.memory_space<semaphore_mem>>, %arg18: memref<!tpu.dma_semaphore, #tpu.memory_space<semaphore_mem>>, %arg19: memref<!tpu.dma_semaphore, #tpu.memory_space<semaphore_mem>>, %arg20: memref<!tpu.dma_semaphore, #tpu.memory_space<semaphore_mem>>, %arg21: memref<!tpu.dma_semaphore, #tpu.memory_space<semaphore_mem>>, %arg22: memref<!tpu.dma_semaphore, #tpu.memory_space<semaphore_mem>>, %arg23: memref<!tpu.dma_semaphore, #tpu.memory_space<semaphore_mem>>, %arg24: memref<!tpu.dma_semaphore, #tpu.memory_space<semaphore_mem>>, %arg25: memref<!tpu.dma_semaphore, #tpu.memory_space<semaphore_mem>>, %arg26: memref<!tpu.dma_semaphore, #tpu.memory_space<semaphore_mem>>, %arg27: memref<!tpu.dma_semaphore, #tpu.memory_space<semaphore_mem>>, %arg28: memref<!tpu.dma_semaphore, #tpu.memory_space<semaphore_mem>>, %arg29: memref<!tpu.dma_semaphore, #tpu.memory_space<semaphore_mem>>, %arg30: memref<!tpu.dma_semaphore, #tpu.memory_space<semaphore_mem>>, %arg31: memref<!tpu.dma_semaphore, #tpu.memory_space<semaphore_mem>>) attributes {dimension_semantics = [#tpu.dimension_semantics<core_parallel>, #tpu.dimension_semantics<subcore_parallel>], iteration_bounds = array<i64: 2, 16>, scalar_prefetch = 0 : i64, scratch_operands = 27 : i64, tpu.core_type = #tpu.core_type<sc_vector_subcore>, window_params = [{transform_indices = #map}, {transform_indices = #map1}, {transform_indices = #map1}]} {
    %broadcast_in_dim3A = arith.constant 0.000000e+00 : bf16
    %broadcast_in_dim3A_0 = vector.broadcast %broadcast_in_dim3A : bf16 to vector<32xbf16>
    %broadcast_in_dim3A_1 = arith.constant 1.000000e+00 : bf16
    %broadcast_in_dim3A_2 = vector.broadcast %broadcast_in_dim3A_1 : bf16 to vector<32xbf16>
    %scan3A = arith.constant 0 : i32
    %scan3A_3 = arith.constant 0 : i32
    %scan3A_4 = arith.constant 125 : i32
    %scan3A_5 = arith.addi %scan3A_3, %scan3A_4 : i32
    %scan3A_6 = arith.constant 1 : i32
    scf.for %scan3A_253 = %scan3A_3 to %scan3A_5 step %scan3A_6  : i32 {
      %swap3A = arith.index_cast %scan3A_253 : i32 to index
      %swap3A_254 = arith.constant 0 : index
      %swap3A_255 = tpu.vector_load %arg8[%swap3A, %swap3A_254] {strides = array<i32>} : memref<125x64xbf16, #tpu.memory_space<vmem>>, vector<1x32xbf16>,
      %swap3A_256 = vector.shape_cast %swap3A_255 : vector<1x32xbf16> to vector<32xbf16>
      %swap3A_257 = vector.shape_cast %broadcast_in_dim3A_0 : vector<32xbf16> to vector<1x32xbf16>
      tpu.vector_store %arg8[%swap3A, %swap3A_254], %swap3A_257 {strides = array<i32>} : memref<125x64xbf16, #tpu.memory_space<vmem>>, vector<1x32xbf16>,
      %swap3A_258 = arith.index_cast %scan3A_253 : i32 to index
      %swap3A_259 = arith.constant 32 : index
      %swap3A_260 = tpu.vector_load %arg8[%swap3A_258, %swap3A_259] {strides = array<i32>} : memref<125x64xbf16, #tpu.memory_space<vmem>>, vector<1x32xbf16>,
      %swap3A_261 = vector.shape_cast %swap3A_260 : vector<1x32xbf16> to vector<32xbf16>
      %swap3A_262 = vector.shape_cast %broadcast_in_dim3A_0 : vector<32xbf16> to vector<1x32xbf16>
      tpu.vector_store %arg8[%swap3A_258, %swap3A_259], %swap3A_262 {strides = array<i32>} : memref<125x64xbf16, #tpu.memory_space<vmem>>, vector<1x32xbf16>,
    }
    %scan3A_7 = arith.constant 125 : i32
    %mul3A = arith.constant 625 : i32
    %mul3A_8 = arith.muli %arg1, %mul3A : i32
    %add3A = arith.constant 0 : i32
    %add3A_9 = arith.addi %mul3A_8, %add3A : i32
    "tpu.region"() ({
      %run_scoped3A_253 = tpu.sem_alloc : memref<!tpu.dma_semaphore, #tpu.memory_space<semaphore_mem>>
      %dma_start3A_254 = arith.constant 0 : i32
      %dma_start3A_255 = tpu.memref_slice %arg5[%add3A_9, %dma_start3A_254] : memref<10000x64xbf16, #tpu.memory_space<vmem_shared>> -> memref<125x64xbf16, #tpu.memory_space<vmem_shared>>
      %dma_start3A_256 = arith.constant 0 : i32
      %dma_start3A_257 = tpu.memref_slice %arg5[%add3A_9, %dma_start3A_256] : memref<10000x64xbf16, #tpu.memory_space<vmem_shared>> -> memref<125x64xbf16, #tpu.memory_space<vmem_shared>>
      tpu.enqueue_dma source(%arg8 : memref<125x64xbf16, #tpu.memory_space<vmem>>) target(%dma_start3A_257 : memref<125x64xbf16, #tpu.memory_space<vmem_shared>>) target_semaphore(%run_scoped3A_253 : memref<!tpu.dma_semaphore, #tpu.memory_space<semaphore_mem>>)
      %dma_wait3A_258 = arith.constant 0 : i32
      %dma_wait3A_259 = tpu.memref_slice %arg5[%add3A_9, %dma_wait3A_258] : memref<10000x64xbf16, #tpu.memory_space<vmem_shared>> -> memref<125x64xbf16, #tpu.memory_space<vmem_shared>>
      %dma_wait3A_260 = arith.constant 0 : i32
      %dma_wait3A_261 = tpu.memref_slice %arg5[%add3A_9, %dma_wait3A_260] : memref<10000x64xbf16, #tpu.memory_space<vmem_shared>> -> memref<125x64xbf16, #tpu.memory_space<vmem_shared>>
      tpu.wait_dma2 semaphore(%run_scoped3A_253 : memref<!tpu.dma_semaphore, #tpu.memory_space<semaphore_mem>>) src(%arg8 : memref<125x64xbf16, #tpu.memory_space<vmem>>) dst(%dma_wait3A_261 : memref<125x64xbf16, #tpu.memory_space<vmem_shared>>)
      tpu.yield
    }) : () -> ()
    %add3A_10 = arith.constant 125 : i32
    %add3A_11 = arith.addi %mul3A_8, %add3A_10 : i32
    "tpu.region"() ({
      %run_scoped3A_253 = tpu.sem_alloc : memref<!tpu.dma_semaphore, #tpu.memory_space<semaphore_mem>>
      %dma_start3A_254 = arith.constant 0 : i32
      %dma_start3A_255 = tpu.memref_slice %arg5[%add3A_11, %dma_start3A_254] : memref<10000x64xbf16, #tpu.memory_space<vmem_shared>> -> memref<125x64xbf16, #tpu.memory_space<vmem_shared>>
      %dma_start3A_256 = arith.constant 0 : i32
      %dma_start3A_257 = tpu.memref_slice %arg5[%add3A_11, %dma_start3A_256] : memref<10000x64xbf16, #tpu.memory_space<vmem_shared>> -> memref<125x64xbf16, #tpu.memory_space<vmem_shared>>
      tpu.enqueue_dma source(%arg8 : memref<125x64xbf16, #tpu.memory_space<vmem>>) target(%dma_start3A_257 : memref<125x64xbf16, #tpu.memory_space<vmem_shared>>) target_semaphore(%run_scoped3A_253 : memref<!tpu.dma_semaphore, #tpu.memory_space<semaphore_mem>>)
      %dma_wait3A_258 = arith.constant 0 : i32
      %dma_wait3A_259 = tpu.memref_slice %arg5[%add3A_11, %dma_wait3A_258] : memref<10000x64xbf16, #tpu.memory_space<vmem_shared>> -> memref<125x64xbf16, #tpu.memory_space<vmem_shared>>
      %dma_wait3A_260 = arith.constant 0 : i32
      %dma_wait3A_261 = tpu.memref_slice %arg5[%add3A_11, %dma_wait3A_260] : memref<10000x64xbf16, #tpu.memory_space<vmem_shared>> -> memref<125x64xbf16, #tpu.memory_space<vmem_shared>>
      tpu.wait_dma2 semaphore(%run_scoped3A_253 : memref<!tpu.dma_semaphore, #tpu.memory_space<semaphore_mem>>) src(%arg8 : memref<125x64xbf16, #tpu.memory_space<vmem>>) dst(%dma_wait3A_261 : memref<125x64xbf16, #tpu.memory_space<vmem_shared>>)
      tpu.yield
    }) : () -> ()
    %add3A_12 = arith.constant 250 : i32
    %add3A_13 = arith.addi %mul3A_8, %add3A_12 : i32
    "tpu.region"() ({
      %run_scoped3A_253 = tpu.sem_alloc : memref<!tpu.dma_semaphore, #tpu.memory_space<semaphore_mem>>
      %dma_start3A_254 = arith.constant 0 : i32
      %dma_start3A_255 = tpu.memref_slice %arg5[%add3A_13, %dma_start3A_254] : memref<10000x64xbf16, #tpu.memory_space<vmem_shared>> -> memref<125x64xbf16, #tpu.memory_space<vmem_shared>>
      %dma_start3A_256 = arith.constant 0 : i32
      %dma_start3A_257 = tpu.memref_slice %arg5[%add3A_13, %dma_start3A_256] : memref<10000x64xbf16, #tpu.memory_space<vmem_shared>> -> memref<125x64xbf16, #tpu.memory_space<vmem_shared>>
      tpu.enqueue_dma source(%arg8 : memref<125x64xbf16, #tpu.memory_space<vmem>>) target(%dma_start3A_257 : memref<125x64xbf16, #tpu.memory_space<vmem_shared>>) target_semaphore(%run_scoped3A_253 : memref<!tpu.dma_semaphore, #tpu.memory_space<semaphore_mem>>)
      %dma_wait3A_258 = arith.constant 0 : i32
      %dma_wait3A_259 = tpu.memref_slice %arg5[%add3A_13, %dma_wait3A_258] : memref<10000x64xbf16, #tpu.memory_space<vmem_shared>> -> memref<125x64xbf16, #tpu.memory_space<vmem_shared>>
      %dma_wait3A_260 = arith.constant 0 : i32
      %dma_wait3A_261 = tpu.memref_slice %arg5[%add3A_13, %dma_wait3A_260] : memref<10000x64xbf16, #tpu.memory_space<vmem_shared>> -> memref<125x64xbf16, #tpu.memory_space<vmem_shared>>
      tpu.wait_dma2 semaphore(%run_scoped3A_253 : memref<!tpu.dma_semaphore, #tpu.memory_space<semaphore_mem>>) src(%arg8 : memref<125x64xbf16, #tpu.memory_space<vmem>>) dst(%dma_wait3A_261 : memref<125x64xbf16, #tpu.memory_space<vmem_shared>>)
      tpu.yield
    }) : () -> ()
    %add3A_14 = arith.constant 375 : i32
    %add3A_15 = arith.addi %mul3A_8, %add3A_14 : i32
    "tpu.region"() ({
      %run_scoped3A_253 = tpu.sem_alloc : memref<!tpu.dma_semaphore, #tpu.memory_space<semaphore_mem>>
      %dma_start3A_254 = arith.constant 0 : i32
      %dma_start3A_255 = tpu.memref_slice %arg5[%add3A_15, %dma_start3A_254] : memref<10000x64xbf16, #tpu.memory_space<vmem_shared>> -> memref<125x64xbf16, #tpu.memory_space<vmem_shared>>
      %dma_start3A_256 = arith.constant 0 : i32
      %dma_start3A_257 = tpu.memref_slice %arg5[%add3A_15, %dma_start3A_256] : memref<10000x64xbf16, #tpu.memory_space<vmem_shared>> -> memref<125x64xbf16, #tpu.memory_space<vmem_shared>>
      tpu.enqueue_dma source(%arg8 : memref<125x64xbf16, #tpu.memory_space<vmem>>) target(%dma_start3A_257 : memref<125x64xbf16, #tpu.memory_space<vmem_shared>>) target_semaphore(%run_scoped3A_253 : memref<!tpu.dma_semaphore, #tpu.memory_space<semaphore_mem>>)
      %dma_wait3A_258 = arith.constant 0 : i32
      %dma_wait3A_259 = tpu.memref_slice %arg5[%add3A_15, %dma_wait3A_258] : memref<10000x64xbf16, #tpu.memory_space<vmem_shared>> -> memref<125x64xbf16, #tpu.memory_space<vmem_shared>>
      %dma_wait3A_260 = arith.constant 0 : i32
      %dma_wait3A_261 = tpu.memref_slice %arg5[%add3A_15, %dma_wait3A_260] : memref<10000x64xbf16, #tpu.memory_space<vmem_shared>> -> memref<125x64xbf16, #tpu.memory_space<vmem_shared>>
      tpu.wait_dma2 semaphore(%run_scoped3A_253 : memref<!tpu.dma_semaphore, #tpu.memory_space<semaphore_mem>>) src(%arg8 : memref<125x64xbf16, #tpu.memory_space<vmem>>) dst(%dma_wait3A_261 : memref<125x64xbf16, #tpu.memory_space<vmem_shared>>)
      tpu.yield
    }) : () -> ()
    %add3A_16 = arith.constant 500 : i32
    %add3A_17 = arith.addi %mul3A_8, %add3A_16 : i32
    "tpu.region"() ({
      %run_scoped3A_253 = tpu.sem_alloc : memref<!tpu.dma_semaphore, #tpu.memory_space<semaphore_mem>>
      %dma_start3A_254 = arith.constant 0 : i32
      %dma_start3A_255 = tpu.memref_slice %arg5[%add3A_17, %dma_start3A_254] : memref<10000x64xbf16, #tpu.memory_space<vmem_shared>> -> memref<125x64xbf16, #tpu.memory_space<vmem_shared>>
      %dma_start3A_256 = arith.constant 0 : i32
      %dma_start3A_257 = tpu.memref_slice %arg5[%add3A_17, %dma_start3A_256] : memref<10000x64xbf16, #tpu.memory_space<vmem_shared>> -> memref<125x64xbf16, #tpu.memory_space<vmem_shared>>
      tpu.enqueue_dma source(%arg8 : memref<125x64xbf16, #tpu.memory_space<vmem>>) target(%dma_start3A_257 : memref<125x64xbf16, #tpu.memory_space<vmem_shared>>) target_semaphore(%run_scoped3A_253 : memref<!tpu.dma_semaphore, #tpu.memory_space<semaphore_mem>>)
      %dma_wait3A_258 = arith.constant 0 : i32
      %dma_wait3A_259 = tpu.memref_slice %arg5[%add3A_17, %dma_wait3A_258] : memref<10000x64xbf16, #tpu.memory_space<vmem_shared>> -> memref<125x64xbf16, #tpu.memory_space<vmem_shared>>
      %dma_wait3A_260 = arith.constant 0 : i32
      %dma_wait3A_261 = tpu.memref_slice %arg5[%add3A_17, %dma_wait3A_260] : memref<10000x64xbf16, #tpu.memory_space<vmem_shared>> -> memref<125x64xbf16, #tpu.memory_space<vmem_shared>>
      tpu.wait_dma2 semaphore(%run_scoped3A_253 : memref<!tpu.dma_semaphore, #tpu.memory_space<semaphore_mem>>) src(%arg8 : memref<125x64xbf16, #tpu.memory_space<vmem>>) dst(%dma_wait3A_261 : memref<125x64xbf16, #tpu.memory_space<vmem_shared>>)
      tpu.yield
    }) : () -> ()
    %barrier3A = arith.constant 0 : index
    tpu.barrier barrier_id(%barrier3A)
    %mul3A_18 = arith.constant 16 : i32
    %mul3A_19 = arith.muli %arg0, %mul3A_18 : i32
    %add3A_20 = arith.addi %mul3A_19, %arg1 : i32
    %mul3A_21 = arith.constant 80 : i32
    %mul3A_22 = arith.muli %add3A_20, %mul3A_21 : i32
    %run_scoped3A = arith.constant 1 : i32
    "tpu.region"() ({
      %run_scoped3A_253 = tpu.sem_alloc : memref<!tpu.dma_semaphore, #tpu.memory_space<semaphore_mem>>
      %dma_start3A_254 = arith.constant 0 : i32
      %dma_start3A_255 = tpu.memref_slice %arg3[%run_scoped3A, %mul3A_22, %dma_start3A_254] : memref<2x2560x125xi32, #tpu.memory_space<hbm>> -> memref<1x80x125xi32, #tpu.memory_space<hbm>>
      %dma_start3A_256 = tpu.memref_squeeze %dma_start3A_255 : memref<1x80x125xi32, #tpu.memory_space<hbm>> -> memref<80x125xi32, #tpu.memory_space<hbm>>
      %dma_start3A_257 = arith.constant 0 : i32
      %dma_start3A_258 = tpu.memref_slice %arg3[%run_scoped3A, %mul3A_22, %dma_start3A_257] : memref<2x2560x125xi32, #tpu.memory_space<hbm>> -> memref<1x80x125xi32, #tpu.memory_space<hbm>>
      %dma_start3A_259 = tpu.memref_squeeze %dma_start3A_258 : memref<1x80x125xi32, #tpu.memory_space<hbm>> -> memref<80x125xi32, #tpu.memory_space<hbm>>
      tpu.enqueue_dma source(%dma_start3A_259 : memref<80x125xi32, #tpu.memory_space<hbm>>) target(%arg6 : memref<80x125xi32, #tpu.memory_space<vmem>>) target_semaphore(%run_scoped3A_253 : memref<!tpu.dma_semaphore, #tpu.memory_space<semaphore_mem>>)
      %dma_wait3A_260 = arith.constant 0 : i32
      %dma_wait3A_261 = tpu.memref_slice %arg3[%run_scoped3A, %mul3A_22, %dma_wait3A_260] : memref<2x2560x125xi32, #tpu.memory_space<hbm>> -> memref<1x80x125xi32, #tpu.memory_space<hbm>>
      %dma_wait3A_262 = tpu.memref_squeeze %dma_wait3A_261 : memref<1x80x125xi32, #tpu.memory_space<hbm>> -> memref<80x125xi32, #tpu.memory_space<hbm>>
      %dma_wait3A_263 = arith.constant 0 : i32
      %dma_wait3A_264 = tpu.memref_slice %arg3[%run_scoped3A, %mul3A_22, %dma_wait3A_263] : memref<2x2560x125xi32, #tpu.memory_space<hbm>> -> memref<1x80x125xi32, #tpu.memory_space<hbm>>
      %dma_wait3A_265 = tpu.memref_squeeze %dma_wait3A_264 : memref<1x80x125xi32, #tpu.memory_space<hbm>> -> memref<80x125xi32, #tpu.memory_space<hbm>>
      tpu.wait_dma2 semaphore(%run_scoped3A_253 : memref<!tpu.dma_semaphore, #tpu.memory_space<semaphore_mem>>) src(%dma_wait3A_265 : memref<80x125xi32, #tpu.memory_space<hbm>>) dst(%arg6 : memref<80x125xi32, #tpu.memory_space<vmem>>)
      tpu.yield
    }) : () -> ()
    %run_scoped3A_23 = arith.constant 0 : i32
    "tpu.region"() ({
      %run_scoped3A_253 = tpu.sem_alloc : memref<!tpu.dma_semaphore, #tpu.memory_space<semaphore_mem>>
      %dma_start3A_254 = arith.constant 0 : i32
      %dma_start3A_255 = tpu.memref_slice %arg3[%run_scoped3A_23, %mul3A_22, %dma_start3A_254] : memref<2x2560x125xi32, #tpu.memory_space<hbm>> -> memref<1x80x125xi32, #tpu.memory_space<hbm>>
      %dma_start3A_256 = tpu.memref_squeeze %dma_start3A_255 : memref<1x80x125xi32, #tpu.memory_space<hbm>> -> memref<80x125xi32, #tpu.memory_space<hbm>>
      %dma_start3A_257 = arith.constant 0 : i32
      %dma_start3A_258 = tpu.memref_slice %arg3[%run_scoped3A_23, %mul3A_22, %dma_start3A_257] : memref<2x2560x125xi32, #tpu.memory_space<hbm>> -> memref<1x80x125xi32, #tpu.memory_space<hbm>>
      %dma_start3A_259 = tpu.memref_squeeze %dma_start3A_258 : memref<1x80x125xi32, #tpu.memory_space<hbm>> -> memref<80x125xi32, #tpu.memory_space<hbm>>
      tpu.enqueue_dma source(%dma_start3A_259 : memref<80x125xi32, #tpu.memory_space<hbm>>) target(%arg7 : memref<80x125xi32, #tpu.memory_space<vmem>>) target_semaphore(%run_scoped3A_253 : memref<!tpu.dma_semaphore, #tpu.memory_space<semaphore_mem>>)
      %dma_wait3A_260 = arith.constant 0 : i32
      %dma_wait3A_261 = tpu.memref_slice %arg3[%run_scoped3A_23, %mul3A_22, %dma_wait3A_260] : memref<2x2560x125xi32, #tpu.memory_space<hbm>> -> memref<1x80x125xi32, #tpu.memory_space<hbm>>
      %dma_wait3A_262 = tpu.memref_squeeze %dma_wait3A_261 : memref<1x80x125xi32, #tpu.memory_space<hbm>> -> memref<80x125xi32, #tpu.memory_space<hbm>>
      %dma_wait3A_263 = arith.constant 0 : i32
      %dma_wait3A_264 = tpu.memref_slice %arg3[%run_scoped3A_23, %mul3A_22, %dma_wait3A_263] : memref<2x2560x125xi32, #tpu.memory_space<hbm>> -> memref<1x80x125xi32, #tpu.memory_space<hbm>>
      %dma_wait3A_265 = tpu.memref_squeeze %dma_wait3A_264 : memref<1x80x125xi32, #tpu.memory_space<hbm>> -> memref<80x125xi32, #tpu.memory_space<hbm>>
      tpu.wait_dma2 semaphore(%run_scoped3A_253 : memref<!tpu.dma_semaphore, #tpu.memory_space<semaphore_mem>>) src(%dma_wait3A_265 : memref<80x125xi32, #tpu.memory_space<hbm>>) dst(%arg7 : memref<80x125xi32, #tpu.memory_space<vmem>>)
      tpu.yield
    }) : () -> ()
    %dma_start3A = arith.constant 0 : i32
    %dma_start3A_24 = arith.constant 0 : i32
    %dma_start3A_25 = tpu.memref_slice %arg7[%dma_start3A, %dma_start3A_24] : memref<80x125xi32, #tpu.memory_space<vmem>> -> memref<1x125xi32, #tpu.memory_space<vmem>>
    %dma_start3A_26 = tpu.memref_squeeze %dma_start3A_25 : memref<1x125xi32, #tpu.memory_space<vmem>> -> memref<125xi32, #tpu.memory_space<vmem>>
    %dma_start3A_27 = arith.constant 0 : i32
    %dma_start3A_28 = arith.constant 0 : i32
    %dma_start3A_29 = tpu.memref_slice %arg2[%dma_start3A_27, %dma_start3A_28] : memref<10000x64xbf16, #tpu.memory_space<hbm>> -> memref<10000x64xbf16, #tpu.memory_space<hbm>>
    tpu.enqueue_indirect_dma source(%dma_start3A_29 : memref<10000x64xbf16, #tpu.memory_space<hbm>>) target(%arg8 : memref<125x64xbf16, #tpu.memory_space<vmem>>) offsets(%dma_start3A_26 : memref<125xi32, #tpu.memory_space<vmem>>) semaphore(%arg24 : memref<!tpu.dma_semaphore, #tpu.memory_space<semaphore_mem>>)
    %dma_start3A_30 = arith.constant 1 : i32
    %dma_start3A_31 = arith.constant 0 : i32
    %dma_start3A_32 = tpu.memref_slice %arg7[%dma_start3A_30, %dma_start3A_31] : memref<80x125xi32, #tpu.memory_space<vmem>> -> memref<1x125xi32, #tpu.memory_space<vmem>>
    %dma_start3A_33 = tpu.memref_squeeze %dma_start3A_32 : memref<1x125xi32, #tpu.memory_space<vmem>> -> memref<125xi32, #tpu.memory_space<vmem>>
    %dma_start3A_34 = arith.constant 0 : i32
    %dma_start3A_35 = arith.constant 0 : i32
    %dma_start3A_36 = tpu.memref_slice %arg2[%dma_start3A_34, %dma_start3A_35] : memref<10000x64xbf16, #tpu.memory_space<hbm>> -> memref<10000x64xbf16, #tpu.memory_space<hbm>>
    tpu.enqueue_indirect_dma source(%dma_start3A_36 : memref<10000x64xbf16, #tpu.memory_space<hbm>>) target(%arg9 : memref<125x64xbf16, #tpu.memory_space<vmem>>) offsets(%dma_start3A_33 : memref<125xi32, #tpu.memory_space<vmem>>) semaphore(%arg25 : memref<!tpu.dma_semaphore, #tpu.memory_space<semaphore_mem>>)
    %dma_start3A_37 = arith.constant 2 : i32
    %dma_start3A_38 = arith.constant 0 : i32
    %dma_start3A_39 = tpu.memref_slice %arg7[%dma_start3A_37, %dma_start3A_38] : memref<80x125xi32, #tpu.memory_space<vmem>> -> memref<1x125xi32, #tpu.memory_space<vmem>>
    %dma_start3A_40 = tpu.memref_squeeze %dma_start3A_39 : memref<1x125xi32, #tpu.memory_space<vmem>> -> memref<125xi32, #tpu.memory_space<vmem>>
    %dma_start3A_41 = arith.constant 0 : i32
    %dma_start3A_42 = arith.constant 0 : i32
    %dma_start3A_43 = tpu.memref_slice %arg2[%dma_start3A_41, %dma_start3A_42] : memref<10000x64xbf16, #tpu.memory_space<hbm>> -> memref<10000x64xbf16, #tpu.memory_space<hbm>>
    tpu.enqueue_indirect_dma source(%dma_start3A_43 : memref<10000x64xbf16, #tpu.memory_space<hbm>>) target(%arg10 : memref<125x64xbf16, #tpu.memory_space<vmem>>) offsets(%dma_start3A_40 : memref<125xi32, #tpu.memory_space<vmem>>) semaphore(%arg26 : memref<!tpu.dma_semaphore, #tpu.memory_space<semaphore_mem>>)
    %dma_start3A_44 = arith.constant 3 : i32
    %dma_start3A_45 = arith.constant 0 : i32
    %dma_start3A_46 = tpu.memref_slice %arg7[%dma_start3A_44, %dma_start3A_45] : memref<80x125xi32, #tpu.memory_space<vmem>> -> memref<1x125xi32, #tpu.memory_space<vmem>>
    %dma_start3A_47 = tpu.memref_squeeze %dma_start3A_46 : memref<1x125xi32, #tpu.memory_space<vmem>> -> memref<125xi32, #tpu.memory_space<vmem>>
    %dma_start3A_48 = arith.constant 0 : i32
    %dma_start3A_49 = arith.constant 0 : i32
    %dma_start3A_50 = tpu.memref_slice %arg2[%dma_start3A_48, %dma_start3A_49] : memref<10000x64xbf16, #tpu.memory_space<hbm>> -> memref<10000x64xbf16, #tpu.memory_space<hbm>>
    tpu.enqueue_indirect_dma source(%dma_start3A_50 : memref<10000x64xbf16, #tpu.memory_space<hbm>>) target(%arg11 : memref<125x64xbf16, #tpu.memory_space<vmem>>) offsets(%dma_start3A_47 : memref<125xi32, #tpu.memory_space<vmem>>) semaphore(%arg27 : memref<!tpu.dma_semaphore, #tpu.memory_space<semaphore_mem>>)
    %dma_start3A_51 = arith.constant 4 : i32
    %dma_start3A_52 = arith.constant 0 : i32
    %dma_start3A_53 = tpu.memref_slice %arg7[%dma_start3A_51, %dma_start3A_52] : memref<80x125xi32, #tpu.memory_space<vmem>> -> memref<1x125xi32, #tpu.memory_space<vmem>>
    %dma_start3A_54 = tpu.memref_squeeze %dma_start3A_53 : memref<1x125xi32, #tpu.memory_space<vmem>> -> memref<125xi32, #tpu.memory_space<vmem>>
    %dma_start3A_55 = arith.constant 0 : i32
    %dma_start3A_56 = arith.constant 0 : i32
    %dma_start3A_57 = tpu.memref_slice %arg2[%dma_start3A_55, %dma_start3A_56] : memref<10000x64xbf16, #tpu.memory_space<hbm>> -> memref<10000x64xbf16, #tpu.memory_space<hbm>>
    tpu.enqueue_indirect_dma source(%dma_start3A_57 : memref<10000x64xbf16, #tpu.memory_space<hbm>>) target(%arg12 : memref<125x64xbf16, #tpu.memory_space<vmem>>) offsets(%dma_start3A_54 : memref<125xi32, #tpu.memory_space<vmem>>) semaphore(%arg28 : memref<!tpu.dma_semaphore, #tpu.memory_space<semaphore_mem>>)
    %dma_start3A_58 = arith.constant 5 : i32
    %dma_start3A_59 = arith.constant 0 : i32
    %dma_start3A_60 = tpu.memref_slice %arg7[%dma_start3A_58, %dma_start3A_59] : memref<80x125xi32, #tpu.memory_space<vmem>> -> memref<1x125xi32, #tpu.memory_space<vmem>>
    %dma_start3A_61 = tpu.memref_squeeze %dma_start3A_60 : memref<1x125xi32, #tpu.memory_space<vmem>> -> memref<125xi32, #tpu.memory_space<vmem>>
    %dma_start3A_62 = arith.constant 0 : i32
    %dma_start3A_63 = arith.constant 0 : i32
    %dma_start3A_64 = tpu.memref_slice %arg2[%dma_start3A_62, %dma_start3A_63] : memref<10000x64xbf16, #tpu.memory_space<hbm>> -> memref<10000x64xbf16, #tpu.memory_space<hbm>>
    tpu.enqueue_indirect_dma source(%dma_start3A_64 : memref<10000x64xbf16, #tpu.memory_space<hbm>>) target(%arg13 : memref<125x64xbf16, #tpu.memory_space<vmem>>) offsets(%dma_start3A_61 : memref<125xi32, #tpu.memory_space<vmem>>) semaphore(%arg29 : memref<!tpu.dma_semaphore, #tpu.memory_space<semaphore_mem>>)
    %dma_wait3A = arith.constant 0 : i32
    %dma_wait3A_65 = arith.constant 0 : i32
    %dma_wait3A_66 = tpu.memref_slice %arg7[%dma_wait3A, %dma_wait3A_65] : memref<80x125xi32, #tpu.memory_space<vmem>> -> memref<1x125xi32, #tpu.memory_space<vmem>>
    %dma_wait3A_67 = tpu.memref_squeeze %dma_wait3A_66 : memref<1x125xi32, #tpu.memory_space<vmem>> -> memref<125xi32, #tpu.memory_space<vmem>>
    %dma_wait3A_68 = arith.constant 0 : i32
    %dma_wait3A_69 = arith.constant 0 : i32
    %dma_wait3A_70 = tpu.memref_slice %arg2[%dma_wait3A_68, %dma_wait3A_69] : memref<10000x64xbf16, #tpu.memory_space<hbm>> -> memref<10000x64xbf16, #tpu.memory_space<hbm>>
    tpu.wait_indirect_dma semaphore(%arg24 : memref<!tpu.dma_semaphore, #tpu.memory_space<semaphore_mem>>) src(%dma_wait3A_70 : memref<10000x64xbf16, #tpu.memory_space<hbm>>) dst(%arg8 : memref<125x64xbf16, #tpu.memory_space<vmem>>)
    %dma_start3A_71 = arith.constant 0 : i32
    %dma_start3A_72 = arith.constant 0 : i32
    %dma_start3A_73 = tpu.memref_slice %arg6[%dma_start3A_71, %dma_start3A_72] : memref<80x125xi32, #tpu.memory_space<vmem>> -> memref<1x125xi32, #tpu.memory_space<vmem>>
    %dma_start3A_74 = tpu.memref_squeeze %dma_start3A_73 : memref<1x125xi32, #tpu.memory_space<vmem>> -> memref<125xi32, #tpu.memory_space<vmem>>
    %dma_start3A_75 = arith.constant 0 : i32
    %dma_start3A_76 = arith.constant 0 : i32
    %dma_start3A_77 = tpu.memref_slice %arg5[%dma_start3A_75, %dma_start3A_76] : memref<10000x64xbf16, #tpu.memory_space<vmem_shared>> -> memref<10000x64xbf16, #tpu.memory_space<vmem_shared>>
    tpu.enqueue_indirect_dma source(%arg8 : memref<125x64xbf16, #tpu.memory_space<vmem>>) target(%dma_start3A_77 : memref<10000x64xbf16, #tpu.memory_space<vmem_shared>>) offsets(%dma_start3A_74 : memref<125xi32, #tpu.memory_space<vmem>>) semaphore(%arg16 : memref<!tpu.dma_semaphore, #tpu.memory_space<semaphore_mem>>) {add = true}
    %dma_start3A_78 = arith.constant 6 : i32
    %dma_start3A_79 = arith.constant 0 : i32
    %dma_start3A_80 = tpu.memref_slice %arg7[%dma_start3A_78, %dma_start3A_79] : memref<80x125xi32, #tpu.memory_space<vmem>> -> memref<1x125xi32, #tpu.memory_space<vmem>>
    %dma_start3A_81 = tpu.memref_squeeze %dma_start3A_80 : memref<1x125xi32, #tpu.memory_space<vmem>> -> memref<125xi32, #tpu.memory_space<vmem>>
    %dma_start3A_82 = arith.constant 0 : i32
    %dma_start3A_83 = arith.constant 0 : i32
    %dma_start3A_84 = tpu.memref_slice %arg2[%dma_start3A_82, %dma_start3A_83] : memref<10000x64xbf16, #tpu.memory_space<hbm>> -> memref<10000x64xbf16, #tpu.memory_space<hbm>>
    tpu.enqueue_indirect_dma source(%dma_start3A_84 : memref<10000x64xbf16, #tpu.memory_space<hbm>>) target(%arg14 : memref<125x64xbf16, #tpu.memory_space<vmem>>) offsets(%dma_start3A_81 : memref<125xi32, #tpu.memory_space<vmem>>) semaphore(%arg30 : memref<!tpu.dma_semaphore, #tpu.memory_space<semaphore_mem>>)
    %dma_wait3A_85 = arith.constant 0 : i32
    %dma_wait3A_86 = arith.constant 0 : i32
    %dma_wait3A_87 = tpu.memref_slice %arg7[%dma_wait3A_85, %dma_wait3A_86] : memref<80x125xi32, #tpu.memory_space<vmem>> -> memref<1x125xi32, #tpu.memory_space<vmem>>
    %dma_wait3A_88 = tpu.memref_squeeze %dma_wait3A_87 : memref<1x125xi32, #tpu.memory_space<vmem>> -> memref<125xi32, #tpu.memory_space<vmem>>
    %dma_wait3A_89 = arith.constant 0 : i32
    %dma_wait3A_90 = arith.constant 0 : i32
    %dma_wait3A_91 = tpu.memref_slice %arg2[%dma_wait3A_89, %dma_wait3A_90] : memref<10000x64xbf16, #tpu.memory_space<hbm>> -> memref<10000x64xbf16, #tpu.memory_space<hbm>>
    tpu.wait_indirect_dma semaphore(%arg25 : memref<!tpu.dma_semaphore, #tpu.memory_space<semaphore_mem>>) src(%dma_wait3A_91 : memref<10000x64xbf16, #tpu.memory_space<hbm>>) dst(%arg9 : memref<125x64xbf16, #tpu.memory_space<vmem>>)
    %dma_start3A_92 = arith.constant 1 : i32
    %dma_start3A_93 = arith.constant 0 : i32
    %dma_start3A_94 = tpu.memref_slice %arg6[%dma_start3A_92, %dma_start3A_93] : memref<80x125xi32, #tpu.memory_space<vmem>> -> memref<1x125xi32, #tpu.memory_space<vmem>>
    %dma_start3A_95 = tpu.memref_squeeze %dma_start3A_94 : memref<1x125xi32, #tpu.memory_space<vmem>> -> memref<125xi32, #tpu.memory_space<vmem>>
    %dma_start3A_96 = arith.constant 0 : i32
    %dma_start3A_97 = arith.constant 0 : i32
    %dma_start3A_98 = tpu.memref_slice %arg5[%dma_start3A_96, %dma_start3A_97] : memref<10000x64xbf16, #tpu.memory_space<vmem_shared>> -> memref<10000x64xbf16, #tpu.memory_space<vmem_shared>>
    tpu.enqueue_indirect_dma source(%arg9 : memref<125x64xbf16, #tpu.memory_space<vmem>>) target(%dma_start3A_98 : memref<10000x64xbf16, #tpu.memory_space<vmem_shared>>) offsets(%dma_start3A_95 : memref<125xi32, #tpu.memory_space<vmem>>) semaphore(%arg17 : memref<!tpu.dma_semaphore, #tpu.memory_space<semaphore_mem>>) {add = true}
    %dma_start3A_99 = arith.constant 7 : i32
    %dma_start3A_100 = arith.constant 0 : i32
    %dma_start3A_101 = tpu.memref_slice %arg7[%dma_start3A_99, %dma_start3A_100] : memref<80x125xi32, #tpu.memory_space<vmem>> -> memref<1x125xi32, #tpu.memory_space<vmem>>
    %dma_start3A_102 = tpu.memref_squeeze %dma_start3A_101 : memref<1x125xi32, #tpu.memory_space<vmem>> -> memref<125xi32, #tpu.memory_space<vmem>>
    %dma_start3A_103 = arith.constant 0 : i32
    %dma_start3A_104 = arith.constant 0 : i32
    %dma_start3A_105 = tpu.memref_slice %arg2[%dma_start3A_103, %dma_start3A_104] : memref<10000x64xbf16, #tpu.memory_space<hbm>> -> memref<10000x64xbf16, #tpu.memory_space<hbm>>
    tpu.enqueue_indirect_dma source(%dma_start3A_105 : memref<10000x64xbf16, #tpu.memory_space<hbm>>) target(%arg15 : memref<125x64xbf16, #tpu.memory_space<vmem>>) offsets(%dma_start3A_102 : memref<125xi32, #tpu.memory_space<vmem>>) semaphore(%arg31 : memref<!tpu.dma_semaphore, #tpu.memory_space<semaphore_mem>>)
    %scan3A_106 = arith.constant 0 : i32
    %scan3A_107 = arith.constant 0 : i32
    %scan3A_108 = arith.constant 9 : i32
    %scan3A_109 = arith.addi %scan3A_107, %scan3A_108 : i32
    %scan3A_110 = arith.constant 1 : i32
    scf.for %scan3A_253 = %scan3A_107 to %scan3A_109 step %scan3A_110  : i32 {
      %mul3A_254 = arith.constant 8 : i32
      %mul3A_255 = arith.muli %mul3A_254, %scan3A_253 : i32
      %add3A_256 = arith.constant 2 : i32
      %add3A_257 = arith.addi %add3A_256, %mul3A_255 : i32
      %add3A_258 = arith.constant 0 : i32
      %add3A_259 = arith.addi %add3A_257, %add3A_258 : i32
      %dma_wait3A_260 = arith.constant 0 : i32
      %dma_wait3A_261 = arith.constant 0 : i32
      %dma_wait3A_262 = tpu.memref_slice %arg7[%dma_wait3A_260, %dma_wait3A_261] : memref<80x125xi32, #tpu.memory_space<vmem>> -> memref<1x125xi32, #tpu.memory_space<vmem>>
      %dma_wait3A_263 = tpu.memref_squeeze %dma_wait3A_262 : memref<1x125xi32, #tpu.memory_space<vmem>> -> memref<125xi32, #tpu.memory_space<vmem>>
      %dma_wait3A_264 = arith.constant 0 : i32
      %dma_wait3A_265 = arith.constant 0 : i32
      %dma_wait3A_266 = tpu.memref_slice %arg2[%dma_wait3A_264, %dma_wait3A_265] : memref<10000x64xbf16, #tpu.memory_space<hbm>> -> memref<10000x64xbf16, #tpu.memory_space<hbm>>
      tpu.wait_indirect_dma semaphore(%arg26 : memref<!tpu.dma_semaphore, #tpu.memory_space<semaphore_mem>>) src(%dma_wait3A_266 : memref<10000x64xbf16, #tpu.memory_space<hbm>>) dst(%arg10 : memref<125x64xbf16, #tpu.memory_space<vmem>>)
      %dma_start3A_267 = arith.constant 0 : i32
      %dma_start3A_268 = tpu.memref_slice %arg6[%add3A_259, %dma_start3A_267] : memref<80x125xi32, #tpu.memory_space<vmem>> -> memref<1x125xi32, #tpu.memory_space<vmem>>
      %dma_start3A_269 = tpu.memref_squeeze %dma_start3A_268 : memref<1x125xi32, #tpu.memory_space<vmem>> -> memref<125xi32, #tpu.memory_space<vmem>>
      %dma_start3A_270 = arith.constant 0 : i32
      %dma_start3A_271 = arith.constant 0 : i32
      %dma_start3A_272 = tpu.memref_slice %arg5[%dma_start3A_270, %dma_start3A_271] : memref<10000x64xbf16, #tpu.memory_space<vmem_shared>> -> memref<10000x64xbf16, #tpu.memory_space<vmem_shared>>
      tpu.enqueue_indirect_dma source(%arg10 : memref<125x64xbf16, #tpu.memory_space<vmem>>) target(%dma_start3A_272 : memref<10000x64xbf16, #tpu.memory_space<vmem_shared>>) offsets(%dma_start3A_269 : memref<125xi32, #tpu.memory_space<vmem>>) semaphore(%arg18 : memref<!tpu.dma_semaphore, #tpu.memory_space<semaphore_mem>>) {add = true}
      %dma_wait3A_273 = arith.constant 0 : i32
      %dma_wait3A_274 = arith.constant 0 : i32
      %dma_wait3A_275 = tpu.memref_slice %arg6[%dma_wait3A_273, %dma_wait3A_274] : memref<80x125xi32, #tpu.memory_space<vmem>> -> memref<1x125xi32, #tpu.memory_space<vmem>>
      %dma_wait3A_276 = tpu.memref_squeeze %dma_wait3A_275 : memref<1x125xi32, #tpu.memory_space<vmem>> -> memref<125xi32, #tpu.memory_space<vmem>>
      %dma_wait3A_277 = arith.constant 0 : i32
      %dma_wait3A_278 = arith.constant 0 : i32
      %dma_wait3A_279 = tpu.memref_slice %arg5[%dma_wait3A_277, %dma_wait3A_278] : memref<10000x64xbf16, #tpu.memory_space<vmem_shared>> -> memref<10000x64xbf16, #tpu.memory_space<vmem_shared>>
      tpu.wait_indirect_dma semaphore(%arg16 : memref<!tpu.dma_semaphore, #tpu.memory_space<semaphore_mem>>) src(%arg8 : memref<125x64xbf16, #tpu.memory_space<vmem>>) dst(%dma_wait3A_279 : memref<10000x64xbf16, #tpu.memory_space<vmem_shared>>)
      %add3A_280 = arith.constant 6 : i32
      %add3A_281 = arith.addi %add3A_259, %add3A_280 : i32
      %dma_start3A_282 = arith.constant 0 : i32
      %dma_start3A_283 = tpu.memref_slice %arg7[%add3A_281, %dma_start3A_282] : memref<80x125xi32, #tpu.memory_space<vmem>> -> memref<1x125xi32, #tpu.memory_space<vmem>>
      %dma_start3A_284 = tpu.memref_squeeze %dma_start3A_283 : memref<1x125xi32, #tpu.memory_space<vmem>> -> memref<125xi32, #tpu.memory_space<vmem>>
      %dma_start3A_285 = arith.constant 0 : i32
      %dma_start3A_286 = arith.constant 0 : i32
      %dma_start3A_287 = tpu.memref_slice %arg2[%dma_start3A_285, %dma_start3A_286] : memref<10000x64xbf16, #tpu.memory_space<hbm>> -> memref<10000x64xbf16, #tpu.memory_space<hbm>>
      tpu.enqueue_indirect_dma source(%dma_start3A_287 : memref<10000x64xbf16, #tpu.memory_space<hbm>>) target(%arg8 : memref<125x64xbf16, #tpu.memory_space<vmem>>) offsets(%dma_start3A_284 : memref<125xi32, #tpu.memory_space<vmem>>) semaphore(%arg24 : memref<!tpu.dma_semaphore, #tpu.memory_space<semaphore_mem>>)
      %add3A_288 = arith.constant 1 : i32
      %add3A_289 = arith.addi %add3A_257, %add3A_288 : i32
      %dma_wait3A_290 = arith.constant 0 : i32
      %dma_wait3A_291 = arith.constant 0 : i32
      %dma_wait3A_292 = tpu.memref_slice %arg7[%dma_wait3A_290, %dma_wait3A_291] : memref<80x125xi32, #tpu.memory_space<vmem>> -> memref<1x125xi32, #tpu.memory_space<vmem>>
      %dma_wait3A_293 = tpu.memref_squeeze %dma_wait3A_292 : memref<1x125xi32, #tpu.memory_space<vmem>> -> memref<125xi32, #tpu.memory_space<vmem>>
      %dma_wait3A_294 = arith.constant 0 : i32
      %dma_wait3A_295 = arith.constant 0 : i32
      %dma_wait3A_296 = tpu.memref_slice %arg2[%dma_wait3A_294, %dma_wait3A_295] : memref<10000x64xbf16, #tpu.memory_space<hbm>> -> memref<10000x64xbf16, #tpu.memory_space<hbm>>
      tpu.wait_indirect_dma semaphore(%arg27 : memref<!tpu.dma_semaphore, #tpu.memory_space<semaphore_mem>>) src(%dma_wait3A_296 : memref<10000x64xbf16, #tpu.memory_space<hbm>>) dst(%arg11 : memref<125x64xbf16, #tpu.memory_space<vmem>>)
      %dma_start3A_297 = arith.constant 0 : i32
      %dma_start3A_298 = tpu.memref_slice %arg6[%add3A_289, %dma_start3A_297] : memref<80x125xi32, #tpu.memory_space<vmem>> -> memref<1x125xi32, #tpu.memory_space<vmem>>
      %dma_start3A_299 = tpu.memref_squeeze %dma_start3A_298 : memref<1x125xi32, #tpu.memory_space<vmem>> -> memref<125xi32, #tpu.memory_space<vmem>>
      %dma_start3A_300 = arith.constant 0 : i32
      %dma_start3A_301 = arith.constant 0 : i32
      %dma_start3A_302 = tpu.memref_slice %arg5[%dma_start3A_300, %dma_start3A_301] : memref<10000x64xbf16, #tpu.memory_space<vmem_shared>> -> memref<10000x64xbf16, #tpu.memory_space<vmem_shared>>
      tpu.enqueue_indirect_dma source(%arg11 : memref<125x64xbf16, #tpu.memory_space<vmem>>) target(%dma_start3A_302 : memref<10000x64xbf16, #tpu.memory_space<vmem_shared>>) offsets(%dma_start3A_299 : memref<125xi32, #tpu.memory_space<vmem>>) semaphore(%arg19 : memref<!tpu.dma_semaphore, #tpu.memory_space<semaphore_mem>>) {add = true}
      %dma_wait3A_303 = arith.constant 0 : i32
      %dma_wait3A_304 = arith.constant 0 : i32
      %dma_wait3A_305 = tpu.memref_slice %arg6[%dma_wait3A_303, %dma_wait3A_304] : memref<80x125xi32, #tpu.memory_space<vmem>> -> memref<1x125xi32, #tpu.memory_space<vmem>>
      %dma_wait3A_306 = tpu.memref_squeeze %dma_wait3A_305 : memref<1x125xi32, #tpu.memory_space<vmem>> -> memref<125xi32, #tpu.memory_space<vmem>>
      %dma_wait3A_307 = arith.constant 0 : i32
      %dma_wait3A_308 = arith.constant 0 : i32
      %dma_wait3A_309 = tpu.memref_slice %arg5[%dma_wait3A_307, %dma_wait3A_308] : memref<10000x64xbf16, #tpu.memory_space<vmem_shared>> -> memref<10000x64xbf16, #tpu.memory_space<vmem_shared>>
      tpu.wait_indirect_dma semaphore(%arg17 : memref<!tpu.dma_semaphore, #tpu.memory_space<semaphore_mem>>) src(%arg9 : memref<125x64xbf16, #tpu.memory_space<vmem>>) dst(%dma_wait3A_309 : memref<10000x64xbf16, #tpu.memory_space<vmem_shared>>)
      %add3A_310 = arith.constant 6 : i32
      %add3A_311 = arith.addi %add3A_289, %add3A_310 : i32
      %dma_start3A_312 = arith.constant 0 : i32
      %dma_start3A_313 = tpu.memref_slice %arg7[%add3A_311, %dma_start3A_312] : memref<80x125xi32, #tpu.memory_space<vmem>> -> memref<1x125xi32, #tpu.memory_space<vmem>>
      %dma_start3A_314 = tpu.memref_squeeze %dma_start3A_313 : memref<1x125xi32, #tpu.memory_space<vmem>> -> memref<125xi32, #tpu.memory_space<vmem>>
      %dma_start3A_315 = arith.constant 0 : i32
      %dma_start3A_316 = arith.constant 0 : i32
      %dma_start3A_317 = tpu.memref_slice %arg2[%dma_start3A_315, %dma_start3A_316] : memref<10000x64xbf16, #tpu.memory_space<hbm>> -> memref<10000x64xbf16, #tpu.memory_space<hbm>>
      tpu.enqueue_indirect_dma source(%dma_start3A_317 : memref<10000x64xbf16, #tpu.memory_space<hbm>>) target(%arg9 : memref<125x64xbf16, #tpu.memory_space<vmem>>) offsets(%dma_start3A_314 : memref<125xi32, #tpu.memory_space<vmem>>) semaphore(%arg25 : memref<!tpu.dma_semaphore, #tpu.memory_space<semaphore_mem>>)
      %add3A_318 = arith.constant 2 : i32
      %add3A_319 = arith.addi %add3A_257, %add3A_318 : i32
      %dma_wait3A_320 = arith.constant 0 : i32
      %dma_wait3A_321 = arith.constant 0 : i32
      %dma_wait3A_322 = tpu.memref_slice %arg7[%dma_wait3A_320, %dma_wait3A_321] : memref<80x125xi32, #tpu.memory_space<vmem>> -> memref<1x125xi32, #tpu.memory_space<vmem>>
      %dma_wait3A_323 = tpu.memref_squeeze %dma_wait3A_322 : memref<1x125xi32, #tpu.memory_space<vmem>> -> memref<125xi32, #tpu.memory_space<vmem>>
      %dma_wait3A_324 = arith.constant 0 : i32
      %dma_wait3A_325 = arith.constant 0 : i32
      %dma_wait3A_326 = tpu.memref_slice %arg2[%dma_wait3A_324, %dma_wait3A_325] : memref<10000x64xbf16, #tpu.memory_space<hbm>> -> memref<10000x64xbf16, #tpu.memory_space<hbm>>
      tpu.wait_indirect_dma semaphore(%arg28 : memref<!tpu.dma_semaphore, #tpu.memory_space<semaphore_mem>>) src(%dma_wait3A_326 : memref<10000x64xbf16, #tpu.memory_space<hbm>>) dst(%arg12 : memref<125x64xbf16, #tpu.memory_space<vmem>>)
      %dma_start3A_327 = arith.constant 0 : i32
      %dma_start3A_328 = tpu.memref_slice %arg6[%add3A_319, %dma_start3A_327] : memref<80x125xi32, #tpu.memory_space<vmem>> -> memref<1x125xi32, #tpu.memory_space<vmem>>
      %dma_start3A_329 = tpu.memref_squeeze %dma_start3A_328 : memref<1x125xi32, #tpu.memory_space<vmem>> -> memref<125xi32, #tpu.memory_space<vmem>>
      %dma_start3A_330 = arith.constant 0 : i32
      %dma_start3A_331 = arith.constant 0 : i32
      %dma_start3A_332 = tpu.memref_slice %arg5[%dma_start3A_330, %dma_start3A_331] : memref<10000x64xbf16, #tpu.memory_space<vmem_shared>> -> memref<10000x64xbf16, #tpu.memory_space<vmem_shared>>
      tpu.enqueue_indirect_dma source(%arg12 : memref<125x64xbf16, #tpu.memory_space<vmem>>) target(%dma_start3A_332 : memref<10000x64xbf16, #tpu.memory_space<vmem_shared>>) offsets(%dma_start3A_329 : memref<125xi32, #tpu.memory_space<vmem>>) semaphore(%arg20 : memref<!tpu.dma_semaphore, #tpu.memory_space<semaphore_mem>>) {add = true}
      %dma_wait3A_333 = arith.constant 0 : i32
      %dma_wait3A_334 = arith.constant 0 : i32
      %dma_wait3A_335 = tpu.memref_slice %arg6[%dma_wait3A_333, %dma_wait3A_334] : memref<80x125xi32, #tpu.memory_space<vmem>> -> memref<1x125xi32, #tpu.memory_space<vmem>>
      %dma_wait3A_336 = tpu.memref_squeeze %dma_wait3A_335 : memref<1x125xi32, #tpu.memory_space<vmem>> -> memref<125xi32, #tpu.memory_space<vmem>>
      %dma_wait3A_337 = arith.constant 0 : i32
      %dma_wait3A_338 = arith.constant 0 : i32
      %dma_wait3A_339 = tpu.memref_slice %arg5[%dma_wait3A_337, %dma_wait3A_338] : memref<10000x64xbf16, #tpu.memory_space<vmem_shared>> -> memref<10000x64xbf16, #tpu.memory_space<vmem_shared>>
      tpu.wait_indirect_dma semaphore(%arg18 : memref<!tpu.dma_semaphore, #tpu.memory_space<semaphore_mem>>) src(%arg10 : memref<125x64xbf16, #tpu.memory_space<vmem>>) dst(%dma_wait3A_339 : memref<10000x64xbf16, #tpu.memory_space<vmem_shared>>)
      %add3A_340 = arith.constant 6 : i32
      %add3A_341 = arith.addi %add3A_319, %add3A_340 : i32
      %dma_start3A_342 = arith.constant 0 : i32
      %dma_start3A_343 = tpu.memref_slice %arg7[%add3A_341, %dma_start3A_342] : memref<80x125xi32, #tpu.memory_space<vmem>> -> memref<1x125xi32, #tpu.memory_space<vmem>>
      %dma_start3A_344 = tpu.memref_squeeze %dma_start3A_343 : memref<1x125xi32, #tpu.memory_space<vmem>> -> memref<125xi32, #tpu.memory_space<vmem>>
      %dma_start3A_345 = arith.constant 0 : i32
      %dma_start3A_346 = arith.constant 0 : i32
      %dma_start3A_347 = tpu.memref_slice %arg2[%dma_start3A_345, %dma_start3A_346] : memref<10000x64xbf16, #tpu.memory_space<hbm>> -> memref<10000x64xbf16, #tpu.memory_space<hbm>>
      tpu.enqueue_indirect_dma source(%dma_start3A_347 : memref<10000x64xbf16, #tpu.memory_space<hbm>>) target(%arg10 : memref<125x64xbf16, #tpu.memory_space<vmem>>) offsets(%dma_start3A_344 : memref<125xi32, #tpu.memory_space<vmem>>) semaphore(%arg26 : memref<!tpu.dma_semaphore, #tpu.memory_space<semaphore_mem>>)
      %add3A_348 = arith.constant 3 : i32
      %add3A_349 = arith.addi %add3A_257, %add3A_348 : i32
      %dma_wait3A_350 = arith.constant 0 : i32
      %dma_wait3A_351 = arith.constant 0 : i32
      %dma_wait3A_352 = tpu.memref_slice %arg7[%dma_wait3A_350, %dma_wait3A_351] : memref<80x125xi32, #tpu.memory_space<vmem>> -> memref<1x125xi32, #tpu.memory_space<vmem>>
      %dma_wait3A_353 = tpu.memref_squeeze %dma_wait3A_352 : memref<1x125xi32, #tpu.memory_space<vmem>> -> memref<125xi32, #tpu.memory_space<vmem>>
      %dma_wait3A_354 = arith.constant 0 : i32
      %dma_wait3A_355 = arith.constant 0 : i32
      %dma_wait3A_356 = tpu.memref_slice %arg2[%dma_wait3A_354, %dma_wait3A_355] : memref<10000x64xbf16, #tpu.memory_space<hbm>> -> memref<10000x64xbf16, #tpu.memory_space<hbm>>
      tpu.wait_indirect_dma semaphore(%arg29 : memref<!tpu.dma_semaphore, #tpu.memory_space<semaphore_mem>>) src(%dma_wait3A_356 : memref<10000x64xbf16, #tpu.memory_space<hbm>>) dst(%arg13 : memref<125x64xbf16, #tpu.memory_space<vmem>>)
      %dma_start3A_357 = arith.constant 0 : i32
      %dma_start3A_358 = tpu.memref_slice %arg6[%add3A_349, %dma_start3A_357] : memref<80x125xi32, #tpu.memory_space<vmem>> -> memref<1x125xi32, #tpu.memory_space<vmem>>
      %dma_start3A_359 = tpu.memref_squeeze %dma_start3A_358 : memref<1x125xi32, #tpu.memory_space<vmem>> -> memref<125xi32, #tpu.memory_space<vmem>>
      %dma_start3A_360 = arith.constant 0 : i32
      %dma_start3A_361 = arith.constant 0 : i32
      %dma_start3A_362 = tpu.memref_slice %arg5[%dma_start3A_360, %dma_start3A_361] : memref<10000x64xbf16, #tpu.memory_space<vmem_shared>> -> memref<10000x64xbf16, #tpu.memory_space<vmem_shared>>
      tpu.enqueue_indirect_dma source(%arg13 : memref<125x64xbf16, #tpu.memory_space<vmem>>) target(%dma_start3A_362 : memref<10000x64xbf16, #tpu.memory_space<vmem_shared>>) offsets(%dma_start3A_359 : memref<125xi32, #tpu.memory_space<vmem>>) semaphore(%arg21 : memref<!tpu.dma_semaphore, #tpu.memory_space<semaphore_mem>>) {add = true}
      %dma_wait3A_363 = arith.constant 0 : i32
      %dma_wait3A_364 = arith.constant 0 : i32
      %dma_wait3A_365 = tpu.memref_slice %arg6[%dma_wait3A_363, %dma_wait3A_364] : memref<80x125xi32, #tpu.memory_space<vmem>> -> memref<1x125xi32, #tpu.memory_space<vmem>>
      %dma_wait3A_366 = tpu.memref_squeeze %dma_wait3A_365 : memref<1x125xi32, #tpu.memory_space<vmem>> -> memref<125xi32, #tpu.memory_space<vmem>>
      %dma_wait3A_367 = arith.constant 0 : i32
      %dma_wait3A_368 = arith.constant 0 : i32
      %dma_wait3A_369 = tpu.memref_slice %arg5[%dma_wait3A_367, %dma_wait3A_368] : memref<10000x64xbf16, #tpu.memory_space<vmem_shared>> -> memref<10000x64xbf16, #tpu.memory_space<vmem_shared>>
      tpu.wait_indirect_dma semaphore(%arg19 : memref<!tpu.dma_semaphore, #tpu.memory_space<semaphore_mem>>) src(%arg11 : memref<125x64xbf16, #tpu.memory_space<vmem>>) dst(%dma_wait3A_369 : memref<10000x64xbf16, #tpu.memory_space<vmem_shared>>)
      %add3A_370 = arith.constant 6 : i32
      %add3A_371 = arith.addi %add3A_349, %add3A_370 : i32
      %dma_start3A_372 = arith.constant 0 : i32
      %dma_start3A_373 = tpu.memref_slice %arg7[%add3A_371, %dma_start3A_372] : memref<80x125xi32, #tpu.memory_space<vmem>> -> memref<1x125xi32, #tpu.memory_space<vmem>>
      %dma_start3A_374 = tpu.memref_squeeze %dma_start3A_373 : memref<1x125xi32, #tpu.memory_space<vmem>> -> memref<125xi32, #tpu.memory_space<vmem>>
      %dma_start3A_375 = arith.constant 0 : i32
      %dma_start3A_376 = arith.constant 0 : i32
      %dma_start3A_377 = tpu.memref_slice %arg2[%dma_start3A_375, %dma_start3A_376] : memref<10000x64xbf16, #tpu.memory_space<hbm>> -> memref<10000x64xbf16, #tpu.memory_space<hbm>>
      tpu.enqueue_indirect_dma source(%dma_start3A_377 : memref<10000x64xbf16, #tpu.memory_space<hbm>>) target(%arg11 : memref<125x64xbf16, #tpu.memory_space<vmem>>) offsets(%dma_start3A_374 : memref<125xi32, #tpu.memory_space<vmem>>) semaphore(%arg27 : memref<!tpu.dma_semaphore, #tpu.memory_space<semaphore_mem>>)
      %add3A_378 = arith.constant 4 : i32
      %add3A_379 = arith.addi %add3A_257, %add3A_378 : i32
      %dma_wait3A_380 = arith.constant 0 : i32
      %dma_wait3A_381 = arith.constant 0 : i32
      %dma_wait3A_382 = tpu.memref_slice %arg7[%dma_wait3A_380, %dma_wait3A_381] : memref<80x125xi32, #tpu.memory_space<vmem>> -> memref<1x125xi32, #tpu.memory_space<vmem>>
      %dma_wait3A_383 = tpu.memref_squeeze %dma_wait3A_382 : memref<1x125xi32, #tpu.memory_space<vmem>> -> memref<125xi32, #tpu.memory_space<vmem>>
      %dma_wait3A_384 = arith.constant 0 : i32
      %dma_wait3A_385 = arith.constant 0 : i32
      %dma_wait3A_386 = tpu.memref_slice %arg2[%dma_wait3A_384, %dma_wait3A_385] : memref<10000x64xbf16, #tpu.memory_space<hbm>> -> memref<10000x64xbf16, #tpu.memory_space<hbm>>
      tpu.wait_indirect_dma semaphore(%arg30 : memref<!tpu.dma_semaphore, #tpu.memory_space<semaphore_mem>>) src(%dma_wait3A_386 : memref<10000x64xbf16, #tpu.memory_space<hbm>>) dst(%arg14 : memref<125x64xbf16, #tpu.memory_space<vmem>>)
      %dma_start3A_387 = arith.constant 0 : i32
      %dma_start3A_388 = tpu.memref_slice %arg6[%add3A_379, %dma_start3A_387] : memref<80x125xi32, #tpu.memory_space<vmem>> -> memref<1x125xi32, #tpu.memory_space<vmem>>
      %dma_start3A_389 = tpu.memref_squeeze %dma_start3A_388 : memref<1x125xi32, #tpu.memory_space<vmem>> -> memref<125xi32, #tpu.memory_space<vmem>>
      %dma_start3A_390 = arith.constant 0 : i32
      %dma_start3A_391 = arith.constant 0 : i32
      %dma_start3A_392 = tpu.memref_slice %arg5[%dma_start3A_390, %dma_start3A_391] : memref<10000x64xbf16, #tpu.memory_space<vmem_shared>> -> memref<10000x64xbf16, #tpu.memory_space<vmem_shared>>
      tpu.enqueue_indirect_dma source(%arg14 : memref<125x64xbf16, #tpu.memory_space<vmem>>) target(%dma_start3A_392 : memref<10000x64xbf16, #tpu.memory_space<vmem_shared>>) offsets(%dma_start3A_389 : memref<125xi32, #tpu.memory_space<vmem>>) semaphore(%arg22 : memref<!tpu.dma_semaphore, #tpu.memory_space<semaphore_mem>>) {add = true}
      %dma_wait3A_393 = arith.constant 0 : i32
      %dma_wait3A_394 = arith.constant 0 : i32
      %dma_wait3A_395 = tpu.memref_slice %arg6[%dma_wait3A_393, %dma_wait3A_394] : memref<80x125xi32, #tpu.memory_space<vmem>> -> memref<1x125xi32, #tpu.memory_space<vmem>>
      %dma_wait3A_396 = tpu.memref_squeeze %dma_wait3A_395 : memref<1x125xi32, #tpu.memory_space<vmem>> -> memref<125xi32, #tpu.memory_space<vmem>>
      %dma_wait3A_397 = arith.constant 0 : i32
      %dma_wait3A_398 = arith.constant 0 : i32
      %dma_wait3A_399 = tpu.memref_slice %arg5[%dma_wait3A_397, %dma_wait3A_398] : memref<10000x64xbf16, #tpu.memory_space<vmem_shared>> -> memref<10000x64xbf16, #tpu.memory_space<vmem_shared>>
      tpu.wait_indirect_dma semaphore(%arg20 : memref<!tpu.dma_semaphore, #tpu.memory_space<semaphore_mem>>) src(%arg12 : memref<125x64xbf16, #tpu.memory_space<vmem>>) dst(%dma_wait3A_399 : memref<10000x64xbf16, #tpu.memory_space<vmem_shared>>)
      %add3A_400 = arith.constant 6 : i32
      %add3A_401 = arith.addi %add3A_379, %add3A_400 : i32
      %dma_start3A_402 = arith.constant 0 : i32
      %dma_start3A_403 = tpu.memref_slice %arg7[%add3A_401, %dma_start3A_402] : memref<80x125xi32, #tpu.memory_space<vmem>> -> memref<1x125xi32, #tpu.memory_space<vmem>>
      %dma_start3A_404 = tpu.memref_squeeze %dma_start3A_403 : memref<1x125xi32, #tpu.memory_space<vmem>> -> memref<125xi32, #tpu.memory_space<vmem>>
      %dma_start3A_405 = arith.constant 0 : i32
      %dma_start3A_406 = arith.constant 0 : i32
      %dma_start3A_407 = tpu.memref_slice %arg2[%dma_start3A_405, %dma_start3A_406] : memref<10000x64xbf16, #tpu.memory_space<hbm>> -> memref<10000x64xbf16, #tpu.memory_space<hbm>>
      tpu.enqueue_indirect_dma source(%dma_start3A_407 : memref<10000x64xbf16, #tpu.memory_space<hbm>>) target(%arg12 : memref<125x64xbf16, #tpu.memory_space<vmem>>) offsets(%dma_start3A_404 : memref<125xi32, #tpu.memory_space<vmem>>) semaphore(%arg28 : memref<!tpu.dma_semaphore, #tpu.memory_space<semaphore_mem>>)
      %add3A_408 = arith.constant 5 : i32
      %add3A_409 = arith.addi %add3A_257, %add3A_408 : i32
      %dma_wait3A_410 = arith.constant 0 : i32
      %dma_wait3A_411 = arith.constant 0 : i32
      %dma_wait3A_412 = tpu.memref_slice %arg7[%dma_wait3A_410, %dma_wait3A_411] : memref<80x125xi32, #tpu.memory_space<vmem>> -> memref<1x125xi32, #tpu.memory_space<vmem>>
      %dma_wait3A_413 = tpu.memref_squeeze %dma_wait3A_412 : memref<1x125xi32, #tpu.memory_space<vmem>> -> memref<125xi32, #tpu.memory_space<vmem>>
      %dma_wait3A_414 = arith.constant 0 : i32
      %dma_wait3A_415 = arith.constant 0 : i32
      %dma_wait3A_416 = tpu.memref_slice %arg2[%dma_wait3A_414, %dma_wait3A_415] : memref<10000x64xbf16, #tpu.memory_space<hbm>> -> memref<10000x64xbf16, #tpu.memory_space<hbm>>
      tpu.wait_indirect_dma semaphore(%arg31 : memref<!tpu.dma_semaphore, #tpu.memory_space<semaphore_mem>>) src(%dma_wait3A_416 : memref<10000x64xbf16, #tpu.memory_space<hbm>>) dst(%arg15 : memref<125x64xbf16, #tpu.memory_space<vmem>>)
      %dma_start3A_417 = arith.constant 0 : i32
      %dma_start3A_418 = tpu.memref_slice %arg6[%add3A_409, %dma_start3A_417] : memref<80x125xi32, #tpu.memory_space<vmem>> -> memref<1x125xi32, #tpu.memory_space<vmem>>
      %dma_start3A_419 = tpu.memref_squeeze %dma_start3A_418 : memref<1x125xi32, #tpu.memory_space<vmem>> -> memref<125xi32, #tpu.memory_space<vmem>>
      %dma_start3A_420 = arith.constant 0 : i32
      %dma_start3A_421 = arith.constant 0 : i32
      %dma_start3A_422 = tpu.memref_slice %arg5[%dma_start3A_420, %dma_start3A_421] : memref<10000x64xbf16, #tpu.memory_space<vmem_shared>> -> memref<10000x64xbf16, #tpu.memory_space<vmem_shared>>
      tpu.enqueue_indirect_dma source(%arg15 : memref<125x64xbf16, #tpu.memory_space<vmem>>) target(%dma_start3A_422 : memref<10000x64xbf16, #tpu.memory_space<vmem_shared>>) offsets(%dma_start3A_419 : memref<125xi32, #tpu.memory_space<vmem>>) semaphore(%arg23 : memref<!tpu.dma_semaphore, #tpu.memory_space<semaphore_mem>>) {add = true}
      %dma_wait3A_423 = arith.constant 0 : i32
      %dma_wait3A_424 = arith.constant 0 : i32
      %dma_wait3A_425 = tpu.memref_slice %arg6[%dma_wait3A_423, %dma_wait3A_424] : memref<80x125xi32, #tpu.memory_space<vmem>> -> memref<1x125xi32, #tpu.memory_space<vmem>>
      %dma_wait3A_426 = tpu.memref_squeeze %dma_wait3A_425 : memref<1x125xi32, #tpu.memory_space<vmem>> -> memref<125xi32, #tpu.memory_space<vmem>>
      %dma_wait3A_427 = arith.constant 0 : i32
      %dma_wait3A_428 = arith.constant 0 : i32
      %dma_wait3A_429 = tpu.memref_slice %arg5[%dma_wait3A_427, %dma_wait3A_428] : memref<10000x64xbf16, #tpu.memory_space<vmem_shared>> -> memref<10000x64xbf16, #tpu.memory_space<vmem_shared>>
      tpu.wait_indirect_dma semaphore(%arg21 : memref<!tpu.dma_semaphore, #tpu.memory_space<semaphore_mem>>) src(%arg13 : memref<125x64xbf16, #tpu.memory_space<vmem>>) dst(%dma_wait3A_429 : memref<10000x64xbf16, #tpu.memory_space<vmem_shared>>)
      %add3A_430 = arith.constant 6 : i32
      %add3A_431 = arith.addi %add3A_409, %add3A_430 : i32
      %dma_start3A_432 = arith.constant 0 : i32
      %dma_start3A_433 = tpu.memref_slice %arg7[%add3A_431, %dma_start3A_432] : memref<80x125xi32, #tpu.memory_space<vmem>> -> memref<1x125xi32, #tpu.memory_space<vmem>>
      %dma_start3A_434 = tpu.memref_squeeze %dma_start3A_433 : memref<1x125xi32, #tpu.memory_space<vmem>> -> memref<125xi32, #tpu.memory_space<vmem>>
      %dma_start3A_435 = arith.constant 0 : i32
      %dma_start3A_436 = arith.constant 0 : i32
      %dma_start3A_437 = tpu.memref_slice %arg2[%dma_start3A_435, %dma_start3A_436] : memref<10000x64xbf16, #tpu.memory_space<hbm>> -> memref<10000x64xbf16, #tpu.memory_space<hbm>>
      tpu.enqueue_indirect_dma source(%dma_start3A_437 : memref<10000x64xbf16, #tpu.memory_space<hbm>>) target(%arg13 : memref<125x64xbf16, #tpu.memory_space<vmem>>) offsets(%dma_start3A_434 : memref<125xi32, #tpu.memory_space<vmem>>) semaphore(%arg29 : memref<!tpu.dma_semaphore, #tpu.memory_space<semaphore_mem>>)
      %add3A_438 = arith.constant 6 : i32
      %add3A_439 = arith.addi %add3A_257, %add3A_438 : i32
      %dma_wait3A_440 = arith.constant 0 : i32
      %dma_wait3A_441 = arith.constant 0 : i32
      %dma_wait3A_442 = tpu.memref_slice %arg7[%dma_wait3A_440, %dma_wait3A_441] : memref<80x125xi32, #tpu.memory_space<vmem>> -> memref<1x125xi32, #tpu.memory_space<vmem>>
      %dma_wait3A_443 = tpu.memref_squeeze %dma_wait3A_442 : memref<1x125xi32, #tpu.memory_space<vmem>> -> memref<125xi32, #tpu.memory_space<vmem>>
      %dma_wait3A_444 = arith.constant 0 : i32
      %dma_wait3A_445 = arith.constant 0 : i32
      %dma_wait3A_446 = tpu.memref_slice %arg2[%dma_wait3A_444, %dma_wait3A_445] : memref<10000x64xbf16, #tpu.memory_space<hbm>> -> memref<10000x64xbf16, #tpu.memory_space<hbm>>
      tpu.wait_indirect_dma semaphore(%arg24 : memref<!tpu.dma_semaphore, #tpu.memory_space<semaphore_mem>>) src(%dma_wait3A_446 : memref<10000x64xbf16, #tpu.memory_space<hbm>>) dst(%arg8 : memref<125x64xbf16, #tpu.memory_space<vmem>>)
      %dma_start3A_447 = arith.constant 0 : i32
      %dma_start3A_448 = tpu.memref_slice %arg6[%add3A_439, %dma_start3A_447] : memref<80x125xi32, #tpu.memory_space<vmem>> -> memref<1x125xi32, #tpu.memory_space<vmem>>
      %dma_start3A_449 = tpu.memref_squeeze %dma_start3A_448 : memref<1x125xi32, #tpu.memory_space<vmem>> -> memref<125xi32, #tpu.memory_space<vmem>>
      %dma_start3A_450 = arith.constant 0 : i32
      %dma_start3A_451 = arith.constant 0 : i32
      %dma_start3A_452 = tpu.memref_slice %arg5[%dma_start3A_450, %dma_start3A_451] : memref<10000x64xbf16, #tpu.memory_space<vmem_shared>> -> memref<10000x64xbf16, #tpu.memory_space<vmem_shared>>
      tpu.enqueue_indirect_dma source(%arg8 : memref<125x64xbf16, #tpu.memory_space<vmem>>) target(%dma_start3A_452 : memref<10000x64xbf16, #tpu.memory_space<vmem_shared>>) offsets(%dma_start3A_449 : memref<125xi32, #tpu.memory_space<vmem>>) semaphore(%arg16 : memref<!tpu.dma_semaphore, #tpu.memory_space<semaphore_mem>>) {add = true}
      %dma_wait3A_453 = arith.constant 0 : i32
      %dma_wait3A_454 = arith.constant 0 : i32
      %dma_wait3A_455 = tpu.memref_slice %arg6[%dma_wait3A_453, %dma_wait3A_454] : memref<80x125xi32, #tpu.memory_space<vmem>> -> memref<1x125xi32, #tpu.memory_space<vmem>>
      %dma_wait3A_456 = tpu.memref_squeeze %dma_wait3A_455 : memref<1x125xi32, #tpu.memory_space<vmem>> -> memref<125xi32, #tpu.memory_space<vmem>>
      %dma_wait3A_457 = arith.constant 0 : i32
      %dma_wait3A_458 = arith.constant 0 : i32
      %dma_wait3A_459 = tpu.memref_slice %arg5[%dma_wait3A_457, %dma_wait3A_458] : memref<10000x64xbf16, #tpu.memory_space<vmem_shared>> -> memref<10000x64xbf16, #tpu.memory_space<vmem_shared>>
      tpu.wait_indirect_dma semaphore(%arg22 : memref<!tpu.dma_semaphore, #tpu.memory_space<semaphore_mem>>) src(%arg14 : memref<125x64xbf16, #tpu.memory_space<vmem>>) dst(%dma_wait3A_459 : memref<10000x64xbf16, #tpu.memory_space<vmem_shared>>)
      %add3A_460 = arith.constant 6 : i32
      %add3A_461 = arith.addi %add3A_439, %add3A_460 : i32
      %dma_start3A_462 = arith.constant 0 : i32
      %dma_start3A_463 = tpu.memref_slice %arg7[%add3A_461, %dma_start3A_462] : memref<80x125xi32, #tpu.memory_space<vmem>> -> memref<1x125xi32, #tpu.memory_space<vmem>>
      %dma_start3A_464 = tpu.memref_squeeze %dma_start3A_463 : memref<1x125xi32, #tpu.memory_space<vmem>> -> memref<125xi32, #tpu.memory_space<vmem>>
      %dma_start3A_465 = arith.constant 0 : i32
      %dma_start3A_466 = arith.constant 0 : i32
      %dma_start3A_467 = tpu.memref_slice %arg2[%dma_start3A_465, %dma_start3A_466] : memref<10000x64xbf16, #tpu.memory_space<hbm>> -> memref<10000x64xbf16, #tpu.memory_space<hbm>>
      tpu.enqueue_indirect_dma source(%dma_start3A_467 : memref<10000x64xbf16, #tpu.memory_space<hbm>>) target(%arg14 : memref<125x64xbf16, #tpu.memory_space<vmem>>) offsets(%dma_start3A_464 : memref<125xi32, #tpu.memory_space<vmem>>) semaphore(%arg30 : memref<!tpu.dma_semaphore, #tpu.memory_space<semaphore_mem>>)
      %add3A_468 = arith.constant 7 : i32
      %add3A_469 = arith.addi %add3A_257, %add3A_468 : i32
      %dma_wait3A_470 = arith.constant 0 : i32
      %dma_wait3A_471 = arith.constant 0 : i32
      %dma_wait3A_472 = tpu.memref_slice %arg7[%dma_wait3A_470, %dma_wait3A_471] : memref<80x125xi32, #tpu.memory_space<vmem>> -> memref<1x125xi32, #tpu.memory_space<vmem>>
      %dma_wait3A_473 = tpu.memref_squeeze %dma_wait3A_472 : memref<1x125xi32, #tpu.memory_space<vmem>> -> memref<125xi32, #tpu.memory_space<vmem>>
      %dma_wait3A_474 = arith.constant 0 : i32
      %dma_wait3A_475 = arith.constant 0 : i32
      %dma_wait3A_476 = tpu.memref_slice %arg2[%dma_wait3A_474, %dma_wait3A_475] : memref<10000x64xbf16, #tpu.memory_space<hbm>> -> memref<10000x64xbf16, #tpu.memory_space<hbm>>
      tpu.wait_indirect_dma semaphore(%arg25 : memref<!tpu.dma_semaphore, #tpu.memory_space<semaphore_mem>>) src(%dma_wait3A_476 : memref<10000x64xbf16, #tpu.memory_space<hbm>>) dst(%arg9 : memref<125x64xbf16, #tpu.memory_space<vmem>>)
      %dma_start3A_477 = arith.constant 0 : i32
      %dma_start3A_478 = tpu.memref_slice %arg6[%add3A_469, %dma_start3A_477] : memref<80x125xi32, #tpu.memory_space<vmem>> -> memref<1x125xi32, #tpu.memory_space<vmem>>
      %dma_start3A_479 = tpu.memref_squeeze %dma_start3A_478 : memref<1x125xi32, #tpu.memory_space<vmem>> -> memref<125xi32, #tpu.memory_space<vmem>>
      %dma_start3A_480 = arith.constant 0 : i32
      %dma_start3A_481 = arith.constant 0 : i32
      %dma_start3A_482 = tpu.memref_slice %arg5[%dma_start3A_480, %dma_start3A_481] : memref<10000x64xbf16, #tpu.memory_space<vmem_shared>> -> memref<10000x64xbf16, #tpu.memory_space<vmem_shared>>
      tpu.enqueue_indirect_dma source(%arg9 : memref<125x64xbf16, #tpu.memory_space<vmem>>) target(%dma_start3A_482 : memref<10000x64xbf16, #tpu.memory_space<vmem_shared>>) offsets(%dma_start3A_479 : memref<125xi32, #tpu.memory_space<vmem>>) semaphore(%arg17 : memref<!tpu.dma_semaphore, #tpu.memory_space<semaphore_mem>>) {add = true}
      %dma_wait3A_483 = arith.constant 0 : i32
      %dma_wait3A_484 = arith.constant 0 : i32
      %dma_wait3A_485 = tpu.memref_slice %arg6[%dma_wait3A_483, %dma_wait3A_484] : memref<80x125xi32, #tpu.memory_space<vmem>> -> memref<1x125xi32, #tpu.memory_space<vmem>>
      %dma_wait3A_486 = tpu.memref_squeeze %dma_wait3A_485 : memref<1x125xi32, #tpu.memory_space<vmem>> -> memref<125xi32, #tpu.memory_space<vmem>>
      %dma_wait3A_487 = arith.constant 0 : i32
      %dma_wait3A_488 = arith.constant 0 : i32
      %dma_wait3A_489 = tpu.memref_slice %arg5[%dma_wait3A_487, %dma_wait3A_488] : memref<10000x64xbf16, #tpu.memory_space<vmem_shared>> -> memref<10000x64xbf16, #tpu.memory_space<vmem_shared>>
      tpu.wait_indirect_dma semaphore(%arg23 : memref<!tpu.dma_semaphore, #tpu.memory_space<semaphore_mem>>) src(%arg15 : memref<125x64xbf16, #tpu.memory_space<vmem>>) dst(%dma_wait3A_489 : memref<10000x64xbf16, #tpu.memory_space<vmem_shared>>)
      %add3A_490 = arith.constant 6 : i32
      %add3A_491 = arith.addi %add3A_469, %add3A_490 : i32
      %dma_start3A_492 = arith.constant 0 : i32
      %dma_start3A_493 = tpu.memref_slice %arg7[%add3A_491, %dma_start3A_492] : memref<80x125xi32, #tpu.memory_space<vmem>> -> memref<1x125xi32, #tpu.memory_space<vmem>>
      %dma_start3A_494 = tpu.memref_squeeze %dma_start3A_493 : memref<1x125xi32, #tpu.memory_space<vmem>> -> memref<125xi32, #tpu.memory_space<vmem>>
      %dma_start3A_495 = arith.constant 0 : i32
      %dma_start3A_496 = arith.constant 0 : i32
      %dma_start3A_497 = tpu.memref_slice %arg2[%dma_start3A_495, %dma_start3A_496] : memref<10000x64xbf16, #tpu.memory_space<hbm>> -> memref<10000x64xbf16, #tpu.memory_space<hbm>>
      tpu.enqueue_indirect_dma source(%dma_start3A_497 : memref<10000x64xbf16, #tpu.memory_space<hbm>>) target(%arg15 : memref<125x64xbf16, #tpu.memory_space<vmem>>) offsets(%dma_start3A_494 : memref<125xi32, #tpu.memory_space<vmem>>) semaphore(%arg31 : memref<!tpu.dma_semaphore, #tpu.memory_space<semaphore_mem>>)
    }
    %scan3A_111 = arith.constant 9 : i32
    %dma_wait3A_112 = arith.constant 0 : i32
    %dma_wait3A_113 = arith.constant 0 : i32
    %dma_wait3A_114 = tpu.memref_slice %arg7[%dma_wait3A_112, %dma_wait3A_113] : memref<80x125xi32, #tpu.memory_space<vmem>> -> memref<1x125xi32, #tpu.memory_space<vmem>>
    %dma_wait3A_115 = tpu.memref_squeeze %dma_wait3A_114 : memref<1x125xi32, #tpu.memory_space<vmem>> -> memref<125xi32, #tpu.memory_space<vmem>>
    %dma_wait3A_116 = arith.constant 0 : i32
    %dma_wait3A_117 = arith.constant 0 : i32
    %dma_wait3A_118 = tpu.memref_slice %arg2[%dma_wait3A_116, %dma_wait3A_117] : memref<10000x64xbf16, #tpu.memory_space<hbm>> -> memref<10000x64xbf16, #tpu.memory_space<hbm>>
    tpu.wait_indirect_dma semaphore(%arg26 : memref<!tpu.dma_semaphore, #tpu.memory_space<semaphore_mem>>) src(%dma_wait3A_118 : memref<10000x64xbf16, #tpu.memory_space<hbm>>) dst(%arg10 : memref<125x64xbf16, #tpu.memory_space<vmem>>)
    %dma_start3A_119 = arith.constant 74 : i32
    %dma_start3A_120 = arith.constant 0 : i32
    %dma_start3A_121 = tpu.memref_slice %arg6[%dma_start3A_119, %dma_start3A_120] : memref<80x125xi32, #tpu.memory_space<vmem>> -> memref<1x125xi32, #tpu.memory_space<vmem>>
    %dma_start3A_122 = tpu.memref_squeeze %dma_start3A_121 : memref<1x125xi32, #tpu.memory_space<vmem>> -> memref<125xi32, #tpu.memory_space<vmem>>
    %dma_start3A_123 = arith.constant 0 : i32
    %dma_start3A_124 = arith.constant 0 : i32
    %dma_start3A_125 = tpu.memref_slice %arg5[%dma_start3A_123, %dma_start3A_124] : memref<10000x64xbf16, #tpu.memory_space<vmem_shared>> -> memref<10000x64xbf16, #tpu.memory_space<vmem_shared>>
    tpu.enqueue_indirect_dma source(%arg10 : memref<125x64xbf16, #tpu.memory_space<vmem>>) target(%dma_start3A_125 : memref<10000x64xbf16, #tpu.memory_space<vmem_shared>>) offsets(%dma_start3A_122 : memref<125xi32, #tpu.memory_space<vmem>>) semaphore(%arg18 : memref<!tpu.dma_semaphore, #tpu.memory_space<semaphore_mem>>) {add = true}
    %dma_wait3A_126 = arith.constant 0 : i32
    %dma_wait3A_127 = arith.constant 0 : i32
    %dma_wait3A_128 = tpu.memref_slice %arg7[%dma_wait3A_126, %dma_wait3A_127] : memref<80x125xi32, #tpu.memory_space<vmem>> -> memref<1x125xi32, #tpu.memory_space<vmem>>
    %dma_wait3A_129 = tpu.memref_squeeze %dma_wait3A_128 : memref<1x125xi32, #tpu.memory_space<vmem>> -> memref<125xi32, #tpu.memory_space<vmem>>
    %dma_wait3A_130 = arith.constant 0 : i32
    %dma_wait3A_131 = arith.constant 0 : i32
    %dma_wait3A_132 = tpu.memref_slice %arg2[%dma_wait3A_130, %dma_wait3A_131] : memref<10000x64xbf16, #tpu.memory_space<hbm>> -> memref<10000x64xbf16, #tpu.memory_space<hbm>>
    tpu.wait_indirect_dma semaphore(%arg27 : memref<!tpu.dma_semaphore, #tpu.memory_space<semaphore_mem>>) src(%dma_wait3A_132 : memref<10000x64xbf16, #tpu.memory_space<hbm>>) dst(%arg11 : memref<125x64xbf16, #tpu.memory_space<vmem>>)
    %dma_start3A_133 = arith.constant 75 : i32
    %dma_start3A_134 = arith.constant 0 : i32
    %dma_start3A_135 = tpu.memref_slice %arg6[%dma_start3A_133, %dma_start3A_134] : memref<80x125xi32, #tpu.memory_space<vmem>> -> memref<1x125xi32, #tpu.memory_space<vmem>>
    %dma_start3A_136 = tpu.memref_squeeze %dma_start3A_135 : memref<1x125xi32, #tpu.memory_space<vmem>> -> memref<125xi32, #tpu.memory_space<vmem>>
    %dma_start3A_137 = arith.constant 0 : i32
    %dma_start3A_138 = arith.constant 0 : i32
    %dma_start3A_139 = tpu.memref_slice %arg5[%dma_start3A_137, %dma_start3A_138] : memref<10000x64xbf16, #tpu.memory_space<vmem_shared>> -> memref<10000x64xbf16, #tpu.memory_space<vmem_shared>>
    tpu.enqueue_indirect_dma source(%arg11 : memref<125x64xbf16, #tpu.memory_space<vmem>>) target(%dma_start3A_139 : memref<10000x64xbf16, #tpu.memory_space<vmem_shared>>) offsets(%dma_start3A_136 : memref<125xi32, #tpu.memory_space<vmem>>) semaphore(%arg19 : memref<!tpu.dma_semaphore, #tpu.memory_space<semaphore_mem>>) {add = true}
    %dma_wait3A_140 = arith.constant 0 : i32
    %dma_wait3A_141 = arith.constant 0 : i32
    %dma_wait3A_142 = tpu.memref_slice %arg7[%dma_wait3A_140, %dma_wait3A_141] : memref<80x125xi32, #tpu.memory_space<vmem>> -> memref<1x125xi32, #tpu.memory_space<vmem>>
    %dma_wait3A_143 = tpu.memref_squeeze %dma_wait3A_142 : memref<1x125xi32, #tpu.memory_space<vmem>> -> memref<125xi32, #tpu.memory_space<vmem>>
    %dma_wait3A_144 = arith.constant 0 : i32
    %dma_wait3A_145 = arith.constant 0 : i32
    %dma_wait3A_146 = tpu.memref_slice %arg2[%dma_wait3A_144, %dma_wait3A_145] : memref<10000x64xbf16, #tpu.memory_space<hbm>> -> memref<10000x64xbf16, #tpu.memory_space<hbm>>
    tpu.wait_indirect_dma semaphore(%arg28 : memref<!tpu.dma_semaphore, #tpu.memory_space<semaphore_mem>>) src(%dma_wait3A_146 : memref<10000x64xbf16, #tpu.memory_space<hbm>>) dst(%arg12 : memref<125x64xbf16, #tpu.memory_space<vmem>>)
    %dma_start3A_147 = arith.constant 76 : i32
    %dma_start3A_148 = arith.constant 0 : i32
    %dma_start3A_149 = tpu.memref_slice %arg6[%dma_start3A_147, %dma_start3A_148] : memref<80x125xi32, #tpu.memory_space<vmem>> -> memref<1x125xi32, #tpu.memory_space<vmem>>
    %dma_start3A_150 = tpu.memref_squeeze %dma_start3A_149 : memref<1x125xi32, #tpu.memory_space<vmem>> -> memref<125xi32, #tpu.memory_space<vmem>>
    %dma_start3A_151 = arith.constant 0 : i32
    %dma_start3A_152 = arith.constant 0 : i32
    %dma_start3A_153 = tpu.memref_slice %arg5[%dma_start3A_151, %dma_start3A_152] : memref<10000x64xbf16, #tpu.memory_space<vmem_shared>> -> memref<10000x64xbf16, #tpu.memory_space<vmem_shared>>
    tpu.enqueue_indirect_dma source(%arg12 : memref<125x64xbf16, #tpu.memory_space<vmem>>) target(%dma_start3A_153 : memref<10000x64xbf16, #tpu.memory_space<vmem_shared>>) offsets(%dma_start3A_150 : memref<125xi32, #tpu.memory_space<vmem>>) semaphore(%arg20 : memref<!tpu.dma_semaphore, #tpu.memory_space<semaphore_mem>>) {add = true}
    %dma_wait3A_154 = arith.constant 0 : i32
    %dma_wait3A_155 = arith.constant 0 : i32
    %dma_wait3A_156 = tpu.memref_slice %arg7[%dma_wait3A_154, %dma_wait3A_155] : memref<80x125xi32, #tpu.memory_space<vmem>> -> memref<1x125xi32, #tpu.memory_space<vmem>>
    %dma_wait3A_157 = tpu.memref_squeeze %dma_wait3A_156 : memref<1x125xi32, #tpu.memory_space<vmem>> -> memref<125xi32, #tpu.memory_space<vmem>>
    %dma_wait3A_158 = arith.constant 0 : i32
    %dma_wait3A_159 = arith.constant 0 : i32
    %dma_wait3A_160 = tpu.memref_slice %arg2[%dma_wait3A_158, %dma_wait3A_159] : memref<10000x64xbf16, #tpu.memory_space<hbm>> -> memref<10000x64xbf16, #tpu.memory_space<hbm>>
    tpu.wait_indirect_dma semaphore(%arg29 : memref<!tpu.dma_semaphore, #tpu.memory_space<semaphore_mem>>) src(%dma_wait3A_160 : memref<10000x64xbf16, #tpu.memory_space<hbm>>) dst(%arg13 : memref<125x64xbf16, #tpu.memory_space<vmem>>)
    %dma_start3A_161 = arith.constant 77 : i32
    %dma_start3A_162 = arith.constant 0 : i32
    %dma_start3A_163 = tpu.memref_slice %arg6[%dma_start3A_161, %dma_start3A_162] : memref<80x125xi32, #tpu.memory_space<vmem>> -> memref<1x125xi32, #tpu.memory_space<vmem>>
    %dma_start3A_164 = tpu.memref_squeeze %dma_start3A_163 : memref<1x125xi32, #tpu.memory_space<vmem>> -> memref<125xi32, #tpu.memory_space<vmem>>
    %dma_start3A_165 = arith.constant 0 : i32
    %dma_start3A_166 = arith.constant 0 : i32
    %dma_start3A_167 = tpu.memref_slice %arg5[%dma_start3A_165, %dma_start3A_166] : memref<10000x64xbf16, #tpu.memory_space<vmem_shared>> -> memref<10000x64xbf16, #tpu.memory_space<vmem_shared>>
    tpu.enqueue_indirect_dma source(%arg13 : memref<125x64xbf16, #tpu.memory_space<vmem>>) target(%dma_start3A_167 : memref<10000x64xbf16, #tpu.memory_space<vmem_shared>>) offsets(%dma_start3A_164 : memref<125xi32, #tpu.memory_space<vmem>>) semaphore(%arg21 : memref<!tpu.dma_semaphore, #tpu.memory_space<semaphore_mem>>) {add = true}
    %dma_wait3A_168 = arith.constant 0 : i32
    %dma_wait3A_169 = arith.constant 0 : i32
    %dma_wait3A_170 = tpu.memref_slice %arg7[%dma_wait3A_168, %dma_wait3A_169] : memref<80x125xi32, #tpu.memory_space<vmem>> -> memref<1x125xi32, #tpu.memory_space<vmem>>
    %dma_wait3A_171 = tpu.memref_squeeze %dma_wait3A_170 : memref<1x125xi32, #tpu.memory_space<vmem>> -> memref<125xi32, #tpu.memory_space<vmem>>
    %dma_wait3A_172 = arith.constant 0 : i32
    %dma_wait3A_173 = arith.constant 0 : i32
    %dma_wait3A_174 = tpu.memref_slice %arg2[%dma_wait3A_172, %dma_wait3A_173] : memref<10000x64xbf16, #tpu.memory_space<hbm>> -> memref<10000x64xbf16, #tpu.memory_space<hbm>>
    tpu.wait_indirect_dma semaphore(%arg30 : memref<!tpu.dma_semaphore, #tpu.memory_space<semaphore_mem>>) src(%dma_wait3A_174 : memref<10000x64xbf16, #tpu.memory_space<hbm>>) dst(%arg14 : memref<125x64xbf16, #tpu.memory_space<vmem>>)
    %dma_start3A_175 = arith.constant 78 : i32
    %dma_start3A_176 = arith.constant 0 : i32
    %dma_start3A_177 = tpu.memref_slice %arg6[%dma_start3A_175, %dma_start3A_176] : memref<80x125xi32, #tpu.memory_space<vmem>> -> memref<1x125xi32, #tpu.memory_space<vmem>>
    %dma_start3A_178 = tpu.memref_squeeze %dma_start3A_177 : memref<1x125xi32, #tpu.memory_space<vmem>> -> memref<125xi32, #tpu.memory_space<vmem>>
    %dma_start3A_179 = arith.constant 0 : i32
    %dma_start3A_180 = arith.constant 0 : i32
    %dma_start3A_181 = tpu.memref_slice %arg5[%dma_start3A_179, %dma_start3A_180] : memref<10000x64xbf16, #tpu.memory_space<vmem_shared>> -> memref<10000x64xbf16, #tpu.memory_space<vmem_shared>>
    tpu.enqueue_indirect_dma source(%arg14 : memref<125x64xbf16, #tpu.memory_space<vmem>>) target(%dma_start3A_181 : memref<10000x64xbf16, #tpu.memory_space<vmem_shared>>) offsets(%dma_start3A_178 : memref<125xi32, #tpu.memory_space<vmem>>) semaphore(%arg22 : memref<!tpu.dma_semaphore, #tpu.memory_space<semaphore_mem>>) {add = true}
    %dma_wait3A_182 = arith.constant 0 : i32
    %dma_wait3A_183 = arith.constant 0 : i32
    %dma_wait3A_184 = tpu.memref_slice %arg7[%dma_wait3A_182, %dma_wait3A_183] : memref<80x125xi32, #tpu.memory_space<vmem>> -> memref<1x125xi32, #tpu.memory_space<vmem>>
    %dma_wait3A_185 = tpu.memref_squeeze %dma_wait3A_184 : memref<1x125xi32, #tpu.memory_space<vmem>> -> memref<125xi32, #tpu.memory_space<vmem>>
    %dma_wait3A_186 = arith.constant 0 : i32
    %dma_wait3A_187 = arith.constant 0 : i32
    %dma_wait3A_188 = tpu.memref_slice %arg2[%dma_wait3A_186, %dma_wait3A_187] : memref<10000x64xbf16, #tpu.memory_space<hbm>> -> memref<10000x64xbf16, #tpu.memory_space<hbm>>
    tpu.wait_indirect_dma semaphore(%arg31 : memref<!tpu.dma_semaphore, #tpu.memory_space<semaphore_mem>>) src(%dma_wait3A_188 : memref<10000x64xbf16, #tpu.memory_space<hbm>>) dst(%arg15 : memref<125x64xbf16, #tpu.memory_space<vmem>>)
    %dma_start3A_189 = arith.constant 79 : i32
    %dma_start3A_190 = arith.constant 0 : i32
    %dma_start3A_191 = tpu.memref_slice %arg6[%dma_start3A_189, %dma_start3A_190] : memref<80x125xi32, #tpu.memory_space<vmem>> -> memref<1x125xi32, #tpu.memory_space<vmem>>
    %dma_start3A_192 = tpu.memref_squeeze %dma_start3A_191 : memref<1x125xi32, #tpu.memory_space<vmem>> -> memref<125xi32, #tpu.memory_space<vmem>>
    %dma_start3A_193 = arith.constant 0 : i32
    %dma_start3A_194 = arith.constant 0 : i32
    %dma_start3A_195 = tpu.memref_slice %arg5[%dma_start3A_193, %dma_start3A_194] : memref<10000x64xbf16, #tpu.memory_space<vmem_shared>> -> memref<10000x64xbf16, #tpu.memory_space<vmem_shared>>
    tpu.enqueue_indirect_dma source(%arg15 : memref<125x64xbf16, #tpu.memory_space<vmem>>) target(%dma_start3A_195 : memref<10000x64xbf16, #tpu.memory_space<vmem_shared>>) offsets(%dma_start3A_192 : memref<125xi32, #tpu.memory_space<vmem>>) semaphore(%arg23 : memref<!tpu.dma_semaphore, #tpu.memory_space<semaphore_mem>>) {add = true}
    %dma_wait3A_196 = arith.constant 0 : i32
    %dma_wait3A_197 = arith.constant 0 : i32
    %dma_wait3A_198 = tpu.memref_slice %arg6[%dma_wait3A_196, %dma_wait3A_197] : memref<80x125xi32, #tpu.memory_space<vmem>> -> memref<1x125xi32, #tpu.memory_space<vmem>>
    %dma_wait3A_199 = tpu.memref_squeeze %dma_wait3A_198 : memref<1x125xi32, #tpu.memory_space<vmem>> -> memref<125xi32, #tpu.memory_space<vmem>>
    %dma_wait3A_200 = arith.constant 0 : i32
    %dma_wait3A_201 = arith.constant 0 : i32
    %dma_wait3A_202 = tpu.memref_slice %arg5[%dma_wait3A_200, %dma_wait3A_201] : memref<10000x64xbf16, #tpu.memory_space<vmem_shared>> -> memref<10000x64xbf16, #tpu.memory_space<vmem_shared>>
    tpu.wait_indirect_dma semaphore(%arg16 : memref<!tpu.dma_semaphore, #tpu.memory_space<semaphore_mem>>) src(%arg8 : memref<125x64xbf16, #tpu.memory_space<vmem>>) dst(%dma_wait3A_202 : memref<10000x64xbf16, #tpu.memory_space<vmem_shared>>)
    %dma_wait3A_203 = arith.constant 0 : i32
    %dma_wait3A_204 = arith.constant 0 : i32
    %dma_wait3A_205 = tpu.memref_slice %arg6[%dma_wait3A_203, %dma_wait3A_204] : memref<80x125xi32, #tpu.memory_space<vmem>> -> memref<1x125xi32, #tpu.memory_space<vmem>>
    %dma_wait3A_206 = tpu.memref_squeeze %dma_wait3A_205 : memref<1x125xi32, #tpu.memory_space<vmem>> -> memref<125xi32, #tpu.memory_space<vmem>>
    %dma_wait3A_207 = arith.constant 0 : i32
    %dma_wait3A_208 = arith.constant 0 : i32
    %dma_wait3A_209 = tpu.memref_slice %arg5[%dma_wait3A_207, %dma_wait3A_208] : memref<10000x64xbf16, #tpu.memory_space<vmem_shared>> -> memref<10000x64xbf16, #tpu.memory_space<vmem_shared>>
    tpu.wait_indirect_dma semaphore(%arg17 : memref<!tpu.dma_semaphore, #tpu.memory_space<semaphore_mem>>) src(%arg9 : memref<125x64xbf16, #tpu.memory_space<vmem>>) dst(%dma_wait3A_209 : memref<10000x64xbf16, #tpu.memory_space<vmem_shared>>)
    %dma_wait3A_210 = arith.constant 0 : i32
    %dma_wait3A_211 = arith.constant 0 : i32
    %dma_wait3A_212 = tpu.memref_slice %arg6[%dma_wait3A_210, %dma_wait3A_211] : memref<80x125xi32, #tpu.memory_space<vmem>> -> memref<1x125xi32, #tpu.memory_space<vmem>>
    %dma_wait3A_213 = tpu.memref_squeeze %dma_wait3A_212 : memref<1x125xi32, #tpu.memory_space<vmem>> -> memref<125xi32, #tpu.memory_space<vmem>>
    %dma_wait3A_214 = arith.constant 0 : i32
    %dma_wait3A_215 = arith.constant 0 : i32
    %dma_wait3A_216 = tpu.memref_slice %arg5[%dma_wait3A_214, %dma_wait3A_215] : memref<10000x64xbf16, #tpu.memory_space<vmem_shared>> -> memref<10000x64xbf16, #tpu.memory_space<vmem_shared>>
    tpu.wait_indirect_dma semaphore(%arg18 : memref<!tpu.dma_semaphore, #tpu.memory_space<semaphore_mem>>) src(%arg10 : memref<125x64xbf16, #tpu.memory_space<vmem>>) dst(%dma_wait3A_216 : memref<10000x64xbf16, #tpu.memory_space<vmem_shared>>)
    %dma_wait3A_217 = arith.constant 0 : i32
    %dma_wait3A_218 = arith.constant 0 : i32
    %dma_wait3A_219 = tpu.memref_slice %arg6[%dma_wait3A_217, %dma_wait3A_218] : memref<80x125xi32, #tpu.memory_space<vmem>> -> memref<1x125xi32, #tpu.memory_space<vmem>>
    %dma_wait3A_220 = tpu.memref_squeeze %dma_wait3A_219 : memref<1x125xi32, #tpu.memory_space<vmem>> -> memref<125xi32, #tpu.memory_space<vmem>>
    %dma_wait3A_221 = arith.constant 0 : i32
    %dma_wait3A_222 = arith.constant 0 : i32
    %dma_wait3A_223 = tpu.memref_slice %arg5[%dma_wait3A_221, %dma_wait3A_222] : memref<10000x64xbf16, #tpu.memory_space<vmem_shared>> -> memref<10000x64xbf16, #tpu.memory_space<vmem_shared>>
    tpu.wait_indirect_dma semaphore(%arg19 : memref<!tpu.dma_semaphore, #tpu.memory_space<semaphore_mem>>) src(%arg11 : memref<125x64xbf16, #tpu.memory_space<vmem>>) dst(%dma_wait3A_223 : memref<10000x64xbf16, #tpu.memory_space<vmem_shared>>)
    %dma_wait3A_224 = arith.constant 0 : i32
    %dma_wait3A_225 = arith.constant 0 : i32
    %dma_wait3A_226 = tpu.memref_slice %arg6[%dma_wait3A_224, %dma_wait3A_225] : memref<80x125xi32, #tpu.memory_space<vmem>> -> memref<1x125xi32, #tpu.memory_space<vmem>>
    %dma_wait3A_227 = tpu.memref_squeeze %dma_wait3A_226 : memref<1x125xi32, #tpu.memory_space<vmem>> -> memref<125xi32, #tpu.memory_space<vmem>>
    %dma_wait3A_228 = arith.constant 0 : i32
    %dma_wait3A_229 = arith.constant 0 : i32
    %dma_wait3A_230 = tpu.memref_slice %arg5[%dma_wait3A_228, %dma_wait3A_229] : memref<10000x64xbf16, #tpu.memory_space<vmem_shared>> -> memref<10000x64xbf16, #tpu.memory_space<vmem_shared>>
    tpu.wait_indirect_dma semaphore(%arg20 : memref<!tpu.dma_semaphore, #tpu.memory_space<semaphore_mem>>) src(%arg12 : memref<125x64xbf16, #tpu.memory_space<vmem>>) dst(%dma_wait3A_230 : memref<10000x64xbf16, #tpu.memory_space<vmem_shared>>)
    %dma_wait3A_231 = arith.constant 0 : i32
    %dma_wait3A_232 = arith.constant 0 : i32
    %dma_wait3A_233 = tpu.memref_slice %arg6[%dma_wait3A_231, %dma_wait3A_232] : memref<80x125xi32, #tpu.memory_space<vmem>> -> memref<1x125xi32, #tpu.memory_space<vmem>>
    %dma_wait3A_234 = tpu.memref_squeeze %dma_wait3A_233 : memref<1x125xi32, #tpu.memory_space<vmem>> -> memref<125xi32, #tpu.memory_space<vmem>>
    %dma_wait3A_235 = arith.constant 0 : i32
    %dma_wait3A_236 = arith.constant 0 : i32
    %dma_wait3A_237 = tpu.memref_slice %arg5[%dma_wait3A_235, %dma_wait3A_236] : memref<10000x64xbf16, #tpu.memory_space<vmem_shared>> -> memref<10000x64xbf16, #tpu.memory_space<vmem_shared>>
    tpu.wait_indirect_dma semaphore(%arg21 : memref<!tpu.dma_semaphore, #tpu.memory_space<semaphore_mem>>) src(%arg13 : memref<125x64xbf16, #tpu.memory_space<vmem>>) dst(%dma_wait3A_237 : memref<10000x64xbf16, #tpu.memory_space<vmem_shared>>)
    %dma_wait3A_238 = arith.constant 0 : i32
    %dma_wait3A_239 = arith.constant 0 : i32
    %dma_wait3A_240 = tpu.memref_slice %arg6[%dma_wait3A_238, %dma_wait3A_239] : memref<80x125xi32, #tpu.memory_space<vmem>> -> memref<1x125xi32, #tpu.memory_space<vmem>>
    %dma_wait3A_241 = tpu.memref_squeeze %dma_wait3A_240 : memref<1x125xi32, #tpu.memory_space<vmem>> -> memref<125xi32, #tpu.memory_space<vmem>>
    %dma_wait3A_242 = arith.constant 0 : i32
    %dma_wait3A_243 = arith.constant 0 : i32
    %dma_wait3A_244 = tpu.memref_slice %arg5[%dma_wait3A_242, %dma_wait3A_243] : memref<10000x64xbf16, #tpu.memory_space<vmem_shared>> -> memref<10000x64xbf16, #tpu.memory_space<vmem_shared>>
    tpu.wait_indirect_dma semaphore(%arg22 : memref<!tpu.dma_semaphore, #tpu.memory_space<semaphore_mem>>) src(%arg14 : memref<125x64xbf16, #tpu.memory_space<vmem>>) dst(%dma_wait3A_244 : memref<10000x64xbf16, #tpu.memory_space<vmem_shared>>)
    %dma_wait3A_245 = arith.constant 0 : i32
    %dma_wait3A_246 = arith.constant 0 : i32
    %dma_wait3A_247 = tpu.memref_slice %arg6[%dma_wait3A_245, %dma_wait3A_246] : memref<80x125xi32, #tpu.memory_space<vmem>> -> memref<1x125xi32, #tpu.memory_space<vmem>>
    %dma_wait3A_248 = tpu.memref_squeeze %dma_wait3A_247 : memref<1x125xi32, #tpu.memory_space<vmem>> -> memref<125xi32, #tpu.memory_space<vmem>>
    %dma_wait3A_249 = arith.constant 0 : i32
    %dma_wait3A_250 = arith.constant 0 : i32
    %dma_wait3A_251 = tpu.memref_slice %arg5[%dma_wait3A_249, %dma_wait3A_250] : memref<10000x64xbf16, #tpu.memory_space<vmem_shared>> -> memref<10000x64xbf16, #tpu.memory_space<vmem_shared>>
    tpu.wait_indirect_dma semaphore(%arg23 : memref<!tpu.dma_semaphore, #tpu.memory_space<semaphore_mem>>) src(%arg15 : memref<125x64xbf16, #tpu.memory_space<vmem>>) dst(%dma_wait3A_251 : memref<10000x64xbf16, #tpu.memory_space<vmem_shared>>)
    %barrier3A_252 = arith.constant 0 : index
    tpu.barrier barrier_id(%barrier3A_252)
    "tpu.region"() ({
      %run_scoped3A_253 = tpu.sem_alloc : memref<!tpu.dma_semaphore, #tpu.memory_space<semaphore_mem>>
      %dma_start3A_254 = arith.constant 0 : i32
      %dma_start3A_255 = tpu.memref_slice %arg4[%arg0, %mul3A_8, %dma_start3A_254] : memref<2x10000x64xbf16, #tpu.memory_space<hbm>> -> memref<1x625x64xbf16, #tpu.memory_space<hbm>>
      %dma_start3A_256 = tpu.memref_squeeze %dma_start3A_255 : memref<1x625x64xbf16, #tpu.memory_space<hbm>> -> memref<625x64xbf16, #tpu.memory_space<hbm>>
      %dma_start3A_257 = arith.constant 0 : i32
      %dma_start3A_258 = tpu.memref_slice %arg5[%mul3A_8, %dma_start3A_257] : memref<10000x64xbf16, #tpu.memory_space<vmem_shared>> -> memref<625x64xbf16, #tpu.memory_space<vmem_shared>>
      tpu.enqueue_dma source(%dma_start3A_258 : memref<625x64xbf16, #tpu.memory_space<vmem_shared>>) target(%dma_start3A_256 : memref<625x64xbf16, #tpu.memory_space<hbm>>) target_semaphore(%run_scoped3A_253 : memref<!tpu.dma_semaphore, #tpu.memory_space<semaphore_mem>>)
      %dma_wait3A_259 = arith.constant 0 : i32
      %dma_wait3A_260 = tpu.memref_slice %arg4[%arg0, %mul3A_8, %dma_wait3A_259] : memref<2x10000x64xbf16, #tpu.memory_space<hbm>> -> memref<1x625x64xbf16, #tpu.memory_space<hbm>>
      %dma_wait3A_261 = tpu.memref_squeeze %dma_wait3A_260 : memref<1x625x64xbf16, #tpu.memory_space<hbm>> -> memref<625x64xbf16, #tpu.memory_space<hbm>>
      %dma_wait3A_262 = arith.constant 0 : i32
      %dma_wait3A_263 = tpu.memref_slice %arg5[%mul3A_8, %dma_wait3A_262] : memref<10000x64xbf16, #tpu.memory_space<vmem_shared>> -> memref<625x64xbf16, #tpu.memory_space<vmem_shared>>
      tpu.wait_dma2 semaphore(%run_scoped3A_253 : memref<!tpu.dma_semaphore, #tpu.memory_space<semaphore_mem>>) src(%dma_wait3A_263 : memref<625x64xbf16, #tpu.memory_space<vmem_shared>>) dst(%dma_wait3A_261 : memref<625x64xbf16, #tpu.memory_space<hbm>>)
      tpu.yield
    }) : () -> ()
    return
  }
}

module attributes {stable_mosaic.version = 14 : i64} {
  func.func @_tc_first_body(%arg0: i32, %arg1: memref<2000x128xf32, #tpu.memory_space<vmem>>, %arg2: memref<128x128xf32, #tpu.memory_space<vmem>>, %arg3: memref<2x2000x16xf32, #tpu.memory_space<vmem>>, %arg4: memref<2000x128xbf16, #tpu.memory_space<vmem>>) attributes {dimension_semantics = [#tpu.dimension_semantics<arbitrary>], iteration_bounds = array<i64: 5>, scalar_prefetch = 0 : i64, scratch_operands = 0 : i64, tpu.core_type = #tpu.core_type<tc>, window_params = [{transform_indices = @transform_0, window_bounds = array<i64: 2000, 128>}, {pipeline_mode = #tpu.pipeline_mode<synchronous>, transform_indices = @transform_1, window_bounds = array<i64: 128, 128>}, {transform_indices = @transform_2, window_bounds = array<i64: 2, 2000, 16>}, {transform_indices = @transform_3, window_bounds = array<i64: 2000, 128>}]} {
    %get3A = arith.constant 0 : index
    %get3A_0 = arith.constant 0 : index
    %get3A_1 = arith.constant 0 : index
    %get3A_2 = vector.load %arg3[%get3A, %get3A_0, %get3A_1] : memref<2x2000x16xf32, #tpu.memory_space<vmem>>, vector<2x2000x16xf32>
    %slice3A = vector.extract_strided_slice %get3A_2 {offsets = [0, 0, 0], sizes = [1, 2000, 1], strides = [1, 1, 1]} : vector<2x2000x16xf32> to vector<1x2000x1xf32>
    %squeeze3A = vector.shape_cast %slice3A : vector<1x2000x1xf32> to vector<2000x1xf32>
    %slice3A_3 = vector.extract_strided_slice %get3A_2 {offsets = [1, 0, 0], sizes = [1, 2000, 1], strides = [1, 1, 1]} : vector<2x2000x16xf32> to vector<1x2000x1xf32>
    %squeeze3A_4 = vector.shape_cast %slice3A_3 : vector<1x2000x1xf32> to vector<2000x1xf32>
    %add3A = arith.addf %squeeze3A, %squeeze3A_4 : vector<2000x1xf32>
    %gt3A = arith.constant 0.000000e+00 : f32
    %gt3A_5 = vector.broadcast %gt3A : f32 to vector<2000x1xf32>
    %gt3A_6 = arith.cmpf ogt, %add3A, %gt3A_5 : vector<2000x1xf32>
    %rsqrt3A = math.rsqrt %add3A : vector<2000x1xf32>
    %jit3A = arith.constant 0.000000e+00 : f32
    %broadcast_in_dim3A = vector.broadcast %jit3A : f32 to vector<2000x1xf32>
    %select_n3A = arith.select %gt3A_6, %rsqrt3A, %broadcast_in_dim3A : vector<2000x1xi1>, vector<2000x1xf32>
    %get3A_7 = arith.constant 0 : index
    %get3A_8 = arith.constant 0 : index
    %get3A_9 = vector.load %arg1[%get3A_7, %get3A_8] : memref<2000x128xf32, #tpu.memory_space<vmem>>, vector<2000x128xf32>
    %get3A_10 = arith.constant 0 : index
    %get3A_11 = arith.constant 0 : index
    %get3A_12 = vector.load %arg2[%get3A_10, %get3A_11] : memref<128x128xf32, #tpu.memory_space<vmem>>, vector<128x128xf32>
    %dot_general3A = arith.constant dense<0.000000e+00> : vector<2000x128xf32>
    %dot_general3A_13 = tpu.matmul %get3A_9, %get3A_12, %dot_general3A {dimension_numbers = #tpu.dot_dimension_numbers<[1], [0], [0], [1], [0, 0, 1, 1], [], []>, transpose_lhs_hint = false} : vector<2000x128xf32>, vector<128x128xf32>, vector<2000x128xf32> -> vector<2000x128xf32>
    %mul3A = vector.broadcast %select_n3A : vector<2000x1xf32> to vector<2000x128xf32>
    %mul3A_14 = arith.mulf %mul3A, %dot_general3A_13 : vector<2000x128xf32>
    %convert_element_type3A = arith.truncf %mul3A_14 : vector<2000x128xf32> to vector<2000x128xbf16>
    %swap3A = arith.constant 0 : index
    %swap3A_15 = arith.constant 0 : index
    %swap3A_16 = vector.load %arg4[%swap3A, %swap3A_15] : memref<2000x128xbf16, #tpu.memory_space<vmem>>, vector<2000x128xbf16>
    tpu.vector_store %arg4[%swap3A, %swap3A_15], %convert_element_type3A {strides = array<i32>} : memref<2000x128xbf16, #tpu.memory_space<vmem>>, vector<2000x128xbf16>,
    return
  }
  func.func @transform_0(%arg0: i32) -> (i32, i32) {
    %c0_i32 = arith.constant 0 : i32
    %c0_i32_0 = arith.constant 0 : i32
    return %arg0, %c0_i32 : i32, i32
  }
  func.func @transform_1(%arg0: i32) -> (i32, i32) {
    %c0_i32 = arith.constant 0 : i32
    %c0_i32_0 = arith.constant 0 : i32
    %c0_i32_1 = arith.constant 0 : i32
    return %c0_i32, %c0_i32_0 : i32, i32
  }
  func.func @transform_2(%arg0: i32) -> (i32, i32, i32) {
    %c0_i32 = arith.constant 0 : i32
    %c0_i32_0 = arith.constant 0 : i32
    %c0_i32_1 = arith.constant 0 : i32
    return %c0_i32, %arg0, %c0_i32_0 : i32, i32, i32
  }
  func.func @transform_3(%arg0: i32) -> (i32, i32) {
    %c0_i32 = arith.constant 0 : i32
    %c0_i32_0 = arith.constant 0 : i32
    return %arg0, %c0_i32 : i32, i32
  }
}

module attributes {stable_mosaic.version = 14 : i64} {
  func.func @_tc_mid_body(%arg0: i32, %arg1: memref<2x2000x128xbf16, #tpu.memory_space<vmem>>, %arg2: memref<2x2000x16xf32, #tpu.memory_space<vmem>>, %arg3: memref<1x128xf32, #tpu.memory_space<vmem>>, %arg4: memref<128x128xf32, #tpu.memory_space<vmem>>, %arg5: memref<2000x128xbf16, #tpu.memory_space<vmem>>) attributes {dimension_semantics = [#tpu.dimension_semantics<arbitrary>], iteration_bounds = array<i64: 5>, scalar_prefetch = 0 : i64, scratch_operands = 0 : i64, tpu.core_type = #tpu.core_type<tc>, window_params = [{transform_indices = @transform_0, window_bounds = array<i64: 2, 2000, 128>}, {transform_indices = @transform_1, window_bounds = array<i64: 2, 2000, 16>}, {pipeline_mode = #tpu.pipeline_mode<synchronous>, transform_indices = @transform_2, window_bounds = array<i64: 1, 128>}, {pipeline_mode = #tpu.pipeline_mode<synchronous>, transform_indices = @transform_3, window_bounds = array<i64: 128, 128>}, {transform_indices = @transform_4, window_bounds = array<i64: 2000, 128>}]} {
    %get3A = arith.constant 0 : index
    %get3A_0 = arith.constant 0 : index
    %get3A_1 = arith.constant 0 : index
    %get3A_2 = vector.load %arg2[%get3A, %get3A_0, %get3A_1] : memref<2x2000x16xf32, #tpu.memory_space<vmem>>, vector<2x2000x16xf32>
    %slice3A = vector.extract_strided_slice %get3A_2 {offsets = [0, 0, 0], sizes = [1, 2000, 1], strides = [1, 1, 1]} : vector<2x2000x16xf32> to vector<1x2000x1xf32>
    %squeeze3A = vector.shape_cast %slice3A : vector<1x2000x1xf32> to vector<2000x1xf32>
    %slice3A_3 = vector.extract_strided_slice %get3A_2 {offsets = [1, 0, 0], sizes = [1, 2000, 1], strides = [1, 1, 1]} : vector<2x2000x16xf32> to vector<1x2000x1xf32>
    %squeeze3A_4 = vector.shape_cast %slice3A_3 : vector<1x2000x1xf32> to vector<2000x1xf32>
    %add3A = arith.addf %squeeze3A, %squeeze3A_4 : vector<2000x1xf32>
    %gt3A = arith.constant 0.000000e+00 : f32
    %gt3A_5 = vector.broadcast %gt3A : f32 to vector<2000x1xf32>
    %gt3A_6 = arith.cmpf ogt, %add3A, %gt3A_5 : vector<2000x1xf32>
    %rsqrt3A = math.rsqrt %add3A : vector<2000x1xf32>
    %jit3A = arith.constant 0.000000e+00 : f32
    %broadcast_in_dim3A = vector.broadcast %jit3A : f32 to vector<2000x1xf32>
    %select_n3A = arith.select %gt3A_6, %rsqrt3A, %broadcast_in_dim3A : vector<2000x1xi1>, vector<2000x1xf32>
    %get3A_7 = arith.constant 0 : index
    %get3A_8 = arith.constant 0 : index
    %get3A_9 = arith.constant 0 : index
    %get3A_10 = vector.load %arg1[%get3A_7, %get3A_8, %get3A_9] : memref<2x2000x128xbf16, #tpu.memory_space<vmem>>, vector<1x2000x128xbf16>
    %get3A_11 = vector.shape_cast %get3A_10 : vector<1x2000x128xbf16> to vector<2000x128xbf16>
    %convert_element_type3A = arith.extf %get3A_11 : vector<2000x128xbf16> to vector<2000x128xf32>
    %get3A_12 = arith.constant 1 : index
    %get3A_13 = arith.constant 0 : index
    %get3A_14 = arith.constant 0 : index
    %get3A_15 = vector.load %arg1[%get3A_12, %get3A_13, %get3A_14] : memref<2x2000x128xbf16, #tpu.memory_space<vmem>>, vector<1x2000x128xbf16>
    %get3A_16 = vector.shape_cast %get3A_15 : vector<1x2000x128xbf16> to vector<2000x128xbf16>
    %convert_element_type3A_17 = arith.extf %get3A_16 : vector<2000x128xbf16> to vector<2000x128xf32>
    %add3A_18 = arith.addf %convert_element_type3A, %convert_element_type3A_17 : vector<2000x128xf32>
    %mul3A = vector.broadcast %select_n3A : vector<2000x1xf32> to vector<2000x128xf32>
    %mul3A_19 = arith.mulf %mul3A, %add3A_18 : vector<2000x128xf32>
    %get3A_20 = arith.constant 0 : index
    %get3A_21 = arith.constant 0 : index
    %get3A_22 = vector.load %arg3[%get3A_20, %get3A_21] : memref<1x128xf32, #tpu.memory_space<vmem>>, vector<1x128xf32>
    %add3A_23 = vector.broadcast %get3A_22 : vector<1x128xf32> to vector<2000x128xf32>
    %add3A_24 = arith.addf %mul3A_19, %add3A_23 : vector<2000x128xf32>
    %max3A = arith.constant 0.000000e+00 : f32
    %max3A_25 = vector.broadcast %max3A : f32 to vector<2000x128xf32>
    %max3A_26 = arith.maximumf %add3A_24, %max3A_25 : vector<2000x128xf32>
    %get3A_27 = arith.constant 0 : index
    %get3A_28 = arith.constant 0 : index
    %get3A_29 = vector.load %arg4[%get3A_27, %get3A_28] : memref<128x128xf32, #tpu.memory_space<vmem>>, vector<128x128xf32>
    %dot_general3A = arith.constant dense<0.000000e+00> : vector<2000x128xf32>
    %dot_general3A_30 = tpu.matmul %max3A_26, %get3A_29, %dot_general3A {dimension_numbers = #tpu.dot_dimension_numbers<[1], [0], [0], [1], [0, 0, 1, 1], [], []>, transpose_lhs_hint = false} : vector<2000x128xf32>, vector<128x128xf32>, vector<2000x128xf32> -> vector<2000x128xf32>
    %mul3A_31 = vector.broadcast %select_n3A : vector<2000x1xf32> to vector<2000x128xf32>
    %mul3A_32 = arith.mulf %mul3A_31, %dot_general3A_30 : vector<2000x128xf32>
    %convert_element_type3A_33 = arith.truncf %mul3A_32 : vector<2000x128xf32> to vector<2000x128xbf16>
    %swap3A = arith.constant 0 : index
    %swap3A_34 = arith.constant 0 : index
    %swap3A_35 = vector.load %arg5[%swap3A, %swap3A_34] : memref<2000x128xbf16, #tpu.memory_space<vmem>>, vector<2000x128xbf16>
    tpu.vector_store %arg5[%swap3A, %swap3A_34], %convert_element_type3A_33 {strides = array<i32>} : memref<2000x128xbf16, #tpu.memory_space<vmem>>, vector<2000x128xbf16>,
    return
  }
  func.func @transform_0(%arg0: i32) -> (i32, i32, i32) {
    %c0_i32 = arith.constant 0 : i32
    %c0_i32_0 = arith.constant 0 : i32
    %c0_i32_1 = arith.constant 0 : i32
    return %c0_i32, %arg0, %c0_i32_0 : i32, i32, i32
  }
  func.func @transform_1(%arg0: i32) -> (i32, i32, i32) {
    %c0_i32 = arith.constant 0 : i32
    %c0_i32_0 = arith.constant 0 : i32
    %c0_i32_1 = arith.constant 0 : i32
    return %c0_i32, %arg0, %c0_i32_0 : i32, i32, i32
  }
  func.func @transform_2(%arg0: i32) -> (i32, i32) {
    %c0_i32 = arith.constant 0 : i32
    %c0_i32_0 = arith.constant 0 : i32
    %c0_i32_1 = arith.constant 0 : i32
    return %c0_i32, %c0_i32_0 : i32, i32
  }
  func.func @transform_3(%arg0: i32) -> (i32, i32) {
    %c0_i32 = arith.constant 0 : i32
    %c0_i32_0 = arith.constant 0 : i32
    %c0_i32_1 = arith.constant 0 : i32
    return %c0_i32, %c0_i32_0 : i32, i32
  }
  func.func @transform_4(%arg0: i32) -> (i32, i32) {
    %c0_i32 = arith.constant 0 : i32
    %c0_i32_0 = arith.constant 0 : i32
    return %arg0, %c0_i32 : i32, i32
  }
}

module attributes {stable_mosaic.version = 14 : i64} {
  func.func @_tc_mid_body(%arg0: i32, %arg1: memref<2x2000x128xbf16, #tpu.memory_space<vmem>>, %arg2: memref<2x2000x16xf32, #tpu.memory_space<vmem>>, %arg3: memref<1x128xf32, #tpu.memory_space<vmem>>, %arg4: memref<128x64xf32, #tpu.memory_space<vmem>>, %arg5: memref<2000x64xbf16, #tpu.memory_space<vmem>>) attributes {dimension_semantics = [#tpu.dimension_semantics<arbitrary>], iteration_bounds = array<i64: 5>, scalar_prefetch = 0 : i64, scratch_operands = 0 : i64, tpu.core_type = #tpu.core_type<tc>, window_params = [{transform_indices = @transform_0, window_bounds = array<i64: 2, 2000, 128>}, {transform_indices = @transform_1, window_bounds = array<i64: 2, 2000, 16>}, {pipeline_mode = #tpu.pipeline_mode<synchronous>, transform_indices = @transform_2, window_bounds = array<i64: 1, 128>}, {pipeline_mode = #tpu.pipeline_mode<synchronous>, transform_indices = @transform_3, window_bounds = array<i64: 128, 64>}, {transform_indices = @transform_4, window_bounds = array<i64: 2000, 64>}]} {
    %get3A = arith.constant 0 : index
    %get3A_0 = arith.constant 0 : index
    %get3A_1 = arith.constant 0 : index
    %get3A_2 = vector.load %arg2[%get3A, %get3A_0, %get3A_1] : memref<2x2000x16xf32, #tpu.memory_space<vmem>>, vector<2x2000x16xf32>
    %slice3A = vector.extract_strided_slice %get3A_2 {offsets = [0, 0, 0], sizes = [1, 2000, 1], strides = [1, 1, 1]} : vector<2x2000x16xf32> to vector<1x2000x1xf32>
    %squeeze3A = vector.shape_cast %slice3A : vector<1x2000x1xf32> to vector<2000x1xf32>
    %slice3A_3 = vector.extract_strided_slice %get3A_2 {offsets = [1, 0, 0], sizes = [1, 2000, 1], strides = [1, 1, 1]} : vector<2x2000x16xf32> to vector<1x2000x1xf32>
    %squeeze3A_4 = vector.shape_cast %slice3A_3 : vector<1x2000x1xf32> to vector<2000x1xf32>
    %add3A = arith.addf %squeeze3A, %squeeze3A_4 : vector<2000x1xf32>
    %gt3A = arith.constant 0.000000e+00 : f32
    %gt3A_5 = vector.broadcast %gt3A : f32 to vector<2000x1xf32>
    %gt3A_6 = arith.cmpf ogt, %add3A, %gt3A_5 : vector<2000x1xf32>
    %rsqrt3A = math.rsqrt %add3A : vector<2000x1xf32>
    %jit3A = arith.constant 0.000000e+00 : f32
    %broadcast_in_dim3A = vector.broadcast %jit3A : f32 to vector<2000x1xf32>
    %select_n3A = arith.select %gt3A_6, %rsqrt3A, %broadcast_in_dim3A : vector<2000x1xi1>, vector<2000x1xf32>
    %get3A_7 = arith.constant 0 : index
    %get3A_8 = arith.constant 0 : index
    %get3A_9 = arith.constant 0 : index
    %get3A_10 = vector.load %arg1[%get3A_7, %get3A_8, %get3A_9] : memref<2x2000x128xbf16, #tpu.memory_space<vmem>>, vector<1x2000x128xbf16>
    %get3A_11 = vector.shape_cast %get3A_10 : vector<1x2000x128xbf16> to vector<2000x128xbf16>
    %convert_element_type3A = arith.extf %get3A_11 : vector<2000x128xbf16> to vector<2000x128xf32>
    %get3A_12 = arith.constant 1 : index
    %get3A_13 = arith.constant 0 : index
    %get3A_14 = arith.constant 0 : index
    %get3A_15 = vector.load %arg1[%get3A_12, %get3A_13, %get3A_14] : memref<2x2000x128xbf16, #tpu.memory_space<vmem>>, vector<1x2000x128xbf16>
    %get3A_16 = vector.shape_cast %get3A_15 : vector<1x2000x128xbf16> to vector<2000x128xbf16>
    %convert_element_type3A_17 = arith.extf %get3A_16 : vector<2000x128xbf16> to vector<2000x128xf32>
    %add3A_18 = arith.addf %convert_element_type3A, %convert_element_type3A_17 : vector<2000x128xf32>
    %mul3A = vector.broadcast %select_n3A : vector<2000x1xf32> to vector<2000x128xf32>
    %mul3A_19 = arith.mulf %mul3A, %add3A_18 : vector<2000x128xf32>
    %get3A_20 = arith.constant 0 : index
    %get3A_21 = arith.constant 0 : index
    %get3A_22 = vector.load %arg3[%get3A_20, %get3A_21] : memref<1x128xf32, #tpu.memory_space<vmem>>, vector<1x128xf32>
    %add3A_23 = vector.broadcast %get3A_22 : vector<1x128xf32> to vector<2000x128xf32>
    %add3A_24 = arith.addf %mul3A_19, %add3A_23 : vector<2000x128xf32>
    %max3A = arith.constant 0.000000e+00 : f32
    %max3A_25 = vector.broadcast %max3A : f32 to vector<2000x128xf32>
    %max3A_26 = arith.maximumf %add3A_24, %max3A_25 : vector<2000x128xf32>
    %get3A_27 = arith.constant 0 : index
    %get3A_28 = arith.constant 0 : index
    %get3A_29 = vector.load %arg4[%get3A_27, %get3A_28] : memref<128x64xf32, #tpu.memory_space<vmem>>, vector<128x64xf32>
    %dot_general3A = arith.constant dense<0.000000e+00> : vector<2000x64xf32>
    %dot_general3A_30 = tpu.matmul %max3A_26, %get3A_29, %dot_general3A {dimension_numbers = #tpu.dot_dimension_numbers<[1], [0], [0], [1], [0, 0, 1, 1], [], []>, transpose_lhs_hint = false} : vector<2000x128xf32>, vector<128x64xf32>, vector<2000x64xf32> -> vector<2000x64xf32>
    %mul3A_31 = vector.broadcast %select_n3A : vector<2000x1xf32> to vector<2000x64xf32>
    %mul3A_32 = arith.mulf %mul3A_31, %dot_general3A_30 : vector<2000x64xf32>
    %convert_element_type3A_33 = arith.truncf %mul3A_32 : vector<2000x64xf32> to vector<2000x64xbf16>
    %swap3A = arith.constant 0 : index
    %swap3A_34 = arith.constant 0 : index
    %swap3A_35 = vector.load %arg5[%swap3A, %swap3A_34] : memref<2000x64xbf16, #tpu.memory_space<vmem>>, vector<2000x64xbf16>
    tpu.vector_store %arg5[%swap3A, %swap3A_34], %convert_element_type3A_33 {strides = array<i32>} : memref<2000x64xbf16, #tpu.memory_space<vmem>>, vector<2000x64xbf16>,
    return
  }
  func.func @transform_0(%arg0: i32) -> (i32, i32, i32) {
    %c0_i32 = arith.constant 0 : i32
    %c0_i32_0 = arith.constant 0 : i32
    %c0_i32_1 = arith.constant 0 : i32
    return %c0_i32, %arg0, %c0_i32_0 : i32, i32, i32
  }
  func.func @transform_1(%arg0: i32) -> (i32, i32, i32) {
    %c0_i32 = arith.constant 0 : i32
    %c0_i32_0 = arith.constant 0 : i32
    %c0_i32_1 = arith.constant 0 : i32
    return %c0_i32, %arg0, %c0_i32_0 : i32, i32, i32
  }
  func.func @transform_2(%arg0: i32) -> (i32, i32) {
    %c0_i32 = arith.constant 0 : i32
    %c0_i32_0 = arith.constant 0 : i32
    %c0_i32_1 = arith.constant 0 : i32
    return %c0_i32, %c0_i32_0 : i32, i32
  }
  func.func @transform_3(%arg0: i32) -> (i32, i32) {
    %c0_i32 = arith.constant 0 : i32
    %c0_i32_0 = arith.constant 0 : i32
    %c0_i32_1 = arith.constant 0 : i32
    return %c0_i32, %c0_i32_0 : i32, i32
  }
  func.func @transform_4(%arg0: i32) -> (i32, i32) {
    %c0_i32 = arith.constant 0 : i32
    %c0_i32_0 = arith.constant 0 : i32
    return %arg0, %c0_i32 : i32, i32
  }
}

module attributes {stable_mosaic.version = 14 : i64} {
  func.func @_tc_last_body(%arg0: i32, %arg1: memref<2x2000x64xbf16, #tpu.memory_space<vmem>>, %arg2: memref<2x2000x16xf32, #tpu.memory_space<vmem>>, %arg3: memref<1x64xf32, #tpu.memory_space<vmem>>, %arg4: memref<2000x64xf32, #tpu.memory_space<vmem>>) attributes {dimension_semantics = [#tpu.dimension_semantics<arbitrary>], iteration_bounds = array<i64: 5>, scalar_prefetch = 0 : i64, scratch_operands = 0 : i64, tpu.core_type = #tpu.core_type<tc>, window_params = [{transform_indices = @transform_0, window_bounds = array<i64: 2, 2000, 64>}, {transform_indices = @transform_1, window_bounds = array<i64: 2, 2000, 16>}, {pipeline_mode = #tpu.pipeline_mode<synchronous>, transform_indices = @transform_2, window_bounds = array<i64: 1, 64>}, {transform_indices = @transform_3, window_bounds = array<i64: 2000, 64>}]} {
    %get3A = arith.constant 0 : index
    %get3A_0 = arith.constant 0 : index
    %get3A_1 = arith.constant 0 : index
    %get3A_2 = vector.load %arg2[%get3A, %get3A_0, %get3A_1] : memref<2x2000x16xf32, #tpu.memory_space<vmem>>, vector<2x2000x16xf32>
    %slice3A = vector.extract_strided_slice %get3A_2 {offsets = [0, 0, 0], sizes = [1, 2000, 1], strides = [1, 1, 1]} : vector<2x2000x16xf32> to vector<1x2000x1xf32>
    %squeeze3A = vector.shape_cast %slice3A : vector<1x2000x1xf32> to vector<2000x1xf32>
    %slice3A_3 = vector.extract_strided_slice %get3A_2 {offsets = [1, 0, 0], sizes = [1, 2000, 1], strides = [1, 1, 1]} : vector<2x2000x16xf32> to vector<1x2000x1xf32>
    %squeeze3A_4 = vector.shape_cast %slice3A_3 : vector<1x2000x1xf32> to vector<2000x1xf32>
    %add3A = arith.addf %squeeze3A, %squeeze3A_4 : vector<2000x1xf32>
    %gt3A = arith.constant 0.000000e+00 : f32
    %gt3A_5 = vector.broadcast %gt3A : f32 to vector<2000x1xf32>
    %gt3A_6 = arith.cmpf ogt, %add3A, %gt3A_5 : vector<2000x1xf32>
    %rsqrt3A = math.rsqrt %add3A : vector<2000x1xf32>
    %jit3A = arith.constant 0.000000e+00 : f32
    %broadcast_in_dim3A = vector.broadcast %jit3A : f32 to vector<2000x1xf32>
    %select_n3A = arith.select %gt3A_6, %rsqrt3A, %broadcast_in_dim3A : vector<2000x1xi1>, vector<2000x1xf32>
    %get3A_7 = arith.constant 0 : index
    %get3A_8 = arith.constant 0 : index
    %get3A_9 = arith.constant 0 : index
    %get3A_10 = vector.load %arg1[%get3A_7, %get3A_8, %get3A_9] : memref<2x2000x64xbf16, #tpu.memory_space<vmem>>, vector<1x2000x64xbf16>
    %get3A_11 = vector.shape_cast %get3A_10 : vector<1x2000x64xbf16> to vector<2000x64xbf16>
    %convert_element_type3A = arith.extf %get3A_11 : vector<2000x64xbf16> to vector<2000x64xf32>
    %get3A_12 = arith.constant 1 : index
    %get3A_13 = arith.constant 0 : index
    %get3A_14 = arith.constant 0 : index
    %get3A_15 = vector.load %arg1[%get3A_12, %get3A_13, %get3A_14] : memref<2x2000x64xbf16, #tpu.memory_space<vmem>>, vector<1x2000x64xbf16>
    %get3A_16 = vector.shape_cast %get3A_15 : vector<1x2000x64xbf16> to vector<2000x64xbf16>
    %convert_element_type3A_17 = arith.extf %get3A_16 : vector<2000x64xbf16> to vector<2000x64xf32>
    %add3A_18 = arith.addf %convert_element_type3A, %convert_element_type3A_17 : vector<2000x64xf32>
    %mul3A = vector.broadcast %select_n3A : vector<2000x1xf32> to vector<2000x64xf32>
    %mul3A_19 = arith.mulf %mul3A, %add3A_18 : vector<2000x64xf32>
    %get3A_20 = arith.constant 0 : index
    %get3A_21 = arith.constant 0 : index
    %get3A_22 = vector.load %arg3[%get3A_20, %get3A_21] : memref<1x64xf32, #tpu.memory_space<vmem>>, vector<1x64xf32>
    %add3A_23 = vector.broadcast %get3A_22 : vector<1x64xf32> to vector<2000x64xf32>
    %add3A_24 = arith.addf %mul3A_19, %add3A_23 : vector<2000x64xf32>
    %max3A = arith.constant 0.000000e+00 : f32
    %max3A_25 = vector.broadcast %max3A : f32 to vector<2000x64xf32>
    %max3A_26 = arith.maximumf %add3A_24, %max3A_25 : vector<2000x64xf32>
    %swap3A = arith.constant 0 : index
    %swap3A_27 = arith.constant 0 : index
    %swap3A_28 = vector.load %arg4[%swap3A, %swap3A_27] : memref<2000x64xf32, #tpu.memory_space<vmem>>, vector<2000x64xf32>
    tpu.vector_store %arg4[%swap3A, %swap3A_27], %max3A_26 {strides = array<i32>} : memref<2000x64xf32, #tpu.memory_space<vmem>>, vector<2000x64xf32>,
    return
  }
  func.func @transform_0(%arg0: i32) -> (i32, i32, i32) {
    %c0_i32 = arith.constant 0 : i32
    %c0_i32_0 = arith.constant 0 : i32
    %c0_i32_1 = arith.constant 0 : i32
    return %c0_i32, %arg0, %c0_i32_0 : i32, i32, i32
  }
  func.func @transform_1(%arg0: i32) -> (i32, i32, i32) {
    %c0_i32 = arith.constant 0 : i32
    %c0_i32_0 = arith.constant 0 : i32
    %c0_i32_1 = arith.constant 0 : i32
    return %c0_i32, %arg0, %c0_i32_0 : i32, i32, i32
  }
  func.func @transform_2(%arg0: i32) -> (i32, i32) {
    %c0_i32 = arith.constant 0 : i32
    %c0_i32_0 = arith.constant 0 : i32
    %c0_i32_1 = arith.constant 0 : i32
    return %c0_i32, %c0_i32_0 : i32, i32
  }
  func.func @transform_3(%arg0: i32) -> (i32, i32) {
    %c0_i32 = arith.constant 0 : i32
    %c0_i32_0 = arith.constant 0 : i32
    return %arg0, %c0_i32 : i32, i32
  }
}

</mosaic_0001>

<sc_bundles>
// kernel: kernel.10.cloned.1.call-start
scs
__scs_entry_jumppad:
0x0: {  	(pc) =	sbr.rel $0x88, $3  }
0x1: {  	(tag) =	ssettag $0x0;
	lr =	simm.s32 $0x1  }
0x2: {  	[smem:$0x3F99] =	sst lr;
	_ =	strace $0xD0000000  }
0x3: {  	_ = 	snop  }
0x4: {  	_ = 	snop  }
0x5: {  	_ = 	snop  }
0x6: {  	_ = 	snop  }
0x7: {  	_ = 	snop  }
__scs_overlays_trampoline_lowered:
0x8: {  	[smem:$0x3FA8] =	sst s0  }
0x9: {  	[smem:$0x3FA9] =	sst s1  }
0xa: {  	[smem:$0x3FAA] =	sst s2  }
0xb: {  	[smem:$0x3FAB] =	sst s3  }
0xc: {  	[smem:$0x3FAC] =	sst s4  }
0xd: {  	[smem:$0x3FAD] =	sst s5  }
0xe: {  	[smem:$0x3FAE] =	sst s6  }
0xf: {  	[smem:$0x3FAF] =	sst s7  }
0x10: {  	[smem:$0x3FB0] =	sst s8  }
0x11: {  	[smem:$0x3FB1] =	sst s9;
	s0 =	simm.s32 @!p0 $0x0  }
0x12: {  	s1 =	sld [smem:$0x3F97];
	s0 =	simm.s32 @p0 $0x1  }
0x13: {  	[smem:$0x3FB2] =	sst s0;
	s0 =	simm.s32 @!p1 $0x0  }
0x14: {  	s2 =	sld [smem:$0x3F96];
	s0 =	simm.s32 @p1 $0x1  }
0x15: {  	[smem:$0x3FB3] =	sst s0;
	s0 =	simm.s32 @!p2 $0x0  }
0x16: {  	s3 =	sld [smem:$0x3FDB];
	s0 =	simm.s32 @p2 $0x1  }
0x17: {  	s4 =	simm.s32 $0x1BF5;
	[smem:$0x3FB5] =	sst s0  }
0x18: {  	s0 =	sld [smem:$0x3F98];
	_ =	swait.ge [sflag:s4], $0x0  }
0x19: {  	s7 =	sld [smem:$0x3F99]  }
0x1a: {  	s8 =	sadd.s32 $0xFFFFE003, lr  }
0x1b: {  	s9 =	sadd.s32 $0xFFFFFEF7, lr;
	s5 =	simm.s32 $0xFFFFFFFF;
	p2 =	slt.u32 s8, $0xFFFFF086  }
0x1c: {  	p1 =	slt.u32 s9, $0xF7A;
	s5 =	simm.s32 @!p2 $0x0  }
0x1d: {  	s5 =	simm.s32 @p1 $0x1;
	p0 =	seq.s32 s7, s2  }
0x1e: {  	s7 =	smul.u32 @!p0 $0xF7A, s2;
	p2 =	seq.s32 @!p0 s5, $0x0  }
0x1f: {  	s9 =	smul.u32 $0xF7A, s1;
	s8 =	simm.s32 @!p0 $0x1BF5;
	p2 =	por !p2, p0  }
0x20: {  	[sflag:s8] =	ssyncset.s32 @!p0 $0xFFFFF086;
	s6 =	sadd.s32 @!p0 s3, s7;
	s7 =	simm.s32 @!p0 $0x108  }
0x21: {  	s3 =	sadd.s32 s3, s9;
	s6 =	sadd.s32 @!p0 $0x88, s6;
	s7 =	simm.s32 @p2 $0x1082  }
0x22: {  	[simem:s7], [sflag:s8] =	dma.local @!p0 [hbm:s6], $0xF7A  }
0x23: {  	s9 =	sor.u32 $0xD0000000, s2;
	s6 =	simm.s32 $0x108;
	_ =	swait.ge @!p0 [sflag:s8], $0x0  }
0x24: {  	s3 =	sadd.s32 $0x88, s3;
	s6 =	simm.s32 @!p1 $0x1082;
	[sflag:s4] =	ssyncset.s32 $0xFFFFF086  }
0x25: {  	[simem:s6], [sflag:s4] =	dma.local [hbm:s3], $0xF7A  }
0x26: {  	[smem:$0x3F99] =	sst s1;
	(tag) =	ssettag s2;
	_ =	strace s9  }
0x27: {  	s1 =	sld [smem:$0x3FA9]  }
0x28: {  	s2 =	sld [smem:$0x3FAA]  }
0x29: {  	s4 =	sld [smem:$0x3FAC]  }
0x2a: {  	p0 =	seq.s32 s5, $0x0;
	s5 =	sld [smem:$0x3FAD]  }
0x2b: {  	s6 =	sld [smem:$0x3FAE]  }
0x2c: {  	s7 =	sld [smem:$0x3FAF]  }
0x2d: {  	s3 =	simm.s32 $0x108;
	s8 =	sld [smem:$0x3FB0]  }
0x2e: {  	s3 =	simm.s32 @!p0 $0x1082;
	s9 =	sld [smem:$0x3FB1]  }
0x2f: {  	lr =	sadd.s32 s0, s3;
	s0 =	sld [smem:$0x3FA8]  }
0x30: {  	s3 =	sld [smem:$0x3FAB]  }
0x31: {  	[smem:$0x3FB4] =	sst s10  }
0x32: {  	s10 =	sld [smem:$0x3FB2];
	_ =	sdelay $0x3  }
0x33: {  	p0 =	seq.s32 s10, $0x1;
	s10 =	sld [smem:$0x3FB4];
	_ =	sdelay $0x3  }
0x34: {  	[smem:$0x3FB4] =	sst s10  }
0x35: {  	s10 =	sld [smem:$0x3FB3];
	_ =	sdelay $0x3  }
0x36: {  	p1 =	seq.s32 s10, $0x1;
	s10 =	sld [smem:$0x3FB4];
	_ =	sdelay $0x3  }
0x37: {  	[smem:$0x3FB4] =	sst s10  }
0x38: {  	s10 =	sld [smem:$0x3FB5]  }
0x39: {  	_ = 	snop;
	(pc) =	sbr.ind lr, $3  }
0x3a: {  	_ = 	snop  }
0x3b: {  	_ = 	snop  }
0x3c: {  	p2 =	seq.s32 s10, $0x1;
	s10 =	sld [smem:$0x3FB4]  }
0x3d: {  	_ =	shalt  }
0x3e: {  	_ =	shalt  }
0x3f: {  	_ =	shalt  }
0x40: {  	_ =	shalt  }
0x41: {  	_ =	shalt  }
0x42: {  	_ =	shalt  }
0x43: {  	_ =	shalt  }
0x44: {  	_ =	shalt  }
0x45: {  	_ =	shalt  }
0x46: {  	_ =	shalt  }
0x47: {  	_ =	shalt  }
0x48: {  	_ =	shalt  }
0x49: {  	_ =	shalt  }
0x4a: {  	_ =	shalt  }
0x4b: {  	_ =	shalt  }
0x4c: {  	_ =	shalt  }
0x4d: {  	_ =	shalt  }
0x4e: {  	_ =	shalt  }
0x4f: {  	_ =	shalt  }
0x50: {  	_ =	shalt  }
0x51: {  	_ =	shalt  }
0x52: {  	_ =	shalt  }
0x53: {  	_ =	shalt  }
0x54: {  	_ =	shalt  }
0x55: {  	_ =	shalt  }
0x56: {  	_ =	shalt  }
0x57: {  	_ =	shalt  }
0x58: {  	_ =	shalt  }
0x59: {  	_ =	shalt  }
0x5a: {  	_ =	shalt  }
0x5b: {  	_ =	shalt  }
0x5c: {  	_ =	shalt  }
0x5d: {  	_ =	shalt  }
0x5e: {  	_ =	shalt  }
0x5f: {  	_ =	shalt  }
0x60: {  	_ =	shalt  }
0x61: {  	_ =	shalt  }
0x62: {  	_ =	shalt  }
0x63: {  	_ =	shalt  }
0x64: {  	_ =	shalt  }
0x65: {  	_ =	shalt  }
0x66: {  	_ =	shalt  }
0x67: {  	_ =	shalt  }
0x68: {  	_ =	shalt  }
0x69: {  	_ =	shalt  }
0x6a: {  	_ =	shalt  }
0x6b: {  	_ =	shalt  }
0x6c: {  	_ =	shalt  }
0x6d: {  	_ =	shalt  }
0x6e: {  	_ =	shalt  }
0x6f: {  	_ =	shalt  }
0x70: {  	_ =	shalt  }
0x71: {  	_ =	shalt  }
0x72: {  	_ =	shalt  }
0x73: {  	_ =	shalt  }
0x74: {  	_ =	shalt  }
0x75: {  	_ =	shalt  }
0x76: {  	_ =	shalt  }
0x77: {  	_ =	shalt  }
0x78: {  	_ =	shalt  }
0x79: {  	_ =	shalt  }
0x7a: {  	_ =	shalt  }
0x7b: {  	_ =	shalt  }
0x7c: {  	_ =	shalt  }
0x7d: {  	_ =	shalt  }
0x7e: {  	_ =	shalt  }
0x7f: {  	_ =	shalt  }
0x80: {  	_ =	shalt  }
0x81: {  	_ =	shalt  }
0x82: {  	_ =	shalt  }
0x83: {  	_ =	shalt  }
0x84: {  	_ =	shalt  }
0x85: {  	_ =	shalt  }
0x86: {  	_ =	shalt  }
0x87: {  	_ =	shalt  }
.Lfunc_end0:
.L_simem_size_0:
called_computation_lowered:
.L_overlay_start_0:
0x88: {  	s2 =	sld [smem:$0x3FD9]  }
0x89: {  	s3 =	sld [smem:$0x3FFE];
	_ =	sdelay $0x1  }
0x8a: {  	s1 =	srdreg.scid  }
0x8b: {  	s0 =	sand.u32 $0x1, s1  }
0x8c: {  	s17 =	sshll.u32 s0, $0xA;
	s2 =	sadd.s32 s3, s2  }
0x8d: {  	s2 =	sadd.s32 s2, s17  }
0x8e: {  	[smem:$0x3FC0] =	sst s2  }
0x8f: {  	_ = 	snop  }
0x90: {  	s2 =	sld [smem:$0x3FD0];
	(tm) =	ssettm $0x1  }
0x91: {  	s18 =	sld [smem:$0x3FFB];
	_ =	sdelay $0x3  }
0x92: {  	_ =	strace s18  }
0x93: {  	s3 =	sld [smem:$0x3FFC];
	_ =	sdelay $0x3  }
0x94: {  	_ =	strace s3  }
0x95: {  	s3 =	sld [smem:$0x3FFD];
	_ =	sdelay $0x3  }
0x96: {  	_ =	strace s3  }
0x97: {  	_ =	strace $0x8FFFFFFF  }
0x98: {  	s19 =	sld [smem:$0x3FDB];
	_ =	sdelay $0x1  }
0x99: {  	s4 =	simm.s32 $_scs_section_size  }
0x9a: {  	s5 =	simm.s32 $_size__tile_overlayer_lowered;
	s6 =	simm.s32 $_tile_overlayer_lowered  }
0x9b: {  	s22 =	simm.s32 $0x1BFF;
	s21 =	sshll.u32 s6, $0x1;
	s3 =	sadd.s32 s4, s19  }
0x9c: {  	s7 =	simm.s32 $0x0;
	s20 =	sshll.u32 s5, $0x1;
	s5 =	sadd.s32 s21, s3  }
0x9d: {  	[timem:s7], [sflag:s22] =	dma.local [hbm:s5], s20  }
0x9e: {  	_ =	swait.ge [sflag:s22], s20  }
0x9f: {  	s4 =	ssub.s32 $0x0, s20;
	[sflag:s22] =	ssyncset.done $0x0  }
0xa0: {  	[sflag:s22] =	ssyncadd.s32 s4;
	_ =	sdelay $0x1  }
0xa1: {  	s23 =	simm.s32 $0x1B8B  }
0xa2: {  	_ =	swait.ge [sflag:s23], $0x1  }
0xa3: {  	[sflag:s23] =	ssyncset.done $0x0  }
0xa4: {  	s25 =	simm.s32 $0x1B8E;
	s24 =	sld [smem:$0x3FFE];
	[sflag:s23] =	ssyncadd.s32 $0xFFFFFFFF  }
0xa5: {  	s26 =	simm.s32 $execute0_lowered;
	[smem:$0x3FD2] =	sst s25  }
0xa6: {  	s5 =	sshll.u32 s26, $0x1;
	_ =	strace $0x80000046;
	[dreg:$0x1] =	wrdreg $0xFFFFFFFF  }
0xa7: {  	s28 =	simm.s32 $_size_execute0_lowered;
	s3 =	sadd.s32 s3, s5;
	[dreg:$0x0] =	wrdreg $0x0  }
0xa8: {  	s5 =	sshll.u32 s28, $0x1;
	[dreg:$0x2] =	wrdreg s3  }
0xa9: {  	[dreg:$0x3] =	wrdreg s5  }
0xaa: {  	[dreg:$0x4] =	wrdreg $0xC0  }
0xab: {  	_ =	task [dreg:s7], $0x5FFFF  }
0xac: {  	[dreg:$0x1] =	wrdreg $0xFFFFFFFF  }
0xad: {  	[dreg:$0x0] =	wrdreg $0x60  }
0xae: {  	[dreg:$0x2] =	wrdreg s24  }
0xaf: {  	[dreg:$0x3] =	wrdreg s2  }
0xb0: {  	[dreg:$0x4] =	wrdreg $0x0  }
0xb1: {  	[dreg:$0x5] =	wrdreg $0x9  }
0xb2: {  	_ =	task.clear_ibuf [dreg:s7], $0x6FFFF;
	_ =	strace $0x90000046  }
0xb3: {  	s29 =	simm.s32 $0x9;
	_ =	strace $0x80000048  }
0xb4: {  	_ =	swait.ge [sflag:s29], $0x1  }
0xb5: {  	[sflag:s29] =	ssyncadd.s32 $0xFFFFFFFF  }
0xb6: {  	_ =	strace $0x90000048  }
0xb7: {  	_ =	sfence  }
0xb8: {  	s30 =	sld [smem:$0x0];
	_ =	sdelay $0x2  }
0xb9: {  	s31 =	sshll.u32 s1, $0xD;
	s1 =	sshrl.u32 s1, $0x2  }
0xba: {  	s3 =	sand.u32 $0x4000, s31;
	s1 =	sadd.s32 s1, s30  }
0xbb: {  	s0 =	sor.u32 s3, s0;
	s1 =	sshll.u32 s1, $0x11  }
0xbc: {  	s0 =	sor.u32 s1, s0  }
0xbd: {  	s0 =	sadd.s32 $0x8F2B, s0  }
0xbe: {  	[sflag:s0] =	ssyncadd.remote.s32 $0x1  }
0xbf: {  	_ =	sfence.sel $0xFFFF  }
0xc0: {  	[dreg:$0x0] =	wrdreg $0xFFFFFFFF;
	(pc) =	sbr.abs _section_cstart, $3  }
0xc1: {  	[dreg:$0x1] =	wrdreg $0xFFFFFFFF  }
0xc2: {  	_ =	task.clear_ibuf [dreg:s7], $0x2FFFF;
	_ =	strace $0x9FFFFFFF  }
0xc3: {  	(tm) =	ssettm $0x7FFFFFFF  }
tec
execute0_lowered:
.L_overlay_start_1:
0x0: {  	(tag) =	ssettag $0x1  }
0x1: {  	s8 =	rddreg [dreg:$0x0]  }
0x2: {  	s10 =	rddreg [dreg:$0x1]  }
0x3: {  	s2 =	rddreg [dreg:$0x2]  }
0x4: {  	s0 =	rddreg [dreg:$0x3];
	s4 =	srdreg.scid  }
0x5: {  	s3 =	simm.s32 $0x0;
	s1 =	stileid.u32;
	s15 =	simm.s32 $0x7D  }
0x6: {  	s16 =	simm.s32 $0x2790;
	s17 =	simm.s32 $0x1;
	s18 =	simm.s32 $0x2  }
0x7: {  	s21 =	simm.s32 $0x0;
	s4 =	sand.u32 $0x1, s4;
	s5 =	smul.u32 $0x9C40, s1  }
0x8: {  	[smem:$0x7FF] =	sst s3;
	s7 =	smul.u32 $0x2710, s1;
	s19 =	sshll.u32 s1, $0x6  }
0x9: {  	s6 =	sshll.u32 s4, $0x4;
	_ =	strace $0x80000047;
	s9 =	ssub.s32 $0x2, s4  }
0xa: {  	s13 =	smul.u32 $0x27100, s4;
	s19 =	sor.u32 $0x1C03, s19;
	s6 =	sor.u32 s1, s6  }
0xb: {  	s5 =	sshrl.u32 s5, $0x2;
	s29 =	sshrl.u32 s9, $0x1;
	s4 =	sadd.s32 s7, s2  }
0xc: {  	s11 =	smul.u32 $0x2800, s6;
	s12 =	sadd.s32 s5, s2;
	s14 =	ssub.s32 s9, s29  }
0xd: {  	s31 =	sadd.s32 s7, s13;
	s13 =	simm.s32 $0x3;
	s20 =	sshrl.u32 s4, $0x3  }
0xe: {  	s5 =	sadd.s32 $0x7D0, s12;
	s6 =	sadd.s32 $0xFA0, s12;
	s30 =	sshrl.u32 s11, $0x3  }
0xf: {  	s7 =	sadd.s32 $0x1770, s12;
	s11 =	sshrl.u32 s31, $0x3;
	s9 =	sadd.s32 s8, s30  }
0x10: {  	s8 =	sadd.s32 $0x1F40, s12;
	s10 =	sadd.s32 s10, s11;
	s11 =	smax.u32 s14, $0x1  }
0x11: {  	v0 =	vimm.f32 $0.0e+00;
	v1 =	vimm.f32 $1.000000000e+00;
	s12 =	simm.s32 $0x4F10;
	s14 =	simm.s32 $0x2710;
	s9 =	sadd.s32 $0xC400, s9  }
.LBB2_1:
0x12: {  	s22 =	simm.s32 $0x40;
	s23 =	simm.s32 $0x0  }
.LBB2_2:
0x13: {  	p0 =	sne.s32 s22, $0x1F00;
	[tilespmem:s23+$0x4F10] =	vst v0;
	s23 =	smov.u32 s22;
	s22 =	sadd.s32 $0x40, s22  }
.Ltmp0:
0x14: {  	(pc) =	sbr.rel @p0 .LBB2_2-.Ltmp0, $2  }
0x15: {  	_ =	sdelay $0x2  }
0x16: {  	s23 =	sshra.s32 s23, $0x2  }
0x17: {  	[tilespmem:s23+$0x4F10] =	vst v0  }
0x18: {  	[spmem:s4] =	stream.linear.scatter [tilespmem:s12], [sflag:$0x3], $0x7D0, $0x38;
	[tilespmem:$0x56E0] =	vst v63  }
0x19: {  	_ =	swait.ge [sflag:s13], $0x7D0  }
0x1a: {  	[sflag:s13] =	ssyncset.done $0x0  }
0x1b: {  	[sflag:s13] =	ssyncadd.s32 $0xFFFFF830  }
0x1c: {  	[spmem:s5] =	stream.linear.scatter [tilespmem:s12], [sflag:$0x3], $0x7D0, $0x38;
	[tilespmem:$0x56E0] =	vst v63  }
0x1d: {  	_ =	swait.ge [sflag:s13], $0x7D0  }
0x1e: {  	[sflag:s13] =	ssyncset.done $0x0  }
0x1f: {  	[sflag:s13] =	ssyncadd.s32 $0xFFFFF830  }
0x20: {  	[spmem:s6] =	stream.linear.scatter [tilespmem:s12], [sflag:$0x3], $0x7D0, $0x38;
	[tilespmem:$0x56E0] =	vst v63  }
0x21: {  	_ =	swait.ge [sflag:s13], $0x7D0  }
0x22: {  	[sflag:s13] =	ssyncset.done $0x0  }
0x23: {  	[sflag:s13] =	ssyncadd.s32 $0xFFFFF830  }
0x24: {  	[spmem:s7] =	stream.linear.scatter [tilespmem:s12], [sflag:$0x3], $0x7D0, $0x38;
	[tilespmem:$0x56E0] =	vst v63  }
0x25: {  	_ =	swait.ge [sflag:s13], $0x7D0  }
0x26: {  	[sflag:s13] =	ssyncset.done $0x0  }
0x27: {  	[sflag:s13] =	ssyncadd.s32 $0xFFFFF830  }
0x28: {  	[spmem:s8] =	stream.linear.scatter [tilespmem:s12], [sflag:$0x3], $0x7D0, $0x38;
	[tilespmem:$0x56E0] =	vst v63  }
0x29: {  	_ =	swait.ge [sflag:s13], $0x7D0  }
0x2a: {  	[sflag:s13] =	ssyncset.done $0x0  }
0x2b: {  	s22 =	simm.s32 $0x40;
	s23 =	simm.s32 $0x0;
	[sflag:s13] =	ssyncadd.s32 $0xFFFFF830  }
.LBB2_4:
0x2c: {  	p0 =	sne.s32 s22, $0x1F00;
	[tilespmem:s23+$0x4F10] =	vst v1;
	s23 =	smov.u32 s22;
	s22 =	sadd.s32 $0x40, s22  }
.Ltmp1:
0x2d: {  	(pc) =	sbr.rel @p0 .LBB2_4-.Ltmp1, $2  }
0x2e: {  	_ =	sdelay $0x2  }
0x2f: {  	s23 =	sshra.s32 s23, $0x2  }
0x30: {  	[tilespmem:s23+$0x4F10] =	vst v1  }
0x31: {  	[bflag:$0x0] =	sbarrier.arrive $0xFFFF  }
0x32: {  	[tilespmem:s14], [sflag:$0x3] =	stream.linear.gather [hbm4b:s9+s3], $0x2800, $0x38;
	[tilespmem:$0x56E0] =	vst v63  }
0x33: {  	_ =	swait.ge [sflag:s13], $0x2800  }
0x34: {  	[sflag:s13] =	ssyncset.done $0x0  }
0x35: {  	[sflag:s13] =	ssyncadd.s32 $0xFFFFD800  }
0x36: {  	[spmem:s2] =	stream.indirect.scatter.add.f32 [tilespmem:s12], [sflag:$0x1], $0x10, s14, s15, $0xb8;
	[tilespmem:$0x56E0] =	vst v63  }
0x37: {  	_ = 	snop  }
0x38: {  	[spmem:s2] =	stream.indirect.scatter.add.f32 [tilespmem:s12], [sflag:$0x2], $0x10, s16, s15, $0xb8;
	[tilespmem:$0x56E0] =	vst v63  }
0x39: {  	_ =	swait.ge [sflag:s17], $0x7D0  }
0x3a: {  	[sflag:s17] =	ssyncset.done $0x0  }
0x3b: {  	s22 =	simm.s32 $0x2810;
	[sflag:s17] =	ssyncadd.s32 $0xFFFFF830  }
0x3c: {  	[spmem:s2] =	stream.indirect.scatter.add.f32 [tilespmem:s12], [sflag:$0x1], $0x10, s22, s15, $0xb8;
	[tilespmem:$0x56E0] =	vst v63  }
0x3d: {  	_ =	swait.ge [sflag:s18], $0x7D0  }
0x3e: {  	[sflag:s18] =	ssyncset.done $0x0  }
0x3f: {  	s23 =	simm.s32 $0x2890;
	s22 =	simm.s32 $0xFFFF6800;
	[sflag:s18] =	ssyncadd.s32 $0xFFFFF830  }
.LBB2_6:
0x40: {  	[spmem:s2] =	stream.indirect.scatter.add.f32 [tilespmem:s12], [sflag:$0x2], $0x10, s23, s15, $0xb8;
	[tilespmem:$0x56E0] =	vst v63  }
0x41: {  	s23 =	smov.u32 s22  }
0x42: {  	p0 =	sne.s32 s22, $0xFFFFFC00;
	s22 =	sadd.s32 $0x400, s22;
	_ =	swait.ge [sflag:s17], $0x7D0  }
0x43: {  	s23 =	sshra.s32 s23, $0x2;
	[sflag:s17] =	ssyncset.done $0x0  }
.Ltmp2:
0x44: {  	s24 =	sadd.s32 $0x4F10, s23;
	[sflag:s17] =	ssyncadd.s32 $0xFFFFF830;
	(pc) =	sbr.rel @p0 .LBB2_6-.Ltmp2, $4  }
0x45: {  	[spmem:s2] =	stream.indirect.scatter.add.f32 [tilespmem:s12], [sflag:$0x1], $0x10, s24, s15, $0xb8;
	[tilespmem:$0x56E0] =	vst v63  }
0x46: {  	_ =	swait.ge [sflag:s18], $0x7D0  }
0x47: {  	[sflag:s18] =	ssyncset.done $0x0  }
0x48: {  	s23 =	sadd.s32 $0x4F90, s23;
	[sflag:s18] =	ssyncadd.s32 $0xFFFFF830  }
0x49: {  	[spmem:s2] =	stream.indirect.scatter.add.f32 [tilespmem:s12], [sflag:$0x2], $0x10, s23, s15, $0xb8;
	[tilespmem:$0x56E0] =	vst v63  }
0x4a: {  	_ =	swait.ge [sflag:s18], $0x7D0  }
0x4b: {  	[sflag:s18] =	ssyncset.done $0x0  }
0x4c: {  	[sflag:s18] =	ssyncadd.s32 $0xFFFFF830  }
0x4d: {  	_ =	swait.ge [sflag:s17], $0x7D0  }
0x4e: {  	s21 =	sadd.s32 $0x1, s21;
	[sflag:s17] =	ssyncset.done $0x0  }
0x4f: {  	p0 =	sne.s32 s21, s11;
	[sflag:s17] =	ssyncadd.s32 $0xFFFFF830  }
.Ltmp3:
0x50: {  	[bflag:$0x0] =	sbarrier.arrive $0xFFFF;
	(pc) =	sbr.rel @p0 .LBB2_1-.Ltmp3, $4  }
0x51: {  	[hbm:s10], [sflag:s19] =	dma.local [spmem:s20], $0x4E2  }
0x52: {  	_ =	swait.ge [sflag:s13], $0x4E2  }
0x53: {  	[sflag:s13] =	ssyncset.done $0x0  }
0x54: {  	[sflag:s13] =	ssyncadd.s32 $0xFFFFFB1E  }
0x55: {  	_ =	sfence.sel $0x180000  }
0x56: {  	[bflag:$0x0] =	sbarrier.arrive $0xFFFF  }
0x57: {  	p0 =	sne.s32 s1, $0x0;
	_ =	strace $0x90000047  }
0x58: {  	s0 =	sadd.s32 @!p0 $0x100000, s0;
	[bflag:$0x2] =	sbarrier.arrive $0xFFFF  }
0x59: {  	[sflag:s0] =	ssyncadd.tile.s32 @!p0 $0x1;
	_ =	shalt  }
.Lfunc_end2:
_tile_overlayer_lowered:
.L_overlay_start_2:
0x5a: {  	(tag) =	ssettag $0x2  }
0x5b: {  	s0 =	rddreg [dreg:$0x0];
	s2 =	stileid.u32  }
0x5c: {  	s1 =	rddreg [dreg:$0x1];
	p0 =	sne.s32 s2, $0x0  }
0x5d: {  	s3 =	rddreg [dreg:$0x2];
	[bflag:$0x3] =	sbarrier.arrive $0xFFFF;
	s2 =	simm.s32 @!p0 $0x1C03  }
0x5e: {  	[timem:s3], [sflag:s2] =	dma.local @!p0 [hbm:s0], s1  }
0x5f: {  	s0 =	simm.s32 @!p0 $0x3  }
0x60: {  	_ =	swait.ge @!p0 [sflag:s0], s1  }
0x61: {  	s1 =	ssub.s32 @!p0 $0x0, s1;
	[sflag:s0] =	ssyncset.done @!p0 $0x0  }
0x62: {  	[sflag:s0] =	ssyncadd.s32 @!p0 s1  }
0x63: {  	[bflag:$0x3] =	sbarrier.arrive $0xFFFF  }
0x64: {  	_ =	shalt  }

// kernel: kernel.13.cloned.1.call-start
scs
__scs_entry_jumppad:
0x0: {  	(pc) =	sbr.rel $0x88, $3  }
0x1: {  	(tag) =	ssettag $0x0;
	lr =	simm.s32 $0x1  }
0x2: {  	[smem:$0x3F99] =	sst lr;
	_ =	strace $0xD0000000  }
0x3: {  	_ = 	snop  }
0x4: {  	_ = 	snop  }
0x5: {  	_ = 	snop  }
0x6: {  	_ = 	snop  }
0x7: {  	_ = 	snop  }
__scs_overlays_trampoline_lowered:
0x8: {  	[smem:$0x3FA8] =	sst s0  }
0x9: {  	[smem:$0x3FA9] =	sst s1  }
0xa: {  	[smem:$0x3FAA] =	sst s2  }
0xb: {  	[smem:$0x3FAB] =	sst s3  }
0xc: {  	[smem:$0x3FAC] =	sst s4  }
0xd: {  	[smem:$0x3FAD] =	sst s5  }
0xe: {  	[smem:$0x3FAE] =	sst s6  }
0xf: {  	[smem:$0x3FAF] =	sst s7  }
0x10: {  	[smem:$0x3FB0] =	sst s8  }
0x11: {  	[smem:$0x3FB1] =	sst s9;
	s0 =	simm.s32 @!p0 $0x0  }
0x12: {  	s1 =	sld [smem:$0x3F97];
	s0 =	simm.s32 @p0 $0x1  }
0x13: {  	[smem:$0x3FB2] =	sst s0;
	s0 =	simm.s32 @!p1 $0x0  }
0x14: {  	s2 =	sld [smem:$0x3F96];
	s0 =	simm.s32 @p1 $0x1  }
0x15: {  	[smem:$0x3FB3] =	sst s0;
	s0 =	simm.s32 @!p2 $0x0  }
0x16: {  	s3 =	sld [smem:$0x3FDB];
	s0 =	simm.s32 @p2 $0x1  }
0x17: {  	s4 =	simm.s32 $0x1BF5;
	[smem:$0x3FB5] =	sst s0  }
0x18: {  	s0 =	sld [smem:$0x3F98];
	_ =	swait.ge [sflag:s4], $0x0  }
0x19: {  	s7 =	sld [smem:$0x3F99]  }
0x1a: {  	s8 =	sadd.s32 $0xFFFFE003, lr  }
0x1b: {  	s9 =	sadd.s32 $0xFFFFFEF7, lr;
	s5 =	simm.s32 $0xFFFFFFFF;
	p2 =	slt.u32 s8, $0xFFFFF086  }
0x1c: {  	p1 =	slt.u32 s9, $0xF7A;
	s5 =	simm.s32 @!p2 $0x0  }
0x1d: {  	s5 =	simm.s32 @p1 $0x1;
	p0 =	seq.s32 s7, s2  }
0x1e: {  	s7 =	smul.u32 @!p0 $0xF7A, s2;
	p2 =	seq.s32 @!p0 s5, $0x0  }
0x1f: {  	s9 =	smul.u32 $0xF7A, s1;
	s8 =	simm.s32 @!p0 $0x1BF5;
	p2 =	por !p2, p0  }
0x20: {  	[sflag:s8] =	ssyncset.s32 @!p0 $0xFFFFF086;
	s6 =	sadd.s32 @!p0 s3, s7;
	s7 =	simm.s32 @!p0 $0x108  }
0x21: {  	s3 =	sadd.s32 s3, s9;
	s6 =	sadd.s32 @!p0 $0x88, s6;
	s7 =	simm.s32 @p2 $0x1082  }
0x22: {  	[simem:s7], [sflag:s8] =	dma.local @!p0 [hbm:s6], $0xF7A  }
0x23: {  	s9 =	sor.u32 $0xD0000000, s2;
	s6 =	simm.s32 $0x108;
	_ =	swait.ge @!p0 [sflag:s8], $0x0  }
0x24: {  	s3 =	sadd.s32 $0x88, s3;
	s6 =	simm.s32 @!p1 $0x1082;
	[sflag:s4] =	ssyncset.s32 $0xFFFFF086  }
0x25: {  	[simem:s6], [sflag:s4] =	dma.local [hbm:s3], $0xF7A  }
0x26: {  	[smem:$0x3F99] =	sst s1;
	(tag) =	ssettag s2;
	_ =	strace s9  }
0x27: {  	s1 =	sld [smem:$0x3FA9]  }
0x28: {  	s2 =	sld [smem:$0x3FAA]  }
0x29: {  	s4 =	sld [smem:$0x3FAC]  }
0x2a: {  	p0 =	seq.s32 s5, $0x0;
	s5 =	sld [smem:$0x3FAD]  }
0x2b: {  	s6 =	sld [smem:$0x3FAE]  }
0x2c: {  	s7 =	sld [smem:$0x3FAF]  }
0x2d: {  	s3 =	simm.s32 $0x108;
	s8 =	sld [smem:$0x3FB0]  }
0x2e: {  	s3 =	simm.s32 @!p0 $0x1082;
	s9 =	sld [smem:$0x3FB1]  }
0x2f: {  	lr =	sadd.s32 s0, s3;
	s0 =	sld [smem:$0x3FA8]  }
0x30: {  	s3 =	sld [smem:$0x3FAB]  }
0x31: {  	[smem:$0x3FB4] =	sst s10  }
0x32: {  	s10 =	sld [smem:$0x3FB2];
	_ =	sdelay $0x3  }
0x33: {  	p0 =	seq.s32 s10, $0x1;
	s10 =	sld [smem:$0x3FB4];
	_ =	sdelay $0x3  }
0x34: {  	[smem:$0x3FB4] =	sst s10  }
0x35: {  	s10 =	sld [smem:$0x3FB3];
	_ =	sdelay $0x3  }
0x36: {  	p1 =	seq.s32 s10, $0x1;
	s10 =	sld [smem:$0x3FB4];
	_ =	sdelay $0x3  }
0x37: {  	[smem:$0x3FB4] =	sst s10  }
0x38: {  	s10 =	sld [smem:$0x3FB5]  }
0x39: {  	_ = 	snop;
	(pc) =	sbr.ind lr, $3  }
0x3a: {  	_ = 	snop  }
0x3b: {  	_ = 	snop  }
0x3c: {  	p2 =	seq.s32 s10, $0x1;
	s10 =	sld [smem:$0x3FB4]  }
0x3d: {  	_ =	shalt  }
0x3e: {  	_ =	shalt  }
0x3f: {  	_ =	shalt  }
0x40: {  	_ =	shalt  }
0x41: {  	_ =	shalt  }
0x42: {  	_ =	shalt  }
0x43: {  	_ =	shalt  }
0x44: {  	_ =	shalt  }
0x45: {  	_ =	shalt  }
0x46: {  	_ =	shalt  }
0x47: {  	_ =	shalt  }
0x48: {  	_ =	shalt  }
0x49: {  	_ =	shalt  }
0x4a: {  	_ =	shalt  }
0x4b: {  	_ =	shalt  }
0x4c: {  	_ =	shalt  }
0x4d: {  	_ =	shalt  }
0x4e: {  	_ =	shalt  }
0x4f: {  	_ =	shalt  }
0x50: {  	_ =	shalt  }
0x51: {  	_ =	shalt  }
0x52: {  	_ =	shalt  }
0x53: {  	_ =	shalt  }
0x54: {  	_ =	shalt  }
0x55: {  	_ =	shalt  }
0x56: {  	_ =	shalt  }
0x57: {  	_ =	shalt  }
0x58: {  	_ =	shalt  }
0x59: {  	_ =	shalt  }
0x5a: {  	_ =	shalt  }
0x5b: {  	_ =	shalt  }
0x5c: {  	_ =	shalt  }
0x5d: {  	_ =	shalt  }
0x5e: {  	_ =	shalt  }
0x5f: {  	_ =	shalt  }
0x60: {  	_ =	shalt  }
0x61: {  	_ =	shalt  }
0x62: {  	_ =	shalt  }
0x63: {  	_ =	shalt  }
0x64: {  	_ =	shalt  }
0x65: {  	_ =	shalt  }
0x66: {  	_ =	shalt  }
0x67: {  	_ =	shalt  }
0x68: {  	_ =	shalt  }
0x69: {  	_ =	shalt  }
0x6a: {  	_ =	shalt  }
0x6b: {  	_ =	shalt  }
0x6c: {  	_ =	shalt  }
0x6d: {  	_ =	shalt  }
0x6e: {  	_ =	shalt  }
0x6f: {  	_ =	shalt  }
0x70: {  	_ =	shalt  }
0x71: {  	_ =	shalt  }
0x72: {  	_ =	shalt  }
0x73: {  	_ =	shalt  }
0x74: {  	_ =	shalt  }
0x75: {  	_ =	shalt  }
0x76: {  	_ =	shalt  }
0x77: {  	_ =	shalt  }
0x78: {  	_ =	shalt  }
0x79: {  	_ =	shalt  }
0x7a: {  	_ =	shalt  }
0x7b: {  	_ =	shalt  }
0x7c: {  	_ =	shalt  }
0x7d: {  	_ =	shalt  }
0x7e: {  	_ =	shalt  }
0x7f: {  	_ =	shalt  }
0x80: {  	_ =	shalt  }
0x81: {  	_ =	shalt  }
0x82: {  	_ =	shalt  }
0x83: {  	_ =	shalt  }
0x84: {  	_ =	shalt  }
0x85: {  	_ =	shalt  }
0x86: {  	_ =	shalt  }
0x87: {  	_ =	shalt  }
.Lfunc_end0:
.L_simem_size_0:
called_computation.1_lowered:
.L_overlay_start_0:
0x88: {  	s2 =	sld [smem:$0x3FD9]  }
0x89: {  	s3 =	sld [smem:$0x3FFE];
	_ =	sdelay $0x1  }
0x8a: {  	s1 =	srdreg.scid  }
0x8b: {  	s0 =	sand.u32 $0x1, s1  }
0x8c: {  	s17 =	sshll.u32 s0, $0xA;
	s2 =	sadd.s32 s3, s2  }
0x8d: {  	s2 =	sadd.s32 s2, s17  }
0x8e: {  	[smem:$0x3FC0] =	sst s2  }
0x8f: {  	_ = 	snop  }
0x90: {  	s2 =	sld [smem:$0x3FD0];
	(tm) =	ssettm $0x1  }
0x91: {  	s18 =	sld [smem:$0x3FFB];
	_ =	sdelay $0x3  }
0x92: {  	_ =	strace s18  }
0x93: {  	s3 =	sld [smem:$0x3FFC];
	_ =	sdelay $0x3  }
0x94: {  	_ =	strace s3  }
0x95: {  	s3 =	sld [smem:$0x3FFD];
	_ =	sdelay $0x3  }
0x96: {  	_ =	strace s3  }
0x97: {  	_ =	strace $0x8FFFFFFF  }
0x98: {  	s19 =	sld [smem:$0x3FDB];
	_ =	sdelay $0x1  }
0x99: {  	s4 =	simm.s32 $_scs_section_size  }
0x9a: {  	s5 =	simm.s32 $_size__tile_overlayer_lowered;
	s6 =	simm.s32 $_tile_overlayer_lowered  }
0x9b: {  	s22 =	simm.s32 $0x1BFF;
	s21 =	sshll.u32 s6, $0x1;
	s3 =	sadd.s32 s4, s19  }
0x9c: {  	s7 =	simm.s32 $0x0;
	s20 =	sshll.u32 s5, $0x1;
	s5 =	sadd.s32 s21, s3  }
0x9d: {  	[timem:s7], [sflag:s22] =	dma.local [hbm:s5], s20  }
0x9e: {  	_ =	swait.ge [sflag:s22], s20  }
0x9f: {  	s4 =	ssub.s32 $0x0, s20;
	[sflag:s22] =	ssyncset.done $0x0  }
0xa0: {  	[sflag:s22] =	ssyncadd.s32 s4;
	_ =	sdelay $0x1  }
0xa1: {  	s23 =	simm.s32 $0x1B8B  }
0xa2: {  	_ =	swait.ge [sflag:s23], $0x1  }
0xa3: {  	[sflag:s23] =	ssyncset.done $0x0  }
0xa4: {  	s25 =	simm.s32 $0x1B8E;
	s24 =	sld [smem:$0x3FFE];
	[sflag:s23] =	ssyncadd.s32 $0xFFFFFFFF  }
0xa5: {  	s26 =	simm.s32 $execute0_lowered;
	[smem:$0x3FD2] =	sst s25  }
0xa6: {  	s5 =	sshll.u32 s26, $0x1;
	_ =	strace $0x80000049;
	[dreg:$0x1] =	wrdreg $0xFFFFFFFF  }
0xa7: {  	s28 =	simm.s32 $_size_execute0_lowered;
	s3 =	sadd.s32 s3, s5;
	[dreg:$0x0] =	wrdreg $0x0  }
0xa8: {  	s5 =	sshll.u32 s28, $0x1;
	[dreg:$0x2] =	wrdreg s3  }
0xa9: {  	[dreg:$0x3] =	wrdreg s5  }
0xaa: {  	[dreg:$0x4] =	wrdreg $0xC0  }
0xab: {  	_ =	task [dreg:s7], $0x5FFFF  }
0xac: {  	[dreg:$0x1] =	wrdreg $0xFFFFFFFF  }
0xad: {  	[dreg:$0x0] =	wrdreg $0x60  }
0xae: {  	[dreg:$0x2] =	wrdreg s2  }
0xaf: {  	[dreg:$0x3] =	wrdreg s24  }
0xb0: {  	[dreg:$0x4] =	wrdreg $0x0  }
0xb1: {  	[dreg:$0x5] =	wrdreg $0x9  }
0xb2: {  	_ =	task.clear_ibuf [dreg:s7], $0x6FFFF;
	_ =	strace $0x90000049  }
0xb3: {  	s29 =	simm.s32 $0x9;
	_ =	strace $0x8000004B  }
0xb4: {  	_ =	swait.ge [sflag:s29], $0x1  }
0xb5: {  	[sflag:s29] =	ssyncadd.s32 $0xFFFFFFFF  }
0xb6: {  	_ =	strace $0x9000004B  }
0xb7: {  	_ =	sfence  }
0xb8: {  	s30 =	sld [smem:$0x0];
	_ =	sdelay $0x2  }
0xb9: {  	s31 =	sshll.u32 s1, $0xD;
	s1 =	sshrl.u32 s1, $0x2  }
0xba: {  	s3 =	sand.u32 $0x4000, s31;
	s1 =	sadd.s32 s1, s30  }
0xbb: {  	s0 =	sor.u32 s3, s0;
	s1 =	sshll.u32 s1, $0x11  }
0xbc: {  	s0 =	sor.u32 s1, s0  }
0xbd: {  	s0 =	sadd.s32 $0x8F2B, s0  }
0xbe: {  	[sflag:s0] =	ssyncadd.remote.s32 $0x1  }
0xbf: {  	_ =	sfence.sel $0xFFFF  }
0xc0: {  	[dreg:$0x0] =	wrdreg $0xFFFFFFFF;
	(pc) =	sbr.abs _section_cstart, $3  }
0xc1: {  	[dreg:$0x1] =	wrdreg $0xFFFFFFFF  }
0xc2: {  	_ =	task.clear_ibuf [dreg:s7], $0x2FFFF;
	_ =	strace $0x9FFFFFFF  }
0xc3: {  	(tm) =	ssettm $0x7FFFFFFF  }
tec
execute0_lowered:
.L_overlay_start_1:
0x0: {  	(tag) =	ssettag $0x1  }
0x1: {  	s1 =	rddreg [dreg:$0x0]  }
0x2: {  	s0 =	srdreg.scid;
	s5 =	rddreg [dreg:$0x1]  }
0x3: {  	s4 =	stileid.u32;
	s3 =	rddreg [dreg:$0x2];
	s13 =	simm.s32 $0x0  }
0x4: {  	s14 =	simm.s32 $0xEC40;
	s29 =	simm.s32 $0x18880;
	s30 =	simm.s32 $0x9  }
0x5: {  	s28 =	simm.s32 $0xB;
	s31 =	simm.s32 $0xC;
	s9 =	simm.s32 $0xF  }
0x6: {  	s16 =	simm.s32 $0x5;
	s10 =	simm.s32 $0x10;
	s17 =	simm.s32 $0x6  }
0x7: {  	s11 =	simm.s32 $0x7;
	s12 =	simm.s32 $0x8;
	s6 =	smul.u32 $0x13880, s4  }
0x8: {  	s0 =	sand.u32 $0x1, s0;
	[smem:$0x7FF] =	sst s13;
	s8 =	smul.u32 $0x27100, s4  }
0x9: {  	s2 =	sshll.u32 s0, $0x4;
	s7 =	smul.u32 $0x138800, s0;
	s0 =	ssub.s32 $0x2, s0  }
0xa: {  	_ =	strace $0x8000004A;
	s2 =	sor.u32 s4, s2;
	s18 =	sshrl.u32 s0, $0x1  }
0xb: {  	s8 =	sshrl.u32 s8, $0x2;
	s7 =	sadd.s32 s6, s7;
	s6 =	sshrl.u32 s6, $0x1  }
0xc: {  	s2 =	smul.u32 $0x2800, s2;
	s19 =	sadd.s32 s8, s3;
	s20 =	sadd.s32 s6, s3  }
0xd: {  	s0 =	ssub.s32 s0, s18;
	s21 =	sadd.s32 $0x1F40, s19;
	[dreg:$0x5] =	wrdreg s20  }
0xe: {  	s18 =	simm.s32 $0x7D;
	s22 =	sadd.s32 $0x3E80, s19;
	[dreg:$0x6] =	wrdreg s21  }
0xf: {  	s8 =	simm.s32 $0x4;
	s23 =	sadd.s32 $0x5DC0, s19;
	[dreg:$0x7] =	wrdreg s22  }
0x10: {  	s7 =	sshrl.u32 s7, $0x4;
	s24 =	sadd.s32 $0x7D00, s19;
	[dreg:$0x8] =	wrdreg s23  }
0x11: {  	s0 =	smax.u32 s0, $0x1;
	s19 =	simm.s32 $0xA;
	[dreg:$0x9] =	wrdreg s24  }
0x12: {  	s6 =	simm.s32 $0x3;
	s2 =	sshrl.u32 s2, $0x3;
	[dreg:$0xd] =	wrdreg s0  }
0x13: {  	s20 =	simm.s32 $0x10B80;
	s22 =	simm.s32 $0x12AC0;
	s2 =	sadd.s32 s2, s5  }
0x14: {  	s24 =	simm.s32 $0x14A00;
	s0 =	simm.s32 $0x1;
	s25 =	sadd.s32 $0xC400, s2  }
0x15: {  	s5 =	sadd.s32 s7, s5;
	s2 =	sadd.s32 $0x2400, s2;
	[dreg:$0xa] =	wrdreg s25  }
0x16: {  	s21 =	simm.s32 $0x2;
	s26 =	sadd.s32 $0x16400, s5;
	[dreg:$0xb] =	wrdreg s2  }
0x17: {  	s23 =	simm.s32 $0xD;
	s7 =	simm.s32 $0xE;
	[dreg:$0xc] =	wrdreg s26  }
0x18: {  	v0 =	vimm.bf16 $0.0e+00;
	s26 =	simm.s32 $0x16940;
	s2 =	simm.s32 $0x1A7C0;
	s25 =	simm.s32 $0x1C700  }
.LBB2_1:
0x19: {  	[dreg:$0x4] =	wrdreg s13;
	s13 =	simm.s32 $0x100;
	s5 =	simm.s32 $0x0  }
.LBB2_2:
0x1a: {  	p0 =	sne.s32 s13, $0x7C00;
	[tilespmem:s5+$0xEC70] =	vst v0;
	s4 =	smov.u32 s13;
	s13 =	sadd.s32 $0x100, s13  }
.Ltmp0:
0x1b: {  	[tilespmem:s5+$0xEC60] =	vst v0;
	(pc) =	sbr.rel @p0 .LBB2_2-.Ltmp0, $3  }
0x1c: {  	[tilespmem:s5+$0xEC40] =	vst v0  }
0x1d: {  	[tilespmem:s5+$0xEC50] =	vst v0;
	_ =	sdelay $0x1  }
0x1e: {  	s5 =	sshra.s32 s4, $0x2  }
0x1f: {  	[tilespmem:s5+$0xEC70] =	vst v0  }
0x20: {  	[tilespmem:s5+$0xEC60] =	vst v0  }
0x21: {  	[tilespmem:s5+$0xEC40] =	vst v0  }
0x22: {  	[tilespmem:s5+$0xEC50] =	vst v0;
	s4 =	rddreg [dreg:$0x5];
	s13 =	simm.s32 $0x11  }
0x23: {  	[spmem:s4] =	stream.linear.scatter [tilespmem:s14], [sflag:$0x11], $0x1F40, $0x38;
	[tilespmem:$0x1E640] =	vst v63  }
0x24: {  	_ =	swait.ge [sflag:s13], $0x1F40  }
0x25: {  	[sflag:s13] =	ssyncset.done $0x0  }
0x26: {  	s5 =	rddreg [dreg:$0x6];
	[sflag:s13] =	ssyncadd.s32 $0xFFFFE0C0  }
0x27: {  	[spmem:s5] =	stream.linear.scatter [tilespmem:s14], [sflag:$0x11], $0x1F40, $0x38;
	[tilespmem:$0x1E640] =	vst v63  }
0x28: {  	_ =	swait.ge [sflag:s13], $0x1F40  }
0x29: {  	[sflag:s13] =	ssyncset.done $0x0  }
0x2a: {  	s15 =	rddreg [dreg:$0x7];
	[sflag:s13] =	ssyncadd.s32 $0xFFFFE0C0  }
0x2b: {  	[spmem:s15] =	stream.linear.scatter [tilespmem:s14], [sflag:$0x11], $0x1F40, $0x38;
	[tilespmem:$0x1E640] =	vst v63  }
0x2c: {  	_ =	swait.ge [sflag:s13], $0x1F40  }
0x2d: {  	[sflag:s13] =	ssyncset.done $0x0  }
0x2e: {  	s5 =	rddreg [dreg:$0x8];
	[sflag:s13] =	ssyncadd.s32 $0xFFFFE0C0  }
0x2f: {  	[spmem:s5] =	stream.linear.scatter [tilespmem:s14], [sflag:$0x11], $0x1F40, $0x38;
	[tilespmem:$0x1E640] =	vst v63  }
0x30: {  	_ =	swait.ge [sflag:s13], $0x1F40  }
0x31: {  	[sflag:s13] =	ssyncset.done $0x0  }
0x32: {  	s15 =	rddreg [dreg:$0x9];
	[sflag:s13] =	ssyncadd.s32 $0xFFFFE0C0  }
0x33: {  	[spmem:s15] =	stream.linear.scatter [tilespmem:s14], [sflag:$0x11], $0x1F40, $0x38;
	[tilespmem:$0x1E640] =	vst v63  }
0x34: {  	_ =	swait.ge [sflag:s13], $0x1F40  }
0x35: {  	[sflag:s13] =	ssyncset.done $0x0  }
0x36: {  	[sflag:s13] =	ssyncadd.s32 $0xFFFFE0C0  }
0x37: {  	[bflag:$0x0] =	sbarrier.arrive $0xFFFF  }
0x38: {  	s4 =	simm.s32 $0x0;
	s15 =	simm.s32 $0x9C40;
	s5 =	rddreg [dreg:$0xa]  }
0x39: {  	[tilespmem:s15], [sflag:$0x11] =	stream.linear.gather [hbm4b:s5+s4], $0x2800, $0x38;
	[tilespmem:$0x1E640] =	vst v63  }
0x3a: {  	_ =	swait.ge [sflag:s13], $0x2800  }
0x3b: {  	[sflag:s13] =	ssyncset.done $0x0  }
0x3c: {  	s15 =	simm.s32 $0xC440;
	s5 =	rddreg [dreg:$0xb];
	[sflag:s13] =	ssyncadd.s32 $0xFFFFD800  }
0x3d: {  	[tilespmem:s15], [sflag:$0x11] =	stream.linear.gather [hbm4b:s5+s4], $0x2800, $0x38;
	[tilespmem:$0x1E640] =	vst v63  }
0x3e: {  	_ =	swait.ge [sflag:s13], $0x2800  }
0x3f: {  	[sflag:s13] =	ssyncset.done $0x0  }
0x40: {  	[sflag:s13] =	ssyncadd.s32 $0xFFFFD800  }
0x41: {  	[tilespmem:s14], [sflag:$0x9] =	stream.indirect.gather [hbm4b:s1+s18], $0x40, s15, s18, $0xb8;
	[tilespmem:$0x1E640] =	vst v63  }
0x42: {  	s5 =	simm.s32 $0xC4C0  }
0x43: {  	[tilespmem:s20], [sflag:$0xA] =	stream.indirect.gather [hbm4b:s1+s18], $0x40, s5, s18, $0xb8;
	[tilespmem:$0x1E640] =	vst v63  }
0x44: {  	s13 =	simm.s32 $0xC540  }
0x45: {  	[tilespmem:s22], [sflag:$0xB] =	stream.indirect.gather [hbm4b:s1+s18], $0x40, s13, s18, $0xb8;
	[tilespmem:$0x1E640] =	vst v63  }
0x46: {  	s15 =	simm.s32 $0xC5C0  }
0x47: {  	[tilespmem:s24], [sflag:$0xC] =	stream.indirect.gather [hbm4b:s1+s18], $0x40, s15, s18, $0xb8;
	[tilespmem:$0x1E640] =	vst v63  }
0x48: {  	s5 =	simm.s32 $0xC640  }
0x49: {  	[tilespmem:s26], [sflag:$0xD] =	stream.indirect.gather [hbm4b:s1+s18], $0x40, s5, s18, $0xb8;
	[tilespmem:$0x1E640] =	vst v63  }
0x4a: {  	s13 =	simm.s32 $0xC6C0  }
0x4b: {  	[tilespmem:s29], [sflag:$0xE] =	stream.indirect.gather [hbm4b:s1+s18], $0x40, s13, s18, $0xb8;
	[tilespmem:$0x1E640] =	vst v63  }
0x4c: {  	_ =	swait.ge [sflag:s30], $0x1F40  }
0x4d: {  	[sflag:s30] =	ssyncset.done $0x0  }
0x4e: {  	s15 =	simm.s32 $0x9C40;
	[sflag:s30] =	ssyncadd.s32 $0xFFFFE0C0  }
0x4f: {  	[spmem:s3] =	stream.indirect.scatter.add.bf16 [tilespmem:s14], [sflag:$0x1], $0x40, s15, s18, $0xb8;
	[tilespmem:$0x1E640] =	vst v63  }
0x50: {  	s5 =	simm.s32 $0xC740  }
0x51: {  	[tilespmem:s2], [sflag:$0xF] =	stream.indirect.gather [hbm4b:s1+s18], $0x40, s5, s18, $0xb8;
	[tilespmem:$0x1E640] =	vst v63  }
0x52: {  	_ =	swait.ge [sflag:s19], $0x1F40  }
0x53: {  	[sflag:s19] =	ssyncset.done $0x0  }
0x54: {  	s13 =	simm.s32 $0x9CC0;
	[sflag:s19] =	ssyncadd.s32 $0xFFFFE0C0  }
0x55: {  	[spmem:s3] =	stream.indirect.scatter.add.bf16 [tilespmem:s20], [sflag:$0x2], $0x40, s13, s18, $0xb8;
	[tilespmem:$0x1E640] =	vst v63  }
0x56: {  	s15 =	simm.s32 $0xC7C0  }
0x57: {  	[tilespmem:s25], [sflag:$0x10] =	stream.indirect.gather [hbm4b:s1+s18], $0x40, s15, s18, $0xb8;
	[tilespmem:$0x1E640] =	vst v63  }
0x58: {  	_ =	swait.ge [sflag:s28], $0x1F40  }
0x59: {  	[sflag:s28] =	ssyncset.done $0x0  }
0x5a: {  	s5 =	simm.s32 $0x9D40;
	[sflag:s28] =	ssyncadd.s32 $0xFFFFE0C0  }
0x5b: {  	[spmem:s3] =	stream.indirect.scatter.add.bf16 [tilespmem:s22], [sflag:$0x3], $0x40, s5, s18, $0xb8;
	[tilespmem:$0x1E640] =	vst v63  }
0x5c: {  	_ =	swait.ge [sflag:s0], $0x1F40  }
0x5d: {  	[sflag:s0] =	ssyncset.done $0x0  }
0x5e: {  	s13 =	simm.s32 $0xC840;
	[sflag:s0] =	ssyncadd.s32 $0xFFFFE0C0  }
0x5f: {  	[tilespmem:s14], [sflag:$0x9] =	stream.indirect.gather [hbm4b:s1+s18], $0x40, s13, s18, $0xb8;
	[tilespmem:$0x1E640] =	vst v63  }
0x60: {  	_ =	swait.ge [sflag:s31], $0x1F40  }
0x61: {  	[sflag:s31] =	ssyncset.done $0x0  }
0x62: {  	s15 =	simm.s32 $0x9DC0;
	[sflag:s31] =	ssyncadd.s32 $0xFFFFE0C0  }
0x63: {  	[spmem:s3] =	stream.indirect.scatter.add.bf16 [tilespmem:s24], [sflag:$0x4], $0x40, s15, s18, $0xb8;
	[tilespmem:$0x1E640] =	vst v63  }
0x64: {  	_ =	swait.ge [sflag:s21], $0x1F40  }
0x65: {  	[sflag:s21] =	ssyncset.done $0x0  }
0x66: {  	s5 =	simm.s32 $0xC8C0;
	[sflag:s21] =	ssyncadd.s32 $0xFFFFE0C0  }
0x67: {  	[tilespmem:s20], [sflag:$0xA] =	stream.indirect.gather [hbm4b:s1+s18], $0x40, s5, s18, $0xb8;
	[tilespmem:$0x1E640] =	vst v63  }
0x68: {  	_ =	swait.ge [sflag:s23], $0x1F40  }
0x69: {  	[sflag:s23] =	ssyncset.done $0x0  }
0x6a: {  	s13 =	simm.s32 $0x9E40;
	[sflag:s23] =	ssyncadd.s32 $0xFFFFE0C0  }
0x6b: {  	[spmem:s3] =	stream.indirect.scatter.add.bf16 [tilespmem:s26], [sflag:$0x5], $0x40, s13, s18, $0xb8;
	[tilespmem:$0x1E640] =	vst v63  }
0x6c: {  	_ =	swait.ge [sflag:s6], $0x1F40  }
0x6d: {  	[sflag:s6] =	ssyncset.done $0x0  }
0x6e: {  	s15 =	simm.s32 $0xC940;
	[sflag:s6] =	ssyncadd.s32 $0xFFFFE0C0  }
0x6f: {  	[tilespmem:s22], [sflag:$0xB] =	stream.indirect.gather [hbm4b:s1+s18], $0x40, s15, s18, $0xb8;
	[tilespmem:$0x1E640] =	vst v63  }
0x70: {  	_ =	swait.ge [sflag:s7], $0x1F40  }
0x71: {  	[sflag:s7] =	ssyncset.done $0x0  }
0x72: {  	s5 =	simm.s32 $0x9EC0;
	[sflag:s7] =	ssyncadd.s32 $0xFFFFE0C0  }
0x73: {  	[spmem:s3] =	stream.indirect.scatter.add.bf16 [tilespmem:s29], [sflag:$0x6], $0x40, s5, s18, $0xb8;
	[tilespmem:$0x1E640] =	vst v63  }
0x74: {  	_ =	swait.ge [sflag:s8], $0x1F40  }
0x75: {  	[sflag:s8] =	ssyncset.done $0x0  }
0x76: {  	s13 =	simm.s32 $0xC9C0;
	[sflag:s8] =	ssyncadd.s32 $0xFFFFE0C0  }
0x77: {  	[tilespmem:s24], [sflag:$0xC] =	stream.indirect.gather [hbm4b:s1+s18], $0x40, s13, s18, $0xb8;
	[tilespmem:$0x1E640] =	vst v63  }
0x78: {  	_ =	swait.ge [sflag:s9], $0x1F40  }
0x79: {  	[sflag:s9] =	ssyncset.done $0x0  }
0x7a: {  	s15 =	simm.s32 $0x9F40;
	[sflag:s9] =	ssyncadd.s32 $0xFFFFE0C0  }
0x7b: {  	[spmem:s3] =	stream.indirect.scatter.add.bf16 [tilespmem:s2], [sflag:$0x7], $0x40, s15, s18, $0xb8;
	[tilespmem:$0x1E640] =	vst v63  }
0x7c: {  	_ =	swait.ge [sflag:s16], $0x1F40  }
0x7d: {  	[sflag:s16] =	ssyncset.done $0x0  }
0x7e: {  	s5 =	simm.s32 $0xCA40;
	[sflag:s16] =	ssyncadd.s32 $0xFFFFE0C0  }
0x7f: {  	[tilespmem:s26], [sflag:$0xD] =	stream.indirect.gather [hbm4b:s1+s18], $0x40, s5, s18, $0xb8;
	[tilespmem:$0x1E640] =	vst v63  }
0x80: {  	_ =	swait.ge [sflag:s10], $0x1F40  }
0x81: {  	[sflag:s10] =	ssyncset.done $0x0  }
0x82: {  	s13 =	simm.s32 $0x9FC0;
	[sflag:s10] =	ssyncadd.s32 $0xFFFFE0C0  }
0x83: {  	[spmem:s3] =	stream.indirect.scatter.add.bf16 [tilespmem:s25], [sflag:$0x8], $0x40, s13, s18, $0xb8;
	[tilespmem:$0x1E640] =	vst v63  }
0x84: {  	_ =	swait.ge [sflag:s17], $0x1F40  }
0x85: {  	[sflag:s17] =	ssyncset.done $0x0  }
0x86: {  	s15 =	simm.s32 $0xCAC0;
	[sflag:s17] =	ssyncadd.s32 $0xFFFFE0C0  }
0x87: {  	[tilespmem:s29], [sflag:$0xE] =	stream.indirect.gather [hbm4b:s1+s18], $0x40, s15, s18, $0xb8;
	[tilespmem:$0x1E640] =	vst v63  }
0x88: {  	_ =	swait.ge [sflag:s30], $0x1F40  }
0x89: {  	[sflag:s30] =	ssyncset.done $0x0  }
0x8a: {  	s5 =	simm.s32 $0xA040;
	[sflag:s30] =	ssyncadd.s32 $0xFFFFE0C0  }
0x8b: {  	[spmem:s3] =	stream.indirect.scatter.add.bf16 [tilespmem:s14], [sflag:$0x1], $0x40, s5, s18, $0xb8;
	[tilespmem:$0x1E640] =	vst v63  }
0x8c: {  	_ =	swait.ge [sflag:s11], $0x1F40  }
0x8d: {  	[sflag:s11] =	ssyncset.done $0x0  }
0x8e: {  	s13 =	simm.s32 $0xCB40;
	[sflag:s11] =	ssyncadd.s32 $0xFFFFE0C0  }
0x8f: {  	[tilespmem:s2], [sflag:$0xF] =	stream.indirect.gather [hbm4b:s1+s18], $0x40, s13, s18, $0xb8;
	[tilespmem:$0x1E640] =	vst v63  }
0x90: {  	_ =	swait.ge [sflag:s19], $0x1F40  }
0x91: {  	[sflag:s19] =	ssyncset.done $0x0  }
0x92: {  	s15 =	simm.s32 $0xA0C0;
	[sflag:s19] =	ssyncadd.s32 $0xFFFFE0C0  }
0x93: {  	[spmem:s3] =	stream.indirect.scatter.add.bf16 [tilespmem:s20], [sflag:$0x2], $0x40, s15, s18, $0xb8;
	[tilespmem:$0x1E640] =	vst v63  }
0x94: {  	_ =	swait.ge [sflag:s12], $0x1F40  }
0x95: {  	[sflag:s12] =	ssyncset.done $0x0  }
0x96: {  	s5 =	simm.s32 $0xCBC0;
	s13 =	simm.s32 $0x1000;
	[sflag:s12] =	ssyncadd.s32 $0xFFFFE0C0  }
.LBB2_4:
0x97: {  	[tilespmem:s25], [sflag:$0x10] =	stream.indirect.gather [hbm4b:s1+s18], $0x40, s5, s18, $0xb8;
	[tilespmem:$0x1E640] =	vst v63  }
0x98: {  	s4 =	smov.u32 s13  }
0x99: {  	p0 =	sne.s32 s13, $0x8000;
	s13 =	sadd.s32 $0x1000, s13;
	_ =	swait.ge [sflag:s28], $0x1F40  }
0x9a: {  	s5 =	sshra.s32 s4, $0x2;
	[sflag:s28] =	ssyncset.done $0x0  }
0x9b: {  	s4 =	sadd.s32 $0x9D40, s5;
	[sflag:s28] =	ssyncadd.s32 $0xFFFFE0C0  }
0x9c: {  	[spmem:s3] =	stream.indirect.scatter.add.bf16 [tilespmem:s22], [sflag:$0x3], $0x40, s4, s18, $0xb8;
	[tilespmem:$0x1E640] =	vst v63  }
0x9d: {  	_ =	swait.ge [sflag:s0], $0x1F40  }
0x9e: {  	[sflag:s0] =	ssyncset.done $0x0  }
0x9f: {  	s4 =	sadd.s32 $0xC840, s5;
	[sflag:s0] =	ssyncadd.s32 $0xFFFFE0C0  }
0xa0: {  	[tilespmem:s14], [sflag:$0x9] =	stream.indirect.gather [hbm4b:s1+s18], $0x40, s4, s18, $0xb8;
	[tilespmem:$0x1E640] =	vst v63  }
0xa1: {  	_ =	swait.ge [sflag:s31], $0x1F40  }
0xa2: {  	[sflag:s31] =	ssyncset.done $0x0  }
0xa3: {  	s4 =	sadd.s32 $0x9DC0, s5;
	[sflag:s31] =	ssyncadd.s32 $0xFFFFE0C0  }
0xa4: {  	[spmem:s3] =	stream.indirect.scatter.add.bf16 [tilespmem:s24], [sflag:$0x4], $0x40, s4, s18, $0xb8;
	[tilespmem:$0x1E640] =	vst v63  }
0xa5: {  	_ =	swait.ge [sflag:s21], $0x1F40  }
0xa6: {  	[sflag:s21] =	ssyncset.done $0x0  }
0xa7: {  	s4 =	sadd.s32 $0xC8C0, s5;
	[sflag:s21] =	ssyncadd.s32 $0xFFFFE0C0  }
0xa8: {  	[tilespmem:s20], [sflag:$0xA] =	stream.indirect.gather [hbm4b:s1+s18], $0x40, s4, s18, $0xb8;
	[tilespmem:$0x1E640] =	vst v63  }
0xa9: {  	_ =	swait.ge [sflag:s23], $0x1F40  }
0xaa: {  	[sflag:s23] =	ssyncset.done $0x0  }
0xab: {  	s4 =	sadd.s32 $0x9E40, s5;
	[sflag:s23] =	ssyncadd.s32 $0xFFFFE0C0  }
0xac: {  	[spmem:s3] =	stream.indirect.scatter.add.bf16 [tilespmem:s26], [sflag:$0x5], $0x40, s4, s18, $0xb8;
	[tilespmem:$0x1E640] =	vst v63  }
0xad: {  	_ =	swait.ge [sflag:s6], $0x1F40  }
0xae: {  	[sflag:s6] =	ssyncset.done $0x0  }
0xaf: {  	s4 =	sadd.s32 $0xC940, s5;
	[sflag:s6] =	ssyncadd.s32 $0xFFFFE0C0  }
0xb0: {  	[tilespmem:s22], [sflag:$0xB] =	stream.indirect.gather [hbm4b:s1+s18], $0x40, s4, s18, $0xb8;
	[tilespmem:$0x1E640] =	vst v63  }
0xb1: {  	_ =	swait.ge [sflag:s7], $0x1F40  }
0xb2: {  	[sflag:s7] =	ssyncset.done $0x0  }
0xb3: {  	s4 =	sadd.s32 $0x9EC0, s5;
	[sflag:s7] =	ssyncadd.s32 $0xFFFFE0C0  }
0xb4: {  	[spmem:s3] =	stream.indirect.scatter.add.bf16 [tilespmem:s29], [sflag:$0x6], $0x40, s4, s18, $0xb8;
	[tilespmem:$0x1E640] =	vst v63  }
0xb5: {  	_ =	swait.ge [sflag:s8], $0x1F40  }
0xb6: {  	[sflag:s8] =	ssyncset.done $0x0  }
0xb7: {  	s4 =	sadd.s32 $0xC9C0, s5;
	[sflag:s8] =	ssyncadd.s32 $0xFFFFE0C0  }
0xb8: {  	[tilespmem:s24], [sflag:$0xC] =	stream.indirect.gather [hbm4b:s1+s18], $0x40, s4, s18, $0xb8;
	[tilespmem:$0x1E640] =	vst v63  }
0xb9: {  	_ =	swait.ge [sflag:s9], $0x1F40  }
0xba: {  	[sflag:s9] =	ssyncset.done $0x0  }
0xbb: {  	s4 =	sadd.s32 $0x9F40, s5;
	[sflag:s9] =	ssyncadd.s32 $0xFFFFE0C0  }
0xbc: {  	[spmem:s3] =	stream.indirect.scatter.add.bf16 [tilespmem:s2], [sflag:$0x7], $0x40, s4, s18, $0xb8;
	[tilespmem:$0x1E640] =	vst v63  }
0xbd: {  	_ =	swait.ge [sflag:s16], $0x1F40  }
0xbe: {  	[sflag:s16] =	ssyncset.done $0x0  }
0xbf: {  	s4 =	sadd.s32 $0xCA40, s5;
	[sflag:s16] =	ssyncadd.s32 $0xFFFFE0C0  }
0xc0: {  	[tilespmem:s26], [sflag:$0xD] =	stream.indirect.gather [hbm4b:s1+s18], $0x40, s4, s18, $0xb8;
	[tilespmem:$0x1E640] =	vst v63  }
0xc1: {  	_ =	swait.ge [sflag:s10], $0x1F40  }
0xc2: {  	[sflag:s10] =	ssyncset.done $0x0  }
0xc3: {  	s4 =	sadd.s32 $0x9FC0, s5;
	[sflag:s10] =	ssyncadd.s32 $0xFFFFE0C0  }
0xc4: {  	[spmem:s3] =	stream.indirect.scatter.add.bf16 [tilespmem:s25], [sflag:$0x8], $0x40, s4, s18, $0xb8;
	[tilespmem:$0x1E640] =	vst v63  }
0xc5: {  	_ =	swait.ge [sflag:s17], $0x1F40  }
0xc6: {  	[sflag:s17] =	ssyncset.done $0x0  }
0xc7: {  	s4 =	sadd.s32 $0xCAC0, s5;
	[sflag:s17] =	ssyncadd.s32 $0xFFFFE0C0  }
0xc8: {  	[tilespmem:s29], [sflag:$0xE] =	stream.indirect.gather [hbm4b:s1+s18], $0x40, s4, s18, $0xb8;
	[tilespmem:$0x1E640] =	vst v63  }
0xc9: {  	_ =	swait.ge [sflag:s30], $0x1F40  }
0xca: {  	[sflag:s30] =	ssyncset.done $0x0  }
0xcb: {  	s4 =	sadd.s32 $0xA040, s5;
	[sflag:s30] =	ssyncadd.s32 $0xFFFFE0C0  }
0xcc: {  	[spmem:s3] =	stream.indirect.scatter.add.bf16 [tilespmem:s14], [sflag:$0x1], $0x40, s4, s18, $0xb8;
	[tilespmem:$0x1E640] =	vst v63  }
0xcd: {  	_ =	swait.ge [sflag:s11], $0x1F40  }
0xce: {  	[sflag:s11] =	ssyncset.done $0x0  }
0xcf: {  	s4 =	sadd.s32 $0xCB40, s5;
	[sflag:s11] =	ssyncadd.s32 $0xFFFFE0C0  }
0xd0: {  	[tilespmem:s2], [sflag:$0xF] =	stream.indirect.gather [hbm4b:s1+s18], $0x40, s4, s18, $0xb8;
	[tilespmem:$0x1E640] =	vst v63  }
0xd1: {  	_ =	swait.ge [sflag:s19], $0x1F40  }
0xd2: {  	[sflag:s19] =	ssyncset.done $0x0  }
.Ltmp1:
0xd3: {  	s4 =	sadd.s32 $0xA0C0, s5;
	[sflag:s19] =	ssyncadd.s32 $0xFFFFE0C0;
	(pc) =	sbr.rel @p0 .LBB2_4-.Ltmp1, $4  }
0xd4: {  	[spmem:s3] =	stream.indirect.scatter.add.bf16 [tilespmem:s20], [sflag:$0x2], $0x40, s4, s18, $0xb8;
	[tilespmem:$0x1E640] =	vst v63  }
0xd5: {  	_ =	swait.ge [sflag:s12], $0x1F40  }
0xd6: {  	[sflag:s12] =	ssyncset.done $0x0  }
0xd7: {  	s5 =	sadd.s32 $0xCBC0, s5;
	[sflag:s12] =	ssyncadd.s32 $0xFFFFE0C0  }
0xd8: {  	[tilespmem:s25], [sflag:$0x10] =	stream.indirect.gather [hbm4b:s1+s18], $0x40, s5, s18, $0xb8;
	[tilespmem:$0x1E640] =	vst v63  }
0xd9: {  	_ =	swait.ge [sflag:s28], $0x1F40  }
0xda: {  	[sflag:s28] =	ssyncset.done $0x0  }
0xdb: {  	s4 =	simm.s32 $0xC140;
	[sflag:s28] =	ssyncadd.s32 $0xFFFFE0C0  }
0xdc: {  	[spmem:s3] =	stream.indirect.scatter.add.bf16 [tilespmem:s22], [sflag:$0x3], $0x40, s4, s18, $0xb8;
	[tilespmem:$0x1E640] =	vst v63  }
0xdd: {  	_ =	swait.ge [sflag:s31], $0x1F40  }
0xde: {  	[sflag:s31] =	ssyncset.done $0x0  }
0xdf: {  	s15 =	simm.s32 $0xC1C0;
	[sflag:s31] =	ssyncadd.s32 $0xFFFFE0C0  }
0xe0: {  	[spmem:s3] =	stream.indirect.scatter.add.bf16 [tilespmem:s24], [sflag:$0x4], $0x40, s15, s18, $0xb8;
	[tilespmem:$0x1E640] =	vst v63  }
0xe1: {  	_ =	swait.ge [sflag:s23], $0x1F40  }
0xe2: {  	[sflag:s23] =	ssyncset.done $0x0  }
0xe3: {  	s5 =	simm.s32 $0xC240;
	[sflag:s23] =	ssyncadd.s32 $0xFFFFE0C0  }
0xe4: {  	[spmem:s3] =	stream.indirect.scatter.add.bf16 [tilespmem:s26], [sflag:$0x5], $0x40, s5, s18, $0xb8;
	[tilespmem:$0x1E640] =	vst v63  }
0xe5: {  	_ =	swait.ge [sflag:s7], $0x1F40  }
0xe6: {  	[sflag:s7] =	ssyncset.done $0x0  }
0xe7: {  	s13 =	simm.s32 $0xC2C0;
	[sflag:s7] =	ssyncadd.s32 $0xFFFFE0C0  }
0xe8: {  	[spmem:s3] =	stream.indirect.scatter.add.bf16 [tilespmem:s29], [sflag:$0x6], $0x40, s13, s18, $0xb8;
	[tilespmem:$0x1E640] =	vst v63  }
0xe9: {  	_ =	swait.ge [sflag:s9], $0x1F40  }
0xea: {  	[sflag:s9] =	ssyncset.done $0x0  }
0xeb: {  	s15 =	simm.s32 $0xC340;
	[sflag:s9] =	ssyncadd.s32 $0xFFFFE0C0  }
0xec: {  	[spmem:s3] =	stream.indirect.scatter.add.bf16 [tilespmem:s2], [sflag:$0x7], $0x40, s15, s18, $0xb8;
	[tilespmem:$0x1E640] =	vst v63  }
0xed: {  	_ =	swait.ge [sflag:s10], $0x1F40  }
0xee: {  	[sflag:s10] =	ssyncset.done $0x0  }
0xef: {  	s5 =	simm.s32 $0xC3C0;
	[sflag:s10] =	ssyncadd.s32 $0xFFFFE0C0  }
0xf0: {  	[spmem:s3] =	stream.indirect.scatter.add.bf16 [tilespmem:s25], [sflag:$0x8], $0x40, s5, s18, $0xb8;
	[tilespmem:$0x1E640] =	vst v63  }
0xf1: {  	_ =	swait.ge [sflag:s0], $0x1F40  }
0xf2: {  	[sflag:s0] =	ssyncset.done $0x0  }
0xf3: {  	[sflag:s0] =	ssyncadd.s32 $0xFFFFE0C0  }
0xf4: {  	_ =	swait.ge [sflag:s21], $0x1F40  }
0xf5: {  	[sflag:s21] =	ssyncset.done $0x0  }
0xf6: {  	[sflag:s21] =	ssyncadd.s32 $0xFFFFE0C0  }
0xf7: {  	_ =	swait.ge [sflag:s6], $0x1F40  }
0xf8: {  	[sflag:s6] =	ssyncset.done $0x0  }
0xf9: {  	[sflag:s6] =	ssyncadd.s32 $0xFFFFE0C0  }
0xfa: {  	_ =	swait.ge [sflag:s8], $0x1F40  }
0xfb: {  	[sflag:s8] =	ssyncset.done $0x0  }
0xfc: {  	[sflag:s8] =	ssyncadd.s32 $0xFFFFE0C0  }
0xfd: {  	_ =	swait.ge [sflag:s16], $0x1F40  }
0xfe: {  	[sflag:s16] =	ssyncset.done $0x0  }
0xff: {  	[sflag:s16] =	ssyncadd.s32 $0xFFFFE0C0  }
0x100: {  	_ =	swait.ge [sflag:s17], $0x1F40  }
0x101: {  	[sflag:s17] =	ssyncset.done $0x0  }
0x102: {  	[sflag:s17] =	ssyncadd.s32 $0xFFFFE0C0  }
0x103: {  	_ =	swait.ge [sflag:s11], $0x1F40  }
0x104: {  	[sflag:s11] =	ssyncset.done $0x0  }
0x105: {  	[sflag:s11] =	ssyncadd.s32 $0xFFFFE0C0  }
0x106: {  	_ =	swait.ge [sflag:s12], $0x1F40  }
0x107: {  	[sflag:s12] =	ssyncset.done $0x0  }
0x108: {  	[sflag:s12] =	ssyncadd.s32 $0xFFFFE0C0  }
0x109: {  	s13 =	stileid.u32;
	[bflag:$0x0] =	sbarrier.arrive $0xFFFF  }
0x10a: {  	s4 =	sshll.u32 s13, $0x6;
	s15 =	rddreg [dreg:$0x5]  }
0x10b: {  	s4 =	sor.u32 $0x1C11, s4;
	s13 =	rddreg [dreg:$0xc];
	s5 =	sshrl.u32 s15, $0x3  }
0x10c: {  	[hbm:s13], [sflag:s4] =	dma.local [spmem:s5], $0x1388  }
0x10d: {  	s5 =	simm.s32 $0x11  }
0x10e: {  	_ =	swait.ge [sflag:s5], $0x1388  }
0x10f: {  	s4 =	rddreg [dreg:$0x4]  }
0x110: {  	s15 =	rddreg [dreg:$0xd];
	s13 =	sadd.s32 $0x1, s4  }
0x111: {  	p0 =	sne.s32 s13, s15  }
.Ltmp2:
0x112: {  	_ = 	snop;
	(pc) =	sbr.rel @p0 .LBB2_1-.Ltmp2, $3  }
0x113: {  	_ =	sdelay $0x1  }
0x114: {  	[sflag:s5] =	ssyncset.done $0x0  }
0x115: {  	[sflag:s5] =	ssyncadd.s32 $0xFFFFEC78  }
0x116: {  	_ =	sfence.sel $0x180000  }
0x117: {  	[bflag:$0x0] =	sbarrier.arrive $0xFFFF  }
0x118: {  	_ =	strace $0x9000004A  }
0x119: {  	s0 =	stileid.u32;
	[bflag:$0x2] =	sbarrier.arrive $0xFFFF  }
0x11a: {  	p0 =	sne.s32 s0, $0x0;
	s0 =	rddreg [dreg:$0x3]  }
0x11b: {  	s0 =	sadd.s32 @!p0 $0x100000, s0  }
0x11c: {  	[sflag:s0] =	ssyncadd.tile.s32 @!p0 $0x1;
	_ =	shalt  }
.Lfunc_end2:
_tile_overlayer_lowered:
.L_overlay_start_2:
0x11d: {  	(tag) =	ssettag $0x2  }
0x11e: {  	s0 =	rddreg [dreg:$0x0];
	s2 =	stileid.u32  }
0x11f: {  	s1 =	rddreg [dreg:$0x1];
	p0 =	sne.s32 s2, $0x0  }
0x120: {  	s3 =	rddreg [dreg:$0x2];
	[bflag:$0x3] =	sbarrier.arrive $0xFFFF;
	s2 =	simm.s32 @!p0 $0x1C11  }
0x121: {  	[timem:s3], [sflag:s2] =	dma.local @!p0 [hbm:s0], s1  }
0x122: {  	s0 =	simm.s32 @!p0 $0x11  }
0x123: {  	_ =	swait.ge @!p0 [sflag:s0], s1  }
0x124: {  	s1 =	ssub.s32 @!p0 $0x0, s1;
	[sflag:s0] =	ssyncset.done @!p0 $0x0  }
0x125: {  	[sflag:s0] =	ssyncadd.s32 @!p0 s1  }
0x126: {  	[bflag:$0x3] =	sbarrier.arrive $0xFFFF  }
0x127: {  	_ =	shalt  }

// kernel: kernel.16.cloned.1.call-start
scs
__scs_entry_jumppad:
0x0: {  	(pc) =	sbr.rel $0x88, $3  }
0x1: {  	(tag) =	ssettag $0x0;
	lr =	simm.s32 $0x1  }
0x2: {  	[smem:$0x3F99] =	sst lr;
	_ =	strace $0xD0000000  }
0x3: {  	_ = 	snop  }
0x4: {  	_ = 	snop  }
0x5: {  	_ = 	snop  }
0x6: {  	_ = 	snop  }
0x7: {  	_ = 	snop  }
__scs_overlays_trampoline_lowered:
0x8: {  	[smem:$0x3FA8] =	sst s0  }
0x9: {  	[smem:$0x3FA9] =	sst s1  }
0xa: {  	[smem:$0x3FAA] =	sst s2  }
0xb: {  	[smem:$0x3FAB] =	sst s3  }
0xc: {  	[smem:$0x3FAC] =	sst s4  }
0xd: {  	[smem:$0x3FAD] =	sst s5  }
0xe: {  	[smem:$0x3FAE] =	sst s6  }
0xf: {  	[smem:$0x3FAF] =	sst s7  }
0x10: {  	[smem:$0x3FB0] =	sst s8  }
0x11: {  	[smem:$0x3FB1] =	sst s9;
	s0 =	simm.s32 @!p0 $0x0  }
0x12: {  	s1 =	sld [smem:$0x3F97];
	s0 =	simm.s32 @p0 $0x1  }
0x13: {  	[smem:$0x3FB2] =	sst s0;
	s0 =	simm.s32 @!p1 $0x0  }
0x14: {  	s2 =	sld [smem:$0x3F96];
	s0 =	simm.s32 @p1 $0x1  }
0x15: {  	[smem:$0x3FB3] =	sst s0;
	s0 =	simm.s32 @!p2 $0x0  }
0x16: {  	s3 =	sld [smem:$0x3FDB];
	s0 =	simm.s32 @p2 $0x1  }
0x17: {  	s4 =	simm.s32 $0x1BF5;
	[smem:$0x3FB5] =	sst s0  }
0x18: {  	s0 =	sld [smem:$0x3F98];
	_ =	swait.ge [sflag:s4], $0x0  }
0x19: {  	s7 =	sld [smem:$0x3F99]  }
0x1a: {  	s8 =	sadd.s32 $0xFFFFE003, lr  }
0x1b: {  	s9 =	sadd.s32 $0xFFFFFEF7, lr;
	s5 =	simm.s32 $0xFFFFFFFF;
	p2 =	slt.u32 s8, $0xFFFFF086  }
0x1c: {  	p1 =	slt.u32 s9, $0xF7A;
	s5 =	simm.s32 @!p2 $0x0  }
0x1d: {  	s5 =	simm.s32 @p1 $0x1;
	p0 =	seq.s32 s7, s2  }
0x1e: {  	s7 =	smul.u32 @!p0 $0xF7A, s2;
	p2 =	seq.s32 @!p0 s5, $0x0  }
0x1f: {  	s9 =	smul.u32 $0xF7A, s1;
	s8 =	simm.s32 @!p0 $0x1BF5;
	p2 =	por !p2, p0  }
0x20: {  	[sflag:s8] =	ssyncset.s32 @!p0 $0xFFFFF086;
	s6 =	sadd.s32 @!p0 s3, s7;
	s7 =	simm.s32 @!p0 $0x108  }
0x21: {  	s3 =	sadd.s32 s3, s9;
	s6 =	sadd.s32 @!p0 $0x88, s6;
	s7 =	simm.s32 @p2 $0x1082  }
0x22: {  	[simem:s7], [sflag:s8] =	dma.local @!p0 [hbm:s6], $0xF7A  }
0x23: {  	s9 =	sor.u32 $0xD0000000, s2;
	s6 =	simm.s32 $0x108;
	_ =	swait.ge @!p0 [sflag:s8], $0x0  }
0x24: {  	s3 =	sadd.s32 $0x88, s3;
	s6 =	simm.s32 @!p1 $0x1082;
	[sflag:s4] =	ssyncset.s32 $0xFFFFF086  }
0x25: {  	[simem:s6], [sflag:s4] =	dma.local [hbm:s3], $0xF7A  }
0x26: {  	[smem:$0x3F99] =	sst s1;
	(tag) =	ssettag s2;
	_ =	strace s9  }
0x27: {  	s1 =	sld [smem:$0x3FA9]  }
0x28: {  	s2 =	sld [smem:$0x3FAA]  }
0x29: {  	s4 =	sld [smem:$0x3FAC]  }
0x2a: {  	p0 =	seq.s32 s5, $0x0;
	s5 =	sld [smem:$0x3FAD]  }
0x2b: {  	s6 =	sld [smem:$0x3FAE]  }
0x2c: {  	s7 =	sld [smem:$0x3FAF]  }
0x2d: {  	s3 =	simm.s32 $0x108;
	s8 =	sld [smem:$0x3FB0]  }
0x2e: {  	s3 =	simm.s32 @!p0 $0x1082;
	s9 =	sld [smem:$0x3FB1]  }
0x2f: {  	lr =	sadd.s32 s0, s3;
	s0 =	sld [smem:$0x3FA8]  }
0x30: {  	s3 =	sld [smem:$0x3FAB]  }
0x31: {  	[smem:$0x3FB4] =	sst s10  }
0x32: {  	s10 =	sld [smem:$0x3FB2];
	_ =	sdelay $0x3  }
0x33: {  	p0 =	seq.s32 s10, $0x1;
	s10 =	sld [smem:$0x3FB4];
	_ =	sdelay $0x3  }
0x34: {  	[smem:$0x3FB4] =	sst s10  }
0x35: {  	s10 =	sld [smem:$0x3FB3];
	_ =	sdelay $0x3  }
0x36: {  	p1 =	seq.s32 s10, $0x1;
	s10 =	sld [smem:$0x3FB4];
	_ =	sdelay $0x3  }
0x37: {  	[smem:$0x3FB4] =	sst s10  }
0x38: {  	s10 =	sld [smem:$0x3FB5]  }
0x39: {  	_ = 	snop;
	(pc) =	sbr.ind lr, $3  }
0x3a: {  	_ = 	snop  }
0x3b: {  	_ = 	snop  }
0x3c: {  	p2 =	seq.s32 s10, $0x1;
	s10 =	sld [smem:$0x3FB4]  }
0x3d: {  	_ =	shalt  }
0x3e: {  	_ =	shalt  }
0x3f: {  	_ =	shalt  }
0x40: {  	_ =	shalt  }
0x41: {  	_ =	shalt  }
0x42: {  	_ =	shalt  }
0x43: {  	_ =	shalt  }
0x44: {  	_ =	shalt  }
0x45: {  	_ =	shalt  }
0x46: {  	_ =	shalt  }
0x47: {  	_ =	shalt  }
0x48: {  	_ =	shalt  }
0x49: {  	_ =	shalt  }
0x4a: {  	_ =	shalt  }
0x4b: {  	_ =	shalt  }
0x4c: {  	_ =	shalt  }
0x4d: {  	_ =	shalt  }
0x4e: {  	_ =	shalt  }
0x4f: {  	_ =	shalt  }
0x50: {  	_ =	shalt  }
0x51: {  	_ =	shalt  }
0x52: {  	_ =	shalt  }
0x53: {  	_ =	shalt  }
0x54: {  	_ =	shalt  }
0x55: {  	_ =	shalt  }
0x56: {  	_ =	shalt  }
0x57: {  	_ =	shalt  }
0x58: {  	_ =	shalt  }
0x59: {  	_ =	shalt  }
0x5a: {  	_ =	shalt  }
0x5b: {  	_ =	shalt  }
0x5c: {  	_ =	shalt  }
0x5d: {  	_ =	shalt  }
0x5e: {  	_ =	shalt  }
0x5f: {  	_ =	shalt  }
0x60: {  	_ =	shalt  }
0x61: {  	_ =	shalt  }
0x62: {  	_ =	shalt  }
0x63: {  	_ =	shalt  }
0x64: {  	_ =	shalt  }
0x65: {  	_ =	shalt  }
0x66: {  	_ =	shalt  }
0x67: {  	_ =	shalt  }
0x68: {  	_ =	shalt  }
0x69: {  	_ =	shalt  }
0x6a: {  	_ =	shalt  }
0x6b: {  	_ =	shalt  }
0x6c: {  	_ =	shalt  }
0x6d: {  	_ =	shalt  }
0x6e: {  	_ =	shalt  }
0x6f: {  	_ =	shalt  }
0x70: {  	_ =	shalt  }
0x71: {  	_ =	shalt  }
0x72: {  	_ =	shalt  }
0x73: {  	_ =	shalt  }
0x74: {  	_ =	shalt  }
0x75: {  	_ =	shalt  }
0x76: {  	_ =	shalt  }
0x77: {  	_ =	shalt  }
0x78: {  	_ =	shalt  }
0x79: {  	_ =	shalt  }
0x7a: {  	_ =	shalt  }
0x7b: {  	_ =	shalt  }
0x7c: {  	_ =	shalt  }
0x7d: {  	_ =	shalt  }
0x7e: {  	_ =	shalt  }
0x7f: {  	_ =	shalt  }
0x80: {  	_ =	shalt  }
0x81: {  	_ =	shalt  }
0x82: {  	_ =	shalt  }
0x83: {  	_ =	shalt  }
0x84: {  	_ =	shalt  }
0x85: {  	_ =	shalt  }
0x86: {  	_ =	shalt  }
0x87: {  	_ =	shalt  }
.Lfunc_end0:
.L_simem_size_0:
called_computation.2_lowered:
.L_overlay_start_0:
0x88: {  	s2 =	sld [smem:$0x3FD9]  }
0x89: {  	s3 =	sld [smem:$0x3FFE];
	_ =	sdelay $0x1  }
0x8a: {  	s1 =	srdreg.scid  }
0x8b: {  	s0 =	sand.u32 $0x1, s1  }
0x8c: {  	s17 =	sshll.u32 s0, $0xA;
	s2 =	sadd.s32 s3, s2  }
0x8d: {  	s2 =	sadd.s32 s2, s17  }
0x8e: {  	[smem:$0x3FC0] =	sst s2  }
0x8f: {  	_ = 	snop  }
0x90: {  	s2 =	sld [smem:$0x3FD0];
	(tm) =	ssettm $0x1  }
0x91: {  	s18 =	sld [smem:$0x3FFB];
	_ =	sdelay $0x3  }
0x92: {  	_ =	strace s18  }
0x93: {  	s3 =	sld [smem:$0x3FFC];
	_ =	sdelay $0x3  }
0x94: {  	_ =	strace s3  }
0x95: {  	s3 =	sld [smem:$0x3FFD];
	_ =	sdelay $0x3  }
0x96: {  	_ =	strace s3  }
0x97: {  	_ =	strace $0x8FFFFFFF  }
0x98: {  	s19 =	sld [smem:$0x3FDB];
	_ =	sdelay $0x1  }
0x99: {  	s4 =	simm.s32 $_scs_section_size  }
0x9a: {  	s5 =	simm.s32 $_size__tile_overlayer_lowered;
	s6 =	simm.s32 $_tile_overlayer_lowered  }
0x9b: {  	s22 =	simm.s32 $0x1BFF;
	s21 =	sshll.u32 s6, $0x1;
	s3 =	sadd.s32 s4, s19  }
0x9c: {  	s7 =	simm.s32 $0x0;
	s20 =	sshll.u32 s5, $0x1;
	s5 =	sadd.s32 s21, s3  }
0x9d: {  	[timem:s7], [sflag:s22] =	dma.local [hbm:s5], s20  }
0x9e: {  	_ =	swait.ge [sflag:s22], s20  }
0x9f: {  	s4 =	ssub.s32 $0x0, s20;
	[sflag:s22] =	ssyncset.done $0x0  }
0xa0: {  	[sflag:s22] =	ssyncadd.s32 s4;
	_ =	sdelay $0x1  }
0xa1: {  	s23 =	simm.s32 $0x1B8B  }
0xa2: {  	_ =	swait.ge [sflag:s23], $0x1  }
0xa3: {  	[sflag:s23] =	ssyncset.done $0x0  }
0xa4: {  	s25 =	simm.s32 $0x1B8E;
	s24 =	sld [smem:$0x3FFE];
	[sflag:s23] =	ssyncadd.s32 $0xFFFFFFFF  }
0xa5: {  	s26 =	simm.s32 $execute0_lowered;
	[smem:$0x3FD2] =	sst s25  }
0xa6: {  	s5 =	sshll.u32 s26, $0x1;
	_ =	strace $0x8000004C;
	[dreg:$0x1] =	wrdreg $0xFFFFFFFF  }
0xa7: {  	s28 =	simm.s32 $_size_execute0_lowered;
	s3 =	sadd.s32 s3, s5;
	[dreg:$0x0] =	wrdreg $0x0  }
0xa8: {  	s5 =	sshll.u32 s28, $0x1;
	[dreg:$0x2] =	wrdreg s3  }
0xa9: {  	[dreg:$0x3] =	wrdreg s5  }
0xaa: {  	[dreg:$0x4] =	wrdreg $0xC0  }
0xab: {  	_ =	task [dreg:s7], $0x5FFFF  }
0xac: {  	[dreg:$0x1] =	wrdreg $0xFFFFFFFF  }
0xad: {  	[dreg:$0x0] =	wrdreg $0x60  }
0xae: {  	[dreg:$0x2] =	wrdreg s2  }
0xaf: {  	[dreg:$0x3] =	wrdreg s24  }
0xb0: {  	[dreg:$0x4] =	wrdreg $0x0  }
0xb1: {  	[dreg:$0x5] =	wrdreg $0x9  }
0xb2: {  	_ =	task.clear_ibuf [dreg:s7], $0x6FFFF;
	_ =	strace $0x9000004C  }
0xb3: {  	s29 =	simm.s32 $0x9;
	_ =	strace $0x8000004E  }
0xb4: {  	_ =	swait.ge [sflag:s29], $0x1  }
0xb5: {  	[sflag:s29] =	ssyncadd.s32 $0xFFFFFFFF  }
0xb6: {  	_ =	strace $0x9000004E  }
0xb7: {  	_ =	sfence  }
0xb8: {  	s30 =	sld [smem:$0x0];
	_ =	sdelay $0x2  }
0xb9: {  	s31 =	sshll.u32 s1, $0xD;
	s1 =	sshrl.u32 s1, $0x2  }
0xba: {  	s3 =	sand.u32 $0x4000, s31;
	s1 =	sadd.s32 s1, s30  }
0xbb: {  	s0 =	sor.u32 s3, s0;
	s1 =	sshll.u32 s1, $0x11  }
0xbc: {  	s0 =	sor.u32 s1, s0  }
0xbd: {  	s0 =	sadd.s32 $0x8F2B, s0  }
0xbe: {  	[sflag:s0] =	ssyncadd.remote.s32 $0x1  }
0xbf: {  	_ =	sfence.sel $0xFFFF  }
0xc0: {  	[dreg:$0x0] =	wrdreg $0xFFFFFFFF;
	(pc) =	sbr.abs _section_cstart, $3  }
0xc1: {  	[dreg:$0x1] =	wrdreg $0xFFFFFFFF  }
0xc2: {  	_ =	task.clear_ibuf [dreg:s7], $0x2FFFF;
	_ =	strace $0x9FFFFFFF  }
0xc3: {  	(tm) =	ssettm $0x7FFFFFFF  }
tec
execute0_lowered:
.L_overlay_start_1:
0x0: {  	(tag) =	ssettag $0x1  }
0x1: {  	s1 =	rddreg [dreg:$0x0]  }
0x2: {  	s0 =	srdreg.scid;
	s5 =	rddreg [dreg:$0x1]  }
0x3: {  	s4 =	stileid.u32;
	s3 =	rddreg [dreg:$0x2];
	s13 =	simm.s32 $0x0  }
0x4: {  	s14 =	simm.s32 $0xEC40;
	s29 =	simm.s32 $0x18880;
	s30 =	simm.s32 $0x9  }
0x5: {  	s28 =	simm.s32 $0xB;
	s31 =	simm.s32 $0xC;
	s9 =	simm.s32 $0xF  }
0x6: {  	s16 =	simm.s32 $0x5;
	s10 =	simm.s32 $0x10;
	s17 =	simm.s32 $0x6  }
0x7: {  	s11 =	simm.s32 $0x7;
	s12 =	simm.s32 $0x8;
	s6 =	smul.u32 $0x13880, s4  }
0x8: {  	s0 =	sand.u32 $0x1, s0;
	[smem:$0x7FF] =	sst s13;
	s8 =	smul.u32 $0x27100, s4  }
0x9: {  	s2 =	sshll.u32 s0, $0x4;
	s7 =	smul.u32 $0x138800, s0;
	s0 =	ssub.s32 $0x2, s0  }
0xa: {  	_ =	strace $0x8000004D;
	s2 =	sor.u32 s4, s2;
	s18 =	sshrl.u32 s0, $0x1  }
0xb: {  	s8 =	sshrl.u32 s8, $0x2;
	s7 =	sadd.s32 s6, s7;
	s6 =	sshrl.u32 s6, $0x1  }
0xc: {  	s2 =	smul.u32 $0x2800, s2;
	s19 =	sadd.s32 s8, s3;
	s20 =	sadd.s32 s6, s3  }
0xd: {  	s0 =	ssub.s32 s0, s18;
	s21 =	sadd.s32 $0x1F40, s19;
	[dreg:$0x5] =	wrdreg s20  }
0xe: {  	s18 =	simm.s32 $0x7D;
	s22 =	sadd.s32 $0x3E80, s19;
	[dreg:$0x6] =	wrdreg s21  }
0xf: {  	s8 =	simm.s32 $0x4;
	s23 =	sadd.s32 $0x5DC0, s19;
	[dreg:$0x7] =	wrdreg s22  }
0x10: {  	s7 =	sshrl.u32 s7, $0x4;
	s24 =	sadd.s32 $0x7D00, s19;
	[dreg:$0x8] =	wrdreg s23  }
0x11: {  	s0 =	smax.u32 s0, $0x1;
	s19 =	simm.s32 $0xA;
	[dreg:$0x9] =	wrdreg s24  }
0x12: {  	s6 =	simm.s32 $0x3;
	s2 =	sshrl.u32 s2, $0x3;
	[dreg:$0xd] =	wrdreg s0  }
0x13: {  	s20 =	simm.s32 $0x10B80;
	s22 =	simm.s32 $0x12AC0;
	s2 =	sadd.s32 s2, s5  }
0x14: {  	s24 =	simm.s32 $0x14A00;
	s0 =	simm.s32 $0x1;
	s25 =	sadd.s32 $0xC400, s2  }
0x15: {  	s5 =	sadd.s32 s7, s5;
	s2 =	sadd.s32 $0x2400, s2;
	[dreg:$0xa] =	wrdreg s25  }
0x16: {  	s21 =	simm.s32 $0x2;
	s26 =	sadd.s32 $0x16400, s5;
	[dreg:$0xb] =	wrdreg s2  }
0x17: {  	s23 =	simm.s32 $0xD;
	s7 =	simm.s32 $0xE;
	[dreg:$0xc] =	wrdreg s26  }
0x18: {  	v0 =	vimm.bf16 $0.0e+00;
	s26 =	simm.s32 $0x16940;
	s2 =	simm.s32 $0x1A7C0;
	s25 =	simm.s32 $0x1C700  }
.LBB2_1:
0x19: {  	[dreg:$0x4] =	wrdreg s13;
	s13 =	simm.s32 $0x100;
	s5 =	simm.s32 $0x0  }
.LBB2_2:
0x1a: {  	p0 =	sne.s32 s13, $0x7C00;
	[tilespmem:s5+$0xEC70] =	vst v0;
	s4 =	smov.u32 s13;
	s13 =	sadd.s32 $0x100, s13  }
.Ltmp0:
0x1b: {  	[tilespmem:s5+$0xEC60] =	vst v0;
	(pc) =	sbr.rel @p0 .LBB2_2-.Ltmp0, $3  }
0x1c: {  	[tilespmem:s5+$0xEC40] =	vst v0  }
0x1d: {  	[tilespmem:s5+$0xEC50] =	vst v0;
	_ =	sdelay $0x1  }
0x1e: {  	s5 =	sshra.s32 s4, $0x2  }
0x1f: {  	[tilespmem:s5+$0xEC70] =	vst v0  }
0x20: {  	[tilespmem:s5+$0xEC60] =	vst v0  }
0x21: {  	[tilespmem:s5+$0xEC40] =	vst v0  }
0x22: {  	[tilespmem:s5+$0xEC50] =	vst v0;
	s4 =	rddreg [dreg:$0x5];
	s13 =	simm.s32 $0x11  }
0x23: {  	[spmem:s4] =	stream.linear.scatter [tilespmem:s14], [sflag:$0x11], $0x1F40, $0x38;
	[tilespmem:$0x1E640] =	vst v63  }
0x24: {  	_ =	swait.ge [sflag:s13], $0x1F40  }
0x25: {  	[sflag:s13] =	ssyncset.done $0x0  }
0x26: {  	s5 =	rddreg [dreg:$0x6];
	[sflag:s13] =	ssyncadd.s32 $0xFFFFE0C0  }
0x27: {  	[spmem:s5] =	stream.linear.scatter [tilespmem:s14], [sflag:$0x11], $0x1F40, $0x38;
	[tilespmem:$0x1E640] =	vst v63  }
0x28: {  	_ =	swait.ge [sflag:s13], $0x1F40  }
0x29: {  	[sflag:s13] =	ssyncset.done $0x0  }
0x2a: {  	s15 =	rddreg [dreg:$0x7];
	[sflag:s13] =	ssyncadd.s32 $0xFFFFE0C0  }
0x2b: {  	[spmem:s15] =	stream.linear.scatter [tilespmem:s14], [sflag:$0x11], $0x1F40, $0x38;
	[tilespmem:$0x1E640] =	vst v63  }
0x2c: {  	_ =	swait.ge [sflag:s13], $0x1F40  }
0x2d: {  	[sflag:s13] =	ssyncset.done $0x0  }
0x2e: {  	s5 =	rddreg [dreg:$0x8];
	[sflag:s13] =	ssyncadd.s32 $0xFFFFE0C0  }
0x2f: {  	[spmem:s5] =	stream.linear.scatter [tilespmem:s14], [sflag:$0x11], $0x1F40, $0x38;
	[tilespmem:$0x1E640] =	vst v63  }
0x30: {  	_ =	swait.ge [sflag:s13], $0x1F40  }
0x31: {  	[sflag:s13] =	ssyncset.done $0x0  }
0x32: {  	s15 =	rddreg [dreg:$0x9];
	[sflag:s13] =	ssyncadd.s32 $0xFFFFE0C0  }
0x33: {  	[spmem:s15] =	stream.linear.scatter [tilespmem:s14], [sflag:$0x11], $0x1F40, $0x38;
	[tilespmem:$0x1E640] =	vst v63  }
0x34: {  	_ =	swait.ge [sflag:s13], $0x1F40  }
0x35: {  	[sflag:s13] =	ssyncset.done $0x0  }
0x36: {  	[sflag:s13] =	ssyncadd.s32 $0xFFFFE0C0  }
0x37: {  	[bflag:$0x0] =	sbarrier.arrive $0xFFFF  }
0x38: {  	s4 =	simm.s32 $0x0;
	s15 =	simm.s32 $0x9C40;
	s5 =	rddreg [dreg:$0xa]  }
0x39: {  	[tilespmem:s15], [sflag:$0x11] =	stream.linear.gather [hbm4b:s5+s4], $0x2800, $0x38;
	[tilespmem:$0x1E640] =	vst v63  }
0x3a: {  	_ =	swait.ge [sflag:s13], $0x2800  }
0x3b: {  	[sflag:s13] =	ssyncset.done $0x0  }
0x3c: {  	s15 =	simm.s32 $0xC440;
	s5 =	rddreg [dreg:$0xb];
	[sflag:s13] =	ssyncadd.s32 $0xFFFFD800  }
0x3d: {  	[tilespmem:s15], [sflag:$0x11] =	stream.linear.gather [hbm4b:s5+s4], $0x2800, $0x38;
	[tilespmem:$0x1E640] =	vst v63  }
0x3e: {  	_ =	swait.ge [sflag:s13], $0x2800  }
0x3f: {  	[sflag:s13] =	ssyncset.done $0x0  }
0x40: {  	[sflag:s13] =	ssyncadd.s32 $0xFFFFD800  }
0x41: {  	[tilespmem:s14], [sflag:$0x9] =	stream.indirect.gather [hbm4b:s1+s18], $0x40, s15, s18, $0xb8;
	[tilespmem:$0x1E640] =	vst v63  }
0x42: {  	s5 =	simm.s32 $0xC4C0  }
0x43: {  	[tilespmem:s20], [sflag:$0xA] =	stream.indirect.gather [hbm4b:s1+s18], $0x40, s5, s18, $0xb8;
	[tilespmem:$0x1E640] =	vst v63  }
0x44: {  	s13 =	simm.s32 $0xC540  }
0x45: {  	[tilespmem:s22], [sflag:$0xB] =	stream.indirect.gather [hbm4b:s1+s18], $0x40, s13, s18, $0xb8;
	[tilespmem:$0x1E640] =	vst v63  }
0x46: {  	s15 =	simm.s32 $0xC5C0  }
0x47: {  	[tilespmem:s24], [sflag:$0xC] =	stream.indirect.gather [hbm4b:s1+s18], $0x40, s15, s18, $0xb8;
	[tilespmem:$0x1E640] =	vst v63  }
0x48: {  	s5 =	simm.s32 $0xC640  }
0x49: {  	[tilespmem:s26], [sflag:$0xD] =	stream.indirect.gather [hbm4b:s1+s18], $0x40, s5, s18, $0xb8;
	[tilespmem:$0x1E640] =	vst v63  }
0x4a: {  	s13 =	simm.s32 $0xC6C0  }
0x4b: {  	[tilespmem:s29], [sflag:$0xE] =	stream.indirect.gather [hbm4b:s1+s18], $0x40, s13, s18, $0xb8;
	[tilespmem:$0x1E640] =	vst v63  }
0x4c: {  	_ =	swait.ge [sflag:s30], $0x1F40  }
0x4d: {  	[sflag:s30] =	ssyncset.done $0x0  }
0x4e: {  	s15 =	simm.s32 $0x9C40;
	[sflag:s30] =	ssyncadd.s32 $0xFFFFE0C0  }
0x4f: {  	[spmem:s3] =	stream.indirect.scatter.add.bf16 [tilespmem:s14], [sflag:$0x1], $0x40, s15, s18, $0xb8;
	[tilespmem:$0x1E640] =	vst v63  }
0x50: {  	s5 =	simm.s32 $0xC740  }
0x51: {  	[tilespmem:s2], [sflag:$0xF] =	stream.indirect.gather [hbm4b:s1+s18], $0x40, s5, s18, $0xb8;
	[tilespmem:$0x1E640] =	vst v63  }
0x52: {  	_ =	swait.ge [sflag:s19], $0x1F40  }
0x53: {  	[sflag:s19] =	ssyncset.done $0x0  }
0x54: {  	s13 =	simm.s32 $0x9CC0;
	[sflag:s19] =	ssyncadd.s32 $0xFFFFE0C0  }
0x55: {  	[spmem:s3] =	stream.indirect.scatter.add.bf16 [tilespmem:s20], [sflag:$0x2], $0x40, s13, s18, $0xb8;
	[tilespmem:$0x1E640] =	vst v63  }
0x56: {  	s15 =	simm.s32 $0xC7C0  }
0x57: {  	[tilespmem:s25], [sflag:$0x10] =	stream.indirect.gather [hbm4b:s1+s18], $0x40, s15, s18, $0xb8;
	[tilespmem:$0x1E640] =	vst v63  }
0x58: {  	_ =	swait.ge [sflag:s28], $0x1F40  }
0x59: {  	[sflag:s28] =	ssyncset.done $0x0  }
0x5a: {  	s5 =	simm.s32 $0x9D40;
	[sflag:s28] =	ssyncadd.s32 $0xFFFFE0C0  }
0x5b: {  	[spmem:s3] =	stream.indirect.scatter.add.bf16 [tilespmem:s22], [sflag:$0x3], $0x40, s5, s18, $0xb8;
	[tilespmem:$0x1E640] =	vst v63  }
0x5c: {  	_ =	swait.ge [sflag:s0], $0x1F40  }
0x5d: {  	[sflag:s0] =	ssyncset.done $0x0  }
0x5e: {  	s13 =	simm.s32 $0xC840;
	[sflag:s0] =	ssyncadd.s32 $0xFFFFE0C0  }
0x5f: {  	[tilespmem:s14], [sflag:$0x9] =	stream.indirect.gather [hbm4b:s1+s18], $0x40, s13, s18, $0xb8;
	[tilespmem:$0x1E640] =	vst v63  }
0x60: {  	_ =	swait.ge [sflag:s31], $0x1F40  }
0x61: {  	[sflag:s31] =	ssyncset.done $0x0  }
0x62: {  	s15 =	simm.s32 $0x9DC0;
	[sflag:s31] =	ssyncadd.s32 $0xFFFFE0C0  }
0x63: {  	[spmem:s3] =	stream.indirect.scatter.add.bf16 [tilespmem:s24], [sflag:$0x4], $0x40, s15, s18, $0xb8;
	[tilespmem:$0x1E640] =	vst v63  }
0x64: {  	_ =	swait.ge [sflag:s21], $0x1F40  }
0x65: {  	[sflag:s21] =	ssyncset.done $0x0  }
0x66: {  	s5 =	simm.s32 $0xC8C0;
	[sflag:s21] =	ssyncadd.s32 $0xFFFFE0C0  }
0x67: {  	[tilespmem:s20], [sflag:$0xA] =	stream.indirect.gather [hbm4b:s1+s18], $0x40, s5, s18, $0xb8;
	[tilespmem:$0x1E640] =	vst v63  }
0x68: {  	_ =	swait.ge [sflag:s23], $0x1F40  }
0x69: {  	[sflag:s23] =	ssyncset.done $0x0  }
0x6a: {  	s13 =	simm.s32 $0x9E40;
	[sflag:s23] =	ssyncadd.s32 $0xFFFFE0C0  }
0x6b: {  	[spmem:s3] =	stream.indirect.scatter.add.bf16 [tilespmem:s26], [sflag:$0x5], $0x40, s13, s18, $0xb8;
	[tilespmem:$0x1E640] =	vst v63  }
0x6c: {  	_ =	swait.ge [sflag:s6], $0x1F40  }
0x6d: {  	[sflag:s6] =	ssyncset.done $0x0  }
0x6e: {  	s15 =	simm.s32 $0xC940;
	[sflag:s6] =	ssyncadd.s32 $0xFFFFE0C0  }
0x6f: {  	[tilespmem:s22], [sflag:$0xB] =	stream.indirect.gather [hbm4b:s1+s18], $0x40, s15, s18, $0xb8;
	[tilespmem:$0x1E640] =	vst v63  }
0x70: {  	_ =	swait.ge [sflag:s7], $0x1F40  }
0x71: {  	[sflag:s7] =	ssyncset.done $0x0  }
0x72: {  	s5 =	simm.s32 $0x9EC0;
	[sflag:s7] =	ssyncadd.s32 $0xFFFFE0C0  }
0x73: {  	[spmem:s3] =	stream.indirect.scatter.add.bf16 [tilespmem:s29], [sflag:$0x6], $0x40, s5, s18, $0xb8;
	[tilespmem:$0x1E640] =	vst v63  }
0x74: {  	_ =	swait.ge [sflag:s8], $0x1F40  }
0x75: {  	[sflag:s8] =	ssyncset.done $0x0  }
0x76: {  	s13 =	simm.s32 $0xC9C0;
	[sflag:s8] =	ssyncadd.s32 $0xFFFFE0C0  }
0x77: {  	[tilespmem:s24], [sflag:$0xC] =	stream.indirect.gather [hbm4b:s1+s18], $0x40, s13, s18, $0xb8;
	[tilespmem:$0x1E640] =	vst v63  }
0x78: {  	_ =	swait.ge [sflag:s9], $0x1F40  }
0x79: {  	[sflag:s9] =	ssyncset.done $0x0  }
0x7a: {  	s15 =	simm.s32 $0x9F40;
	[sflag:s9] =	ssyncadd.s32 $0xFFFFE0C0  }
0x7b: {  	[spmem:s3] =	stream.indirect.scatter.add.bf16 [tilespmem:s2], [sflag:$0x7], $0x40, s15, s18, $0xb8;
	[tilespmem:$0x1E640] =	vst v63  }
0x7c: {  	_ =	swait.ge [sflag:s16], $0x1F40  }
0x7d: {  	[sflag:s16] =	ssyncset.done $0x0  }
0x7e: {  	s5 =	simm.s32 $0xCA40;
	[sflag:s16] =	ssyncadd.s32 $0xFFFFE0C0  }
0x7f: {  	[tilespmem:s26], [sflag:$0xD] =	stream.indirect.gather [hbm4b:s1+s18], $0x40, s5, s18, $0xb8;
	[tilespmem:$0x1E640] =	vst v63  }
0x80: {  	_ =	swait.ge [sflag:s10], $0x1F40  }
0x81: {  	[sflag:s10] =	ssyncset.done $0x0  }
0x82: {  	s13 =	simm.s32 $0x9FC0;
	[sflag:s10] =	ssyncadd.s32 $0xFFFFE0C0  }
0x83: {  	[spmem:s3] =	stream.indirect.scatter.add.bf16 [tilespmem:s25], [sflag:$0x8], $0x40, s13, s18, $0xb8;
	[tilespmem:$0x1E640] =	vst v63  }
0x84: {  	_ =	swait.ge [sflag:s17], $0x1F40  }
0x85: {  	[sflag:s17] =	ssyncset.done $0x0  }
0x86: {  	s15 =	simm.s32 $0xCAC0;
	[sflag:s17] =	ssyncadd.s32 $0xFFFFE0C0  }
0x87: {  	[tilespmem:s29], [sflag:$0xE] =	stream.indirect.gather [hbm4b:s1+s18], $0x40, s15, s18, $0xb8;
	[tilespmem:$0x1E640] =	vst v63  }
0x88: {  	_ =	swait.ge [sflag:s30], $0x1F40  }
0x89: {  	[sflag:s30] =	ssyncset.done $0x0  }
0x8a: {  	s5 =	simm.s32 $0xA040;
	[sflag:s30] =	ssyncadd.s32 $0xFFFFE0C0  }
0x8b: {  	[spmem:s3] =	stream.indirect.scatter.add.bf16 [tilespmem:s14], [sflag:$0x1], $0x40, s5, s18, $0xb8;
	[tilespmem:$0x1E640] =	vst v63  }
0x8c: {  	_ =	swait.ge [sflag:s11], $0x1F40  }
0x8d: {  	[sflag:s11] =	ssyncset.done $0x0  }
0x8e: {  	s13 =	simm.s32 $0xCB40;
	[sflag:s11] =	ssyncadd.s32 $0xFFFFE0C0  }
0x8f: {  	[tilespmem:s2], [sflag:$0xF] =	stream.indirect.gather [hbm4b:s1+s18], $0x40, s13, s18, $0xb8;
	[tilespmem:$0x1E640] =	vst v63  }
0x90: {  	_ =	swait.ge [sflag:s19], $0x1F40  }
0x91: {  	[sflag:s19] =	ssyncset.done $0x0  }
0x92: {  	s15 =	simm.s32 $0xA0C0;
	[sflag:s19] =	ssyncadd.s32 $0xFFFFE0C0  }
0x93: {  	[spmem:s3] =	stream.indirect.scatter.add.bf16 [tilespmem:s20], [sflag:$0x2], $0x40, s15, s18, $0xb8;
	[tilespmem:$0x1E640] =	vst v63  }
0x94: {  	_ =	swait.ge [sflag:s12], $0x1F40  }
0x95: {  	[sflag:s12] =	ssyncset.done $0x0  }
0x96: {  	s5 =	simm.s32 $0xCBC0;
	s13 =	simm.s32 $0x1000;
	[sflag:s12] =	ssyncadd.s32 $0xFFFFE0C0  }
.LBB2_4:
0x97: {  	[tilespmem:s25], [sflag:$0x10] =	stream.indirect.gather [hbm4b:s1+s18], $0x40, s5, s18, $0xb8;
	[tilespmem:$0x1E640] =	vst v63  }
0x98: {  	s4 =	smov.u32 s13  }
0x99: {  	p0 =	sne.s32 s13, $0x8000;
	s13 =	sadd.s32 $0x1000, s13;
	_ =	swait.ge [sflag:s28], $0x1F40  }
0x9a: {  	s5 =	sshra.s32 s4, $0x2;
	[sflag:s28] =	ssyncset.done $0x0  }
0x9b: {  	s4 =	sadd.s32 $0x9D40, s5;
	[sflag:s28] =	ssyncadd.s32 $0xFFFFE0C0  }
0x9c: {  	[spmem:s3] =	stream.indirect.scatter.add.bf16 [tilespmem:s22], [sflag:$0x3], $0x40, s4, s18, $0xb8;
	[tilespmem:$0x1E640] =	vst v63  }
0x9d: {  	_ =	swait.ge [sflag:s0], $0x1F40  }
0x9e: {  	[sflag:s0] =	ssyncset.done $0x0  }
0x9f: {  	s4 =	sadd.s32 $0xC840, s5;
	[sflag:s0] =	ssyncadd.s32 $0xFFFFE0C0  }
0xa0: {  	[tilespmem:s14], [sflag:$0x9] =	stream.indirect.gather [hbm4b:s1+s18], $0x40, s4, s18, $0xb8;
	[tilespmem:$0x1E640] =	vst v63  }
0xa1: {  	_ =	swait.ge [sflag:s31], $0x1F40  }
0xa2: {  	[sflag:s31] =	ssyncset.done $0x0  }
0xa3: {  	s4 =	sadd.s32 $0x9DC0, s5;
	[sflag:s31] =	ssyncadd.s32 $0xFFFFE0C0  }
0xa4: {  	[spmem:s3] =	stream.indirect.scatter.add.bf16 [tilespmem:s24], [sflag:$0x4], $0x40, s4, s18, $0xb8;
	[tilespmem:$0x1E640] =	vst v63  }
0xa5: {  	_ =	swait.ge [sflag:s21], $0x1F40  }
0xa6: {  	[sflag:s21] =	ssyncset.done $0x0  }
0xa7: {  	s4 =	sadd.s32 $0xC8C0, s5;
	[sflag:s21] =	ssyncadd.s32 $0xFFFFE0C0  }
0xa8: {  	[tilespmem:s20], [sflag:$0xA] =	stream.indirect.gather [hbm4b:s1+s18], $0x40, s4, s18, $0xb8;
	[tilespmem:$0x1E640] =	vst v63  }
0xa9: {  	_ =	swait.ge [sflag:s23], $0x1F40  }
0xaa: {  	[sflag:s23] =	ssyncset.done $0x0  }
0xab: {  	s4 =	sadd.s32 $0x9E40, s5;
	[sflag:s23] =	ssyncadd.s32 $0xFFFFE0C0  }
0xac: {  	[spmem:s3] =	stream.indirect.scatter.add.bf16 [tilespmem:s26], [sflag:$0x5], $0x40, s4, s18, $0xb8;
	[tilespmem:$0x1E640] =	vst v63  }
0xad: {  	_ =	swait.ge [sflag:s6], $0x1F40  }
0xae: {  	[sflag:s6] =	ssyncset.done $0x0  }
0xaf: {  	s4 =	sadd.s32 $0xC940, s5;
	[sflag:s6] =	ssyncadd.s32 $0xFFFFE0C0  }
0xb0: {  	[tilespmem:s22], [sflag:$0xB] =	stream.indirect.gather [hbm4b:s1+s18], $0x40, s4, s18, $0xb8;
	[tilespmem:$0x1E640] =	vst v63  }
0xb1: {  	_ =	swait.ge [sflag:s7], $0x1F40  }
0xb2: {  	[sflag:s7] =	ssyncset.done $0x0  }
0xb3: {  	s4 =	sadd.s32 $0x9EC0, s5;
	[sflag:s7] =	ssyncadd.s32 $0xFFFFE0C0  }
0xb4: {  	[spmem:s3] =	stream.indirect.scatter.add.bf16 [tilespmem:s29], [sflag:$0x6], $0x40, s4, s18, $0xb8;
	[tilespmem:$0x1E640] =	vst v63  }
0xb5: {  	_ =	swait.ge [sflag:s8], $0x1F40  }
0xb6: {  	[sflag:s8] =	ssyncset.done $0x0  }
0xb7: {  	s4 =	sadd.s32 $0xC9C0, s5;
	[sflag:s8] =	ssyncadd.s32 $0xFFFFE0C0  }
0xb8: {  	[tilespmem:s24], [sflag:$0xC] =	stream.indirect.gather [hbm4b:s1+s18], $0x40, s4, s18, $0xb8;
	[tilespmem:$0x1E640] =	vst v63  }
0xb9: {  	_ =	swait.ge [sflag:s9], $0x1F40  }
0xba: {  	[sflag:s9] =	ssyncset.done $0x0  }
0xbb: {  	s4 =	sadd.s32 $0x9F40, s5;
	[sflag:s9] =	ssyncadd.s32 $0xFFFFE0C0  }
0xbc: {  	[spmem:s3] =	stream.indirect.scatter.add.bf16 [tilespmem:s2], [sflag:$0x7], $0x40, s4, s18, $0xb8;
	[tilespmem:$0x1E640] =	vst v63  }
0xbd: {  	_ =	swait.ge [sflag:s16], $0x1F40  }
0xbe: {  	[sflag:s16] =	ssyncset.done $0x0  }
0xbf: {  	s4 =	sadd.s32 $0xCA40, s5;
	[sflag:s16] =	ssyncadd.s32 $0xFFFFE0C0  }
0xc0: {  	[tilespmem:s26], [sflag:$0xD] =	stream.indirect.gather [hbm4b:s1+s18], $0x40, s4, s18, $0xb8;
	[tilespmem:$0x1E640] =	vst v63  }
0xc1: {  	_ =	swait.ge [sflag:s10], $0x1F40  }
0xc2: {  	[sflag:s10] =	ssyncset.done $0x0  }
0xc3: {  	s4 =	sadd.s32 $0x9FC0, s5;
	[sflag:s10] =	ssyncadd.s32 $0xFFFFE0C0  }
0xc4: {  	[spmem:s3] =	stream.indirect.scatter.add.bf16 [tilespmem:s25], [sflag:$0x8], $0x40, s4, s18, $0xb8;
	[tilespmem:$0x1E640] =	vst v63  }
0xc5: {  	_ =	swait.ge [sflag:s17], $0x1F40  }
0xc6: {  	[sflag:s17] =	ssyncset.done $0x0  }
0xc7: {  	s4 =	sadd.s32 $0xCAC0, s5;
	[sflag:s17] =	ssyncadd.s32 $0xFFFFE0C0  }
0xc8: {  	[tilespmem:s29], [sflag:$0xE] =	stream.indirect.gather [hbm4b:s1+s18], $0x40, s4, s18, $0xb8;
	[tilespmem:$0x1E640] =	vst v63  }
0xc9: {  	_ =	swait.ge [sflag:s30], $0x1F40  }
0xca: {  	[sflag:s30] =	ssyncset.done $0x0  }
0xcb: {  	s4 =	sadd.s32 $0xA040, s5;
	[sflag:s30] =	ssyncadd.s32 $0xFFFFE0C0  }
0xcc: {  	[spmem:s3] =	stream.indirect.scatter.add.bf16 [tilespmem:s14], [sflag:$0x1], $0x40, s4, s18, $0xb8;
	[tilespmem:$0x1E640] =	vst v63  }
0xcd: {  	_ =	swait.ge [sflag:s11], $0x1F40  }
0xce: {  	[sflag:s11] =	ssyncset.done $0x0  }
0xcf: {  	s4 =	sadd.s32 $0xCB40, s5;
	[sflag:s11] =	ssyncadd.s32 $0xFFFFE0C0  }
0xd0: {  	[tilespmem:s2], [sflag:$0xF] =	stream.indirect.gather [hbm4b:s1+s18], $0x40, s4, s18, $0xb8;
	[tilespmem:$0x1E640] =	vst v63  }
0xd1: {  	_ =	swait.ge [sflag:s19], $0x1F40  }
0xd2: {  	[sflag:s19] =	ssyncset.done $0x0  }
.Ltmp1:
0xd3: {  	s4 =	sadd.s32 $0xA0C0, s5;
	[sflag:s19] =	ssyncadd.s32 $0xFFFFE0C0;
	(pc) =	sbr.rel @p0 .LBB2_4-.Ltmp1, $4  }
0xd4: {  	[spmem:s3] =	stream.indirect.scatter.add.bf16 [tilespmem:s20], [sflag:$0x2], $0x40, s4, s18, $0xb8;
	[tilespmem:$0x1E640] =	vst v63  }
0xd5: {  	_ =	swait.ge [sflag:s12], $0x1F40  }
0xd6: {  	[sflag:s12] =	ssyncset.done $0x0  }
0xd7: {  	s5 =	sadd.s32 $0xCBC0, s5;
	[sflag:s12] =	ssyncadd.s32 $0xFFFFE0C0  }
0xd8: {  	[tilespmem:s25], [sflag:$0x10] =	stream.indirect.gather [hbm4b:s1+s18], $0x40, s5, s18, $0xb8;
	[tilespmem:$0x1E640] =	vst v63  }
0xd9: {  	_ =	swait.ge [sflag:s28], $0x1F40  }
0xda: {  	[sflag:s28] =	ssyncset.done $0x0  }
0xdb: {  	s4 =	simm.s32 $0xC140;
	[sflag:s28] =	ssyncadd.s32 $0xFFFFE0C0  }
0xdc: {  	[spmem:s3] =	stream.indirect.scatter.add.bf16 [tilespmem:s22], [sflag:$0x3], $0x40, s4, s18, $0xb8;
	[tilespmem:$0x1E640] =	vst v63  }
0xdd: {  	_ =	swait.ge [sflag:s31], $0x1F40  }
0xde: {  	[sflag:s31] =	ssyncset.done $0x0  }
0xdf: {  	s15 =	simm.s32 $0xC1C0;
	[sflag:s31] =	ssyncadd.s32 $0xFFFFE0C0  }
0xe0: {  	[spmem:s3] =	stream.indirect.scatter.add.bf16 [tilespmem:s24], [sflag:$0x4], $0x40, s15, s18, $0xb8;
	[tilespmem:$0x1E640] =	vst v63  }
0xe1: {  	_ =	swait.ge [sflag:s23], $0x1F40  }
0xe2: {  	[sflag:s23] =	ssyncset.done $0x0  }
0xe3: {  	s5 =	simm.s32 $0xC240;
	[sflag:s23] =	ssyncadd.s32 $0xFFFFE0C0  }
0xe4: {  	[spmem:s3] =	stream.indirect.scatter.add.bf16 [tilespmem:s26], [sflag:$0x5], $0x40, s5, s18, $0xb8;
	[tilespmem:$0x1E640] =	vst v63  }
0xe5: {  	_ =	swait.ge [sflag:s7], $0x1F40  }
0xe6: {  	[sflag:s7] =	ssyncset.done $0x0  }
0xe7: {  	s13 =	simm.s32 $0xC2C0;
	[sflag:s7] =	ssyncadd.s32 $0xFFFFE0C0  }
0xe8: {  	[spmem:s3] =	stream.indirect.scatter.add.bf16 [tilespmem:s29], [sflag:$0x6], $0x40, s13, s18, $0xb8;
	[tilespmem:$0x1E640] =	vst v63  }
0xe9: {  	_ =	swait.ge [sflag:s9], $0x1F40  }
0xea: {  	[sflag:s9] =	ssyncset.done $0x0  }
0xeb: {  	s15 =	simm.s32 $0xC340;
	[sflag:s9] =	ssyncadd.s32 $0xFFFFE0C0  }
0xec: {  	[spmem:s3] =	stream.indirect.scatter.add.bf16 [tilespmem:s2], [sflag:$0x7], $0x40, s15, s18, $0xb8;
	[tilespmem:$0x1E640] =	vst v63  }
0xed: {  	_ =	swait.ge [sflag:s10], $0x1F40  }
0xee: {  	[sflag:s10] =	ssyncset.done $0x0  }
0xef: {  	s5 =	simm.s32 $0xC3C0;
	[sflag:s10] =	ssyncadd.s32 $0xFFFFE0C0  }
0xf0: {  	[spmem:s3] =	stream.indirect.scatter.add.bf16 [tilespmem:s25], [sflag:$0x8], $0x40, s5, s18, $0xb8;
	[tilespmem:$0x1E640] =	vst v63  }
0xf1: {  	_ =	swait.ge [sflag:s0], $0x1F40  }
0xf2: {  	[sflag:s0] =	ssyncset.done $0x0  }
0xf3: {  	[sflag:s0] =	ssyncadd.s32 $0xFFFFE0C0  }
0xf4: {  	_ =	swait.ge [sflag:s21], $0x1F40  }
0xf5: {  	[sflag:s21] =	ssyncset.done $0x0  }
0xf6: {  	[sflag:s21] =	ssyncadd.s32 $0xFFFFE0C0  }
0xf7: {  	_ =	swait.ge [sflag:s6], $0x1F40  }
0xf8: {  	[sflag:s6] =	ssyncset.done $0x0  }
0xf9: {  	[sflag:s6] =	ssyncadd.s32 $0xFFFFE0C0  }
0xfa: {  	_ =	swait.ge [sflag:s8], $0x1F40  }
0xfb: {  	[sflag:s8] =	ssyncset.done $0x0  }
0xfc: {  	[sflag:s8] =	ssyncadd.s32 $0xFFFFE0C0  }
0xfd: {  	_ =	swait.ge [sflag:s16], $0x1F40  }
0xfe: {  	[sflag:s16] =	ssyncset.done $0x0  }
0xff: {  	[sflag:s16] =	ssyncadd.s32 $0xFFFFE0C0  }
0x100: {  	_ =	swait.ge [sflag:s17], $0x1F40  }
0x101: {  	[sflag:s17] =	ssyncset.done $0x0  }
0x102: {  	[sflag:s17] =	ssyncadd.s32 $0xFFFFE0C0  }
0x103: {  	_ =	swait.ge [sflag:s11], $0x1F40  }
0x104: {  	[sflag:s11] =	ssyncset.done $0x0  }
0x105: {  	[sflag:s11] =	ssyncadd.s32 $0xFFFFE0C0  }
0x106: {  	_ =	swait.ge [sflag:s12], $0x1F40  }
0x107: {  	[sflag:s12] =	ssyncset.done $0x0  }
0x108: {  	[sflag:s12] =	ssyncadd.s32 $0xFFFFE0C0  }
0x109: {  	s13 =	stileid.u32;
	[bflag:$0x0] =	sbarrier.arrive $0xFFFF  }
0x10a: {  	s4 =	sshll.u32 s13, $0x6;
	s15 =	rddreg [dreg:$0x5]  }
0x10b: {  	s4 =	sor.u32 $0x1C11, s4;
	s13 =	rddreg [dreg:$0xc];
	s5 =	sshrl.u32 s15, $0x3  }
0x10c: {  	[hbm:s13], [sflag:s4] =	dma.local [spmem:s5], $0x1388  }
0x10d: {  	s5 =	simm.s32 $0x11  }
0x10e: {  	_ =	swait.ge [sflag:s5], $0x1388  }
0x10f: {  	s4 =	rddreg [dreg:$0x4]  }
0x110: {  	s15 =	rddreg [dreg:$0xd];
	s13 =	sadd.s32 $0x1, s4  }
0x111: {  	p0 =	sne.s32 s13, s15  }
.Ltmp2:
0x112: {  	_ = 	snop;
	(pc) =	sbr.rel @p0 .LBB2_1-.Ltmp2, $3  }
0x113: {  	_ =	sdelay $0x1  }
0x114: {  	[sflag:s5] =	ssyncset.done $0x0  }
0x115: {  	[sflag:s5] =	ssyncadd.s32 $0xFFFFEC78  }
0x116: {  	_ =	sfence.sel $0x180000  }
0x117: {  	[bflag:$0x0] =	sbarrier.arrive $0xFFFF  }
0x118: {  	_ =	strace $0x9000004D  }
0x119: {  	s0 =	stileid.u32;
	[bflag:$0x2] =	sbarrier.arrive $0xFFFF  }
0x11a: {  	p0 =	sne.s32 s0, $0x0;
	s0 =	rddreg [dreg:$0x3]  }
0x11b: {  	s0 =	sadd.s32 @!p0 $0x100000, s0  }
0x11c: {  	[sflag:s0] =	ssyncadd.tile.s32 @!p0 $0x1;
	_ =	shalt  }
.Lfunc_end2:
_tile_overlayer_lowered:
.L_overlay_start_2:
0x11d: {  	(tag) =	ssettag $0x2  }
0x11e: {  	s0 =	rddreg [dreg:$0x0];
	s2 =	stileid.u32  }
0x11f: {  	s1 =	rddreg [dreg:$0x1];
	p0 =	sne.s32 s2, $0x0  }
0x120: {  	s3 =	rddreg [dreg:$0x2];
	[bflag:$0x3] =	sbarrier.arrive $0xFFFF;
	s2 =	simm.s32 @!p0 $0x1C11  }
0x121: {  	[timem:s3], [sflag:s2] =	dma.local @!p0 [hbm:s0], s1  }
0x122: {  	s0 =	simm.s32 @!p0 $0x11  }
0x123: {  	_ =	swait.ge @!p0 [sflag:s0], s1  }
0x124: {  	s1 =	ssub.s32 @!p0 $0x0, s1;
	[sflag:s0] =	ssyncset.done @!p0 $0x0  }
0x125: {  	[sflag:s0] =	ssyncadd.s32 @!p0 s1  }
0x126: {  	[bflag:$0x3] =	sbarrier.arrive $0xFFFF  }
0x127: {  	_ =	shalt  }

// kernel: kernel.19.cloned.1.call-start
scs
__scs_entry_jumppad:
0x0: {  	(pc) =	sbr.rel $0x88, $3  }
0x1: {  	(tag) =	ssettag $0x0;
	lr =	simm.s32 $0x1  }
0x2: {  	[smem:$0x3F99] =	sst lr;
	_ =	strace $0xD0000000  }
0x3: {  	_ = 	snop  }
0x4: {  	_ = 	snop  }
0x5: {  	_ = 	snop  }
0x6: {  	_ = 	snop  }
0x7: {  	_ = 	snop  }
__scs_overlays_trampoline_lowered:
0x8: {  	[smem:$0x3FA8] =	sst s0  }
0x9: {  	[smem:$0x3FA9] =	sst s1  }
0xa: {  	[smem:$0x3FAA] =	sst s2  }
0xb: {  	[smem:$0x3FAB] =	sst s3  }
0xc: {  	[smem:$0x3FAC] =	sst s4  }
0xd: {  	[smem:$0x3FAD] =	sst s5  }
0xe: {  	[smem:$0x3FAE] =	sst s6  }
0xf: {  	[smem:$0x3FAF] =	sst s7  }
0x10: {  	[smem:$0x3FB0] =	sst s8  }
0x11: {  	[smem:$0x3FB1] =	sst s9;
	s0 =	simm.s32 @!p0 $0x0  }
0x12: {  	s1 =	sld [smem:$0x3F97];
	s0 =	simm.s32 @p0 $0x1  }
0x13: {  	[smem:$0x3FB2] =	sst s0;
	s0 =	simm.s32 @!p1 $0x0  }
0x14: {  	s2 =	sld [smem:$0x3F96];
	s0 =	simm.s32 @p1 $0x1  }
0x15: {  	[smem:$0x3FB3] =	sst s0;
	s0 =	simm.s32 @!p2 $0x0  }
0x16: {  	s3 =	sld [smem:$0x3FDB];
	s0 =	simm.s32 @p2 $0x1  }
0x17: {  	s4 =	simm.s32 $0x1BF5;
	[smem:$0x3FB5] =	sst s0  }
0x18: {  	s0 =	sld [smem:$0x3F98];
	_ =	swait.ge [sflag:s4], $0x0  }
0x19: {  	s7 =	sld [smem:$0x3F99]  }
0x1a: {  	s8 =	sadd.s32 $0xFFFFE003, lr  }
0x1b: {  	s9 =	sadd.s32 $0xFFFFFEF7, lr;
	s5 =	simm.s32 $0xFFFFFFFF;
	p2 =	slt.u32 s8, $0xFFFFF086  }
0x1c: {  	p1 =	slt.u32 s9, $0xF7A;
	s5 =	simm.s32 @!p2 $0x0  }
0x1d: {  	s5 =	simm.s32 @p1 $0x1;
	p0 =	seq.s32 s7, s2  }
0x1e: {  	s7 =	smul.u32 @!p0 $0xF7A, s2;
	p2 =	seq.s32 @!p0 s5, $0x0  }
0x1f: {  	s9 =	smul.u32 $0xF7A, s1;
	s8 =	simm.s32 @!p0 $0x1BF5;
	p2 =	por !p2, p0  }
0x20: {  	[sflag:s8] =	ssyncset.s32 @!p0 $0xFFFFF086;
	s6 =	sadd.s32 @!p0 s3, s7;
	s7 =	simm.s32 @!p0 $0x108  }
0x21: {  	s3 =	sadd.s32 s3, s9;
	s6 =	sadd.s32 @!p0 $0x88, s6;
	s7 =	simm.s32 @p2 $0x1082  }
0x22: {  	[simem:s7], [sflag:s8] =	dma.local @!p0 [hbm:s6], $0xF7A  }
0x23: {  	s9 =	sor.u32 $0xD0000000, s2;
	s6 =	simm.s32 $0x108;
	_ =	swait.ge @!p0 [sflag:s8], $0x0  }
0x24: {  	s3 =	sadd.s32 $0x88, s3;
	s6 =	simm.s32 @!p1 $0x1082;
	[sflag:s4] =	ssyncset.s32 $0xFFFFF086  }
0x25: {  	[simem:s6], [sflag:s4] =	dma.local [hbm:s3], $0xF7A  }
0x26: {  	[smem:$0x3F99] =	sst s1;
	(tag) =	ssettag s2;
	_ =	strace s9  }
0x27: {  	s1 =	sld [smem:$0x3FA9]  }
0x28: {  	s2 =	sld [smem:$0x3FAA]  }
0x29: {  	s4 =	sld [smem:$0x3FAC]  }
0x2a: {  	p0 =	seq.s32 s5, $0x0;
	s5 =	sld [smem:$0x3FAD]  }
0x2b: {  	s6 =	sld [smem:$0x3FAE]  }
0x2c: {  	s7 =	sld [smem:$0x3FAF]  }
0x2d: {  	s3 =	simm.s32 $0x108;
	s8 =	sld [smem:$0x3FB0]  }
0x2e: {  	s3 =	simm.s32 @!p0 $0x1082;
	s9 =	sld [smem:$0x3FB1]  }
0x2f: {  	lr =	sadd.s32 s0, s3;
	s0 =	sld [smem:$0x3FA8]  }
0x30: {  	s3 =	sld [smem:$0x3FAB]  }
0x31: {  	[smem:$0x3FB4] =	sst s10  }
0x32: {  	s10 =	sld [smem:$0x3FB2];
	_ =	sdelay $0x3  }
0x33: {  	p0 =	seq.s32 s10, $0x1;
	s10 =	sld [smem:$0x3FB4];
	_ =	sdelay $0x3  }
0x34: {  	[smem:$0x3FB4] =	sst s10  }
0x35: {  	s10 =	sld [smem:$0x3FB3];
	_ =	sdelay $0x3  }
0x36: {  	p1 =	seq.s32 s10, $0x1;
	s10 =	sld [smem:$0x3FB4];
	_ =	sdelay $0x3  }
0x37: {  	[smem:$0x3FB4] =	sst s10  }
0x38: {  	s10 =	sld [smem:$0x3FB5]  }
0x39: {  	_ = 	snop;
	(pc) =	sbr.ind lr, $3  }
0x3a: {  	_ = 	snop  }
0x3b: {  	_ = 	snop  }
0x3c: {  	p2 =	seq.s32 s10, $0x1;
	s10 =	sld [smem:$0x3FB4]  }
0x3d: {  	_ =	shalt  }
0x3e: {  	_ =	shalt  }
0x3f: {  	_ =	shalt  }
0x40: {  	_ =	shalt  }
0x41: {  	_ =	shalt  }
0x42: {  	_ =	shalt  }
0x43: {  	_ =	shalt  }
0x44: {  	_ =	shalt  }
0x45: {  	_ =	shalt  }
0x46: {  	_ =	shalt  }
0x47: {  	_ =	shalt  }
0x48: {  	_ =	shalt  }
0x49: {  	_ =	shalt  }
0x4a: {  	_ =	shalt  }
0x4b: {  	_ =	shalt  }
0x4c: {  	_ =	shalt  }
0x4d: {  	_ =	shalt  }
0x4e: {  	_ =	shalt  }
0x4f: {  	_ =	shalt  }
0x50: {  	_ =	shalt  }
0x51: {  	_ =	shalt  }
0x52: {  	_ =	shalt  }
0x53: {  	_ =	shalt  }
0x54: {  	_ =	shalt  }
0x55: {  	_ =	shalt  }
0x56: {  	_ =	shalt  }
0x57: {  	_ =	shalt  }
0x58: {  	_ =	shalt  }
0x59: {  	_ =	shalt  }
0x5a: {  	_ =	shalt  }
0x5b: {  	_ =	shalt  }
0x5c: {  	_ =	shalt  }
0x5d: {  	_ =	shalt  }
0x5e: {  	_ =	shalt  }
0x5f: {  	_ =	shalt  }
0x60: {  	_ =	shalt  }
0x61: {  	_ =	shalt  }
0x62: {  	_ =	shalt  }
0x63: {  	_ =	shalt  }
0x64: {  	_ =	shalt  }
0x65: {  	_ =	shalt  }
0x66: {  	_ =	shalt  }
0x67: {  	_ =	shalt  }
0x68: {  	_ =	shalt  }
0x69: {  	_ =	shalt  }
0x6a: {  	_ =	shalt  }
0x6b: {  	_ =	shalt  }
0x6c: {  	_ =	shalt  }
0x6d: {  	_ =	shalt  }
0x6e: {  	_ =	shalt  }
0x6f: {  	_ =	shalt  }
0x70: {  	_ =	shalt  }
0x71: {  	_ =	shalt  }
0x72: {  	_ =	shalt  }
0x73: {  	_ =	shalt  }
0x74: {  	_ =	shalt  }
0x75: {  	_ =	shalt  }
0x76: {  	_ =	shalt  }
0x77: {  	_ =	shalt  }
0x78: {  	_ =	shalt  }
0x79: {  	_ =	shalt  }
0x7a: {  	_ =	shalt  }
0x7b: {  	_ =	shalt  }
0x7c: {  	_ =	shalt  }
0x7d: {  	_ =	shalt  }
0x7e: {  	_ =	shalt  }
0x7f: {  	_ =	shalt  }
0x80: {  	_ =	shalt  }
0x81: {  	_ =	shalt  }
0x82: {  	_ =	shalt  }
0x83: {  	_ =	shalt  }
0x84: {  	_ =	shalt  }
0x85: {  	_ =	shalt  }
0x86: {  	_ =	shalt  }
0x87: {  	_ =	shalt  }
.Lfunc_end0:
.L_simem_size_0:
called_computation.3_lowered:
.L_overlay_start_0:
0x88: {  	s2 =	sld [smem:$0x3FD9]  }
0x89: {  	s3 =	sld [smem:$0x3FFE];
	_ =	sdelay $0x1  }
0x8a: {  	s1 =	srdreg.scid  }
0x8b: {  	s0 =	sand.u32 $0x1, s1  }
0x8c: {  	s17 =	sshll.u32 s0, $0xA;
	s2 =	sadd.s32 s3, s2  }
0x8d: {  	s2 =	sadd.s32 s2, s17  }
0x8e: {  	[smem:$0x3FC0] =	sst s2  }
0x8f: {  	_ = 	snop  }
0x90: {  	s2 =	sld [smem:$0x3FD0];
	(tm) =	ssettm $0x1  }
0x91: {  	s18 =	sld [smem:$0x3FFB];
	_ =	sdelay $0x3  }
0x92: {  	_ =	strace s18  }
0x93: {  	s3 =	sld [smem:$0x3FFC];
	_ =	sdelay $0x3  }
0x94: {  	_ =	strace s3  }
0x95: {  	s3 =	sld [smem:$0x3FFD];
	_ =	sdelay $0x3  }
0x96: {  	_ =	strace s3  }
0x97: {  	_ =	strace $0x8FFFFFFF  }
0x98: {  	s19 =	sld [smem:$0x3FDB];
	_ =	sdelay $0x1  }
0x99: {  	s4 =	simm.s32 $_scs_section_size  }
0x9a: {  	s5 =	simm.s32 $_size__tile_overlayer_lowered;
	s6 =	simm.s32 $_tile_overlayer_lowered  }
0x9b: {  	s22 =	simm.s32 $0x1BFF;
	s21 =	sshll.u32 s6, $0x1;
	s3 =	sadd.s32 s4, s19  }
0x9c: {  	s7 =	simm.s32 $0x0;
	s20 =	sshll.u32 s5, $0x1;
	s5 =	sadd.s32 s21, s3  }
0x9d: {  	[timem:s7], [sflag:s22] =	dma.local [hbm:s5], s20  }
0x9e: {  	_ =	swait.ge [sflag:s22], s20  }
0x9f: {  	s4 =	ssub.s32 $0x0, s20;
	[sflag:s22] =	ssyncset.done $0x0  }
0xa0: {  	[sflag:s22] =	ssyncadd.s32 s4;
	_ =	sdelay $0x1  }
0xa1: {  	s23 =	simm.s32 $0x1B8B  }
0xa2: {  	_ =	swait.ge [sflag:s23], $0x1  }
0xa3: {  	[sflag:s23] =	ssyncset.done $0x0  }
0xa4: {  	s25 =	simm.s32 $0x1B8E;
	s24 =	sld [smem:$0x3FFE];
	[sflag:s23] =	ssyncadd.s32 $0xFFFFFFFF  }
0xa5: {  	s26 =	simm.s32 $execute0_lowered;
	[smem:$0x3FD2] =	sst s25  }
0xa6: {  	s5 =	sshll.u32 s26, $0x1;
	_ =	strace $0x8000004F;
	[dreg:$0x1] =	wrdreg $0xFFFFFFFF  }
0xa7: {  	s28 =	simm.s32 $_size_execute0_lowered;
	s3 =	sadd.s32 s3, s5;
	[dreg:$0x0] =	wrdreg $0x0  }
0xa8: {  	s5 =	sshll.u32 s28, $0x1;
	[dreg:$0x2] =	wrdreg s3  }
0xa9: {  	[dreg:$0x3] =	wrdreg s5  }
0xaa: {  	[dreg:$0x4] =	wrdreg $0xC0  }
0xab: {  	_ =	task [dreg:s7], $0x5FFFF  }
0xac: {  	[dreg:$0x1] =	wrdreg $0xFFFFFFFF  }
0xad: {  	[dreg:$0x0] =	wrdreg $0x60  }
0xae: {  	[dreg:$0x2] =	wrdreg s24  }
0xaf: {  	[dreg:$0x3] =	wrdreg s2  }
0xb0: {  	[dreg:$0x4] =	wrdreg $0x0  }
0xb1: {  	[dreg:$0x5] =	wrdreg $0x9  }
0xb2: {  	_ =	task.clear_ibuf [dreg:s7], $0x6FFFF;
	_ =	strace $0x9000004F  }
0xb3: {  	s29 =	simm.s32 $0x9;
	_ =	strace $0x80000051  }
0xb4: {  	_ =	swait.ge [sflag:s29], $0x1  }
0xb5: {  	[sflag:s29] =	ssyncadd.s32 $0xFFFFFFFF  }
0xb6: {  	_ =	strace $0x90000051  }
0xb7: {  	_ =	sfence  }
0xb8: {  	s30 =	sld [smem:$0x0];
	_ =	sdelay $0x2  }
0xb9: {  	s31 =	sshll.u32 s1, $0xD;
	s1 =	sshrl.u32 s1, $0x2  }
0xba: {  	s3 =	sand.u32 $0x4000, s31;
	s1 =	sadd.s32 s1, s30  }
0xbb: {  	s0 =	sor.u32 s3, s0;
	s1 =	sshll.u32 s1, $0x11  }
0xbc: {  	s0 =	sor.u32 s1, s0  }
0xbd: {  	s0 =	sadd.s32 $0x8F2B, s0  }
0xbe: {  	[sflag:s0] =	ssyncadd.remote.s32 $0x1  }
0xbf: {  	_ =	sfence.sel $0xFFFF  }
0xc0: {  	[dreg:$0x0] =	wrdreg $0xFFFFFFFF;
	(pc) =	sbr.abs _section_cstart, $3  }
0xc1: {  	[dreg:$0x1] =	wrdreg $0xFFFFFFFF  }
0xc2: {  	_ =	task.clear_ibuf [dreg:s7], $0x2FFFF;
	_ =	strace $0x9FFFFFFF  }
0xc3: {  	(tm) =	ssettm $0x7FFFFFFF  }
tec
execute0_lowered:
.L_overlay_start_1:
0x0: {  	(tag) =	ssettag $0x1  }
0x1: {  	s0 =	rddreg [dreg:$0x0]  }
0x2: {  	s1 =	srdreg.scid;
	s5 =	rddreg [dreg:$0x1]  }
0x3: {  	s2 =	rddreg [dreg:$0x2];
	s3 =	stileid.u32;
	s13 =	simm.s32 $0x0  }
0x4: {  	s14 =	simm.s32 $0x9E20;
	s29 =	simm.s32 $0xEC40;
	s30 =	simm.s32 $0x9  }
0x5: {  	s28 =	simm.s32 $0xB;
	s31 =	simm.s32 $0xC;
	s16 =	simm.s32 $0x10  }
0x6: {  	s17 =	simm.s32 $0x6;
	s11 =	simm.s32 $0x7;
	s12 =	simm.s32 $0x8  }
0x7: {  	s1 =	sand.u32 $0x1, s1;
	[smem:$0x7FF] =	sst s13;
	s7 =	smul.u32 $0x13880, s3  }
0x8: {  	s9 =	smul.u32 $0x9C40, s3;
	s4 =	sshll.u32 s1, $0x4;
	_ =	strace $0x80000050  }
0x9: {  	s8 =	ssub.s32 $0x2, s1;
	s1 =	smul.u32 $0x9C400, s1;
	s4 =	sor.u32 s3, s4  }
0xa: {  	s18 =	sshrl.u32 s8, $0x1;
	s7 =	sshrl.u32 s7, $0x2;
	s10 =	sshrl.u32 s9, $0x1  }
0xb: {  	s6 =	smul.u32 $0x2800, s4;
	s4 =	sadd.s32 $0x16400, s0;
	s7 =	sadd.s32 s7, s2  }
0xc: {  	s19 =	sadd.s32 s10, s2;
	s1 =	sadd.s32 s9, s1;
	s9 =	simm.s32 $0xF  }
0xd: {  	s10 =	simm.s32 $0x5;
	[dreg:$0x5] =	wrdreg s19;
	s20 =	sadd.s32 $0xFA0, s7  }
0xe: {  	s21 =	sadd.s32 $0x1F40, s7;
	s22 =	sadd.s32 $0x2EE0, s7;
	[dreg:$0x6] =	wrdreg s20  }
0xf: {  	s23 =	sadd.s32 $0x3E80, s7;
	s1 =	sshrl.u32 s1, $0x4;
	[dreg:$0x7] =	wrdreg s21  }
0x10: {  	s19 =	simm.s32 $0xA;
	s7 =	simm.s32 $0xE;
	[dreg:$0x8] =	wrdreg s22  }
0x11: {  	s6 =	sshrl.u32 s6, $0x3;
	[dreg:$0x9] =	wrdreg s23;
	s25 =	sadd.s32 s5, s1  }
0x12: {  	s20 =	simm.s32 $0xADC0;
	s22 =	simm.s32 $0xBD60;
	s1 =	simm.s32 $0x1  }
0x13: {  	s21 =	simm.s32 $0x2;
	s23 =	simm.s32 $0xD;
	s0 =	sadd.s32 s6, s0  }
0x14: {  	s6 =	ssub.s32 s8, s18;
	[dreg:$0xc] =	wrdreg s25;
	s24 =	sadd.s32 $0xC400, s0  }
0x15: {  	s18 =	simm.s32 $0x7D;
	s0 =	sadd.s32 $0x2400, s0;
	[dreg:$0xa] =	wrdreg s24  }
0x16: {  	s25 =	simm.s32 $0x10B80;
	s26 =	smax.u32 s6, $0x1;
	[dreg:$0xb] =	wrdreg s0  }
0x17: {  	s8 =	simm.s32 $0x4;
	s6 =	simm.s32 $0x3;
	[dreg:$0xd] =	wrdreg s26  }
0x18: {  	v0 =	vimm.bf16 $0.0e+00;
	s24 =	simm.s32 $0xCD00;
	s26 =	simm.s32 $0xDCA0;
	s0 =	simm.s32 $0xFBE0  }
.LBB2_1:
0x19: {  	[dreg:$0x4] =	wrdreg s13;
	s5 =	simm.s32 $0x80;
	s13 =	simm.s32 $0x0  }
.LBB2_2:
0x1a: {  	p0 =	sne.s32 s5, $0x3E00;
	[tilespmem:s13+$0x9E20] =	vst v0;
	s3 =	smov.u32 s5;
	s5 =	sadd.s32 $0x80, s5  }
.Ltmp0:
0x1b: {  	[tilespmem:s13+$0x9E30] =	vst v0;
	(pc) =	sbr.rel @p0 .LBB2_2-.Ltmp0, $2  }
0x1c: {  	_ =	sdelay $0x2  }
0x1d: {  	s13 =	sshra.s32 s3, $0x2  }
0x1e: {  	[tilespmem:s13+$0x9E20] =	vst v0  }
0x1f: {  	[tilespmem:s13+$0x9E30] =	vst v0;
	s3 =	rddreg [dreg:$0x5];
	s13 =	simm.s32 $0x11  }
0x20: {  	[spmem:s3] =	stream.linear.scatter [tilespmem:s14], [sflag:$0x11], $0xFA0, $0x38;
	[tilespmem:$0x11B20] =	vst v63  }
0x21: {  	_ =	swait.ge [sflag:s13], $0xFA0  }
0x22: {  	[sflag:s13] =	ssyncset.done $0x0  }
0x23: {  	s5 =	rddreg [dreg:$0x6];
	[sflag:s13] =	ssyncadd.s32 $0xFFFFF060  }
0x24: {  	[spmem:s5] =	stream.linear.scatter [tilespmem:s14], [sflag:$0x11], $0xFA0, $0x38;
	[tilespmem:$0x11B20] =	vst v63  }
0x25: {  	_ =	swait.ge [sflag:s13], $0xFA0  }
0x26: {  	[sflag:s13] =	ssyncset.done $0x0  }
0x27: {  	s15 =	rddreg [dreg:$0x7];
	[sflag:s13] =	ssyncadd.s32 $0xFFFFF060  }
0x28: {  	[spmem:s15] =	stream.linear.scatter [tilespmem:s14], [sflag:$0x11], $0xFA0, $0x38;
	[tilespmem:$0x11B20] =	vst v63  }
0x29: {  	_ =	swait.ge [sflag:s13], $0xFA0  }
0x2a: {  	[sflag:s13] =	ssyncset.done $0x0  }
0x2b: {  	s5 =	rddreg [dreg:$0x8];
	[sflag:s13] =	ssyncadd.s32 $0xFFFFF060  }
0x2c: {  	[spmem:s5] =	stream.linear.scatter [tilespmem:s14], [sflag:$0x11], $0xFA0, $0x38;
	[tilespmem:$0x11B20] =	vst v63  }
0x2d: {  	_ =	swait.ge [sflag:s13], $0xFA0  }
0x2e: {  	[sflag:s13] =	ssyncset.done $0x0  }
0x2f: {  	s15 =	rddreg [dreg:$0x9];
	[sflag:s13] =	ssyncadd.s32 $0xFFFFF060  }
0x30: {  	[spmem:s15] =	stream.linear.scatter [tilespmem:s14], [sflag:$0x11], $0xFA0, $0x38;
	[tilespmem:$0x11B20] =	vst v63  }
0x31: {  	_ =	swait.ge [sflag:s13], $0xFA0  }
0x32: {  	[sflag:s13] =	ssyncset.done $0x0  }
0x33: {  	[sflag:s13] =	ssyncadd.s32 $0xFFFFF060  }
0x34: {  	[bflag:$0x0] =	sbarrier.arrive $0xFFFF  }
0x35: {  	s3 =	simm.s32 $0x0;
	s15 =	simm.s32 $0x4E20;
	s5 =	rddreg [dreg:$0xa]  }
0x36: {  	[tilespmem:s15], [sflag:$0x11] =	stream.linear.gather [hbm4b:s5+s3], $0x2800, $0x38;
	[tilespmem:$0x11B20] =	vst v63  }
0x37: {  	_ =	swait.ge [sflag:s13], $0x2800  }
0x38: {  	[sflag:s13] =	ssyncset.done $0x0  }
0x39: {  	s15 =	simm.s32 $0x7620;
	s5 =	rddreg [dreg:$0xb];
	[sflag:s13] =	ssyncadd.s32 $0xFFFFD800  }
0x3a: {  	[tilespmem:s15], [sflag:$0x11] =	stream.linear.gather [hbm4b:s5+s3], $0x2800, $0x38;
	[tilespmem:$0x11B20] =	vst v63  }
0x3b: {  	_ =	swait.ge [sflag:s13], $0x2800  }
0x3c: {  	[sflag:s13] =	ssyncset.done $0x0  }
0x3d: {  	[sflag:s13] =	ssyncadd.s32 $0xFFFFD800  }
0x3e: {  	[tilespmem:s14], [sflag:$0x9] =	stream.indirect.gather [hbm4b:s4+s18], $0x20, s15, s18, $0xb8;
	[tilespmem:$0x11B20] =	vst v63  }
0x3f: {  	s5 =	simm.s32 $0x76A0  }
0x40: {  	[tilespmem:s20], [sflag:$0xA] =	stream.indirect.gather [hbm4b:s4+s18], $0x20, s5, s18, $0xb8;
	[tilespmem:$0x11B20] =	vst v63  }
0x41: {  	s13 =	simm.s32 $0x7720  }
0x42: {  	[tilespmem:s22], [sflag:$0xB] =	stream.indirect.gather [hbm4b:s4+s18], $0x20, s13, s18, $0xb8;
	[tilespmem:$0x11B20] =	vst v63  }
0x43: {  	s15 =	simm.s32 $0x77A0  }
0x44: {  	[tilespmem:s24], [sflag:$0xC] =	stream.indirect.gather [hbm4b:s4+s18], $0x20, s15, s18, $0xb8;
	[tilespmem:$0x11B20] =	vst v63  }
0x45: {  	s5 =	simm.s32 $0x7820  }
0x46: {  	[tilespmem:s26], [sflag:$0xD] =	stream.indirect.gather [hbm4b:s4+s18], $0x20, s5, s18, $0xb8;
	[tilespmem:$0x11B20] =	vst v63  }
0x47: {  	s13 =	simm.s32 $0x78A0  }
0x48: {  	[tilespmem:s29], [sflag:$0xE] =	stream.indirect.gather [hbm4b:s4+s18], $0x20, s13, s18, $0xb8;
	[tilespmem:$0x11B20] =	vst v63  }
0x49: {  	_ =	swait.ge [sflag:s30], $0xFA0  }
0x4a: {  	[sflag:s30] =	ssyncset.done $0x0  }
0x4b: {  	s15 =	simm.s32 $0x4E20;
	[sflag:s30] =	ssyncadd.s32 $0xFFFFF060  }
0x4c: {  	[spmem:s2] =	stream.indirect.scatter.add.bf16 [tilespmem:s14], [sflag:$0x1], $0x20, s15, s18, $0xb8;
	[tilespmem:$0x11B20] =	vst v63  }
0x4d: {  	s5 =	simm.s32 $0x7920  }
0x4e: {  	[tilespmem:s0], [sflag:$0xF] =	stream.indirect.gather [hbm4b:s4+s18], $0x20, s5, s18, $0xb8;
	[tilespmem:$0x11B20] =	vst v63  }
0x4f: {  	_ =	swait.ge [sflag:s19], $0xFA0  }
0x50: {  	[sflag:s19] =	ssyncset.done $0x0  }
0x51: {  	s13 =	simm.s32 $0x4EA0;
	[sflag:s19] =	ssyncadd.s32 $0xFFFFF060  }
0x52: {  	[spmem:s2] =	stream.indirect.scatter.add.bf16 [tilespmem:s20], [sflag:$0x2], $0x20, s13, s18, $0xb8;
	[tilespmem:$0x11B20] =	vst v63  }
0x53: {  	s15 =	simm.s32 $0x79A0  }
0x54: {  	[tilespmem:s25], [sflag:$0x10] =	stream.indirect.gather [hbm4b:s4+s18], $0x20, s15, s18, $0xb8;
	[tilespmem:$0x11B20] =	vst v63  }
0x55: {  	_ =	swait.ge [sflag:s28], $0xFA0  }
0x56: {  	[sflag:s28] =	ssyncset.done $0x0  }
0x57: {  	s5 =	simm.s32 $0x4F20;
	[sflag:s28] =	ssyncadd.s32 $0xFFFFF060  }
0x58: {  	[spmem:s2] =	stream.indirect.scatter.add.bf16 [tilespmem:s22], [sflag:$0x3], $0x20, s5, s18, $0xb8;
	[tilespmem:$0x11B20] =	vst v63  }
0x59: {  	_ =	swait.ge [sflag:s1], $0xFA0  }
0x5a: {  	[sflag:s1] =	ssyncset.done $0x0  }
0x5b: {  	s13 =	simm.s32 $0x7A20;
	[sflag:s1] =	ssyncadd.s32 $0xFFFFF060  }
0x5c: {  	[tilespmem:s14], [sflag:$0x9] =	stream.indirect.gather [hbm4b:s4+s18], $0x20, s13, s18, $0xb8;
	[tilespmem:$0x11B20] =	vst v63  }
0x5d: {  	_ =	swait.ge [sflag:s31], $0xFA0  }
0x5e: {  	[sflag:s31] =	ssyncset.done $0x0  }
0x5f: {  	s15 =	simm.s32 $0x4FA0;
	[sflag:s31] =	ssyncadd.s32 $0xFFFFF060  }
0x60: {  	[spmem:s2] =	stream.indirect.scatter.add.bf16 [tilespmem:s24], [sflag:$0x4], $0x20, s15, s18, $0xb8;
	[tilespmem:$0x11B20] =	vst v63  }
0x61: {  	_ =	swait.ge [sflag:s21], $0xFA0  }
0x62: {  	[sflag:s21] =	ssyncset.done $0x0  }
0x63: {  	s5 =	simm.s32 $0x7AA0;
	[sflag:s21] =	ssyncadd.s32 $0xFFFFF060  }
0x64: {  	[tilespmem:s20], [sflag:$0xA] =	stream.indirect.gather [hbm4b:s4+s18], $0x20, s5, s18, $0xb8;
	[tilespmem:$0x11B20] =	vst v63  }
0x65: {  	_ =	swait.ge [sflag:s23], $0xFA0  }
0x66: {  	[sflag:s23] =	ssyncset.done $0x0  }
0x67: {  	s13 =	simm.s32 $0x5020;
	[sflag:s23] =	ssyncadd.s32 $0xFFFFF060  }
0x68: {  	[spmem:s2] =	stream.indirect.scatter.add.bf16 [tilespmem:s26], [sflag:$0x5], $0x20, s13, s18, $0xb8;
	[tilespmem:$0x11B20] =	vst v63  }
0x69: {  	_ =	swait.ge [sflag:s6], $0xFA0  }
0x6a: {  	[sflag:s6] =	ssyncset.done $0x0  }
0x6b: {  	s15 =	simm.s32 $0x7B20;
	[sflag:s6] =	ssyncadd.s32 $0xFFFFF060  }
0x6c: {  	[tilespmem:s22], [sflag:$0xB] =	stream.indirect.gather [hbm4b:s4+s18], $0x20, s15, s18, $0xb8;
	[tilespmem:$0x11B20] =	vst v63  }
0x6d: {  	_ =	swait.ge [sflag:s7], $0xFA0  }
0x6e: {  	[sflag:s7] =	ssyncset.done $0x0  }
0x6f: {  	s5 =	simm.s32 $0x50A0;
	[sflag:s7] =	ssyncadd.s32 $0xFFFFF060  }
0x70: {  	[spmem:s2] =	stream.indirect.scatter.add.bf16 [tilespmem:s29], [sflag:$0x6], $0x20, s5, s18, $0xb8;
	[tilespmem:$0x11B20] =	vst v63  }
0x71: {  	_ =	swait.ge [sflag:s8], $0xFA0  }
0x72: {  	[sflag:s8] =	ssyncset.done $0x0  }
0x73: {  	s13 =	simm.s32 $0x7BA0;
	[sflag:s8] =	ssyncadd.s32 $0xFFFFF060  }
0x74: {  	[tilespmem:s24], [sflag:$0xC] =	stream.indirect.gather [hbm4b:s4+s18], $0x20, s13, s18, $0xb8;
	[tilespmem:$0x11B20] =	vst v63  }
0x75: {  	_ =	swait.ge [sflag:s9], $0xFA0  }
0x76: {  	[sflag:s9] =	ssyncset.done $0x0  }
0x77: {  	s15 =	simm.s32 $0x5120;
	[sflag:s9] =	ssyncadd.s32 $0xFFFFF060  }
0x78: {  	[spmem:s2] =	stream.indirect.scatter.add.bf16 [tilespmem:s0], [sflag:$0x7], $0x20, s15, s18, $0xb8;
	[tilespmem:$0x11B20] =	vst v63  }
0x79: {  	_ =	swait.ge [sflag:s10], $0xFA0  }
0x7a: {  	[sflag:s10] =	ssyncset.done $0x0  }
0x7b: {  	s5 =	simm.s32 $0x7C20;
	[sflag:s10] =	ssyncadd.s32 $0xFFFFF060  }
0x7c: {  	[tilespmem:s26], [sflag:$0xD] =	stream.indirect.gather [hbm4b:s4+s18], $0x20, s5, s18, $0xb8;
	[tilespmem:$0x11B20] =	vst v63  }
0x7d: {  	_ =	swait.ge [sflag:s16], $0xFA0  }
0x7e: {  	[sflag:s16] =	ssyncset.done $0x0  }
0x7f: {  	s13 =	simm.s32 $0x51A0;
	[sflag:s16] =	ssyncadd.s32 $0xFFFFF060  }
0x80: {  	[spmem:s2] =	stream.indirect.scatter.add.bf16 [tilespmem:s25], [sflag:$0x8], $0x20, s13, s18, $0xb8;
	[tilespmem:$0x11B20] =	vst v63  }
0x81: {  	_ =	swait.ge [sflag:s17], $0xFA0  }
0x82: {  	[sflag:s17] =	ssyncset.done $0x0  }
0x83: {  	s15 =	simm.s32 $0x7CA0;
	[sflag:s17] =	ssyncadd.s32 $0xFFFFF060  }
0x84: {  	[tilespmem:s29], [sflag:$0xE] =	stream.indirect.gather [hbm4b:s4+s18], $0x20, s15, s18, $0xb8;
	[tilespmem:$0x11B20] =	vst v63  }
0x85: {  	_ =	swait.ge [sflag:s30], $0xFA0  }
0x86: {  	[sflag:s30] =	ssyncset.done $0x0  }
0x87: {  	s5 =	simm.s32 $0x5220;
	[sflag:s30] =	ssyncadd.s32 $0xFFFFF060  }
0x88: {  	[spmem:s2] =	stream.indirect.scatter.add.bf16 [tilespmem:s14], [sflag:$0x1], $0x20, s5, s18, $0xb8;
	[tilespmem:$0x11B20] =	vst v63  }
0x89: {  	_ =	swait.ge [sflag:s11], $0xFA0  }
0x8a: {  	[sflag:s11] =	ssyncset.done $0x0  }
0x8b: {  	s13 =	simm.s32 $0x7D20;
	[sflag:s11] =	ssyncadd.s32 $0xFFFFF060  }
0x8c: {  	[tilespmem:s0], [sflag:$0xF] =	stream.indirect.gather [hbm4b:s4+s18], $0x20, s13, s18, $0xb8;
	[tilespmem:$0x11B20] =	vst v63  }
0x8d: {  	_ =	swait.ge [sflag:s19], $0xFA0  }
0x8e: {  	[sflag:s19] =	ssyncset.done $0x0  }
0x8f: {  	s15 =	simm.s32 $0x52A0;
	[sflag:s19] =	ssyncadd.s32 $0xFFFFF060  }
0x90: {  	[spmem:s2] =	stream.indirect.scatter.add.bf16 [tilespmem:s20], [sflag:$0x2], $0x20, s15, s18, $0xb8;
	[tilespmem:$0x11B20] =	vst v63  }
0x91: {  	_ =	swait.ge [sflag:s12], $0xFA0  }
0x92: {  	[sflag:s12] =	ssyncset.done $0x0  }
0x93: {  	s5 =	simm.s32 $0x7DA0;
	s13 =	simm.s32 $0x1000;
	[sflag:s12] =	ssyncadd.s32 $0xFFFFF060  }
.LBB2_4:
0x94: {  	[tilespmem:s25], [sflag:$0x10] =	stream.indirect.gather [hbm4b:s4+s18], $0x20, s5, s18, $0xb8;
	[tilespmem:$0x11B20] =	vst v63  }
0x95: {  	s3 =	smov.u32 s13  }
0x96: {  	p0 =	sne.s32 s13, $0x8000;
	s13 =	sadd.s32 $0x1000, s13;
	_ =	swait.ge [sflag:s28], $0xFA0  }
0x97: {  	s5 =	sshra.s32 s3, $0x2;
	[sflag:s28] =	ssyncset.done $0x0  }
0x98: {  	s3 =	sadd.s32 $0x4F20, s5;
	[sflag:s28] =	ssyncadd.s32 $0xFFFFF060  }
0x99: {  	[spmem:s2] =	stream.indirect.scatter.add.bf16 [tilespmem:s22], [sflag:$0x3], $0x20, s3, s18, $0xb8;
	[tilespmem:$0x11B20] =	vst v63  }
0x9a: {  	_ =	swait.ge [sflag:s1], $0xFA0  }
0x9b: {  	[sflag:s1] =	ssyncset.done $0x0  }
0x9c: {  	s3 =	sadd.s32 $0x7A20, s5;
	[sflag:s1] =	ssyncadd.s32 $0xFFFFF060  }
0x9d: {  	[tilespmem:s14], [sflag:$0x9] =	stream.indirect.gather [hbm4b:s4+s18], $0x20, s3, s18, $0xb8;
	[tilespmem:$0x11B20] =	vst v63  }
0x9e: {  	_ =	swait.ge [sflag:s31], $0xFA0  }
0x9f: {  	[sflag:s31] =	ssyncset.done $0x0  }
0xa0: {  	s3 =	sadd.s32 $0x4FA0, s5;
	[sflag:s31] =	ssyncadd.s32 $0xFFFFF060  }
0xa1: {  	[spmem:s2] =	stream.indirect.scatter.add.bf16 [tilespmem:s24], [sflag:$0x4], $0x20, s3, s18, $0xb8;
	[tilespmem:$0x11B20] =	vst v63  }
0xa2: {  	_ =	swait.ge [sflag:s21], $0xFA0  }
0xa3: {  	[sflag:s21] =	ssyncset.done $0x0  }
0xa4: {  	s3 =	sadd.s32 $0x7AA0, s5;
	[sflag:s21] =	ssyncadd.s32 $0xFFFFF060  }
0xa5: {  	[tilespmem:s20], [sflag:$0xA] =	stream.indirect.gather [hbm4b:s4+s18], $0x20, s3, s18, $0xb8;
	[tilespmem:$0x11B20] =	vst v63  }
0xa6: {  	_ =	swait.ge [sflag:s23], $0xFA0  }
0xa7: {  	[sflag:s23] =	ssyncset.done $0x0  }
0xa8: {  	s3 =	sadd.s32 $0x5020, s5;
	[sflag:s23] =	ssyncadd.s32 $0xFFFFF060  }
0xa9: {  	[spmem:s2] =	stream.indirect.scatter.add.bf16 [tilespmem:s26], [sflag:$0x5], $0x20, s3, s18, $0xb8;
	[tilespmem:$0x11B20] =	vst v63  }
0xaa: {  	_ =	swait.ge [sflag:s6], $0xFA0  }
0xab: {  	[sflag:s6] =	ssyncset.done $0x0  }
0xac: {  	s3 =	sadd.s32 $0x7B20, s5;
	[sflag:s6] =	ssyncadd.s32 $0xFFFFF060  }
0xad: {  	[tilespmem:s22], [sflag:$0xB] =	stream.indirect.gather [hbm4b:s4+s18], $0x20, s3, s18, $0xb8;
	[tilespmem:$0x11B20] =	vst v63  }
0xae: {  	_ =	swait.ge [sflag:s7], $0xFA0  }
0xaf: {  	[sflag:s7] =	ssyncset.done $0x0  }
0xb0: {  	s3 =	sadd.s32 $0x50A0, s5;
	[sflag:s7] =	ssyncadd.s32 $0xFFFFF060  }
0xb1: {  	[spmem:s2] =	stream.indirect.scatter.add.bf16 [tilespmem:s29], [sflag:$0x6], $0x20, s3, s18, $0xb8;
	[tilespmem:$0x11B20] =	vst v63  }
0xb2: {  	_ =	swait.ge [sflag:s8], $0xFA0  }
0xb3: {  	[sflag:s8] =	ssyncset.done $0x0  }
0xb4: {  	s3 =	sadd.s32 $0x7BA0, s5;
	[sflag:s8] =	ssyncadd.s32 $0xFFFFF060  }
0xb5: {  	[tilespmem:s24], [sflag:$0xC] =	stream.indirect.gather [hbm4b:s4+s18], $0x20, s3, s18, $0xb8;
	[tilespmem:$0x11B20] =	vst v63  }
0xb6: {  	_ =	swait.ge [sflag:s9], $0xFA0  }
0xb7: {  	[sflag:s9] =	ssyncset.done $0x0  }
0xb8: {  	s3 =	sadd.s32 $0x5120, s5;
	[sflag:s9] =	ssyncadd.s32 $0xFFFFF060  }
0xb9: {  	[spmem:s2] =	stream.indirect.scatter.add.bf16 [tilespmem:s0], [sflag:$0x7], $0x20, s3, s18, $0xb8;
	[tilespmem:$0x11B20] =	vst v63  }
0xba: {  	_ =	swait.ge [sflag:s10], $0xFA0  }
0xbb: {  	[sflag:s10] =	ssyncset.done $0x0  }
0xbc: {  	s3 =	sadd.s32 $0x7C20, s5;
	[sflag:s10] =	ssyncadd.s32 $0xFFFFF060  }
0xbd: {  	[tilespmem:s26], [sflag:$0xD] =	stream.indirect.gather [hbm4b:s4+s18], $0x20, s3, s18, $0xb8;
	[tilespmem:$0x11B20] =	vst v63  }
0xbe: {  	_ =	swait.ge [sflag:s16], $0xFA0  }
0xbf: {  	[sflag:s16] =	ssyncset.done $0x0  }
0xc0: {  	s3 =	sadd.s32 $0x51A0, s5;
	[sflag:s16] =	ssyncadd.s32 $0xFFFFF060  }
0xc1: {  	[spmem:s2] =	stream.indirect.scatter.add.bf16 [tilespmem:s25], [sflag:$0x8], $0x20, s3, s18, $0xb8;
	[tilespmem:$0x11B20] =	vst v63  }
0xc2: {  	_ =	swait.ge [sflag:s17], $0xFA0  }
0xc3: {  	[sflag:s17] =	ssyncset.done $0x0  }
0xc4: {  	s3 =	sadd.s32 $0x7CA0, s5;
	[sflag:s17] =	ssyncadd.s32 $0xFFFFF060  }
0xc5: {  	[tilespmem:s29], [sflag:$0xE] =	stream.indirect.gather [hbm4b:s4+s18], $0x20, s3, s18, $0xb8;
	[tilespmem:$0x11B20] =	vst v63  }
0xc6: {  	_ =	swait.ge [sflag:s30], $0xFA0  }
0xc7: {  	[sflag:s30] =	ssyncset.done $0x0  }
0xc8: {  	s3 =	sadd.s32 $0x5220, s5;
	[sflag:s30] =	ssyncadd.s32 $0xFFFFF060  }
0xc9: {  	[spmem:s2] =	stream.indirect.scatter.add.bf16 [tilespmem:s14], [sflag:$0x1], $0x20, s3, s18, $0xb8;
	[tilespmem:$0x11B20] =	vst v63  }
0xca: {  	_ =	swait.ge [sflag:s11], $0xFA0  }
0xcb: {  	[sflag:s11] =	ssyncset.done $0x0  }
0xcc: {  	s3 =	sadd.s32 $0x7D20, s5;
	[sflag:s11] =	ssyncadd.s32 $0xFFFFF060  }
0xcd: {  	[tilespmem:s0], [sflag:$0xF] =	stream.indirect.gather [hbm4b:s4+s18], $0x20, s3, s18, $0xb8;
	[tilespmem:$0x11B20] =	vst v63  }
0xce: {  	_ =	swait.ge [sflag:s19], $0xFA0  }
0xcf: {  	[sflag:s19] =	ssyncset.done $0x0  }
.Ltmp1:
0xd0: {  	s3 =	sadd.s32 $0x52A0, s5;
	[sflag:s19] =	ssyncadd.s32 $0xFFFFF060;
	(pc) =	sbr.rel @p0 .LBB2_4-.Ltmp1, $4  }
0xd1: {  	[spmem:s2] =	stream.indirect.scatter.add.bf16 [tilespmem:s20], [sflag:$0x2], $0x20, s3, s18, $0xb8;
	[tilespmem:$0x11B20] =	vst v63  }
0xd2: {  	_ =	swait.ge [sflag:s12], $0xFA0  }
0xd3: {  	[sflag:s12] =	ssyncset.done $0x0  }
0xd4: {  	s5 =	sadd.s32 $0x7DA0, s5;
	[sflag:s12] =	ssyncadd.s32 $0xFFFFF060  }
0xd5: {  	[tilespmem:s25], [sflag:$0x10] =	stream.indirect.gather [hbm4b:s4+s18], $0x20, s5, s18, $0xb8;
	[tilespmem:$0x11B20] =	vst v63  }
0xd6: {  	_ =	swait.ge [sflag:s28], $0xFA0  }
0xd7: {  	[sflag:s28] =	ssyncset.done $0x0  }
0xd8: {  	s3 =	simm.s32 $0x7320;
	[sflag:s28] =	ssyncadd.s32 $0xFFFFF060  }
0xd9: {  	[spmem:s2] =	stream.indirect.scatter.add.bf16 [tilespmem:s22], [sflag:$0x3], $0x20, s3, s18, $0xb8;
	[tilespmem:$0x11B20] =	vst v63  }
0xda: {  	_ =	swait.ge [sflag:s31], $0xFA0  }
0xdb: {  	[sflag:s31] =	ssyncset.done $0x0  }
0xdc: {  	s15 =	simm.s32 $0x73A0;
	[sflag:s31] =	ssyncadd.s32 $0xFFFFF060  }
0xdd: {  	[spmem:s2] =	stream.indirect.scatter.add.bf16 [tilespmem:s24], [sflag:$0x4], $0x20, s15, s18, $0xb8;
	[tilespmem:$0x11B20] =	vst v63  }
0xde: {  	_ =	swait.ge [sflag:s23], $0xFA0  }
0xdf: {  	[sflag:s23] =	ssyncset.done $0x0  }
0xe0: {  	s5 =	simm.s32 $0x7420;
	[sflag:s23] =	ssyncadd.s32 $0xFFFFF060  }
0xe1: {  	[spmem:s2] =	stream.indirect.scatter.add.bf16 [tilespmem:s26], [sflag:$0x5], $0x20, s5, s18, $0xb8;
	[tilespmem:$0x11B20] =	vst v63  }
0xe2: {  	_ =	swait.ge [sflag:s7], $0xFA0  }
0xe3: {  	[sflag:s7] =	ssyncset.done $0x0  }
0xe4: {  	s13 =	simm.s32 $0x74A0;
	[sflag:s7] =	ssyncadd.s32 $0xFFFFF060  }
0xe5: {  	[spmem:s2] =	stream.indirect.scatter.add.bf16 [tilespmem:s29], [sflag:$0x6], $0x20, s13, s18, $0xb8;
	[tilespmem:$0x11B20] =	vst v63  }
0xe6: {  	_ =	swait.ge [sflag:s9], $0xFA0  }
0xe7: {  	[sflag:s9] =	ssyncset.done $0x0  }
0xe8: {  	s15 =	simm.s32 $0x7520;
	[sflag:s9] =	ssyncadd.s32 $0xFFFFF060  }
0xe9: {  	[spmem:s2] =	stream.indirect.scatter.add.bf16 [tilespmem:s0], [sflag:$0x7], $0x20, s15, s18, $0xb8;
	[tilespmem:$0x11B20] =	vst v63  }
0xea: {  	_ =	swait.ge [sflag:s16], $0xFA0  }
0xeb: {  	[sflag:s16] =	ssyncset.done $0x0  }
0xec: {  	s5 =	simm.s32 $0x75A0;
	[sflag:s16] =	ssyncadd.s32 $0xFFFFF060  }
0xed: {  	[spmem:s2] =	stream.indirect.scatter.add.bf16 [tilespmem:s25], [sflag:$0x8], $0x20, s5, s18, $0xb8;
	[tilespmem:$0x11B20] =	vst v63  }
0xee: {  	_ =	swait.ge [sflag:s1], $0xFA0  }
0xef: {  	[sflag:s1] =	ssyncset.done $0x0  }
0xf0: {  	[sflag:s1] =	ssyncadd.s32 $0xFFFFF060  }
0xf1: {  	_ =	swait.ge [sflag:s21], $0xFA0  }
0xf2: {  	[sflag:s21] =	ssyncset.done $0x0  }
0xf3: {  	[sflag:s21] =	ssyncadd.s32 $0xFFFFF060  }
0xf4: {  	_ =	swait.ge [sflag:s6], $0xFA0  }
0xf5: {  	[sflag:s6] =	ssyncset.done $0x0  }
0xf6: {  	[sflag:s6] =	ssyncadd.s32 $0xFFFFF060  }
0xf7: {  	_ =	swait.ge [sflag:s8], $0xFA0  }
0xf8: {  	[sflag:s8] =	ssyncset.done $0x0  }
0xf9: {  	[sflag:s8] =	ssyncadd.s32 $0xFFFFF060  }
0xfa: {  	_ =	swait.ge [sflag:s10], $0xFA0  }
0xfb: {  	[sflag:s10] =	ssyncset.done $0x0  }
0xfc: {  	[sflag:s10] =	ssyncadd.s32 $0xFFFFF060  }
0xfd: {  	_ =	swait.ge [sflag:s17], $0xFA0  }
0xfe: {  	[sflag:s17] =	ssyncset.done $0x0  }
0xff: {  	[sflag:s17] =	ssyncadd.s32 $0xFFFFF060  }
0x100: {  	_ =	swait.ge [sflag:s11], $0xFA0  }
0x101: {  	[sflag:s11] =	ssyncset.done $0x0  }
0x102: {  	[sflag:s11] =	ssyncadd.s32 $0xFFFFF060  }
0x103: {  	_ =	swait.ge [sflag:s12], $0xFA0  }
0x104: {  	[sflag:s12] =	ssyncset.done $0x0  }
0x105: {  	[sflag:s12] =	ssyncadd.s32 $0xFFFFF060  }
0x106: {  	s13 =	stileid.u32;
	[bflag:$0x0] =	sbarrier.arrive $0xFFFF  }
0x107: {  	s3 =	sshll.u32 s13, $0x6;
	s15 =	rddreg [dreg:$0x5]  }
0x108: {  	s3 =	sor.u32 $0x1C11, s3;
	s13 =	rddreg [dreg:$0xc];
	s5 =	sshrl.u32 s15, $0x3  }
0x109: {  	[hbm:s13], [sflag:s3] =	dma.local [spmem:s5], $0x9C4  }
0x10a: {  	s5 =	simm.s32 $0x11  }
0x10b: {  	_ =	swait.ge [sflag:s5], $0x9C4  }
0x10c: {  	s3 =	rddreg [dreg:$0x4]  }
0x10d: {  	s15 =	rddreg [dreg:$0xd];
	s13 =	sadd.s32 $0x1, s3  }
0x10e: {  	p0 =	sne.s32 s13, s15  }
.Ltmp2:
0x10f: {  	_ = 	snop;
	(pc) =	sbr.rel @p0 .LBB2_1-.Ltmp2, $3  }
0x110: {  	_ =	sdelay $0x1  }
0x111: {  	[sflag:s5] =	ssyncset.done $0x0  }
0x112: {  	[sflag:s5] =	ssyncadd.s32 $0xFFFFF63C  }
0x113: {  	_ =	sfence.sel $0x180000  }
0x114: {  	[bflag:$0x0] =	sbarrier.arrive $0xFFFF  }
0x115: {  	_ =	strace $0x90000050  }
0x116: {  	s0 =	stileid.u32;
	[bflag:$0x2] =	sbarrier.arrive $0xFFFF  }
0x117: {  	p0 =	sne.s32 s0, $0x0;
	s0 =	rddreg [dreg:$0x3]  }
0x118: {  	s0 =	sadd.s32 @!p0 $0x100000, s0  }
0x119: {  	[sflag:s0] =	ssyncadd.tile.s32 @!p0 $0x1;
	_ =	shalt  }
.Lfunc_end2:
_tile_overlayer_lowered:
.L_overlay_start_2:
0x11a: {  	(tag) =	ssettag $0x2  }
0x11b: {  	s0 =	rddreg [dreg:$0x0];
	s2 =	stileid.u32  }
0x11c: {  	s1 =	rddreg [dreg:$0x1];
	p0 =	sne.s32 s2, $0x0  }
0x11d: {  	s3 =	rddreg [dreg:$0x2];
	[bflag:$0x3] =	sbarrier.arrive $0xFFFF;
	s2 =	simm.s32 @!p0 $0x1C11  }
0x11e: {  	[timem:s3], [sflag:s2] =	dma.local @!p0 [hbm:s0], s1  }
0x11f: {  	s0 =	simm.s32 @!p0 $0x11  }
0x120: {  	_ =	swait.ge @!p0 [sflag:s0], s1  }
0x121: {  	s1 =	ssub.s32 @!p0 $0x0, s1;
	[sflag:s0] =	ssyncset.done @!p0 $0x0  }
0x122: {  	[sflag:s0] =	ssyncadd.s32 @!p0 s1  }
0x123: {  	[bflag:$0x3] =	sbarrier.arrive $0xFFFF  }
0x124: {  	_ =	shalt  }

</sc_bundles>
